<compile_context>
chip_gen: v7x
topology: tpu7x:2x2x1
jax: 0.10.2.dev20260603
libtpu: 0.0.44.dev20260713+nightly
codegen_flags: <defaults>
</compile_context>

<pallas_src>
import functools

import jax
import jax.numpy as jnp
from jax import lax
from jax.experimental import pallas as pl
from jax.experimental.pallas import tpu as pltpu
from jax.experimental.pallas import tpu_sc as plsc

B, T, F = 16384, 200, 9
NW = 32


def _staged_ring(lo, hi, src_of, dst_of, bufs, sems_i, sems_o):

    @pl.when(hi > lo)
    def _():
        pltpu.async_copy(src_of(lo), bufs[0], sems_i[0])

        def step(i, carry):
            for b in range(2):
                @pl.when(((i - lo) & 1) == b)
                def _(b=b):
                    pltpu.make_async_copy(src_of(i), bufs[b],
                                          sems_i[b]).wait()

                    @pl.when(i > lo)
                    def _():
                        pltpu.make_async_copy(bufs[1 - b], dst_of(i - 1),
                                              sems_o[1 - b]).wait()

                    @pl.when(i + 1 < hi)
                    def _():
                        pltpu.async_copy(src_of(i + 1), bufs[1 - b],
                                         sems_i[1 - b])

                    pltpu.async_copy(bufs[b], dst_of(i), sems_o[b])
            return carry

        lax.fori_loop(lo, hi, step, 0)
        for b in range(2):
            @pl.when(((hi - 1 - lo) & 1) == b)
            def _(b=b):
                pltpu.make_async_copy(bufs[b], dst_of(hi - 1),
                                      sems_o[b]).wait()


def _sc_body(x_t, o_st, o_kr, o_kc,
             kr0, kr1, in_v0, in_v1, cvt_v0, cvt_v1,
             s_i0, s_i1, s_o0, s_o1, c_i0, c_i1, c_o0, c_o1):
    wid = lax.axis_index("s") * 2 + lax.axis_index("c")

    def kr_src(i):
        return x_t.at[pl.ds(1, 4), i >> 1, pl.ds((i & 1) * 8192, 8192)]

    def kr_dst(i):
        return o_kr.at[i >> 1, :, pl.ds((i & 1) * 8192, 8192)]

    _staged_ring((wid * 25) >> 1, (((wid + 1) * 25) >> 1), kr_src, kr_dst,
                 (kr0, kr1), (c_i0, c_i1), (c_o0, c_o1))

    def conv_plane(plane, out_ref):
        in_bufs = (in_v0, in_v1)
        cvt_bufs = (cvt_v0, cvt_v1)
        in_sems = (s_i0, s_i1)
        out_sems = (s_o0, s_o1)

        def src_of(g):
            item = (wid & 15) * 25 + g
            return x_t.at[plane, pl.ds((item >> 4) * 8, 8),
                          pl.ds((item & 15) * 1024, 1024)]

        def dst_of(g):
            item = (wid & 15) * 25 + g
            return out_ref.at[pl.ds((item >> 4) * 8, 8), 0,
                              pl.ds((item & 15) * 1024, 1024)]

        pltpu.async_copy(src_of(0), in_bufs[0], in_sems[0])

        def step(g, carry):
            for b in range(2):
                @pl.when((g & 1) == b)
                def _(b=b):
                    pltpu.make_async_copy(src_of(g), in_bufs[b],
                                          in_sems[b]).wait()

                    @pl.when(g < 24)
                    def _():
                        pltpu.async_copy(src_of(g + 1), in_bufs[1 - b],
                                         in_sems[1 - b])

                    @pl.when(g >= 2)
                    def _():
                        pltpu.make_async_copy(cvt_bufs[b], dst_of(g - 2),
                                              out_sems[b]).wait()

                    def cvt(j, carry2):
                        for tr in range(8):
                            v = in_bufs[b][tr, pl.ds(j * 16, 16)]
                            cvt_bufs[b][tr, pl.ds(j * 16, 16)] = (
                                v.astype(jnp.int32))
                        return carry2

                    lax.fori_loop(0, 64, cvt, 0, unroll=4)
                    pltpu.async_copy(cvt_bufs[b], dst_of(g), out_sems[b])
            return carry

        lax.fori_loop(0, 25, step, 0)
        pltpu.make_async_copy(cvt_bufs[1], dst_of(23), out_sems[1]).wait()
        pltpu.make_async_copy(cvt_bufs[0], dst_of(24), out_sems[0]).wait()

    @pl.when(wid < 16)
    def _():
        conv_plane(0, o_st)

    @pl.when(wid >= 16)
    def _():
        conv_plane(5, o_kc)


def _tc_ob_body(x_ref, ob_ref):
    ob_ref[...] = x_ref[...]


@jax.jit
def _run(x_t):
    mesh = plsc.VectorSubcoreMesh(core_axis_name="c", subcore_axis_name="s")
    sc = pl.kernel(
        _sc_body,
        out_type=[
            jax.ShapeDtypeStruct((T, 1, B), jnp.int32),
            jax.ShapeDtypeStruct((T, 4, B), jnp.float32),
            jax.ShapeDtypeStruct((T, 1, B), jnp.int32),
        ],
        mesh=mesh,
        compiler_params=pltpu.CompilerParams(
            needs_layout_passes=False, use_tc_tiling_on_sc=True
        ),
        scratch_types=[
            pltpu.VMEM((4, 8192), jnp.float32),
            pltpu.VMEM((4, 8192), jnp.float32),
            pltpu.VMEM((8, 1024), jnp.float32),
            pltpu.VMEM((8, 1024), jnp.float32),
            pltpu.VMEM((8, 1024), jnp.int32),
            pltpu.VMEM((8, 1024), jnp.int32),
            pltpu.SemaphoreType.DMA,
            pltpu.SemaphoreType.DMA,
            pltpu.SemaphoreType.DMA,
            pltpu.SemaphoreType.DMA,
            pltpu.SemaphoreType.DMA,
            pltpu.SemaphoreType.DMA,
            pltpu.SemaphoreType.DMA,
            pltpu.SemaphoreType.DMA,
        ],
    )
    st, kr, kc = sc(x_t)

    ob = pl.pallas_call(
        _tc_ob_body,
        grid=(75,),
        in_specs=[pl.BlockSpec((1, 8, B), lambda i: (6 + i // 25, i % 25, 0))],
        out_specs=pl.BlockSpec((1, 8, B), lambda i: (i // 25, i % 25, 0)),
        out_shape=jax.ShapeDtypeStruct((3, T, B), jnp.float32),
    )(x_t)
    return st, kr, kc, ob


def kernel(inputs):
    x_t = jnp.transpose(inputs, (2, 1, 0))
    st, kr, kc, ob = _run(x_t)
    return (
        jnp.transpose(st, (2, 0, 1)),
        jnp.transpose(kr, (2, 0, 1)),
        jnp.transpose(kc, (2, 0, 1)),
        jnp.transpose(ob, (2, 1, 0)),
    )

# --- scband reference (transcript-rebuilt; emitter-appended) ---
"""Pipeline reference for scband-input-preprocessor-3083786519062 (READ-ONLY COPY).

The authoritative reference and input builder live on the scoring server;
editing this copy changes nothing except your own understanding.
"""

import jax, jax.numpy as jnp
import numpy as np

INPUT_STATIC_IDX = [0]
INPUT_KNOWN_REAL_IDX = [1, 2, 3, 4]
INPUT_KNOWN_CATEGORICAL_IDX = [5]
INPUT_OBSERVED_IDX = [6, 7, 8]


def setup_inputs(seed: int = 0) -> dict:
    key = jax.random.key(seed)
    inputs = jax.random.uniform(key, (16384, 200, 9), dtype=jnp.float32) * 10.0
    return {"inputs": inputs}


def reference(inputs):
    # Declared features == observed features, so unknown_inputs is None.
    static_idx = jnp.asarray(INPUT_STATIC_IDX, jnp.int32)
    known_real_idx = jnp.asarray(INPUT_KNOWN_REAL_IDX, jnp.int32)
    known_cat_idx = jnp.asarray(INPUT_KNOWN_CATEGORICAL_IDX, jnp.int32)
    observed_idx = jnp.asarray(INPUT_OBSERVED_IDX, jnp.int32)

    static = jnp.take(inputs, static_idx, axis=-1).astype(jnp.int32)
    known_real = jnp.take(inputs, known_real_idx, axis=-1).astype(jnp.float32)
    known_categorical = jnp.take(inputs, known_cat_idx, axis=-1).astype(jnp.int32)
    observed = jnp.take(inputs, observed_idx, axis=-1).astype(jnp.float32)
    return (static, known_real, known_categorical, observed)

if __name__ == "__main__":
    import jax
    _d = setup_inputs()
    print(jax.jit(kernel)(*tuple(_d.values())))

</pallas_src>

<mosaic_0001>
#map = affine_map<(d0, d1) -> (0, 0, 0)>
module attributes {stable_mosaic.version = 14 : i64} {
  func.func @_sc_body(%arg0: i32, %arg1: i32, %arg2: memref<9x200x16384xf32, #tpu.memory_space<hbm>>, %arg3: memref<200x1x16384xi32, #tpu.memory_space<hbm>>, %arg4: memref<200x4x16384xf32, #tpu.memory_space<hbm>>, %arg5: memref<200x1x16384xi32, #tpu.memory_space<hbm>>, %arg6: memref<4x8192xf32, #tpu.memory_space<vmem>>, %arg7: memref<4x8192xf32, #tpu.memory_space<vmem>>, %arg8: memref<8x1024xf32, #tpu.memory_space<vmem>>, %arg9: memref<8x1024xf32, #tpu.memory_space<vmem>>, %arg10: memref<8x1024xi32, #tpu.memory_space<vmem>>, %arg11: memref<8x1024xi32, #tpu.memory_space<vmem>>, %arg12: memref<!tpu.dma_semaphore, #tpu.memory_space<semaphore_mem>>, %arg13: memref<!tpu.dma_semaphore, #tpu.memory_space<semaphore_mem>>, %arg14: memref<!tpu.dma_semaphore, #tpu.memory_space<semaphore_mem>>, %arg15: memref<!tpu.dma_semaphore, #tpu.memory_space<semaphore_mem>>, %arg16: memref<!tpu.dma_semaphore, #tpu.memory_space<semaphore_mem>>, %arg17: memref<!tpu.dma_semaphore, #tpu.memory_space<semaphore_mem>>, %arg18: memref<!tpu.dma_semaphore, #tpu.memory_space<semaphore_mem>>, %arg19: memref<!tpu.dma_semaphore, #tpu.memory_space<semaphore_mem>>) attributes {dimension_semantics = [#tpu.dimension_semantics<core_parallel>, #tpu.dimension_semantics<subcore_parallel>], iteration_bounds = array<i64: 2, 16>, scalar_prefetch = 0 : i64, scratch_operands = 14 : i64, tpu.core_type = #tpu.core_type<sc_vector_subcore>, window_params = [{transform_indices = #map}, {transform_indices = #map}, {transform_indices = #map}, {transform_indices = #map}]} {
    %mul3A = arith.constant 2 : i32
    %mul3A_0 = arith.muli %arg1, %mul3A : i32
    %add3A = arith.addi %mul3A_0, %arg0 : i32
    %mul3A_1 = arith.constant 25 : i32
    %mul3A_2 = arith.muli %add3A, %mul3A_1 : i32
    %shift_right_arithmetic3A = arith.constant 1 : i32
    %shift_right_arithmetic3A_3 = arith.shrsi %mul3A_2, %shift_right_arithmetic3A : i32
    %add3A_4 = arith.constant 1 : i32
    %add3A_5 = arith.addi %add3A, %add3A_4 : i32
    %mul3A_6 = arith.constant 25 : i32
    %mul3A_7 = arith.muli %add3A_5, %mul3A_6 : i32
    %shift_right_arithmetic3A_8 = arith.constant 1 : i32
    %shift_right_arithmetic3A_9 = arith.shrsi %mul3A_7, %shift_right_arithmetic3A_8 : i32
    %gt3A = arith.cmpi sgt, %shift_right_arithmetic3A_9, %shift_right_arithmetic3A_3 : i32
    %convert_element_type3A = arith.extui %gt3A : i1 to i32
    %cond3A = arith.constant 0 : i32
    %cond3A_10 = arith.cmpi ne, %convert_element_type3A, %cond3A : i32
    scf.if %cond3A_10 {
      %shift_right_arithmetic3A_19 = arith.constant 1 : i32
      %shift_right_arithmetic3A_20 = arith.shrsi %shift_right_arithmetic3A_3, %shift_right_arithmetic3A_19 : i32
      %and3A = arith.constant 1 : i32
      %and3A_21 = arith.andi %shift_right_arithmetic3A_3, %and3A : i32
      %mul3A_22 = arith.constant 8192 : i32
      %mul3A_23 = arith.muli %and3A_21, %mul3A_22 : i32
      %dma_start3A = arith.constant 1 : i32
      %dma_start3A_24 = tpu.memref_slice %arg2[%dma_start3A, %shift_right_arithmetic3A_20, %mul3A_23] : memref<9x200x16384xf32, #tpu.memory_space<hbm>> -> memref<4x1x8192xf32, #tpu.memory_space<hbm>>
      %dma_start3A_25 = tpu.memref_squeeze %dma_start3A_24 : memref<4x1x8192xf32, #tpu.memory_space<hbm>> -> memref<4x8192xf32, #tpu.memory_space<hbm>>
      %dma_start3A_26 = arith.constant 1 : i32
      %dma_start3A_27 = tpu.memref_slice %arg2[%dma_start3A_26, %shift_right_arithmetic3A_20, %mul3A_23] : memref<9x200x16384xf32, #tpu.memory_space<hbm>> -> memref<4x1x8192xf32, #tpu.memory_space<hbm>>
      %dma_start3A_28 = tpu.memref_squeeze %dma_start3A_27 : memref<4x1x8192xf32, #tpu.memory_space<hbm>> -> memref<4x8192xf32, #tpu.memory_space<hbm>>
      tpu.enqueue_dma source(%dma_start3A_28 : memref<4x8192xf32, #tpu.memory_space<hbm>>) target(%arg6 : memref<4x8192xf32, #tpu.memory_space<vmem>>) target_semaphore(%arg16 : memref<!tpu.dma_semaphore, #tpu.memory_space<semaphore_mem>>)
      %while3A = arith.constant 0 : i32
      %while3A_29 = arith.subi %shift_right_arithmetic3A_9, %shift_right_arithmetic3A_3 : i32
      %while3A_30 = arith.addi %shift_right_arithmetic3A_3, %while3A_29 : i32
      %while3A_31 = arith.constant 1 : i32
      %while3A_32 = arith.divsi %while3A_29, %while3A_31 : i32
      %while3A_33 = arith.muli %while3A_32, %while3A_31 : i32
      %while3A_34 = arith.addi %shift_right_arithmetic3A_3, %while3A_33 : i32
      %while3A_35 = arith.constant 1 : i32
      scf.for %while3A_55 = %shift_right_arithmetic3A_3 to %while3A_34 step %while3A_35  : i32 {
        %sub3A_56 = arith.subi %while3A_55, %shift_right_arithmetic3A_3 : i32
        %and3A_57 = arith.constant 1 : i32
        %and3A_58 = arith.andi %sub3A_56, %and3A_57 : i32
        %eq3A_59 = arith.constant 0 : i32
        %eq3A_60 = arith.cmpi eq, %and3A_58, %eq3A_59 : i32
        %convert_element_type3A_61 = arith.extui %eq3A_60 : i1 to i32
        %cond3A_62 = arith.constant 0 : i32
        %cond3A_63 = arith.cmpi ne, %convert_element_type3A_61, %cond3A_62 : i32
        scf.if %cond3A_63 {
          %shift_right_arithmetic3A_72 = arith.constant 1 : i32
          %shift_right_arithmetic3A_73 = arith.shrsi %while3A_55, %shift_right_arithmetic3A_72 : i32
          %and3A_74 = arith.constant 1 : i32
          %and3A_75 = arith.andi %while3A_55, %and3A_74 : i32
          %mul3A_76 = arith.constant 8192 : i32
          %mul3A_77 = arith.muli %and3A_75, %mul3A_76 : i32
          %dma_wait3A = arith.constant 1 : i32
          %dma_wait3A_78 = tpu.memref_slice %arg2[%dma_wait3A, %shift_right_arithmetic3A_73, %mul3A_77] : memref<9x200x16384xf32, #tpu.memory_space<hbm>> -> memref<4x1x8192xf32, #tpu.memory_space<hbm>>
          %dma_wait3A_79 = tpu.memref_squeeze %dma_wait3A_78 : memref<4x1x8192xf32, #tpu.memory_space<hbm>> -> memref<4x8192xf32, #tpu.memory_space<hbm>>
          %dma_wait3A_80 = arith.constant 1 : i32
          %dma_wait3A_81 = tpu.memref_slice %arg2[%dma_wait3A_80, %shift_right_arithmetic3A_73, %mul3A_77] : memref<9x200x16384xf32, #tpu.memory_space<hbm>> -> memref<4x1x8192xf32, #tpu.memory_space<hbm>>
          %dma_wait3A_82 = tpu.memref_squeeze %dma_wait3A_81 : memref<4x1x8192xf32, #tpu.memory_space<hbm>> -> memref<4x8192xf32, #tpu.memory_space<hbm>>
          tpu.wait_dma2 semaphore(%arg16 : memref<!tpu.dma_semaphore, #tpu.memory_space<semaphore_mem>>) src(%dma_wait3A_82 : memref<4x8192xf32, #tpu.memory_space<hbm>>) dst(%arg6 : memref<4x8192xf32, #tpu.memory_space<vmem>>)
          %gt3A_83 = arith.cmpi sgt, %while3A_55, %shift_right_arithmetic3A_3 : i32
          %convert_element_type3A_84 = arith.extui %gt3A_83 : i1 to i32
          %cond3A_85 = arith.constant 0 : i32
          %cond3A_86 = arith.cmpi ne, %convert_element_type3A_84, %cond3A_85 : i32
          scf.if %cond3A_86 {
            %sub3A_105 = arith.constant 1 : i32
            %sub3A_106 = arith.subi %while3A_55, %sub3A_105 : i32
            %shift_right_arithmetic3A_107 = arith.constant 1 : i32
            %shift_right_arithmetic3A_108 = arith.shrsi %sub3A_106, %shift_right_arithmetic3A_107 : i32
            %and3A_109 = arith.constant 1 : i32
            %and3A_110 = arith.andi %sub3A_106, %and3A_109 : i32
            %mul3A_111 = arith.constant 8192 : i32
            %mul3A_112 = arith.muli %and3A_110, %mul3A_111 : i32
            %dma_wait3A_113 = arith.constant 0 : i32
            %dma_wait3A_114 = tpu.memref_slice %arg4[%shift_right_arithmetic3A_108, %dma_wait3A_113, %mul3A_112] : memref<200x4x16384xf32, #tpu.memory_space<hbm>> -> memref<1x4x8192xf32, #tpu.memory_space<hbm>>
            %dma_wait3A_115 = tpu.memref_squeeze %dma_wait3A_114 : memref<1x4x8192xf32, #tpu.memory_space<hbm>> -> memref<4x8192xf32, #tpu.memory_space<hbm>>
            %dma_wait3A_116 = arith.constant 0 : i32
            %dma_wait3A_117 = tpu.memref_slice %arg4[%shift_right_arithmetic3A_108, %dma_wait3A_116, %mul3A_112] : memref<200x4x16384xf32, #tpu.memory_space<hbm>> -> memref<1x4x8192xf32, #tpu.memory_space<hbm>>
            %dma_wait3A_118 = tpu.memref_squeeze %dma_wait3A_117 : memref<1x4x8192xf32, #tpu.memory_space<hbm>> -> memref<4x8192xf32, #tpu.memory_space<hbm>>
            tpu.wait_dma2 semaphore(%arg19 : memref<!tpu.dma_semaphore, #tpu.memory_space<semaphore_mem>>) src(%arg7 : memref<4x8192xf32, #tpu.memory_space<vmem>>) dst(%dma_wait3A_118 : memref<4x8192xf32, #tpu.memory_space<hbm>>)
          } else {
          }
          %add3A_87 = arith.constant 1 : i32
          %add3A_88 = arith.addi %while3A_55, %add3A_87 : i32
          %lt3A_89 = arith.cmpi slt, %add3A_88, %shift_right_arithmetic3A_9 : i32
          %convert_element_type3A_90 = arith.extui %lt3A_89 : i1 to i32
          %cond3A_91 = arith.constant 0 : i32
          %cond3A_92 = arith.cmpi ne, %convert_element_type3A_90, %cond3A_91 : i32
          scf.if %cond3A_92 {
            %add3A_105 = arith.constant 1 : i32
            %add3A_106 = arith.addi %while3A_55, %add3A_105 : i32
            %shift_right_arithmetic3A_107 = arith.constant 1 : i32
            %shift_right_arithmetic3A_108 = arith.shrsi %add3A_106, %shift_right_arithmetic3A_107 : i32
            %and3A_109 = arith.constant 1 : i32
            %and3A_110 = arith.andi %add3A_106, %and3A_109 : i32
            %mul3A_111 = arith.constant 8192 : i32
            %mul3A_112 = arith.muli %and3A_110, %mul3A_111 : i32
            %dma_start3A_113 = arith.constant 1 : i32
            %dma_start3A_114 = tpu.memref_slice %arg2[%dma_start3A_113, %shift_right_arithmetic3A_108, %mul3A_112] : memref<9x200x16384xf32, #tpu.memory_space<hbm>> -> memref<4x1x8192xf32, #tpu.memory_space<hbm>>
            %dma_start3A_115 = tpu.memref_squeeze %dma_start3A_114 : memref<4x1x8192xf32, #tpu.memory_space<hbm>> -> memref<4x8192xf32, #tpu.memory_space<hbm>>
            %dma_start3A_116 = arith.constant 1 : i32
            %dma_start3A_117 = tpu.memref_slice %arg2[%dma_start3A_116, %shift_right_arithmetic3A_108, %mul3A_112] : memref<9x200x16384xf32, #tpu.memory_space<hbm>> -> memref<4x1x8192xf32, #tpu.memory_space<hbm>>
            %dma_start3A_118 = tpu.memref_squeeze %dma_start3A_117 : memref<4x1x8192xf32, #tpu.memory_space<hbm>> -> memref<4x8192xf32, #tpu.memory_space<hbm>>
            tpu.enqueue_dma source(%dma_start3A_118 : memref<4x8192xf32, #tpu.memory_space<hbm>>) target(%arg7 : memref<4x8192xf32, #tpu.memory_space<vmem>>) target_semaphore(%arg17 : memref<!tpu.dma_semaphore, #tpu.memory_space<semaphore_mem>>)
          } else {
          }
          %shift_right_arithmetic3A_93 = arith.constant 1 : i32
          %shift_right_arithmetic3A_94 = arith.shrsi %while3A_55, %shift_right_arithmetic3A_93 : i32
          %and3A_95 = arith.constant 1 : i32
          %and3A_96 = arith.andi %while3A_55, %and3A_95 : i32
          %mul3A_97 = arith.constant 8192 : i32
          %mul3A_98 = arith.muli %and3A_96, %mul3A_97 : i32
          %dma_start3A_99 = arith.constant 0 : i32
          %dma_start3A_100 = tpu.memref_slice %arg4[%shift_right_arithmetic3A_94, %dma_start3A_99, %mul3A_98] : memref<200x4x16384xf32, #tpu.memory_space<hbm>> -> memref<1x4x8192xf32, #tpu.memory_space<hbm>>
          %dma_start3A_101 = tpu.memref_squeeze %dma_start3A_100 : memref<1x4x8192xf32, #tpu.memory_space<hbm>> -> memref<4x8192xf32, #tpu.memory_space<hbm>>
          %dma_start3A_102 = arith.constant 0 : i32
          %dma_start3A_103 = tpu.memref_slice %arg4[%shift_right_arithmetic3A_94, %dma_start3A_102, %mul3A_98] : memref<200x4x16384xf32, #tpu.memory_space<hbm>> -> memref<1x4x8192xf32, #tpu.memory_space<hbm>>
          %dma_start3A_104 = tpu.memref_squeeze %dma_start3A_103 : memref<1x4x8192xf32, #tpu.memory_space<hbm>> -> memref<4x8192xf32, #tpu.memory_space<hbm>>
          tpu.enqueue_dma source(%arg6 : memref<4x8192xf32, #tpu.memory_space<vmem>>) target(%dma_start3A_104 : memref<4x8192xf32, #tpu.memory_space<hbm>>) target_semaphore(%arg18 : memref<!tpu.dma_semaphore, #tpu.memory_space<semaphore_mem>>)
        } else {
        }
        %sub3A_64 = arith.subi %while3A_55, %shift_right_arithmetic3A_3 : i32
        %and3A_65 = arith.constant 1 : i32
        %and3A_66 = arith.andi %sub3A_64, %and3A_65 : i32
        %eq3A_67 = arith.constant 1 : i32
        %eq3A_68 = arith.cmpi eq, %and3A_66, %eq3A_67 : i32
        %convert_element_type3A_69 = arith.extui %eq3A_68 : i1 to i32
        %cond3A_70 = arith.constant 0 : i32
        %cond3A_71 = arith.cmpi ne, %convert_element_type3A_69, %cond3A_70 : i32
        scf.if %cond3A_71 {
          %shift_right_arithmetic3A_72 = arith.constant 1 : i32
          %shift_right_arithmetic3A_73 = arith.shrsi %while3A_55, %shift_right_arithmetic3A_72 : i32
          %and3A_74 = arith.constant 1 : i32
          %and3A_75 = arith.andi %while3A_55, %and3A_74 : i32
          %mul3A_76 = arith.constant 8192 : i32
          %mul3A_77 = arith.muli %and3A_75, %mul3A_76 : i32
          %dma_wait3A = arith.constant 1 : i32
          %dma_wait3A_78 = tpu.memref_slice %arg2[%dma_wait3A, %shift_right_arithmetic3A_73, %mul3A_77] : memref<9x200x16384xf32, #tpu.memory_space<hbm>> -> memref<4x1x8192xf32, #tpu.memory_space<hbm>>
          %dma_wait3A_79 = tpu.memref_squeeze %dma_wait3A_78 : memref<4x1x8192xf32, #tpu.memory_space<hbm>> -> memref<4x8192xf32, #tpu.memory_space<hbm>>
          %dma_wait3A_80 = arith.constant 1 : i32
          %dma_wait3A_81 = tpu.memref_slice %arg2[%dma_wait3A_80, %shift_right_arithmetic3A_73, %mul3A_77] : memref<9x200x16384xf32, #tpu.memory_space<hbm>> -> memref<4x1x8192xf32, #tpu.memory_space<hbm>>
          %dma_wait3A_82 = tpu.memref_squeeze %dma_wait3A_81 : memref<4x1x8192xf32, #tpu.memory_space<hbm>> -> memref<4x8192xf32, #tpu.memory_space<hbm>>
          tpu.wait_dma2 semaphore(%arg17 : memref<!tpu.dma_semaphore, #tpu.memory_space<semaphore_mem>>) src(%dma_wait3A_82 : memref<4x8192xf32, #tpu.memory_space<hbm>>) dst(%arg7 : memref<4x8192xf32, #tpu.memory_space<vmem>>)
          %gt3A_83 = arith.cmpi sgt, %while3A_55, %shift_right_arithmetic3A_3 : i32
          %convert_element_type3A_84 = arith.extui %gt3A_83 : i1 to i32
          %cond3A_85 = arith.constant 0 : i32
          %cond3A_86 = arith.cmpi ne, %convert_element_type3A_84, %cond3A_85 : i32
          scf.if %cond3A_86 {
            %sub3A_105 = arith.constant 1 : i32
            %sub3A_106 = arith.subi %while3A_55, %sub3A_105 : i32
            %shift_right_arithmetic3A_107 = arith.constant 1 : i32
            %shift_right_arithmetic3A_108 = arith.shrsi %sub3A_106, %shift_right_arithmetic3A_107 : i32
            %and3A_109 = arith.constant 1 : i32
            %and3A_110 = arith.andi %sub3A_106, %and3A_109 : i32
            %mul3A_111 = arith.constant 8192 : i32
            %mul3A_112 = arith.muli %and3A_110, %mul3A_111 : i32
            %dma_wait3A_113 = arith.constant 0 : i32
            %dma_wait3A_114 = tpu.memref_slice %arg4[%shift_right_arithmetic3A_108, %dma_wait3A_113, %mul3A_112] : memref<200x4x16384xf32, #tpu.memory_space<hbm>> -> memref<1x4x8192xf32, #tpu.memory_space<hbm>>
            %dma_wait3A_115 = tpu.memref_squeeze %dma_wait3A_114 : memref<1x4x8192xf32, #tpu.memory_space<hbm>> -> memref<4x8192xf32, #tpu.memory_space<hbm>>
            %dma_wait3A_116 = arith.constant 0 : i32
            %dma_wait3A_117 = tpu.memref_slice %arg4[%shift_right_arithmetic3A_108, %dma_wait3A_116, %mul3A_112] : memref<200x4x16384xf32, #tpu.memory_space<hbm>> -> memref<1x4x8192xf32, #tpu.memory_space<hbm>>
            %dma_wait3A_118 = tpu.memref_squeeze %dma_wait3A_117 : memref<1x4x8192xf32, #tpu.memory_space<hbm>> -> memref<4x8192xf32, #tpu.memory_space<hbm>>
            tpu.wait_dma2 semaphore(%arg18 : memref<!tpu.dma_semaphore, #tpu.memory_space<semaphore_mem>>) src(%arg6 : memref<4x8192xf32, #tpu.memory_space<vmem>>) dst(%dma_wait3A_118 : memref<4x8192xf32, #tpu.memory_space<hbm>>)
          } else {
          }
          %add3A_87 = arith.constant 1 : i32
          %add3A_88 = arith.addi %while3A_55, %add3A_87 : i32
          %lt3A_89 = arith.cmpi slt, %add3A_88, %shift_right_arithmetic3A_9 : i32
          %convert_element_type3A_90 = arith.extui %lt3A_89 : i1 to i32
          %cond3A_91 = arith.constant 0 : i32
          %cond3A_92 = arith.cmpi ne, %convert_element_type3A_90, %cond3A_91 : i32
          scf.if %cond3A_92 {
            %add3A_105 = arith.constant 1 : i32
            %add3A_106 = arith.addi %while3A_55, %add3A_105 : i32
            %shift_right_arithmetic3A_107 = arith.constant 1 : i32
            %shift_right_arithmetic3A_108 = arith.shrsi %add3A_106, %shift_right_arithmetic3A_107 : i32
            %and3A_109 = arith.constant 1 : i32
            %and3A_110 = arith.andi %add3A_106, %and3A_109 : i32
            %mul3A_111 = arith.constant 8192 : i32
            %mul3A_112 = arith.muli %and3A_110, %mul3A_111 : i32
            %dma_start3A_113 = arith.constant 1 : i32
            %dma_start3A_114 = tpu.memref_slice %arg2[%dma_start3A_113, %shift_right_arithmetic3A_108, %mul3A_112] : memref<9x200x16384xf32, #tpu.memory_space<hbm>> -> memref<4x1x8192xf32, #tpu.memory_space<hbm>>
            %dma_start3A_115 = tpu.memref_squeeze %dma_start3A_114 : memref<4x1x8192xf32, #tpu.memory_space<hbm>> -> memref<4x8192xf32, #tpu.memory_space<hbm>>
            %dma_start3A_116 = arith.constant 1 : i32
            %dma_start3A_117 = tpu.memref_slice %arg2[%dma_start3A_116, %shift_right_arithmetic3A_108, %mul3A_112] : memref<9x200x16384xf32, #tpu.memory_space<hbm>> -> memref<4x1x8192xf32, #tpu.memory_space<hbm>>
            %dma_start3A_118 = tpu.memref_squeeze %dma_start3A_117 : memref<4x1x8192xf32, #tpu.memory_space<hbm>> -> memref<4x8192xf32, #tpu.memory_space<hbm>>
            tpu.enqueue_dma source(%dma_start3A_118 : memref<4x8192xf32, #tpu.memory_space<hbm>>) target(%arg6 : memref<4x8192xf32, #tpu.memory_space<vmem>>) target_semaphore(%arg16 : memref<!tpu.dma_semaphore, #tpu.memory_space<semaphore_mem>>)
          } else {
          }
          %shift_right_arithmetic3A_93 = arith.constant 1 : i32
          %shift_right_arithmetic3A_94 = arith.shrsi %while3A_55, %shift_right_arithmetic3A_93 : i32
          %and3A_95 = arith.constant 1 : i32
          %and3A_96 = arith.andi %while3A_55, %and3A_95 : i32
          %mul3A_97 = arith.constant 8192 : i32
          %mul3A_98 = arith.muli %and3A_96, %mul3A_97 : i32
          %dma_start3A_99 = arith.constant 0 : i32
          %dma_start3A_100 = tpu.memref_slice %arg4[%shift_right_arithmetic3A_94, %dma_start3A_99, %mul3A_98] : memref<200x4x16384xf32, #tpu.memory_space<hbm>> -> memref<1x4x8192xf32, #tpu.memory_space<hbm>>
          %dma_start3A_101 = tpu.memref_squeeze %dma_start3A_100 : memref<1x4x8192xf32, #tpu.memory_space<hbm>> -> memref<4x8192xf32, #tpu.memory_space<hbm>>
          %dma_start3A_102 = arith.constant 0 : i32
          %dma_start3A_103 = tpu.memref_slice %arg4[%shift_right_arithmetic3A_94, %dma_start3A_102, %mul3A_98] : memref<200x4x16384xf32, #tpu.memory_space<hbm>> -> memref<1x4x8192xf32, #tpu.memory_space<hbm>>
          %dma_start3A_104 = tpu.memref_squeeze %dma_start3A_103 : memref<1x4x8192xf32, #tpu.memory_space<hbm>> -> memref<4x8192xf32, #tpu.memory_space<hbm>>
          tpu.enqueue_dma source(%arg7 : memref<4x8192xf32, #tpu.memory_space<vmem>>) target(%dma_start3A_104 : memref<4x8192xf32, #tpu.memory_space<hbm>>) target_semaphore(%arg19 : memref<!tpu.dma_semaphore, #tpu.memory_space<semaphore_mem>>)
        } else {
        }
      }
      %while3A_36 = arith.constant 1 : i32
      scf.for %while3A_55 = %while3A_34 to %while3A_30 step %while3A_36  : i32 {
        %sub3A_56 = arith.subi %while3A_55, %shift_right_arithmetic3A_3 : i32
        %and3A_57 = arith.constant 1 : i32
        %and3A_58 = arith.andi %sub3A_56, %and3A_57 : i32
        %eq3A_59 = arith.constant 0 : i32
        %eq3A_60 = arith.cmpi eq, %and3A_58, %eq3A_59 : i32
        %convert_element_type3A_61 = arith.extui %eq3A_60 : i1 to i32
        %cond3A_62 = arith.constant 0 : i32
        %cond3A_63 = arith.cmpi ne, %convert_element_type3A_61, %cond3A_62 : i32
        scf.if %cond3A_63 {
          %shift_right_arithmetic3A_72 = arith.constant 1 : i32
          %shift_right_arithmetic3A_73 = arith.shrsi %while3A_55, %shift_right_arithmetic3A_72 : i32
          %and3A_74 = arith.constant 1 : i32
          %and3A_75 = arith.andi %while3A_55, %and3A_74 : i32
          %mul3A_76 = arith.constant 8192 : i32
          %mul3A_77 = arith.muli %and3A_75, %mul3A_76 : i32
          %dma_wait3A = arith.constant 1 : i32
          %dma_wait3A_78 = tpu.memref_slice %arg2[%dma_wait3A, %shift_right_arithmetic3A_73, %mul3A_77] : memref<9x200x16384xf32, #tpu.memory_space<hbm>> -> memref<4x1x8192xf32, #tpu.memory_space<hbm>>
          %dma_wait3A_79 = tpu.memref_squeeze %dma_wait3A_78 : memref<4x1x8192xf32, #tpu.memory_space<hbm>> -> memref<4x8192xf32, #tpu.memory_space<hbm>>
          %dma_wait3A_80 = arith.constant 1 : i32
          %dma_wait3A_81 = tpu.memref_slice %arg2[%dma_wait3A_80, %shift_right_arithmetic3A_73, %mul3A_77] : memref<9x200x16384xf32, #tpu.memory_space<hbm>> -> memref<4x1x8192xf32, #tpu.memory_space<hbm>>
          %dma_wait3A_82 = tpu.memref_squeeze %dma_wait3A_81 : memref<4x1x8192xf32, #tpu.memory_space<hbm>> -> memref<4x8192xf32, #tpu.memory_space<hbm>>
          tpu.wait_dma2 semaphore(%arg16 : memref<!tpu.dma_semaphore, #tpu.memory_space<semaphore_mem>>) src(%dma_wait3A_82 : memref<4x8192xf32, #tpu.memory_space<hbm>>) dst(%arg6 : memref<4x8192xf32, #tpu.memory_space<vmem>>)
          %gt3A_83 = arith.cmpi sgt, %while3A_55, %shift_right_arithmetic3A_3 : i32
          %convert_element_type3A_84 = arith.extui %gt3A_83 : i1 to i32
          %cond3A_85 = arith.constant 0 : i32
          %cond3A_86 = arith.cmpi ne, %convert_element_type3A_84, %cond3A_85 : i32
          scf.if %cond3A_86 {
            %sub3A_105 = arith.constant 1 : i32
            %sub3A_106 = arith.subi %while3A_55, %sub3A_105 : i32
            %shift_right_arithmetic3A_107 = arith.constant 1 : i32
            %shift_right_arithmetic3A_108 = arith.shrsi %sub3A_106, %shift_right_arithmetic3A_107 : i32
            %and3A_109 = arith.constant 1 : i32
            %and3A_110 = arith.andi %sub3A_106, %and3A_109 : i32
            %mul3A_111 = arith.constant 8192 : i32
            %mul3A_112 = arith.muli %and3A_110, %mul3A_111 : i32
            %dma_wait3A_113 = arith.constant 0 : i32
            %dma_wait3A_114 = tpu.memref_slice %arg4[%shift_right_arithmetic3A_108, %dma_wait3A_113, %mul3A_112] : memref<200x4x16384xf32, #tpu.memory_space<hbm>> -> memref<1x4x8192xf32, #tpu.memory_space<hbm>>
            %dma_wait3A_115 = tpu.memref_squeeze %dma_wait3A_114 : memref<1x4x8192xf32, #tpu.memory_space<hbm>> -> memref<4x8192xf32, #tpu.memory_space<hbm>>
            %dma_wait3A_116 = arith.constant 0 : i32
            %dma_wait3A_117 = tpu.memref_slice %arg4[%shift_right_arithmetic3A_108, %dma_wait3A_116, %mul3A_112] : memref<200x4x16384xf32, #tpu.memory_space<hbm>> -> memref<1x4x8192xf32, #tpu.memory_space<hbm>>
            %dma_wait3A_118 = tpu.memref_squeeze %dma_wait3A_117 : memref<1x4x8192xf32, #tpu.memory_space<hbm>> -> memref<4x8192xf32, #tpu.memory_space<hbm>>
            tpu.wait_dma2 semaphore(%arg19 : memref<!tpu.dma_semaphore, #tpu.memory_space<semaphore_mem>>) src(%arg7 : memref<4x8192xf32, #tpu.memory_space<vmem>>) dst(%dma_wait3A_118 : memref<4x8192xf32, #tpu.memory_space<hbm>>)
          } else {
          }
          %add3A_87 = arith.constant 1 : i32
          %add3A_88 = arith.addi %while3A_55, %add3A_87 : i32
          %lt3A_89 = arith.cmpi slt, %add3A_88, %shift_right_arithmetic3A_9 : i32
          %convert_element_type3A_90 = arith.extui %lt3A_89 : i1 to i32
          %cond3A_91 = arith.constant 0 : i32
          %cond3A_92 = arith.cmpi ne, %convert_element_type3A_90, %cond3A_91 : i32
          scf.if %cond3A_92 {
            %add3A_105 = arith.constant 1 : i32
            %add3A_106 = arith.addi %while3A_55, %add3A_105 : i32
            %shift_right_arithmetic3A_107 = arith.constant 1 : i32
            %shift_right_arithmetic3A_108 = arith.shrsi %add3A_106, %shift_right_arithmetic3A_107 : i32
            %and3A_109 = arith.constant 1 : i32
            %and3A_110 = arith.andi %add3A_106, %and3A_109 : i32
            %mul3A_111 = arith.constant 8192 : i32
            %mul3A_112 = arith.muli %and3A_110, %mul3A_111 : i32
            %dma_start3A_113 = arith.constant 1 : i32
            %dma_start3A_114 = tpu.memref_slice %arg2[%dma_start3A_113, %shift_right_arithmetic3A_108, %mul3A_112] : memref<9x200x16384xf32, #tpu.memory_space<hbm>> -> memref<4x1x8192xf32, #tpu.memory_space<hbm>>
            %dma_start3A_115 = tpu.memref_squeeze %dma_start3A_114 : memref<4x1x8192xf32, #tpu.memory_space<hbm>> -> memref<4x8192xf32, #tpu.memory_space<hbm>>
            %dma_start3A_116 = arith.constant 1 : i32
            %dma_start3A_117 = tpu.memref_slice %arg2[%dma_start3A_116, %shift_right_arithmetic3A_108, %mul3A_112] : memref<9x200x16384xf32, #tpu.memory_space<hbm>> -> memref<4x1x8192xf32, #tpu.memory_space<hbm>>
            %dma_start3A_118 = tpu.memref_squeeze %dma_start3A_117 : memref<4x1x8192xf32, #tpu.memory_space<hbm>> -> memref<4x8192xf32, #tpu.memory_space<hbm>>
            tpu.enqueue_dma source(%dma_start3A_118 : memref<4x8192xf32, #tpu.memory_space<hbm>>) target(%arg7 : memref<4x8192xf32, #tpu.memory_space<vmem>>) target_semaphore(%arg17 : memref<!tpu.dma_semaphore, #tpu.memory_space<semaphore_mem>>)
          } else {
          }
          %shift_right_arithmetic3A_93 = arith.constant 1 : i32
          %shift_right_arithmetic3A_94 = arith.shrsi %while3A_55, %shift_right_arithmetic3A_93 : i32
          %and3A_95 = arith.constant 1 : i32
          %and3A_96 = arith.andi %while3A_55, %and3A_95 : i32
          %mul3A_97 = arith.constant 8192 : i32
          %mul3A_98 = arith.muli %and3A_96, %mul3A_97 : i32
          %dma_start3A_99 = arith.constant 0 : i32
          %dma_start3A_100 = tpu.memref_slice %arg4[%shift_right_arithmetic3A_94, %dma_start3A_99, %mul3A_98] : memref<200x4x16384xf32, #tpu.memory_space<hbm>> -> memref<1x4x8192xf32, #tpu.memory_space<hbm>>
          %dma_start3A_101 = tpu.memref_squeeze %dma_start3A_100 : memref<1x4x8192xf32, #tpu.memory_space<hbm>> -> memref<4x8192xf32, #tpu.memory_space<hbm>>
          %dma_start3A_102 = arith.constant 0 : i32
          %dma_start3A_103 = tpu.memref_slice %arg4[%shift_right_arithmetic3A_94, %dma_start3A_102, %mul3A_98] : memref<200x4x16384xf32, #tpu.memory_space<hbm>> -> memref<1x4x8192xf32, #tpu.memory_space<hbm>>
          %dma_start3A_104 = tpu.memref_squeeze %dma_start3A_103 : memref<1x4x8192xf32, #tpu.memory_space<hbm>> -> memref<4x8192xf32, #tpu.memory_space<hbm>>
          tpu.enqueue_dma source(%arg6 : memref<4x8192xf32, #tpu.memory_space<vmem>>) target(%dma_start3A_104 : memref<4x8192xf32, #tpu.memory_space<hbm>>) target_semaphore(%arg18 : memref<!tpu.dma_semaphore, #tpu.memory_space<semaphore_mem>>)
        } else {
        }
        %sub3A_64 = arith.subi %while3A_55, %shift_right_arithmetic3A_3 : i32
        %and3A_65 = arith.constant 1 : i32
        %and3A_66 = arith.andi %sub3A_64, %and3A_65 : i32
        %eq3A_67 = arith.constant 1 : i32
        %eq3A_68 = arith.cmpi eq, %and3A_66, %eq3A_67 : i32
        %convert_element_type3A_69 = arith.extui %eq3A_68 : i1 to i32
        %cond3A_70 = arith.constant 0 : i32
        %cond3A_71 = arith.cmpi ne, %convert_element_type3A_69, %cond3A_70 : i32
        scf.if %cond3A_71 {
          %shift_right_arithmetic3A_72 = arith.constant 1 : i32
          %shift_right_arithmetic3A_73 = arith.shrsi %while3A_55, %shift_right_arithmetic3A_72 : i32
          %and3A_74 = arith.constant 1 : i32
          %and3A_75 = arith.andi %while3A_55, %and3A_74 : i32
          %mul3A_76 = arith.constant 8192 : i32
          %mul3A_77 = arith.muli %and3A_75, %mul3A_76 : i32
          %dma_wait3A = arith.constant 1 : i32
          %dma_wait3A_78 = tpu.memref_slice %arg2[%dma_wait3A, %shift_right_arithmetic3A_73, %mul3A_77] : memref<9x200x16384xf32, #tpu.memory_space<hbm>> -> memref<4x1x8192xf32, #tpu.memory_space<hbm>>
          %dma_wait3A_79 = tpu.memref_squeeze %dma_wait3A_78 : memref<4x1x8192xf32, #tpu.memory_space<hbm>> -> memref<4x8192xf32, #tpu.memory_space<hbm>>
          %dma_wait3A_80 = arith.constant 1 : i32
          %dma_wait3A_81 = tpu.memref_slice %arg2[%dma_wait3A_80, %shift_right_arithmetic3A_73, %mul3A_77] : memref<9x200x16384xf32, #tpu.memory_space<hbm>> -> memref<4x1x8192xf32, #tpu.memory_space<hbm>>
          %dma_wait3A_82 = tpu.memref_squeeze %dma_wait3A_81 : memref<4x1x8192xf32, #tpu.memory_space<hbm>> -> memref<4x8192xf32, #tpu.memory_space<hbm>>
          tpu.wait_dma2 semaphore(%arg17 : memref<!tpu.dma_semaphore, #tpu.memory_space<semaphore_mem>>) src(%dma_wait3A_82 : memref<4x8192xf32, #tpu.memory_space<hbm>>) dst(%arg7 : memref<4x8192xf32, #tpu.memory_space<vmem>>)
          %gt3A_83 = arith.cmpi sgt, %while3A_55, %shift_right_arithmetic3A_3 : i32
          %convert_element_type3A_84 = arith.extui %gt3A_83 : i1 to i32
          %cond3A_85 = arith.constant 0 : i32
          %cond3A_86 = arith.cmpi ne, %convert_element_type3A_84, %cond3A_85 : i32
          scf.if %cond3A_86 {
            %sub3A_105 = arith.constant 1 : i32
            %sub3A_106 = arith.subi %while3A_55, %sub3A_105 : i32
            %shift_right_arithmetic3A_107 = arith.constant 1 : i32
            %shift_right_arithmetic3A_108 = arith.shrsi %sub3A_106, %shift_right_arithmetic3A_107 : i32
            %and3A_109 = arith.constant 1 : i32
            %and3A_110 = arith.andi %sub3A_106, %and3A_109 : i32
            %mul3A_111 = arith.constant 8192 : i32
            %mul3A_112 = arith.muli %and3A_110, %mul3A_111 : i32
            %dma_wait3A_113 = arith.constant 0 : i32
            %dma_wait3A_114 = tpu.memref_slice %arg4[%shift_right_arithmetic3A_108, %dma_wait3A_113, %mul3A_112] : memref<200x4x16384xf32, #tpu.memory_space<hbm>> -> memref<1x4x8192xf32, #tpu.memory_space<hbm>>
            %dma_wait3A_115 = tpu.memref_squeeze %dma_wait3A_114 : memref<1x4x8192xf32, #tpu.memory_space<hbm>> -> memref<4x8192xf32, #tpu.memory_space<hbm>>
            %dma_wait3A_116 = arith.constant 0 : i32
            %dma_wait3A_117 = tpu.memref_slice %arg4[%shift_right_arithmetic3A_108, %dma_wait3A_116, %mul3A_112] : memref<200x4x16384xf32, #tpu.memory_space<hbm>> -> memref<1x4x8192xf32, #tpu.memory_space<hbm>>
            %dma_wait3A_118 = tpu.memref_squeeze %dma_wait3A_117 : memref<1x4x8192xf32, #tpu.memory_space<hbm>> -> memref<4x8192xf32, #tpu.memory_space<hbm>>
            tpu.wait_dma2 semaphore(%arg18 : memref<!tpu.dma_semaphore, #tpu.memory_space<semaphore_mem>>) src(%arg6 : memref<4x8192xf32, #tpu.memory_space<vmem>>) dst(%dma_wait3A_118 : memref<4x8192xf32, #tpu.memory_space<hbm>>)
          } else {
          }
          %add3A_87 = arith.constant 1 : i32
          %add3A_88 = arith.addi %while3A_55, %add3A_87 : i32
          %lt3A_89 = arith.cmpi slt, %add3A_88, %shift_right_arithmetic3A_9 : i32
          %convert_element_type3A_90 = arith.extui %lt3A_89 : i1 to i32
          %cond3A_91 = arith.constant 0 : i32
          %cond3A_92 = arith.cmpi ne, %convert_element_type3A_90, %cond3A_91 : i32
          scf.if %cond3A_92 {
            %add3A_105 = arith.constant 1 : i32
            %add3A_106 = arith.addi %while3A_55, %add3A_105 : i32
            %shift_right_arithmetic3A_107 = arith.constant 1 : i32
            %shift_right_arithmetic3A_108 = arith.shrsi %add3A_106, %shift_right_arithmetic3A_107 : i32
            %and3A_109 = arith.constant 1 : i32
            %and3A_110 = arith.andi %add3A_106, %and3A_109 : i32
            %mul3A_111 = arith.constant 8192 : i32
            %mul3A_112 = arith.muli %and3A_110, %mul3A_111 : i32
            %dma_start3A_113 = arith.constant 1 : i32
            %dma_start3A_114 = tpu.memref_slice %arg2[%dma_start3A_113, %shift_right_arithmetic3A_108, %mul3A_112] : memref<9x200x16384xf32, #tpu.memory_space<hbm>> -> memref<4x1x8192xf32, #tpu.memory_space<hbm>>
            %dma_start3A_115 = tpu.memref_squeeze %dma_start3A_114 : memref<4x1x8192xf32, #tpu.memory_space<hbm>> -> memref<4x8192xf32, #tpu.memory_space<hbm>>
            %dma_start3A_116 = arith.constant 1 : i32
            %dma_start3A_117 = tpu.memref_slice %arg2[%dma_start3A_116, %shift_right_arithmetic3A_108, %mul3A_112] : memref<9x200x16384xf32, #tpu.memory_space<hbm>> -> memref<4x1x8192xf32, #tpu.memory_space<hbm>>
            %dma_start3A_118 = tpu.memref_squeeze %dma_start3A_117 : memref<4x1x8192xf32, #tpu.memory_space<hbm>> -> memref<4x8192xf32, #tpu.memory_space<hbm>>
            tpu.enqueue_dma source(%dma_start3A_118 : memref<4x8192xf32, #tpu.memory_space<hbm>>) target(%arg6 : memref<4x8192xf32, #tpu.memory_space<vmem>>) target_semaphore(%arg16 : memref<!tpu.dma_semaphore, #tpu.memory_space<semaphore_mem>>)
          } else {
          }
          %shift_right_arithmetic3A_93 = arith.constant 1 : i32
          %shift_right_arithmetic3A_94 = arith.shrsi %while3A_55, %shift_right_arithmetic3A_93 : i32
          %and3A_95 = arith.constant 1 : i32
          %and3A_96 = arith.andi %while3A_55, %and3A_95 : i32
          %mul3A_97 = arith.constant 8192 : i32
          %mul3A_98 = arith.muli %and3A_96, %mul3A_97 : i32
          %dma_start3A_99 = arith.constant 0 : i32
          %dma_start3A_100 = tpu.memref_slice %arg4[%shift_right_arithmetic3A_94, %dma_start3A_99, %mul3A_98] : memref<200x4x16384xf32, #tpu.memory_space<hbm>> -> memref<1x4x8192xf32, #tpu.memory_space<hbm>>
          %dma_start3A_101 = tpu.memref_squeeze %dma_start3A_100 : memref<1x4x8192xf32, #tpu.memory_space<hbm>> -> memref<4x8192xf32, #tpu.memory_space<hbm>>
          %dma_start3A_102 = arith.constant 0 : i32
          %dma_start3A_103 = tpu.memref_slice %arg4[%shift_right_arithmetic3A_94, %dma_start3A_102, %mul3A_98] : memref<200x4x16384xf32, #tpu.memory_space<hbm>> -> memref<1x4x8192xf32, #tpu.memory_space<hbm>>
          %dma_start3A_104 = tpu.memref_squeeze %dma_start3A_103 : memref<1x4x8192xf32, #tpu.memory_space<hbm>> -> memref<4x8192xf32, #tpu.memory_space<hbm>>
          tpu.enqueue_dma source(%arg7 : memref<4x8192xf32, #tpu.memory_space<vmem>>) target(%dma_start3A_104 : memref<4x8192xf32, #tpu.memory_space<hbm>>) target_semaphore(%arg19 : memref<!tpu.dma_semaphore, #tpu.memory_space<semaphore_mem>>)
        } else {
        }
      }
      %sub3A = arith.constant 1 : i32
      %sub3A_37 = arith.subi %shift_right_arithmetic3A_9, %sub3A : i32
      %sub3A_38 = arith.subi %sub3A_37, %shift_right_arithmetic3A_3 : i32
      %and3A_39 = arith.constant 1 : i32
      %and3A_40 = arith.andi %sub3A_38, %and3A_39 : i32
      %eq3A = arith.constant 0 : i32
      %eq3A_41 = arith.cmpi eq, %and3A_40, %eq3A : i32
      %convert_element_type3A_42 = arith.extui %eq3A_41 : i1 to i32
      %cond3A_43 = arith.constant 0 : i32
      %cond3A_44 = arith.cmpi ne, %convert_element_type3A_42, %cond3A_43 : i32
      scf.if %cond3A_44 {
        %sub3A_55 = arith.constant 1 : i32
        %sub3A_56 = arith.subi %shift_right_arithmetic3A_9, %sub3A_55 : i32
        %shift_right_arithmetic3A_57 = arith.constant 1 : i32
        %shift_right_arithmetic3A_58 = arith.shrsi %sub3A_56, %shift_right_arithmetic3A_57 : i32
        %and3A_59 = arith.constant 1 : i32
        %and3A_60 = arith.andi %sub3A_56, %and3A_59 : i32
        %mul3A_61 = arith.constant 8192 : i32
        %mul3A_62 = arith.muli %and3A_60, %mul3A_61 : i32
        %dma_wait3A = arith.constant 0 : i32
        %dma_wait3A_63 = tpu.memref_slice %arg4[%shift_right_arithmetic3A_58, %dma_wait3A, %mul3A_62] : memref<200x4x16384xf32, #tpu.memory_space<hbm>> -> memref<1x4x8192xf32, #tpu.memory_space<hbm>>
        %dma_wait3A_64 = tpu.memref_squeeze %dma_wait3A_63 : memref<1x4x8192xf32, #tpu.memory_space<hbm>> -> memref<4x8192xf32, #tpu.memory_space<hbm>>
        %dma_wait3A_65 = arith.constant 0 : i32
        %dma_wait3A_66 = tpu.memref_slice %arg4[%shift_right_arithmetic3A_58, %dma_wait3A_65, %mul3A_62] : memref<200x4x16384xf32, #tpu.memory_space<hbm>> -> memref<1x4x8192xf32, #tpu.memory_space<hbm>>
        %dma_wait3A_67 = tpu.memref_squeeze %dma_wait3A_66 : memref<1x4x8192xf32, #tpu.memory_space<hbm>> -> memref<4x8192xf32, #tpu.memory_space<hbm>>
        tpu.wait_dma2 semaphore(%arg18 : memref<!tpu.dma_semaphore, #tpu.memory_space<semaphore_mem>>) src(%arg6 : memref<4x8192xf32, #tpu.memory_space<vmem>>) dst(%dma_wait3A_67 : memref<4x8192xf32, #tpu.memory_space<hbm>>)
      } else {
      }
      %sub3A_45 = arith.constant 1 : i32
      %sub3A_46 = arith.subi %shift_right_arithmetic3A_9, %sub3A_45 : i32
      %sub3A_47 = arith.subi %sub3A_46, %shift_right_arithmetic3A_3 : i32
      %and3A_48 = arith.constant 1 : i32
      %and3A_49 = arith.andi %sub3A_47, %and3A_48 : i32
      %eq3A_50 = arith.constant 1 : i32
      %eq3A_51 = arith.cmpi eq, %and3A_49, %eq3A_50 : i32
      %convert_element_type3A_52 = arith.extui %eq3A_51 : i1 to i32
      %cond3A_53 = arith.constant 0 : i32
      %cond3A_54 = arith.cmpi ne, %convert_element_type3A_52, %cond3A_53 : i32
      scf.if %cond3A_54 {
        %sub3A_55 = arith.constant 1 : i32
        %sub3A_56 = arith.subi %shift_right_arithmetic3A_9, %sub3A_55 : i32
        %shift_right_arithmetic3A_57 = arith.constant 1 : i32
        %shift_right_arithmetic3A_58 = arith.shrsi %sub3A_56, %shift_right_arithmetic3A_57 : i32
        %and3A_59 = arith.constant 1 : i32
        %and3A_60 = arith.andi %sub3A_56, %and3A_59 : i32
        %mul3A_61 = arith.constant 8192 : i32
        %mul3A_62 = arith.muli %and3A_60, %mul3A_61 : i32
        %dma_wait3A = arith.constant 0 : i32
        %dma_wait3A_63 = tpu.memref_slice %arg4[%shift_right_arithmetic3A_58, %dma_wait3A, %mul3A_62] : memref<200x4x16384xf32, #tpu.memory_space<hbm>> -> memref<1x4x8192xf32, #tpu.memory_space<hbm>>
        %dma_wait3A_64 = tpu.memref_squeeze %dma_wait3A_63 : memref<1x4x8192xf32, #tpu.memory_space<hbm>> -> memref<4x8192xf32, #tpu.memory_space<hbm>>
        %dma_wait3A_65 = arith.constant 0 : i32
        %dma_wait3A_66 = tpu.memref_slice %arg4[%shift_right_arithmetic3A_58, %dma_wait3A_65, %mul3A_62] : memref<200x4x16384xf32, #tpu.memory_space<hbm>> -> memref<1x4x8192xf32, #tpu.memory_space<hbm>>
        %dma_wait3A_67 = tpu.memref_squeeze %dma_wait3A_66 : memref<1x4x8192xf32, #tpu.memory_space<hbm>> -> memref<4x8192xf32, #tpu.memory_space<hbm>>
        tpu.wait_dma2 semaphore(%arg19 : memref<!tpu.dma_semaphore, #tpu.memory_space<semaphore_mem>>) src(%arg7 : memref<4x8192xf32, #tpu.memory_space<vmem>>) dst(%dma_wait3A_67 : memref<4x8192xf32, #tpu.memory_space<hbm>>)
      } else {
      }
    } else {
    }
    %lt3A = arith.constant 16 : i32
    %lt3A_11 = arith.cmpi slt, %add3A, %lt3A : i32
    %convert_element_type3A_12 = arith.extui %lt3A_11 : i1 to i32
    %cond3A_13 = arith.constant 0 : i32
    %cond3A_14 = arith.cmpi ne, %convert_element_type3A_12, %cond3A_13 : i32
    scf.if %cond3A_14 {
      %and3A = arith.constant 15 : i32
      %and3A_19 = arith.andi %add3A, %and3A : i32
      %mul3A_20 = arith.constant 25 : i32
      %mul3A_21 = arith.muli %and3A_19, %mul3A_20 : i32
      %add3A_22 = arith.constant 0 : i32
      %add3A_23 = arith.addi %mul3A_21, %add3A_22 : i32
      %shift_right_arithmetic3A_24 = arith.constant 4 : i32
      %shift_right_arithmetic3A_25 = arith.shrsi %add3A_23, %shift_right_arithmetic3A_24 : i32
      %mul3A_26 = arith.constant 8 : i32
      %mul3A_27 = arith.muli %shift_right_arithmetic3A_25, %mul3A_26 : i32
      %and3A_28 = arith.constant 15 : i32
      %and3A_29 = arith.andi %add3A_23, %and3A_28 : i32
      %mul3A_30 = arith.constant 1024 : i32
      %mul3A_31 = arith.muli %and3A_29, %mul3A_30 : i32
      %dma_start3A = arith.constant 0 : i32
      %dma_start3A_32 = tpu.memref_slice %arg2[%dma_start3A, %mul3A_27, %mul3A_31] : memref<9x200x16384xf32, #tpu.memory_space<hbm>> -> memref<1x8x1024xf32, #tpu.memory_space<hbm>>
      %dma_start3A_33 = tpu.memref_squeeze %dma_start3A_32 : memref<1x8x1024xf32, #tpu.memory_space<hbm>> -> memref<8x1024xf32, #tpu.memory_space<hbm>>
      %dma_start3A_34 = tpu.memref_slice %arg2[%dma_start3A, %mul3A_27, %mul3A_31] : memref<9x200x16384xf32, #tpu.memory_space<hbm>> -> memref<1x8x1024xf32, #tpu.memory_space<hbm>>
      %dma_start3A_35 = tpu.memref_squeeze %dma_start3A_34 : memref<1x8x1024xf32, #tpu.memory_space<hbm>> -> memref<8x1024xf32, #tpu.memory_space<hbm>>
      tpu.enqueue_dma source(%dma_start3A_35 : memref<8x1024xf32, #tpu.memory_space<hbm>>) target(%arg8 : memref<8x1024xf32, #tpu.memory_space<vmem>>) target_semaphore(%arg12 : memref<!tpu.dma_semaphore, #tpu.memory_space<semaphore_mem>>)
      %scan3A = arith.constant 0 : i32
      %scan3A_36 = arith.constant 0 : i32
      %scan3A_37 = arith.constant 25 : i32
      %scan3A_38 = arith.addi %scan3A_36, %scan3A_37 : i32
      %scan3A_39 = arith.constant 1 : i32
      scf.for %scan3A_78 = %scan3A_36 to %scan3A_38 step %scan3A_39  : i32 {
        %and3A_79 = arith.constant 1 : i32
        %and3A_80 = arith.andi %scan3A_78, %and3A_79 : i32
        %eq3A = arith.constant 0 : i32
        %eq3A_81 = arith.cmpi eq, %and3A_80, %eq3A : i32
        %convert_element_type3A_82 = arith.extui %eq3A_81 : i1 to i32
        %cond3A_83 = arith.constant 0 : i32
        %cond3A_84 = arith.cmpi ne, %convert_element_type3A_82, %cond3A_83 : i32
        scf.if %cond3A_84 {
          %and3A_92 = arith.constant 15 : i32
          %and3A_93 = arith.andi %add3A, %and3A_92 : i32
          %mul3A_94 = arith.constant 25 : i32
          %mul3A_95 = arith.muli %and3A_93, %mul3A_94 : i32
          %add3A_96 = arith.addi %mul3A_95, %scan3A_78 : i32
          %shift_right_arithmetic3A_97 = arith.constant 4 : i32
          %shift_right_arithmetic3A_98 = arith.shrsi %add3A_96, %shift_right_arithmetic3A_97 : i32
          %mul3A_99 = arith.constant 8 : i32
          %mul3A_100 = arith.muli %shift_right_arithmetic3A_98, %mul3A_99 : i32
          %and3A_101 = arith.constant 15 : i32
          %and3A_102 = arith.andi %add3A_96, %and3A_101 : i32
          %mul3A_103 = arith.constant 1024 : i32
          %mul3A_104 = arith.muli %and3A_102, %mul3A_103 : i32
          %dma_wait3A_105 = arith.constant 0 : i32
          %dma_wait3A_106 = tpu.memref_slice %arg2[%dma_wait3A_105, %mul3A_100, %mul3A_104] : memref<9x200x16384xf32, #tpu.memory_space<hbm>> -> memref<1x8x1024xf32, #tpu.memory_space<hbm>>
          %dma_wait3A_107 = tpu.memref_squeeze %dma_wait3A_106 : memref<1x8x1024xf32, #tpu.memory_space<hbm>> -> memref<8x1024xf32, #tpu.memory_space<hbm>>
          %dma_wait3A_108 = tpu.memref_slice %arg2[%dma_wait3A_105, %mul3A_100, %mul3A_104] : memref<9x200x16384xf32, #tpu.memory_space<hbm>> -> memref<1x8x1024xf32, #tpu.memory_space<hbm>>
          %dma_wait3A_109 = tpu.memref_squeeze %dma_wait3A_108 : memref<1x8x1024xf32, #tpu.memory_space<hbm>> -> memref<8x1024xf32, #tpu.memory_space<hbm>>
          tpu.wait_dma2 semaphore(%arg12 : memref<!tpu.dma_semaphore, #tpu.memory_space<semaphore_mem>>) src(%dma_wait3A_109 : memref<8x1024xf32, #tpu.memory_space<hbm>>) dst(%arg8 : memref<8x1024xf32, #tpu.memory_space<vmem>>)
          %lt3A_110 = arith.constant 24 : i32
          %lt3A_111 = arith.cmpi slt, %scan3A_78, %lt3A_110 : i32
          %convert_element_type3A_112 = arith.extui %lt3A_111 : i1 to i32
          %cond3A_113 = arith.constant 0 : i32
          %cond3A_114 = arith.cmpi ne, %convert_element_type3A_112, %cond3A_113 : i32
          scf.if %cond3A_114 {
            %add3A_144 = arith.constant 1 : i32
            %add3A_145 = arith.addi %scan3A_78, %add3A_144 : i32
            %and3A_146 = arith.constant 15 : i32
            %and3A_147 = arith.andi %add3A, %and3A_146 : i32
            %mul3A_148 = arith.constant 25 : i32
            %mul3A_149 = arith.muli %and3A_147, %mul3A_148 : i32
            %add3A_150 = arith.addi %mul3A_149, %add3A_145 : i32
            %shift_right_arithmetic3A_151 = arith.constant 4 : i32
            %shift_right_arithmetic3A_152 = arith.shrsi %add3A_150, %shift_right_arithmetic3A_151 : i32
            %mul3A_153 = arith.constant 8 : i32
            %mul3A_154 = arith.muli %shift_right_arithmetic3A_152, %mul3A_153 : i32
            %and3A_155 = arith.constant 15 : i32
            %and3A_156 = arith.andi %add3A_150, %and3A_155 : i32
            %mul3A_157 = arith.constant 1024 : i32
            %mul3A_158 = arith.muli %and3A_156, %mul3A_157 : i32
            %dma_start3A_159 = arith.constant 0 : i32
            %dma_start3A_160 = tpu.memref_slice %arg2[%dma_start3A_159, %mul3A_154, %mul3A_158] : memref<9x200x16384xf32, #tpu.memory_space<hbm>> -> memref<1x8x1024xf32, #tpu.memory_space<hbm>>
            %dma_start3A_161 = tpu.memref_squeeze %dma_start3A_160 : memref<1x8x1024xf32, #tpu.memory_space<hbm>> -> memref<8x1024xf32, #tpu.memory_space<hbm>>
            %dma_start3A_162 = tpu.memref_slice %arg2[%dma_start3A_159, %mul3A_154, %mul3A_158] : memref<9x200x16384xf32, #tpu.memory_space<hbm>> -> memref<1x8x1024xf32, #tpu.memory_space<hbm>>
            %dma_start3A_163 = tpu.memref_squeeze %dma_start3A_162 : memref<1x8x1024xf32, #tpu.memory_space<hbm>> -> memref<8x1024xf32, #tpu.memory_space<hbm>>
            tpu.enqueue_dma source(%dma_start3A_163 : memref<8x1024xf32, #tpu.memory_space<hbm>>) target(%arg9 : memref<8x1024xf32, #tpu.memory_space<vmem>>) target_semaphore(%arg13 : memref<!tpu.dma_semaphore, #tpu.memory_space<semaphore_mem>>)
          } else {
          }
          %ge3A_115 = arith.constant 2 : i32
          %ge3A_116 = arith.cmpi sge, %scan3A_78, %ge3A_115 : i32
          %convert_element_type3A_117 = arith.extui %ge3A_116 : i1 to i32
          %cond3A_118 = arith.constant 0 : i32
          %cond3A_119 = arith.cmpi ne, %convert_element_type3A_117, %cond3A_118 : i32
          scf.if %cond3A_119 {
            %sub3A = arith.constant 2 : i32
            %sub3A_144 = arith.subi %scan3A_78, %sub3A : i32
            %and3A_145 = arith.constant 15 : i32
            %and3A_146 = arith.andi %add3A, %and3A_145 : i32
            %mul3A_147 = arith.constant 25 : i32
            %mul3A_148 = arith.muli %and3A_146, %mul3A_147 : i32
            %add3A_149 = arith.addi %mul3A_148, %sub3A_144 : i32
            %shift_right_arithmetic3A_150 = arith.constant 4 : i32
            %shift_right_arithmetic3A_151 = arith.shrsi %add3A_149, %shift_right_arithmetic3A_150 : i32
            %mul3A_152 = arith.constant 8 : i32
            %mul3A_153 = arith.muli %shift_right_arithmetic3A_151, %mul3A_152 : i32
            %and3A_154 = arith.constant 15 : i32
            %and3A_155 = arith.andi %add3A_149, %and3A_154 : i32
            %mul3A_156 = arith.constant 1024 : i32
            %mul3A_157 = arith.muli %and3A_155, %mul3A_156 : i32
            %dma_wait3A_158 = arith.constant 0 : i32
            %dma_wait3A_159 = tpu.memref_slice %arg3[%mul3A_153, %dma_wait3A_158, %mul3A_157] : memref<200x1x16384xi32, #tpu.memory_space<hbm>> -> memref<8x1x1024xi32, #tpu.memory_space<hbm>>
            %dma_wait3A_160 = tpu.memref_squeeze %dma_wait3A_159 : memref<8x1x1024xi32, #tpu.memory_space<hbm>> -> memref<8x1024xi32, #tpu.memory_space<hbm>>
            %dma_wait3A_161 = tpu.memref_slice %arg3[%mul3A_153, %dma_wait3A_158, %mul3A_157] : memref<200x1x16384xi32, #tpu.memory_space<hbm>> -> memref<8x1x1024xi32, #tpu.memory_space<hbm>>
            %dma_wait3A_162 = tpu.memref_squeeze %dma_wait3A_161 : memref<8x1x1024xi32, #tpu.memory_space<hbm>> -> memref<8x1024xi32, #tpu.memory_space<hbm>>
            tpu.wait_dma2 semaphore(%arg14 : memref<!tpu.dma_semaphore, #tpu.memory_space<semaphore_mem>>) src(%arg10 : memref<8x1024xi32, #tpu.memory_space<vmem>>) dst(%dma_wait3A_162 : memref<8x1024xi32, #tpu.memory_space<hbm>>)
          } else {
          }
          %scan3A_120 = arith.constant 0 : i32
          %scan3A_121 = arith.constant 0 : i32
          %scan3A_122 = arith.constant 64 : i32
          %scan3A_123 = arith.addi %scan3A_121, %scan3A_122 : i32
          %scan3A_124 = arith.constant 4 : i32
          scf.for %scan3A_144 = %scan3A_121 to %scan3A_123 step %scan3A_124  : i32 {
            %mul3A_145 = arith.constant 16 : i32
            %mul3A_146 = arith.muli %scan3A_144, %mul3A_145 : i32
            %get3A = arith.constant 0 : i32
            %get3A_147 = arith.index_cast %get3A : i32 to index
            %get3A_148 = arith.index_cast %mul3A_146 : i32 to index
            %get3A_149 = tpu.vector_load %arg8[%get3A_147, %get3A_148] {strides = array<i32>} : memref<8x1024xf32, #tpu.memory_space<vmem>>, vector<16xf32>,
            %convert_element_type3A_150 = arith.fptosi %get3A_149 : vector<16xf32> to vector<16xi32>
            %mul3A_151 = arith.constant 16 : i32
            %mul3A_152 = arith.muli %scan3A_144, %mul3A_151 : i32
            %swap3A = arith.constant 0 : i32
            %swap3A_153 = arith.index_cast %swap3A : i32 to index
            %swap3A_154 = arith.index_cast %mul3A_152 : i32 to index
            %swap3A_155 = tpu.vector_load %arg10[%swap3A_153, %swap3A_154] {strides = array<i32>} : memref<8x1024xi32, #tpu.memory_space<vmem>>, vector<16xi32>,
            tpu.vector_store %arg10[%swap3A_153, %swap3A_154], %convert_element_type3A_150 {strides = array<i32>} : memref<8x1024xi32, #tpu.memory_space<vmem>>, vector<16xi32>,
            %mul3A_156 = arith.constant 16 : i32
            %mul3A_157 = arith.muli %scan3A_144, %mul3A_156 : i32
            %get3A_158 = arith.constant 1 : i32
            %get3A_159 = arith.index_cast %get3A_158 : i32 to index
            %get3A_160 = arith.index_cast %mul3A_157 : i32 to index
            %get3A_161 = tpu.vector_load %arg8[%get3A_159, %get3A_160] {strides = array<i32>} : memref<8x1024xf32, #tpu.memory_space<vmem>>, vector<16xf32>,
            %convert_element_type3A_162 = arith.fptosi %get3A_161 : vector<16xf32> to vector<16xi32>
            %mul3A_163 = arith.constant 16 : i32
            %mul3A_164 = arith.muli %scan3A_144, %mul3A_163 : i32
            %swap3A_165 = arith.constant 1 : i32
            %swap3A_166 = arith.index_cast %swap3A_165 : i32 to index
            %swap3A_167 = arith.index_cast %mul3A_164 : i32 to index
            %swap3A_168 = tpu.vector_load %arg10[%swap3A_166, %swap3A_167] {strides = array<i32>} : memref<8x1024xi32, #tpu.memory_space<vmem>>, vector<16xi32>,
            tpu.vector_store %arg10[%swap3A_166, %swap3A_167], %convert_element_type3A_162 {strides = array<i32>} : memref<8x1024xi32, #tpu.memory_space<vmem>>, vector<16xi32>,
            %mul3A_169 = arith.constant 16 : i32
            %mul3A_170 = arith.muli %scan3A_144, %mul3A_169 : i32
            %get3A_171 = arith.constant 2 : i32
            %get3A_172 = arith.index_cast %get3A_171 : i32 to index
            %get3A_173 = arith.index_cast %mul3A_170 : i32 to index
            %get3A_174 = tpu.vector_load %arg8[%get3A_172, %get3A_173] {strides = array<i32>} : memref<8x1024xf32, #tpu.memory_space<vmem>>, vector<16xf32>,
            %convert_element_type3A_175 = arith.fptosi %get3A_174 : vector<16xf32> to vector<16xi32>
            %mul3A_176 = arith.constant 16 : i32
            %mul3A_177 = arith.muli %scan3A_144, %mul3A_176 : i32
            %swap3A_178 = arith.constant 2 : i32
            %swap3A_179 = arith.index_cast %swap3A_178 : i32 to index
            %swap3A_180 = arith.index_cast %mul3A_177 : i32 to index
            %swap3A_181 = tpu.vector_load %arg10[%swap3A_179, %swap3A_180] {strides = array<i32>} : memref<8x1024xi32, #tpu.memory_space<vmem>>, vector<16xi32>,
            tpu.vector_store %arg10[%swap3A_179, %swap3A_180], %convert_element_type3A_175 {strides = array<i32>} : memref<8x1024xi32, #tpu.memory_space<vmem>>, vector<16xi32>,
            %mul3A_182 = arith.constant 16 : i32
            %mul3A_183 = arith.muli %scan3A_144, %mul3A_182 : i32
            %get3A_184 = arith.constant 3 : i32
            %get3A_185 = arith.index_cast %get3A_184 : i32 to index
            %get3A_186 = arith.index_cast %mul3A_183 : i32 to index
            %get3A_187 = tpu.vector_load %arg8[%get3A_185, %get3A_186] {strides = array<i32>} : memref<8x1024xf32, #tpu.memory_space<vmem>>, vector<16xf32>,
            %convert_element_type3A_188 = arith.fptosi %get3A_187 : vector<16xf32> to vector<16xi32>
            %mul3A_189 = arith.constant 16 : i32
            %mul3A_190 = arith.muli %scan3A_144, %mul3A_189 : i32
            %swap3A_191 = arith.constant 3 : i32
            %swap3A_192 = arith.index_cast %swap3A_191 : i32 to index
            %swap3A_193 = arith.index_cast %mul3A_190 : i32 to index
            %swap3A_194 = tpu.vector_load %arg10[%swap3A_192, %swap3A_193] {strides = array<i32>} : memref<8x1024xi32, #tpu.memory_space<vmem>>, vector<16xi32>,
            tpu.vector_store %arg10[%swap3A_192, %swap3A_193], %convert_element_type3A_188 {strides = array<i32>} : memref<8x1024xi32, #tpu.memory_space<vmem>>, vector<16xi32>,
            %mul3A_195 = arith.constant 16 : i32
            %mul3A_196 = arith.muli %scan3A_144, %mul3A_195 : i32
            %get3A_197 = arith.constant 4 : i32
            %get3A_198 = arith.index_cast %get3A_197 : i32 to index
            %get3A_199 = arith.index_cast %mul3A_196 : i32 to index
            %get3A_200 = tpu.vector_load %arg8[%get3A_198, %get3A_199] {strides = array<i32>} : memref<8x1024xf32, #tpu.memory_space<vmem>>, vector<16xf32>,
            %convert_element_type3A_201 = arith.fptosi %get3A_200 : vector<16xf32> to vector<16xi32>
            %mul3A_202 = arith.constant 16 : i32
            %mul3A_203 = arith.muli %scan3A_144, %mul3A_202 : i32
            %swap3A_204 = arith.constant 4 : i32
            %swap3A_205 = arith.index_cast %swap3A_204 : i32 to index
            %swap3A_206 = arith.index_cast %mul3A_203 : i32 to index
            %swap3A_207 = tpu.vector_load %arg10[%swap3A_205, %swap3A_206] {strides = array<i32>} : memref<8x1024xi32, #tpu.memory_space<vmem>>, vector<16xi32>,
            tpu.vector_store %arg10[%swap3A_205, %swap3A_206], %convert_element_type3A_201 {strides = array<i32>} : memref<8x1024xi32, #tpu.memory_space<vmem>>, vector<16xi32>,
            %mul3A_208 = arith.constant 16 : i32
            %mul3A_209 = arith.muli %scan3A_144, %mul3A_208 : i32
            %get3A_210 = arith.constant 5 : i32
            %get3A_211 = arith.index_cast %get3A_210 : i32 to index
            %get3A_212 = arith.index_cast %mul3A_209 : i32 to index
            %get3A_213 = tpu.vector_load %arg8[%get3A_211, %get3A_212] {strides = array<i32>} : memref<8x1024xf32, #tpu.memory_space<vmem>>, vector<16xf32>,
            %convert_element_type3A_214 = arith.fptosi %get3A_213 : vector<16xf32> to vector<16xi32>
            %mul3A_215 = arith.constant 16 : i32
            %mul3A_216 = arith.muli %scan3A_144, %mul3A_215 : i32
            %swap3A_217 = arith.constant 5 : i32
            %swap3A_218 = arith.index_cast %swap3A_217 : i32 to index
            %swap3A_219 = arith.index_cast %mul3A_216 : i32 to index
            %swap3A_220 = tpu.vector_load %arg10[%swap3A_218, %swap3A_219] {strides = array<i32>} : memref<8x1024xi32, #tpu.memory_space<vmem>>, vector<16xi32>,
            tpu.vector_store %arg10[%swap3A_218, %swap3A_219], %convert_element_type3A_214 {strides = array<i32>} : memref<8x1024xi32, #tpu.memory_space<vmem>>, vector<16xi32>,
            %mul3A_221 = arith.constant 16 : i32
            %mul3A_222 = arith.muli %scan3A_144, %mul3A_221 : i32
            %get3A_223 = arith.constant 6 : i32
            %get3A_224 = arith.index_cast %get3A_223 : i32 to index
            %get3A_225 = arith.index_cast %mul3A_222 : i32 to index
            %get3A_226 = tpu.vector_load %arg8[%get3A_224, %get3A_225] {strides = array<i32>} : memref<8x1024xf32, #tpu.memory_space<vmem>>, vector<16xf32>,
            %convert_element_type3A_227 = arith.fptosi %get3A_226 : vector<16xf32> to vector<16xi32>
            %mul3A_228 = arith.constant 16 : i32
            %mul3A_229 = arith.muli %scan3A_144, %mul3A_228 : i32
            %swap3A_230 = arith.constant 6 : i32
            %swap3A_231 = arith.index_cast %swap3A_230 : i32 to index
            %swap3A_232 = arith.index_cast %mul3A_229 : i32 to index
            %swap3A_233 = tpu.vector_load %arg10[%swap3A_231, %swap3A_232] {strides = array<i32>} : memref<8x1024xi32, #tpu.memory_space<vmem>>, vector<16xi32>,
            tpu.vector_store %arg10[%swap3A_231, %swap3A_232], %convert_element_type3A_227 {strides = array<i32>} : memref<8x1024xi32, #tpu.memory_space<vmem>>, vector<16xi32>,
            %mul3A_234 = arith.constant 16 : i32
            %mul3A_235 = arith.muli %scan3A_144, %mul3A_234 : i32
            %get3A_236 = arith.constant 7 : i32
            %get3A_237 = arith.index_cast %get3A_236 : i32 to index
            %get3A_238 = arith.index_cast %mul3A_235 : i32 to index
            %get3A_239 = tpu.vector_load %arg8[%get3A_237, %get3A_238] {strides = array<i32>} : memref<8x1024xf32, #tpu.memory_space<vmem>>, vector<16xf32>,
            %convert_element_type3A_240 = arith.fptosi %get3A_239 : vector<16xf32> to vector<16xi32>
            %mul3A_241 = arith.constant 16 : i32
            %mul3A_242 = arith.muli %scan3A_144, %mul3A_241 : i32
            %swap3A_243 = arith.constant 7 : i32
            %swap3A_244 = arith.index_cast %swap3A_243 : i32 to index
            %swap3A_245 = arith.index_cast %mul3A_242 : i32 to index
            %swap3A_246 = tpu.vector_load %arg10[%swap3A_244, %swap3A_245] {strides = array<i32>} : memref<8x1024xi32, #tpu.memory_space<vmem>>, vector<16xi32>,
            tpu.vector_store %arg10[%swap3A_244, %swap3A_245], %convert_element_type3A_240 {strides = array<i32>} : memref<8x1024xi32, #tpu.memory_space<vmem>>, vector<16xi32>,
            %scan3A_247 = arith.constant 1 : i32
            %scan3A_248 = arith.addi %scan3A_144, %scan3A_247 : i32
            %mul3A_249 = arith.constant 16 : i32
            %mul3A_250 = arith.muli %scan3A_248, %mul3A_249 : i32
            %get3A_251 = arith.constant 0 : i32
            %get3A_252 = arith.index_cast %get3A_251 : i32 to index
            %get3A_253 = arith.index_cast %mul3A_250 : i32 to index
            %get3A_254 = tpu.vector_load %arg8[%get3A_252, %get3A_253] {strides = array<i32>} : memref<8x1024xf32, #tpu.memory_space<vmem>>, vector<16xf32>,
            %convert_element_type3A_255 = arith.fptosi %get3A_254 : vector<16xf32> to vector<16xi32>
            %mul3A_256 = arith.constant 16 : i32
            %mul3A_257 = arith.muli %scan3A_248, %mul3A_256 : i32
            %swap3A_258 = arith.constant 0 : i32
            %swap3A_259 = arith.index_cast %swap3A_258 : i32 to index
            %swap3A_260 = arith.index_cast %mul3A_257 : i32 to index
            %swap3A_261 = tpu.vector_load %arg10[%swap3A_259, %swap3A_260] {strides = array<i32>} : memref<8x1024xi32, #tpu.memory_space<vmem>>, vector<16xi32>,
            tpu.vector_store %arg10[%swap3A_259, %swap3A_260], %convert_element_type3A_255 {strides = array<i32>} : memref<8x1024xi32, #tpu.memory_space<vmem>>, vector<16xi32>,
            %mul3A_262 = arith.constant 16 : i32
            %mul3A_263 = arith.muli %scan3A_248, %mul3A_262 : i32
            %get3A_264 = arith.constant 1 : i32
            %get3A_265 = arith.index_cast %get3A_264 : i32 to index
            %get3A_266 = arith.index_cast %mul3A_263 : i32 to index
            %get3A_267 = tpu.vector_load %arg8[%get3A_265, %get3A_266] {strides = array<i32>} : memref<8x1024xf32, #tpu.memory_space<vmem>>, vector<16xf32>,
            %convert_element_type3A_268 = arith.fptosi %get3A_267 : vector<16xf32> to vector<16xi32>
            %mul3A_269 = arith.constant 16 : i32
            %mul3A_270 = arith.muli %scan3A_248, %mul3A_269 : i32
            %swap3A_271 = arith.constant 1 : i32
            %swap3A_272 = arith.index_cast %swap3A_271 : i32 to index
            %swap3A_273 = arith.index_cast %mul3A_270 : i32 to index
            %swap3A_274 = tpu.vector_load %arg10[%swap3A_272, %swap3A_273] {strides = array<i32>} : memref<8x1024xi32, #tpu.memory_space<vmem>>, vector<16xi32>,
            tpu.vector_store %arg10[%swap3A_272, %swap3A_273], %convert_element_type3A_268 {strides = array<i32>} : memref<8x1024xi32, #tpu.memory_space<vmem>>, vector<16xi32>,
            %mul3A_275 = arith.constant 16 : i32
            %mul3A_276 = arith.muli %scan3A_248, %mul3A_275 : i32
            %get3A_277 = arith.constant 2 : i32
            %get3A_278 = arith.index_cast %get3A_277 : i32 to index
            %get3A_279 = arith.index_cast %mul3A_276 : i32 to index
            %get3A_280 = tpu.vector_load %arg8[%get3A_278, %get3A_279] {strides = array<i32>} : memref<8x1024xf32, #tpu.memory_space<vmem>>, vector<16xf32>,
            %convert_element_type3A_281 = arith.fptosi %get3A_280 : vector<16xf32> to vector<16xi32>
            %mul3A_282 = arith.constant 16 : i32
            %mul3A_283 = arith.muli %scan3A_248, %mul3A_282 : i32
            %swap3A_284 = arith.constant 2 : i32
            %swap3A_285 = arith.index_cast %swap3A_284 : i32 to index
            %swap3A_286 = arith.index_cast %mul3A_283 : i32 to index
            %swap3A_287 = tpu.vector_load %arg10[%swap3A_285, %swap3A_286] {strides = array<i32>} : memref<8x1024xi32, #tpu.memory_space<vmem>>, vector<16xi32>,
            tpu.vector_store %arg10[%swap3A_285, %swap3A_286], %convert_element_type3A_281 {strides = array<i32>} : memref<8x1024xi32, #tpu.memory_space<vmem>>, vector<16xi32>,
            %mul3A_288 = arith.constant 16 : i32
            %mul3A_289 = arith.muli %scan3A_248, %mul3A_288 : i32
            %get3A_290 = arith.constant 3 : i32
            %get3A_291 = arith.index_cast %get3A_290 : i32 to index
            %get3A_292 = arith.index_cast %mul3A_289 : i32 to index
            %get3A_293 = tpu.vector_load %arg8[%get3A_291, %get3A_292] {strides = array<i32>} : memref<8x1024xf32, #tpu.memory_space<vmem>>, vector<16xf32>,
            %convert_element_type3A_294 = arith.fptosi %get3A_293 : vector<16xf32> to vector<16xi32>
            %mul3A_295 = arith.constant 16 : i32
            %mul3A_296 = arith.muli %scan3A_248, %mul3A_295 : i32
            %swap3A_297 = arith.constant 3 : i32
            %swap3A_298 = arith.index_cast %swap3A_297 : i32 to index
            %swap3A_299 = arith.index_cast %mul3A_296 : i32 to index
            %swap3A_300 = tpu.vector_load %arg10[%swap3A_298, %swap3A_299] {strides = array<i32>} : memref<8x1024xi32, #tpu.memory_space<vmem>>, vector<16xi32>,
            tpu.vector_store %arg10[%swap3A_298, %swap3A_299], %convert_element_type3A_294 {strides = array<i32>} : memref<8x1024xi32, #tpu.memory_space<vmem>>, vector<16xi32>,
            %mul3A_301 = arith.constant 16 : i32
            %mul3A_302 = arith.muli %scan3A_248, %mul3A_301 : i32
            %get3A_303 = arith.constant 4 : i32
            %get3A_304 = arith.index_cast %get3A_303 : i32 to index
            %get3A_305 = arith.index_cast %mul3A_302 : i32 to index
            %get3A_306 = tpu.vector_load %arg8[%get3A_304, %get3A_305] {strides = array<i32>} : memref<8x1024xf32, #tpu.memory_space<vmem>>, vector<16xf32>,
            %convert_element_type3A_307 = arith.fptosi %get3A_306 : vector<16xf32> to vector<16xi32>
            %mul3A_308 = arith.constant 16 : i32
            %mul3A_309 = arith.muli %scan3A_248, %mul3A_308 : i32
            %swap3A_310 = arith.constant 4 : i32
            %swap3A_311 = arith.index_cast %swap3A_310 : i32 to index
            %swap3A_312 = arith.index_cast %mul3A_309 : i32 to index
            %swap3A_313 = tpu.vector_load %arg10[%swap3A_311, %swap3A_312] {strides = array<i32>} : memref<8x1024xi32, #tpu.memory_space<vmem>>, vector<16xi32>,
            tpu.vector_store %arg10[%swap3A_311, %swap3A_312], %convert_element_type3A_307 {strides = array<i32>} : memref<8x1024xi32, #tpu.memory_space<vmem>>, vector<16xi32>,
            %mul3A_314 = arith.constant 16 : i32
            %mul3A_315 = arith.muli %scan3A_248, %mul3A_314 : i32
            %get3A_316 = arith.constant 5 : i32
            %get3A_317 = arith.index_cast %get3A_316 : i32 to index
            %get3A_318 = arith.index_cast %mul3A_315 : i32 to index
            %get3A_319 = tpu.vector_load %arg8[%get3A_317, %get3A_318] {strides = array<i32>} : memref<8x1024xf32, #tpu.memory_space<vmem>>, vector<16xf32>,
            %convert_element_type3A_320 = arith.fptosi %get3A_319 : vector<16xf32> to vector<16xi32>
            %mul3A_321 = arith.constant 16 : i32
            %mul3A_322 = arith.muli %scan3A_248, %mul3A_321 : i32
            %swap3A_323 = arith.constant 5 : i32
            %swap3A_324 = arith.index_cast %swap3A_323 : i32 to index
            %swap3A_325 = arith.index_cast %mul3A_322 : i32 to index
            %swap3A_326 = tpu.vector_load %arg10[%swap3A_324, %swap3A_325] {strides = array<i32>} : memref<8x1024xi32, #tpu.memory_space<vmem>>, vector<16xi32>,
            tpu.vector_store %arg10[%swap3A_324, %swap3A_325], %convert_element_type3A_320 {strides = array<i32>} : memref<8x1024xi32, #tpu.memory_space<vmem>>, vector<16xi32>,
            %mul3A_327 = arith.constant 16 : i32
            %mul3A_328 = arith.muli %scan3A_248, %mul3A_327 : i32
            %get3A_329 = arith.constant 6 : i32
            %get3A_330 = arith.index_cast %get3A_329 : i32 to index
            %get3A_331 = arith.index_cast %mul3A_328 : i32 to index
            %get3A_332 = tpu.vector_load %arg8[%get3A_330, %get3A_331] {strides = array<i32>} : memref<8x1024xf32, #tpu.memory_space<vmem>>, vector<16xf32>,
            %convert_element_type3A_333 = arith.fptosi %get3A_332 : vector<16xf32> to vector<16xi32>
            %mul3A_334 = arith.constant 16 : i32
            %mul3A_335 = arith.muli %scan3A_248, %mul3A_334 : i32
            %swap3A_336 = arith.constant 6 : i32
            %swap3A_337 = arith.index_cast %swap3A_336 : i32 to index
            %swap3A_338 = arith.index_cast %mul3A_335 : i32 to index
            %swap3A_339 = tpu.vector_load %arg10[%swap3A_337, %swap3A_338] {strides = array<i32>} : memref<8x1024xi32, #tpu.memory_space<vmem>>, vector<16xi32>,
            tpu.vector_store %arg10[%swap3A_337, %swap3A_338], %convert_element_type3A_333 {strides = array<i32>} : memref<8x1024xi32, #tpu.memory_space<vmem>>, vector<16xi32>,
            %mul3A_340 = arith.constant 16 : i32
            %mul3A_341 = arith.muli %scan3A_248, %mul3A_340 : i32
            %get3A_342 = arith.constant 7 : i32
            %get3A_343 = arith.index_cast %get3A_342 : i32 to index
            %get3A_344 = arith.index_cast %mul3A_341 : i32 to index
            %get3A_345 = tpu.vector_load %arg8[%get3A_343, %get3A_344] {strides = array<i32>} : memref<8x1024xf32, #tpu.memory_space<vmem>>, vector<16xf32>,
            %convert_element_type3A_346 = arith.fptosi %get3A_345 : vector<16xf32> to vector<16xi32>
            %mul3A_347 = arith.constant 16 : i32
            %mul3A_348 = arith.muli %scan3A_248, %mul3A_347 : i32
            %swap3A_349 = arith.constant 7 : i32
            %swap3A_350 = arith.index_cast %swap3A_349 : i32 to index
            %swap3A_351 = arith.index_cast %mul3A_348 : i32 to index
            %swap3A_352 = tpu.vector_load %arg10[%swap3A_350, %swap3A_351] {strides = array<i32>} : memref<8x1024xi32, #tpu.memory_space<vmem>>, vector<16xi32>,
            tpu.vector_store %arg10[%swap3A_350, %swap3A_351], %convert_element_type3A_346 {strides = array<i32>} : memref<8x1024xi32, #tpu.memory_space<vmem>>, vector<16xi32>,
            %scan3A_353 = arith.constant 2 : i32
            %scan3A_354 = arith.addi %scan3A_144, %scan3A_353 : i32
            %mul3A_355 = arith.constant 16 : i32
            %mul3A_356 = arith.muli %scan3A_354, %mul3A_355 : i32
            %get3A_357 = arith.constant 0 : i32
            %get3A_358 = arith.index_cast %get3A_357 : i32 to index
            %get3A_359 = arith.index_cast %mul3A_356 : i32 to index
            %get3A_360 = tpu.vector_load %arg8[%get3A_358, %get3A_359] {strides = array<i32>} : memref<8x1024xf32, #tpu.memory_space<vmem>>, vector<16xf32>,
            %convert_element_type3A_361 = arith.fptosi %get3A_360 : vector<16xf32> to vector<16xi32>
            %mul3A_362 = arith.constant 16 : i32
            %mul3A_363 = arith.muli %scan3A_354, %mul3A_362 : i32
            %swap3A_364 = arith.constant 0 : i32
            %swap3A_365 = arith.index_cast %swap3A_364 : i32 to index
            %swap3A_366 = arith.index_cast %mul3A_363 : i32 to index
            %swap3A_367 = tpu.vector_load %arg10[%swap3A_365, %swap3A_366] {strides = array<i32>} : memref<8x1024xi32, #tpu.memory_space<vmem>>, vector<16xi32>,
            tpu.vector_store %arg10[%swap3A_365, %swap3A_366], %convert_element_type3A_361 {strides = array<i32>} : memref<8x1024xi32, #tpu.memory_space<vmem>>, vector<16xi32>,
            %mul3A_368 = arith.constant 16 : i32
            %mul3A_369 = arith.muli %scan3A_354, %mul3A_368 : i32
            %get3A_370 = arith.constant 1 : i32
            %get3A_371 = arith.index_cast %get3A_370 : i32 to index
            %get3A_372 = arith.index_cast %mul3A_369 : i32 to index
            %get3A_373 = tpu.vector_load %arg8[%get3A_371, %get3A_372] {strides = array<i32>} : memref<8x1024xf32, #tpu.memory_space<vmem>>, vector<16xf32>,
            %convert_element_type3A_374 = arith.fptosi %get3A_373 : vector<16xf32> to vector<16xi32>
            %mul3A_375 = arith.constant 16 : i32
            %mul3A_376 = arith.muli %scan3A_354, %mul3A_375 : i32
            %swap3A_377 = arith.constant 1 : i32
            %swap3A_378 = arith.index_cast %swap3A_377 : i32 to index
            %swap3A_379 = arith.index_cast %mul3A_376 : i32 to index
            %swap3A_380 = tpu.vector_load %arg10[%swap3A_378, %swap3A_379] {strides = array<i32>} : memref<8x1024xi32, #tpu.memory_space<vmem>>, vector<16xi32>,
            tpu.vector_store %arg10[%swap3A_378, %swap3A_379], %convert_element_type3A_374 {strides = array<i32>} : memref<8x1024xi32, #tpu.memory_space<vmem>>, vector<16xi32>,
            %mul3A_381 = arith.constant 16 : i32
            %mul3A_382 = arith.muli %scan3A_354, %mul3A_381 : i32
            %get3A_383 = arith.constant 2 : i32
            %get3A_384 = arith.index_cast %get3A_383 : i32 to index
            %get3A_385 = arith.index_cast %mul3A_382 : i32 to index
            %get3A_386 = tpu.vector_load %arg8[%get3A_384, %get3A_385] {strides = array<i32>} : memref<8x1024xf32, #tpu.memory_space<vmem>>, vector<16xf32>,
            %convert_element_type3A_387 = arith.fptosi %get3A_386 : vector<16xf32> to vector<16xi32>
            %mul3A_388 = arith.constant 16 : i32
            %mul3A_389 = arith.muli %scan3A_354, %mul3A_388 : i32
            %swap3A_390 = arith.constant 2 : i32
            %swap3A_391 = arith.index_cast %swap3A_390 : i32 to index
            %swap3A_392 = arith.index_cast %mul3A_389 : i32 to index
            %swap3A_393 = tpu.vector_load %arg10[%swap3A_391, %swap3A_392] {strides = array<i32>} : memref<8x1024xi32, #tpu.memory_space<vmem>>, vector<16xi32>,
            tpu.vector_store %arg10[%swap3A_391, %swap3A_392], %convert_element_type3A_387 {strides = array<i32>} : memref<8x1024xi32, #tpu.memory_space<vmem>>, vector<16xi32>,
            %mul3A_394 = arith.constant 16 : i32
            %mul3A_395 = arith.muli %scan3A_354, %mul3A_394 : i32
            %get3A_396 = arith.constant 3 : i32
            %get3A_397 = arith.index_cast %get3A_396 : i32 to index
            %get3A_398 = arith.index_cast %mul3A_395 : i32 to index
            %get3A_399 = tpu.vector_load %arg8[%get3A_397, %get3A_398] {strides = array<i32>} : memref<8x1024xf32, #tpu.memory_space<vmem>>, vector<16xf32>,
            %convert_element_type3A_400 = arith.fptosi %get3A_399 : vector<16xf32> to vector<16xi32>
            %mul3A_401 = arith.constant 16 : i32
            %mul3A_402 = arith.muli %scan3A_354, %mul3A_401 : i32
            %swap3A_403 = arith.constant 3 : i32
            %swap3A_404 = arith.index_cast %swap3A_403 : i32 to index
            %swap3A_405 = arith.index_cast %mul3A_402 : i32 to index
            %swap3A_406 = tpu.vector_load %arg10[%swap3A_404, %swap3A_405] {strides = array<i32>} : memref<8x1024xi32, #tpu.memory_space<vmem>>, vector<16xi32>,
            tpu.vector_store %arg10[%swap3A_404, %swap3A_405], %convert_element_type3A_400 {strides = array<i32>} : memref<8x1024xi32, #tpu.memory_space<vmem>>, vector<16xi32>,
            %mul3A_407 = arith.constant 16 : i32
            %mul3A_408 = arith.muli %scan3A_354, %mul3A_407 : i32
            %get3A_409 = arith.constant 4 : i32
            %get3A_410 = arith.index_cast %get3A_409 : i32 to index
            %get3A_411 = arith.index_cast %mul3A_408 : i32 to index
            %get3A_412 = tpu.vector_load %arg8[%get3A_410, %get3A_411] {strides = array<i32>} : memref<8x1024xf32, #tpu.memory_space<vmem>>, vector<16xf32>,
            %convert_element_type3A_413 = arith.fptosi %get3A_412 : vector<16xf32> to vector<16xi32>
            %mul3A_414 = arith.constant 16 : i32
            %mul3A_415 = arith.muli %scan3A_354, %mul3A_414 : i32
            %swap3A_416 = arith.constant 4 : i32
            %swap3A_417 = arith.index_cast %swap3A_416 : i32 to index
            %swap3A_418 = arith.index_cast %mul3A_415 : i32 to index
            %swap3A_419 = tpu.vector_load %arg10[%swap3A_417, %swap3A_418] {strides = array<i32>} : memref<8x1024xi32, #tpu.memory_space<vmem>>, vector<16xi32>,
            tpu.vector_store %arg10[%swap3A_417, %swap3A_418], %convert_element_type3A_413 {strides = array<i32>} : memref<8x1024xi32, #tpu.memory_space<vmem>>, vector<16xi32>,
            %mul3A_420 = arith.constant 16 : i32
            %mul3A_421 = arith.muli %scan3A_354, %mul3A_420 : i32
            %get3A_422 = arith.constant 5 : i32
            %get3A_423 = arith.index_cast %get3A_422 : i32 to index
            %get3A_424 = arith.index_cast %mul3A_421 : i32 to index
            %get3A_425 = tpu.vector_load %arg8[%get3A_423, %get3A_424] {strides = array<i32>} : memref<8x1024xf32, #tpu.memory_space<vmem>>, vector<16xf32>,
            %convert_element_type3A_426 = arith.fptosi %get3A_425 : vector<16xf32> to vector<16xi32>
            %mul3A_427 = arith.constant 16 : i32
            %mul3A_428 = arith.muli %scan3A_354, %mul3A_427 : i32
            %swap3A_429 = arith.constant 5 : i32
            %swap3A_430 = arith.index_cast %swap3A_429 : i32 to index
            %swap3A_431 = arith.index_cast %mul3A_428 : i32 to index
            %swap3A_432 = tpu.vector_load %arg10[%swap3A_430, %swap3A_431] {strides = array<i32>} : memref<8x1024xi32, #tpu.memory_space<vmem>>, vector<16xi32>,
            tpu.vector_store %arg10[%swap3A_430, %swap3A_431], %convert_element_type3A_426 {strides = array<i32>} : memref<8x1024xi32, #tpu.memory_space<vmem>>, vector<16xi32>,
            %mul3A_433 = arith.constant 16 : i32
            %mul3A_434 = arith.muli %scan3A_354, %mul3A_433 : i32
            %get3A_435 = arith.constant 6 : i32
            %get3A_436 = arith.index_cast %get3A_435 : i32 to index
            %get3A_437 = arith.index_cast %mul3A_434 : i32 to index
            %get3A_438 = tpu.vector_load %arg8[%get3A_436, %get3A_437] {strides = array<i32>} : memref<8x1024xf32, #tpu.memory_space<vmem>>, vector<16xf32>,
            %convert_element_type3A_439 = arith.fptosi %get3A_438 : vector<16xf32> to vector<16xi32>
            %mul3A_440 = arith.constant 16 : i32
            %mul3A_441 = arith.muli %scan3A_354, %mul3A_440 : i32
            %swap3A_442 = arith.constant 6 : i32
            %swap3A_443 = arith.index_cast %swap3A_442 : i32 to index
            %swap3A_444 = arith.index_cast %mul3A_441 : i32 to index
            %swap3A_445 = tpu.vector_load %arg10[%swap3A_443, %swap3A_444] {strides = array<i32>} : memref<8x1024xi32, #tpu.memory_space<vmem>>, vector<16xi32>,
            tpu.vector_store %arg10[%swap3A_443, %swap3A_444], %convert_element_type3A_439 {strides = array<i32>} : memref<8x1024xi32, #tpu.memory_space<vmem>>, vector<16xi32>,
            %mul3A_446 = arith.constant 16 : i32
            %mul3A_447 = arith.muli %scan3A_354, %mul3A_446 : i32
            %get3A_448 = arith.constant 7 : i32
            %get3A_449 = arith.index_cast %get3A_448 : i32 to index
            %get3A_450 = arith.index_cast %mul3A_447 : i32 to index
            %get3A_451 = tpu.vector_load %arg8[%get3A_449, %get3A_450] {strides = array<i32>} : memref<8x1024xf32, #tpu.memory_space<vmem>>, vector<16xf32>,
            %convert_element_type3A_452 = arith.fptosi %get3A_451 : vector<16xf32> to vector<16xi32>
            %mul3A_453 = arith.constant 16 : i32
            %mul3A_454 = arith.muli %scan3A_354, %mul3A_453 : i32
            %swap3A_455 = arith.constant 7 : i32
            %swap3A_456 = arith.index_cast %swap3A_455 : i32 to index
            %swap3A_457 = arith.index_cast %mul3A_454 : i32 to index
            %swap3A_458 = tpu.vector_load %arg10[%swap3A_456, %swap3A_457] {strides = array<i32>} : memref<8x1024xi32, #tpu.memory_space<vmem>>, vector<16xi32>,
            tpu.vector_store %arg10[%swap3A_456, %swap3A_457], %convert_element_type3A_452 {strides = array<i32>} : memref<8x1024xi32, #tpu.memory_space<vmem>>, vector<16xi32>,
            %scan3A_459 = arith.constant 3 : i32
            %scan3A_460 = arith.addi %scan3A_144, %scan3A_459 : i32
            %mul3A_461 = arith.constant 16 : i32
            %mul3A_462 = arith.muli %scan3A_460, %mul3A_461 : i32
            %get3A_463 = arith.constant 0 : i32
            %get3A_464 = arith.index_cast %get3A_463 : i32 to index
            %get3A_465 = arith.index_cast %mul3A_462 : i32 to index
            %get3A_466 = tpu.vector_load %arg8[%get3A_464, %get3A_465] {strides = array<i32>} : memref<8x1024xf32, #tpu.memory_space<vmem>>, vector<16xf32>,
            %convert_element_type3A_467 = arith.fptosi %get3A_466 : vector<16xf32> to vector<16xi32>
            %mul3A_468 = arith.constant 16 : i32
            %mul3A_469 = arith.muli %scan3A_460, %mul3A_468 : i32
            %swap3A_470 = arith.constant 0 : i32
            %swap3A_471 = arith.index_cast %swap3A_470 : i32 to index
            %swap3A_472 = arith.index_cast %mul3A_469 : i32 to index
            %swap3A_473 = tpu.vector_load %arg10[%swap3A_471, %swap3A_472] {strides = array<i32>} : memref<8x1024xi32, #tpu.memory_space<vmem>>, vector<16xi32>,
            tpu.vector_store %arg10[%swap3A_471, %swap3A_472], %convert_element_type3A_467 {strides = array<i32>} : memref<8x1024xi32, #tpu.memory_space<vmem>>, vector<16xi32>,
            %mul3A_474 = arith.constant 16 : i32
            %mul3A_475 = arith.muli %scan3A_460, %mul3A_474 : i32
            %get3A_476 = arith.constant 1 : i32
            %get3A_477 = arith.index_cast %get3A_476 : i32 to index
            %get3A_478 = arith.index_cast %mul3A_475 : i32 to index
            %get3A_479 = tpu.vector_load %arg8[%get3A_477, %get3A_478] {strides = array<i32>} : memref<8x1024xf32, #tpu.memory_space<vmem>>, vector<16xf32>,
            %convert_element_type3A_480 = arith.fptosi %get3A_479 : vector<16xf32> to vector<16xi32>
            %mul3A_481 = arith.constant 16 : i32
            %mul3A_482 = arith.muli %scan3A_460, %mul3A_481 : i32
            %swap3A_483 = arith.constant 1 : i32
            %swap3A_484 = arith.index_cast %swap3A_483 : i32 to index
            %swap3A_485 = arith.index_cast %mul3A_482 : i32 to index
            %swap3A_486 = tpu.vector_load %arg10[%swap3A_484, %swap3A_485] {strides = array<i32>} : memref<8x1024xi32, #tpu.memory_space<vmem>>, vector<16xi32>,
            tpu.vector_store %arg10[%swap3A_484, %swap3A_485], %convert_element_type3A_480 {strides = array<i32>} : memref<8x1024xi32, #tpu.memory_space<vmem>>, vector<16xi32>,
            %mul3A_487 = arith.constant 16 : i32
            %mul3A_488 = arith.muli %scan3A_460, %mul3A_487 : i32
            %get3A_489 = arith.constant 2 : i32
            %get3A_490 = arith.index_cast %get3A_489 : i32 to index
            %get3A_491 = arith.index_cast %mul3A_488 : i32 to index
            %get3A_492 = tpu.vector_load %arg8[%get3A_490, %get3A_491] {strides = array<i32>} : memref<8x1024xf32, #tpu.memory_space<vmem>>, vector<16xf32>,
            %convert_element_type3A_493 = arith.fptosi %get3A_492 : vector<16xf32> to vector<16xi32>
            %mul3A_494 = arith.constant 16 : i32
            %mul3A_495 = arith.muli %scan3A_460, %mul3A_494 : i32
            %swap3A_496 = arith.constant 2 : i32
            %swap3A_497 = arith.index_cast %swap3A_496 : i32 to index
            %swap3A_498 = arith.index_cast %mul3A_495 : i32 to index
            %swap3A_499 = tpu.vector_load %arg10[%swap3A_497, %swap3A_498] {strides = array<i32>} : memref<8x1024xi32, #tpu.memory_space<vmem>>, vector<16xi32>,
            tpu.vector_store %arg10[%swap3A_497, %swap3A_498], %convert_element_type3A_493 {strides = array<i32>} : memref<8x1024xi32, #tpu.memory_space<vmem>>, vector<16xi32>,
            %mul3A_500 = arith.constant 16 : i32
            %mul3A_501 = arith.muli %scan3A_460, %mul3A_500 : i32
            %get3A_502 = arith.constant 3 : i32
            %get3A_503 = arith.index_cast %get3A_502 : i32 to index
            %get3A_504 = arith.index_cast %mul3A_501 : i32 to index
            %get3A_505 = tpu.vector_load %arg8[%get3A_503, %get3A_504] {strides = array<i32>} : memref<8x1024xf32, #tpu.memory_space<vmem>>, vector<16xf32>,
            %convert_element_type3A_506 = arith.fptosi %get3A_505 : vector<16xf32> to vector<16xi32>
            %mul3A_507 = arith.constant 16 : i32
            %mul3A_508 = arith.muli %scan3A_460, %mul3A_507 : i32
            %swap3A_509 = arith.constant 3 : i32
            %swap3A_510 = arith.index_cast %swap3A_509 : i32 to index
            %swap3A_511 = arith.index_cast %mul3A_508 : i32 to index
            %swap3A_512 = tpu.vector_load %arg10[%swap3A_510, %swap3A_511] {strides = array<i32>} : memref<8x1024xi32, #tpu.memory_space<vmem>>, vector<16xi32>,
            tpu.vector_store %arg10[%swap3A_510, %swap3A_511], %convert_element_type3A_506 {strides = array<i32>} : memref<8x1024xi32, #tpu.memory_space<vmem>>, vector<16xi32>,
            %mul3A_513 = arith.constant 16 : i32
            %mul3A_514 = arith.muli %scan3A_460, %mul3A_513 : i32
            %get3A_515 = arith.constant 4 : i32
            %get3A_516 = arith.index_cast %get3A_515 : i32 to index
            %get3A_517 = arith.index_cast %mul3A_514 : i32 to index
            %get3A_518 = tpu.vector_load %arg8[%get3A_516, %get3A_517] {strides = array<i32>} : memref<8x1024xf32, #tpu.memory_space<vmem>>, vector<16xf32>,
            %convert_element_type3A_519 = arith.fptosi %get3A_518 : vector<16xf32> to vector<16xi32>
            %mul3A_520 = arith.constant 16 : i32
            %mul3A_521 = arith.muli %scan3A_460, %mul3A_520 : i32
            %swap3A_522 = arith.constant 4 : i32
            %swap3A_523 = arith.index_cast %swap3A_522 : i32 to index
            %swap3A_524 = arith.index_cast %mul3A_521 : i32 to index
            %swap3A_525 = tpu.vector_load %arg10[%swap3A_523, %swap3A_524] {strides = array<i32>} : memref<8x1024xi32, #tpu.memory_space<vmem>>, vector<16xi32>,
            tpu.vector_store %arg10[%swap3A_523, %swap3A_524], %convert_element_type3A_519 {strides = array<i32>} : memref<8x1024xi32, #tpu.memory_space<vmem>>, vector<16xi32>,
            %mul3A_526 = arith.constant 16 : i32
            %mul3A_527 = arith.muli %scan3A_460, %mul3A_526 : i32
            %get3A_528 = arith.constant 5 : i32
            %get3A_529 = arith.index_cast %get3A_528 : i32 to index
            %get3A_530 = arith.index_cast %mul3A_527 : i32 to index
            %get3A_531 = tpu.vector_load %arg8[%get3A_529, %get3A_530] {strides = array<i32>} : memref<8x1024xf32, #tpu.memory_space<vmem>>, vector<16xf32>,
            %convert_element_type3A_532 = arith.fptosi %get3A_531 : vector<16xf32> to vector<16xi32>
            %mul3A_533 = arith.constant 16 : i32
            %mul3A_534 = arith.muli %scan3A_460, %mul3A_533 : i32
            %swap3A_535 = arith.constant 5 : i32
            %swap3A_536 = arith.index_cast %swap3A_535 : i32 to index
            %swap3A_537 = arith.index_cast %mul3A_534 : i32 to index
            %swap3A_538 = tpu.vector_load %arg10[%swap3A_536, %swap3A_537] {strides = array<i32>} : memref<8x1024xi32, #tpu.memory_space<vmem>>, vector<16xi32>,
            tpu.vector_store %arg10[%swap3A_536, %swap3A_537], %convert_element_type3A_532 {strides = array<i32>} : memref<8x1024xi32, #tpu.memory_space<vmem>>, vector<16xi32>,
            %mul3A_539 = arith.constant 16 : i32
            %mul3A_540 = arith.muli %scan3A_460, %mul3A_539 : i32
            %get3A_541 = arith.constant 6 : i32
            %get3A_542 = arith.index_cast %get3A_541 : i32 to index
            %get3A_543 = arith.index_cast %mul3A_540 : i32 to index
            %get3A_544 = tpu.vector_load %arg8[%get3A_542, %get3A_543] {strides = array<i32>} : memref<8x1024xf32, #tpu.memory_space<vmem>>, vector<16xf32>,
            %convert_element_type3A_545 = arith.fptosi %get3A_544 : vector<16xf32> to vector<16xi32>
            %mul3A_546 = arith.constant 16 : i32
            %mul3A_547 = arith.muli %scan3A_460, %mul3A_546 : i32
            %swap3A_548 = arith.constant 6 : i32
            %swap3A_549 = arith.index_cast %swap3A_548 : i32 to index
            %swap3A_550 = arith.index_cast %mul3A_547 : i32 to index
            %swap3A_551 = tpu.vector_load %arg10[%swap3A_549, %swap3A_550] {strides = array<i32>} : memref<8x1024xi32, #tpu.memory_space<vmem>>, vector<16xi32>,
            tpu.vector_store %arg10[%swap3A_549, %swap3A_550], %convert_element_type3A_545 {strides = array<i32>} : memref<8x1024xi32, #tpu.memory_space<vmem>>, vector<16xi32>,
            %mul3A_552 = arith.constant 16 : i32
            %mul3A_553 = arith.muli %scan3A_460, %mul3A_552 : i32
            %get3A_554 = arith.constant 7 : i32
            %get3A_555 = arith.index_cast %get3A_554 : i32 to index
            %get3A_556 = arith.index_cast %mul3A_553 : i32 to index
            %get3A_557 = tpu.vector_load %arg8[%get3A_555, %get3A_556] {strides = array<i32>} : memref<8x1024xf32, #tpu.memory_space<vmem>>, vector<16xf32>,
            %convert_element_type3A_558 = arith.fptosi %get3A_557 : vector<16xf32> to vector<16xi32>
            %mul3A_559 = arith.constant 16 : i32
            %mul3A_560 = arith.muli %scan3A_460, %mul3A_559 : i32
            %swap3A_561 = arith.constant 7 : i32
            %swap3A_562 = arith.index_cast %swap3A_561 : i32 to index
            %swap3A_563 = arith.index_cast %mul3A_560 : i32 to index
            %swap3A_564 = tpu.vector_load %arg10[%swap3A_562, %swap3A_563] {strides = array<i32>} : memref<8x1024xi32, #tpu.memory_space<vmem>>, vector<16xi32>,
            tpu.vector_store %arg10[%swap3A_562, %swap3A_563], %convert_element_type3A_558 {strides = array<i32>} : memref<8x1024xi32, #tpu.memory_space<vmem>>, vector<16xi32>,
          }
          %scan3A_125 = arith.constant 64 : i32
          %and3A_126 = arith.constant 15 : i32
          %and3A_127 = arith.andi %add3A, %and3A_126 : i32
          %mul3A_128 = arith.constant 25 : i32
          %mul3A_129 = arith.muli %and3A_127, %mul3A_128 : i32
          %add3A_130 = arith.addi %mul3A_129, %scan3A_78 : i32
          %shift_right_arithmetic3A_131 = arith.constant 4 : i32
          %shift_right_arithmetic3A_132 = arith.shrsi %add3A_130, %shift_right_arithmetic3A_131 : i32
          %mul3A_133 = arith.constant 8 : i32
          %mul3A_134 = arith.muli %shift_right_arithmetic3A_132, %mul3A_133 : i32
          %and3A_135 = arith.constant 15 : i32
          %and3A_136 = arith.andi %add3A_130, %and3A_135 : i32
          %mul3A_137 = arith.constant 1024 : i32
          %mul3A_138 = arith.muli %and3A_136, %mul3A_137 : i32
          %dma_start3A_139 = arith.constant 0 : i32
          %dma_start3A_140 = tpu.memref_slice %arg3[%mul3A_134, %dma_start3A_139, %mul3A_138] : memref<200x1x16384xi32, #tpu.memory_space<hbm>> -> memref<8x1x1024xi32, #tpu.memory_space<hbm>>
          %dma_start3A_141 = tpu.memref_squeeze %dma_start3A_140 : memref<8x1x1024xi32, #tpu.memory_space<hbm>> -> memref<8x1024xi32, #tpu.memory_space<hbm>>
          %dma_start3A_142 = tpu.memref_slice %arg3[%mul3A_134, %dma_start3A_139, %mul3A_138] : memref<200x1x16384xi32, #tpu.memory_space<hbm>> -> memref<8x1x1024xi32, #tpu.memory_space<hbm>>
          %dma_start3A_143 = tpu.memref_squeeze %dma_start3A_142 : memref<8x1x1024xi32, #tpu.memory_space<hbm>> -> memref<8x1024xi32, #tpu.memory_space<hbm>>
          tpu.enqueue_dma source(%arg10 : memref<8x1024xi32, #tpu.memory_space<vmem>>) target(%dma_start3A_143 : memref<8x1024xi32, #tpu.memory_space<hbm>>) target_semaphore(%arg14 : memref<!tpu.dma_semaphore, #tpu.memory_space<semaphore_mem>>)
        } else {
        }
        %and3A_85 = arith.constant 1 : i32
        %and3A_86 = arith.andi %scan3A_78, %and3A_85 : i32
        %eq3A_87 = arith.constant 1 : i32
        %eq3A_88 = arith.cmpi eq, %and3A_86, %eq3A_87 : i32
        %convert_element_type3A_89 = arith.extui %eq3A_88 : i1 to i32
        %cond3A_90 = arith.constant 0 : i32
        %cond3A_91 = arith.cmpi ne, %convert_element_type3A_89, %cond3A_90 : i32
        scf.if %cond3A_91 {
          %and3A_92 = arith.constant 15 : i32
          %and3A_93 = arith.andi %add3A, %and3A_92 : i32
          %mul3A_94 = arith.constant 25 : i32
          %mul3A_95 = arith.muli %and3A_93, %mul3A_94 : i32
          %add3A_96 = arith.addi %mul3A_95, %scan3A_78 : i32
          %shift_right_arithmetic3A_97 = arith.constant 4 : i32
          %shift_right_arithmetic3A_98 = arith.shrsi %add3A_96, %shift_right_arithmetic3A_97 : i32
          %mul3A_99 = arith.constant 8 : i32
          %mul3A_100 = arith.muli %shift_right_arithmetic3A_98, %mul3A_99 : i32
          %and3A_101 = arith.constant 15 : i32
          %and3A_102 = arith.andi %add3A_96, %and3A_101 : i32
          %mul3A_103 = arith.constant 1024 : i32
          %mul3A_104 = arith.muli %and3A_102, %mul3A_103 : i32
          %dma_wait3A_105 = arith.constant 0 : i32
          %dma_wait3A_106 = tpu.memref_slice %arg2[%dma_wait3A_105, %mul3A_100, %mul3A_104] : memref<9x200x16384xf32, #tpu.memory_space<hbm>> -> memref<1x8x1024xf32, #tpu.memory_space<hbm>>
          %dma_wait3A_107 = tpu.memref_squeeze %dma_wait3A_106 : memref<1x8x1024xf32, #tpu.memory_space<hbm>> -> memref<8x1024xf32, #tpu.memory_space<hbm>>
          %dma_wait3A_108 = tpu.memref_slice %arg2[%dma_wait3A_105, %mul3A_100, %mul3A_104] : memref<9x200x16384xf32, #tpu.memory_space<hbm>> -> memref<1x8x1024xf32, #tpu.memory_space<hbm>>
          %dma_wait3A_109 = tpu.memref_squeeze %dma_wait3A_108 : memref<1x8x1024xf32, #tpu.memory_space<hbm>> -> memref<8x1024xf32, #tpu.memory_space<hbm>>
          tpu.wait_dma2 semaphore(%arg13 : memref<!tpu.dma_semaphore, #tpu.memory_space<semaphore_mem>>) src(%dma_wait3A_109 : memref<8x1024xf32, #tpu.memory_space<hbm>>) dst(%arg9 : memref<8x1024xf32, #tpu.memory_space<vmem>>)
          %lt3A_110 = arith.constant 24 : i32
          %lt3A_111 = arith.cmpi slt, %scan3A_78, %lt3A_110 : i32
          %convert_element_type3A_112 = arith.extui %lt3A_111 : i1 to i32
          %cond3A_113 = arith.constant 0 : i32
          %cond3A_114 = arith.cmpi ne, %convert_element_type3A_112, %cond3A_113 : i32
          scf.if %cond3A_114 {
            %add3A_144 = arith.constant 1 : i32
            %add3A_145 = arith.addi %scan3A_78, %add3A_144 : i32
            %and3A_146 = arith.constant 15 : i32
            %and3A_147 = arith.andi %add3A, %and3A_146 : i32
            %mul3A_148 = arith.constant 25 : i32
            %mul3A_149 = arith.muli %and3A_147, %mul3A_148 : i32
            %add3A_150 = arith.addi %mul3A_149, %add3A_145 : i32
            %shift_right_arithmetic3A_151 = arith.constant 4 : i32
            %shift_right_arithmetic3A_152 = arith.shrsi %add3A_150, %shift_right_arithmetic3A_151 : i32
            %mul3A_153 = arith.constant 8 : i32
            %mul3A_154 = arith.muli %shift_right_arithmetic3A_152, %mul3A_153 : i32
            %and3A_155 = arith.constant 15 : i32
            %and3A_156 = arith.andi %add3A_150, %and3A_155 : i32
            %mul3A_157 = arith.constant 1024 : i32
            %mul3A_158 = arith.muli %and3A_156, %mul3A_157 : i32
            %dma_start3A_159 = arith.constant 0 : i32
            %dma_start3A_160 = tpu.memref_slice %arg2[%dma_start3A_159, %mul3A_154, %mul3A_158] : memref<9x200x16384xf32, #tpu.memory_space<hbm>> -> memref<1x8x1024xf32, #tpu.memory_space<hbm>>
            %dma_start3A_161 = tpu.memref_squeeze %dma_start3A_160 : memref<1x8x1024xf32, #tpu.memory_space<hbm>> -> memref<8x1024xf32, #tpu.memory_space<hbm>>
            %dma_start3A_162 = tpu.memref_slice %arg2[%dma_start3A_159, %mul3A_154, %mul3A_158] : memref<9x200x16384xf32, #tpu.memory_space<hbm>> -> memref<1x8x1024xf32, #tpu.memory_space<hbm>>
            %dma_start3A_163 = tpu.memref_squeeze %dma_start3A_162 : memref<1x8x1024xf32, #tpu.memory_space<hbm>> -> memref<8x1024xf32, #tpu.memory_space<hbm>>
            tpu.enqueue_dma source(%dma_start3A_163 : memref<8x1024xf32, #tpu.memory_space<hbm>>) target(%arg8 : memref<8x1024xf32, #tpu.memory_space<vmem>>) target_semaphore(%arg12 : memref<!tpu.dma_semaphore, #tpu.memory_space<semaphore_mem>>)
          } else {
          }
          %ge3A_115 = arith.constant 2 : i32
          %ge3A_116 = arith.cmpi sge, %scan3A_78, %ge3A_115 : i32
          %convert_element_type3A_117 = arith.extui %ge3A_116 : i1 to i32
          %cond3A_118 = arith.constant 0 : i32
          %cond3A_119 = arith.cmpi ne, %convert_element_type3A_117, %cond3A_118 : i32
          scf.if %cond3A_119 {
            %sub3A = arith.constant 2 : i32
            %sub3A_144 = arith.subi %scan3A_78, %sub3A : i32
            %and3A_145 = arith.constant 15 : i32
            %and3A_146 = arith.andi %add3A, %and3A_145 : i32
            %mul3A_147 = arith.constant 25 : i32
            %mul3A_148 = arith.muli %and3A_146, %mul3A_147 : i32
            %add3A_149 = arith.addi %mul3A_148, %sub3A_144 : i32
            %shift_right_arithmetic3A_150 = arith.constant 4 : i32
            %shift_right_arithmetic3A_151 = arith.shrsi %add3A_149, %shift_right_arithmetic3A_150 : i32
            %mul3A_152 = arith.constant 8 : i32
            %mul3A_153 = arith.muli %shift_right_arithmetic3A_151, %mul3A_152 : i32
            %and3A_154 = arith.constant 15 : i32
            %and3A_155 = arith.andi %add3A_149, %and3A_154 : i32
            %mul3A_156 = arith.constant 1024 : i32
            %mul3A_157 = arith.muli %and3A_155, %mul3A_156 : i32
            %dma_wait3A_158 = arith.constant 0 : i32
            %dma_wait3A_159 = tpu.memref_slice %arg3[%mul3A_153, %dma_wait3A_158, %mul3A_157] : memref<200x1x16384xi32, #tpu.memory_space<hbm>> -> memref<8x1x1024xi32, #tpu.memory_space<hbm>>
            %dma_wait3A_160 = tpu.memref_squeeze %dma_wait3A_159 : memref<8x1x1024xi32, #tpu.memory_space<hbm>> -> memref<8x1024xi32, #tpu.memory_space<hbm>>
            %dma_wait3A_161 = tpu.memref_slice %arg3[%mul3A_153, %dma_wait3A_158, %mul3A_157] : memref<200x1x16384xi32, #tpu.memory_space<hbm>> -> memref<8x1x1024xi32, #tpu.memory_space<hbm>>
            %dma_wait3A_162 = tpu.memref_squeeze %dma_wait3A_161 : memref<8x1x1024xi32, #tpu.memory_space<hbm>> -> memref<8x1024xi32, #tpu.memory_space<hbm>>
            tpu.wait_dma2 semaphore(%arg15 : memref<!tpu.dma_semaphore, #tpu.memory_space<semaphore_mem>>) src(%arg11 : memref<8x1024xi32, #tpu.memory_space<vmem>>) dst(%dma_wait3A_162 : memref<8x1024xi32, #tpu.memory_space<hbm>>)
          } else {
          }
          %scan3A_120 = arith.constant 0 : i32
          %scan3A_121 = arith.constant 0 : i32
          %scan3A_122 = arith.constant 64 : i32
          %scan3A_123 = arith.addi %scan3A_121, %scan3A_122 : i32
          %scan3A_124 = arith.constant 4 : i32
          scf.for %scan3A_144 = %scan3A_121 to %scan3A_123 step %scan3A_124  : i32 {
            %mul3A_145 = arith.constant 16 : i32
            %mul3A_146 = arith.muli %scan3A_144, %mul3A_145 : i32
            %get3A = arith.constant 0 : i32
            %get3A_147 = arith.index_cast %get3A : i32 to index
            %get3A_148 = arith.index_cast %mul3A_146 : i32 to index
            %get3A_149 = tpu.vector_load %arg9[%get3A_147, %get3A_148] {strides = array<i32>} : memref<8x1024xf32, #tpu.memory_space<vmem>>, vector<16xf32>,
            %convert_element_type3A_150 = arith.fptosi %get3A_149 : vector<16xf32> to vector<16xi32>
            %mul3A_151 = arith.constant 16 : i32
            %mul3A_152 = arith.muli %scan3A_144, %mul3A_151 : i32
            %swap3A = arith.constant 0 : i32
            %swap3A_153 = arith.index_cast %swap3A : i32 to index
            %swap3A_154 = arith.index_cast %mul3A_152 : i32 to index
            %swap3A_155 = tpu.vector_load %arg11[%swap3A_153, %swap3A_154] {strides = array<i32>} : memref<8x1024xi32, #tpu.memory_space<vmem>>, vector<16xi32>,
            tpu.vector_store %arg11[%swap3A_153, %swap3A_154], %convert_element_type3A_150 {strides = array<i32>} : memref<8x1024xi32, #tpu.memory_space<vmem>>, vector<16xi32>,
            %mul3A_156 = arith.constant 16 : i32
            %mul3A_157 = arith.muli %scan3A_144, %mul3A_156 : i32
            %get3A_158 = arith.constant 1 : i32
            %get3A_159 = arith.index_cast %get3A_158 : i32 to index
            %get3A_160 = arith.index_cast %mul3A_157 : i32 to index
            %get3A_161 = tpu.vector_load %arg9[%get3A_159, %get3A_160] {strides = array<i32>} : memref<8x1024xf32, #tpu.memory_space<vmem>>, vector<16xf32>,
            %convert_element_type3A_162 = arith.fptosi %get3A_161 : vector<16xf32> to vector<16xi32>
            %mul3A_163 = arith.constant 16 : i32
            %mul3A_164 = arith.muli %scan3A_144, %mul3A_163 : i32
            %swap3A_165 = arith.constant 1 : i32
            %swap3A_166 = arith.index_cast %swap3A_165 : i32 to index
            %swap3A_167 = arith.index_cast %mul3A_164 : i32 to index
            %swap3A_168 = tpu.vector_load %arg11[%swap3A_166, %swap3A_167] {strides = array<i32>} : memref<8x1024xi32, #tpu.memory_space<vmem>>, vector<16xi32>,
            tpu.vector_store %arg11[%swap3A_166, %swap3A_167], %convert_element_type3A_162 {strides = array<i32>} : memref<8x1024xi32, #tpu.memory_space<vmem>>, vector<16xi32>,
            %mul3A_169 = arith.constant 16 : i32
            %mul3A_170 = arith.muli %scan3A_144, %mul3A_169 : i32
            %get3A_171 = arith.constant 2 : i32
            %get3A_172 = arith.index_cast %get3A_171 : i32 to index
            %get3A_173 = arith.index_cast %mul3A_170 : i32 to index
            %get3A_174 = tpu.vector_load %arg9[%get3A_172, %get3A_173] {strides = array<i32>} : memref<8x1024xf32, #tpu.memory_space<vmem>>, vector<16xf32>,
            %convert_element_type3A_175 = arith.fptosi %get3A_174 : vector<16xf32> to vector<16xi32>
            %mul3A_176 = arith.constant 16 : i32
            %mul3A_177 = arith.muli %scan3A_144, %mul3A_176 : i32
            %swap3A_178 = arith.constant 2 : i32
            %swap3A_179 = arith.index_cast %swap3A_178 : i32 to index
            %swap3A_180 = arith.index_cast %mul3A_177 : i32 to index
            %swap3A_181 = tpu.vector_load %arg11[%swap3A_179, %swap3A_180] {strides = array<i32>} : memref<8x1024xi32, #tpu.memory_space<vmem>>, vector<16xi32>,
            tpu.vector_store %arg11[%swap3A_179, %swap3A_180], %convert_element_type3A_175 {strides = array<i32>} : memref<8x1024xi32, #tpu.memory_space<vmem>>, vector<16xi32>,
            %mul3A_182 = arith.constant 16 : i32
            %mul3A_183 = arith.muli %scan3A_144, %mul3A_182 : i32
            %get3A_184 = arith.constant 3 : i32
            %get3A_185 = arith.index_cast %get3A_184 : i32 to index
            %get3A_186 = arith.index_cast %mul3A_183 : i32 to index
            %get3A_187 = tpu.vector_load %arg9[%get3A_185, %get3A_186] {strides = array<i32>} : memref<8x1024xf32, #tpu.memory_space<vmem>>, vector<16xf32>,
            %convert_element_type3A_188 = arith.fptosi %get3A_187 : vector<16xf32> to vector<16xi32>
            %mul3A_189 = arith.constant 16 : i32
            %mul3A_190 = arith.muli %scan3A_144, %mul3A_189 : i32
            %swap3A_191 = arith.constant 3 : i32
            %swap3A_192 = arith.index_cast %swap3A_191 : i32 to index
            %swap3A_193 = arith.index_cast %mul3A_190 : i32 to index
            %swap3A_194 = tpu.vector_load %arg11[%swap3A_192, %swap3A_193] {strides = array<i32>} : memref<8x1024xi32, #tpu.memory_space<vmem>>, vector<16xi32>,
            tpu.vector_store %arg11[%swap3A_192, %swap3A_193], %convert_element_type3A_188 {strides = array<i32>} : memref<8x1024xi32, #tpu.memory_space<vmem>>, vector<16xi32>,
            %mul3A_195 = arith.constant 16 : i32
            %mul3A_196 = arith.muli %scan3A_144, %mul3A_195 : i32
            %get3A_197 = arith.constant 4 : i32
            %get3A_198 = arith.index_cast %get3A_197 : i32 to index
            %get3A_199 = arith.index_cast %mul3A_196 : i32 to index
            %get3A_200 = tpu.vector_load %arg9[%get3A_198, %get3A_199] {strides = array<i32>} : memref<8x1024xf32, #tpu.memory_space<vmem>>, vector<16xf32>,
            %convert_element_type3A_201 = arith.fptosi %get3A_200 : vector<16xf32> to vector<16xi32>
            %mul3A_202 = arith.constant 16 : i32
            %mul3A_203 = arith.muli %scan3A_144, %mul3A_202 : i32
            %swap3A_204 = arith.constant 4 : i32
            %swap3A_205 = arith.index_cast %swap3A_204 : i32 to index
            %swap3A_206 = arith.index_cast %mul3A_203 : i32 to index
            %swap3A_207 = tpu.vector_load %arg11[%swap3A_205, %swap3A_206] {strides = array<i32>} : memref<8x1024xi32, #tpu.memory_space<vmem>>, vector<16xi32>,
            tpu.vector_store %arg11[%swap3A_205, %swap3A_206], %convert_element_type3A_201 {strides = array<i32>} : memref<8x1024xi32, #tpu.memory_space<vmem>>, vector<16xi32>,
            %mul3A_208 = arith.constant 16 : i32
            %mul3A_209 = arith.muli %scan3A_144, %mul3A_208 : i32
            %get3A_210 = arith.constant 5 : i32
            %get3A_211 = arith.index_cast %get3A_210 : i32 to index
            %get3A_212 = arith.index_cast %mul3A_209 : i32 to index
            %get3A_213 = tpu.vector_load %arg9[%get3A_211, %get3A_212] {strides = array<i32>} : memref<8x1024xf32, #tpu.memory_space<vmem>>, vector<16xf32>,
            %convert_element_type3A_214 = arith.fptosi %get3A_213 : vector<16xf32> to vector<16xi32>
            %mul3A_215 = arith.constant 16 : i32
            %mul3A_216 = arith.muli %scan3A_144, %mul3A_215 : i32
            %swap3A_217 = arith.constant 5 : i32
            %swap3A_218 = arith.index_cast %swap3A_217 : i32 to index
            %swap3A_219 = arith.index_cast %mul3A_216 : i32 to index
            %swap3A_220 = tpu.vector_load %arg11[%swap3A_218, %swap3A_219] {strides = array<i32>} : memref<8x1024xi32, #tpu.memory_space<vmem>>, vector<16xi32>,
            tpu.vector_store %arg11[%swap3A_218, %swap3A_219], %convert_element_type3A_214 {strides = array<i32>} : memref<8x1024xi32, #tpu.memory_space<vmem>>, vector<16xi32>,
            %mul3A_221 = arith.constant 16 : i32
            %mul3A_222 = arith.muli %scan3A_144, %mul3A_221 : i32
            %get3A_223 = arith.constant 6 : i32
            %get3A_224 = arith.index_cast %get3A_223 : i32 to index
            %get3A_225 = arith.index_cast %mul3A_222 : i32 to index
            %get3A_226 = tpu.vector_load %arg9[%get3A_224, %get3A_225] {strides = array<i32>} : memref<8x1024xf32, #tpu.memory_space<vmem>>, vector<16xf32>,
            %convert_element_type3A_227 = arith.fptosi %get3A_226 : vector<16xf32> to vector<16xi32>
            %mul3A_228 = arith.constant 16 : i32
            %mul3A_229 = arith.muli %scan3A_144, %mul3A_228 : i32
            %swap3A_230 = arith.constant 6 : i32
            %swap3A_231 = arith.index_cast %swap3A_230 : i32 to index
            %swap3A_232 = arith.index_cast %mul3A_229 : i32 to index
            %swap3A_233 = tpu.vector_load %arg11[%swap3A_231, %swap3A_232] {strides = array<i32>} : memref<8x1024xi32, #tpu.memory_space<vmem>>, vector<16xi32>,
            tpu.vector_store %arg11[%swap3A_231, %swap3A_232], %convert_element_type3A_227 {strides = array<i32>} : memref<8x1024xi32, #tpu.memory_space<vmem>>, vector<16xi32>,
            %mul3A_234 = arith.constant 16 : i32
            %mul3A_235 = arith.muli %scan3A_144, %mul3A_234 : i32
            %get3A_236 = arith.constant 7 : i32
            %get3A_237 = arith.index_cast %get3A_236 : i32 to index
            %get3A_238 = arith.index_cast %mul3A_235 : i32 to index
            %get3A_239 = tpu.vector_load %arg9[%get3A_237, %get3A_238] {strides = array<i32>} : memref<8x1024xf32, #tpu.memory_space<vmem>>, vector<16xf32>,
            %convert_element_type3A_240 = arith.fptosi %get3A_239 : vector<16xf32> to vector<16xi32>
            %mul3A_241 = arith.constant 16 : i32
            %mul3A_242 = arith.muli %scan3A_144, %mul3A_241 : i32
            %swap3A_243 = arith.constant 7 : i32
            %swap3A_244 = arith.index_cast %swap3A_243 : i32 to index
            %swap3A_245 = arith.index_cast %mul3A_242 : i32 to index
            %swap3A_246 = tpu.vector_load %arg11[%swap3A_244, %swap3A_245] {strides = array<i32>} : memref<8x1024xi32, #tpu.memory_space<vmem>>, vector<16xi32>,
            tpu.vector_store %arg11[%swap3A_244, %swap3A_245], %convert_element_type3A_240 {strides = array<i32>} : memref<8x1024xi32, #tpu.memory_space<vmem>>, vector<16xi32>,
            %scan3A_247 = arith.constant 1 : i32
            %scan3A_248 = arith.addi %scan3A_144, %scan3A_247 : i32
            %mul3A_249 = arith.constant 16 : i32
            %mul3A_250 = arith.muli %scan3A_248, %mul3A_249 : i32
            %get3A_251 = arith.constant 0 : i32
            %get3A_252 = arith.index_cast %get3A_251 : i32 to index
            %get3A_253 = arith.index_cast %mul3A_250 : i32 to index
            %get3A_254 = tpu.vector_load %arg9[%get3A_252, %get3A_253] {strides = array<i32>} : memref<8x1024xf32, #tpu.memory_space<vmem>>, vector<16xf32>,
            %convert_element_type3A_255 = arith.fptosi %get3A_254 : vector<16xf32> to vector<16xi32>
            %mul3A_256 = arith.constant 16 : i32
            %mul3A_257 = arith.muli %scan3A_248, %mul3A_256 : i32
            %swap3A_258 = arith.constant 0 : i32
            %swap3A_259 = arith.index_cast %swap3A_258 : i32 to index
            %swap3A_260 = arith.index_cast %mul3A_257 : i32 to index
            %swap3A_261 = tpu.vector_load %arg11[%swap3A_259, %swap3A_260] {strides = array<i32>} : memref<8x1024xi32, #tpu.memory_space<vmem>>, vector<16xi32>,
            tpu.vector_store %arg11[%swap3A_259, %swap3A_260], %convert_element_type3A_255 {strides = array<i32>} : memref<8x1024xi32, #tpu.memory_space<vmem>>, vector<16xi32>,
            %mul3A_262 = arith.constant 16 : i32
            %mul3A_263 = arith.muli %scan3A_248, %mul3A_262 : i32
            %get3A_264 = arith.constant 1 : i32
            %get3A_265 = arith.index_cast %get3A_264 : i32 to index
            %get3A_266 = arith.index_cast %mul3A_263 : i32 to index
            %get3A_267 = tpu.vector_load %arg9[%get3A_265, %get3A_266] {strides = array<i32>} : memref<8x1024xf32, #tpu.memory_space<vmem>>, vector<16xf32>,
            %convert_element_type3A_268 = arith.fptosi %get3A_267 : vector<16xf32> to vector<16xi32>
            %mul3A_269 = arith.constant 16 : i32
            %mul3A_270 = arith.muli %scan3A_248, %mul3A_269 : i32
            %swap3A_271 = arith.constant 1 : i32
            %swap3A_272 = arith.index_cast %swap3A_271 : i32 to index
            %swap3A_273 = arith.index_cast %mul3A_270 : i32 to index
            %swap3A_274 = tpu.vector_load %arg11[%swap3A_272, %swap3A_273] {strides = array<i32>} : memref<8x1024xi32, #tpu.memory_space<vmem>>, vector<16xi32>,
            tpu.vector_store %arg11[%swap3A_272, %swap3A_273], %convert_element_type3A_268 {strides = array<i32>} : memref<8x1024xi32, #tpu.memory_space<vmem>>, vector<16xi32>,
            %mul3A_275 = arith.constant 16 : i32
            %mul3A_276 = arith.muli %scan3A_248, %mul3A_275 : i32
            %get3A_277 = arith.constant 2 : i32
            %get3A_278 = arith.index_cast %get3A_277 : i32 to index
            %get3A_279 = arith.index_cast %mul3A_276 : i32 to index
            %get3A_280 = tpu.vector_load %arg9[%get3A_278, %get3A_279] {strides = array<i32>} : memref<8x1024xf32, #tpu.memory_space<vmem>>, vector<16xf32>,
            %convert_element_type3A_281 = arith.fptosi %get3A_280 : vector<16xf32> to vector<16xi32>
            %mul3A_282 = arith.constant 16 : i32
            %mul3A_283 = arith.muli %scan3A_248, %mul3A_282 : i32
            %swap3A_284 = arith.constant 2 : i32
            %swap3A_285 = arith.index_cast %swap3A_284 : i32 to index
            %swap3A_286 = arith.index_cast %mul3A_283 : i32 to index
            %swap3A_287 = tpu.vector_load %arg11[%swap3A_285, %swap3A_286] {strides = array<i32>} : memref<8x1024xi32, #tpu.memory_space<vmem>>, vector<16xi32>,
            tpu.vector_store %arg11[%swap3A_285, %swap3A_286], %convert_element_type3A_281 {strides = array<i32>} : memref<8x1024xi32, #tpu.memory_space<vmem>>, vector<16xi32>,
            %mul3A_288 = arith.constant 16 : i32
            %mul3A_289 = arith.muli %scan3A_248, %mul3A_288 : i32
            %get3A_290 = arith.constant 3 : i32
            %get3A_291 = arith.index_cast %get3A_290 : i32 to index
            %get3A_292 = arith.index_cast %mul3A_289 : i32 to index
            %get3A_293 = tpu.vector_load %arg9[%get3A_291, %get3A_292] {strides = array<i32>} : memref<8x1024xf32, #tpu.memory_space<vmem>>, vector<16xf32>,
            %convert_element_type3A_294 = arith.fptosi %get3A_293 : vector<16xf32> to vector<16xi32>
            %mul3A_295 = arith.constant 16 : i32
            %mul3A_296 = arith.muli %scan3A_248, %mul3A_295 : i32
            %swap3A_297 = arith.constant 3 : i32
            %swap3A_298 = arith.index_cast %swap3A_297 : i32 to index
            %swap3A_299 = arith.index_cast %mul3A_296 : i32 to index
            %swap3A_300 = tpu.vector_load %arg11[%swap3A_298, %swap3A_299] {strides = array<i32>} : memref<8x1024xi32, #tpu.memory_space<vmem>>, vector<16xi32>,
            tpu.vector_store %arg11[%swap3A_298, %swap3A_299], %convert_element_type3A_294 {strides = array<i32>} : memref<8x1024xi32, #tpu.memory_space<vmem>>, vector<16xi32>,
            %mul3A_301 = arith.constant 16 : i32
            %mul3A_302 = arith.muli %scan3A_248, %mul3A_301 : i32
            %get3A_303 = arith.constant 4 : i32
            %get3A_304 = arith.index_cast %get3A_303 : i32 to index
            %get3A_305 = arith.index_cast %mul3A_302 : i32 to index
            %get3A_306 = tpu.vector_load %arg9[%get3A_304, %get3A_305] {strides = array<i32>} : memref<8x1024xf32, #tpu.memory_space<vmem>>, vector<16xf32>,
            %convert_element_type3A_307 = arith.fptosi %get3A_306 : vector<16xf32> to vector<16xi32>
            %mul3A_308 = arith.constant 16 : i32
            %mul3A_309 = arith.muli %scan3A_248, %mul3A_308 : i32
            %swap3A_310 = arith.constant 4 : i32
            %swap3A_311 = arith.index_cast %swap3A_310 : i32 to index
            %swap3A_312 = arith.index_cast %mul3A_309 : i32 to index
            %swap3A_313 = tpu.vector_load %arg11[%swap3A_311, %swap3A_312] {strides = array<i32>} : memref<8x1024xi32, #tpu.memory_space<vmem>>, vector<16xi32>,
            tpu.vector_store %arg11[%swap3A_311, %swap3A_312], %convert_element_type3A_307 {strides = array<i32>} : memref<8x1024xi32, #tpu.memory_space<vmem>>, vector<16xi32>,
            %mul3A_314 = arith.constant 16 : i32
            %mul3A_315 = arith.muli %scan3A_248, %mul3A_314 : i32
            %get3A_316 = arith.constant 5 : i32
            %get3A_317 = arith.index_cast %get3A_316 : i32 to index
            %get3A_318 = arith.index_cast %mul3A_315 : i32 to index
            %get3A_319 = tpu.vector_load %arg9[%get3A_317, %get3A_318] {strides = array<i32>} : memref<8x1024xf32, #tpu.memory_space<vmem>>, vector<16xf32>,
            %convert_element_type3A_320 = arith.fptosi %get3A_319 : vector<16xf32> to vector<16xi32>
            %mul3A_321 = arith.constant 16 : i32
            %mul3A_322 = arith.muli %scan3A_248, %mul3A_321 : i32
            %swap3A_323 = arith.constant 5 : i32
            %swap3A_324 = arith.index_cast %swap3A_323 : i32 to index
            %swap3A_325 = arith.index_cast %mul3A_322 : i32 to index
            %swap3A_326 = tpu.vector_load %arg11[%swap3A_324, %swap3A_325] {strides = array<i32>} : memref<8x1024xi32, #tpu.memory_space<vmem>>, vector<16xi32>,
            tpu.vector_store %arg11[%swap3A_324, %swap3A_325], %convert_element_type3A_320 {strides = array<i32>} : memref<8x1024xi32, #tpu.memory_space<vmem>>, vector<16xi32>,
            %mul3A_327 = arith.constant 16 : i32
            %mul3A_328 = arith.muli %scan3A_248, %mul3A_327 : i32
            %get3A_329 = arith.constant 6 : i32
            %get3A_330 = arith.index_cast %get3A_329 : i32 to index
            %get3A_331 = arith.index_cast %mul3A_328 : i32 to index
            %get3A_332 = tpu.vector_load %arg9[%get3A_330, %get3A_331] {strides = array<i32>} : memref<8x1024xf32, #tpu.memory_space<vmem>>, vector<16xf32>,
            %convert_element_type3A_333 = arith.fptosi %get3A_332 : vector<16xf32> to vector<16xi32>
            %mul3A_334 = arith.constant 16 : i32
            %mul3A_335 = arith.muli %scan3A_248, %mul3A_334 : i32
            %swap3A_336 = arith.constant 6 : i32
            %swap3A_337 = arith.index_cast %swap3A_336 : i32 to index
            %swap3A_338 = arith.index_cast %mul3A_335 : i32 to index
            %swap3A_339 = tpu.vector_load %arg11[%swap3A_337, %swap3A_338] {strides = array<i32>} : memref<8x1024xi32, #tpu.memory_space<vmem>>, vector<16xi32>,
            tpu.vector_store %arg11[%swap3A_337, %swap3A_338], %convert_element_type3A_333 {strides = array<i32>} : memref<8x1024xi32, #tpu.memory_space<vmem>>, vector<16xi32>,
            %mul3A_340 = arith.constant 16 : i32
            %mul3A_341 = arith.muli %scan3A_248, %mul3A_340 : i32
            %get3A_342 = arith.constant 7 : i32
            %get3A_343 = arith.index_cast %get3A_342 : i32 to index
            %get3A_344 = arith.index_cast %mul3A_341 : i32 to index
            %get3A_345 = tpu.vector_load %arg9[%get3A_343, %get3A_344] {strides = array<i32>} : memref<8x1024xf32, #tpu.memory_space<vmem>>, vector<16xf32>,
            %convert_element_type3A_346 = arith.fptosi %get3A_345 : vector<16xf32> to vector<16xi32>
            %mul3A_347 = arith.constant 16 : i32
            %mul3A_348 = arith.muli %scan3A_248, %mul3A_347 : i32
            %swap3A_349 = arith.constant 7 : i32
            %swap3A_350 = arith.index_cast %swap3A_349 : i32 to index
            %swap3A_351 = arith.index_cast %mul3A_348 : i32 to index
            %swap3A_352 = tpu.vector_load %arg11[%swap3A_350, %swap3A_351] {strides = array<i32>} : memref<8x1024xi32, #tpu.memory_space<vmem>>, vector<16xi32>,
            tpu.vector_store %arg11[%swap3A_350, %swap3A_351], %convert_element_type3A_346 {strides = array<i32>} : memref<8x1024xi32, #tpu.memory_space<vmem>>, vector<16xi32>,
            %scan3A_353 = arith.constant 2 : i32
            %scan3A_354 = arith.addi %scan3A_144, %scan3A_353 : i32
            %mul3A_355 = arith.constant 16 : i32
            %mul3A_356 = arith.muli %scan3A_354, %mul3A_355 : i32
            %get3A_357 = arith.constant 0 : i32
            %get3A_358 = arith.index_cast %get3A_357 : i32 to index
            %get3A_359 = arith.index_cast %mul3A_356 : i32 to index
            %get3A_360 = tpu.vector_load %arg9[%get3A_358, %get3A_359] {strides = array<i32>} : memref<8x1024xf32, #tpu.memory_space<vmem>>, vector<16xf32>,
            %convert_element_type3A_361 = arith.fptosi %get3A_360 : vector<16xf32> to vector<16xi32>
            %mul3A_362 = arith.constant 16 : i32
            %mul3A_363 = arith.muli %scan3A_354, %mul3A_362 : i32
            %swap3A_364 = arith.constant 0 : i32
            %swap3A_365 = arith.index_cast %swap3A_364 : i32 to index
            %swap3A_366 = arith.index_cast %mul3A_363 : i32 to index
            %swap3A_367 = tpu.vector_load %arg11[%swap3A_365, %swap3A_366] {strides = array<i32>} : memref<8x1024xi32, #tpu.memory_space<vmem>>, vector<16xi32>,
            tpu.vector_store %arg11[%swap3A_365, %swap3A_366], %convert_element_type3A_361 {strides = array<i32>} : memref<8x1024xi32, #tpu.memory_space<vmem>>, vector<16xi32>,
            %mul3A_368 = arith.constant 16 : i32
            %mul3A_369 = arith.muli %scan3A_354, %mul3A_368 : i32
            %get3A_370 = arith.constant 1 : i32
            %get3A_371 = arith.index_cast %get3A_370 : i32 to index
            %get3A_372 = arith.index_cast %mul3A_369 : i32 to index
            %get3A_373 = tpu.vector_load %arg9[%get3A_371, %get3A_372] {strides = array<i32>} : memref<8x1024xf32, #tpu.memory_space<vmem>>, vector<16xf32>,
            %convert_element_type3A_374 = arith.fptosi %get3A_373 : vector<16xf32> to vector<16xi32>
            %mul3A_375 = arith.constant 16 : i32
            %mul3A_376 = arith.muli %scan3A_354, %mul3A_375 : i32
            %swap3A_377 = arith.constant 1 : i32
            %swap3A_378 = arith.index_cast %swap3A_377 : i32 to index
            %swap3A_379 = arith.index_cast %mul3A_376 : i32 to index
            %swap3A_380 = tpu.vector_load %arg11[%swap3A_378, %swap3A_379] {strides = array<i32>} : memref<8x1024xi32, #tpu.memory_space<vmem>>, vector<16xi32>,
            tpu.vector_store %arg11[%swap3A_378, %swap3A_379], %convert_element_type3A_374 {strides = array<i32>} : memref<8x1024xi32, #tpu.memory_space<vmem>>, vector<16xi32>,
            %mul3A_381 = arith.constant 16 : i32
            %mul3A_382 = arith.muli %scan3A_354, %mul3A_381 : i32
            %get3A_383 = arith.constant 2 : i32
            %get3A_384 = arith.index_cast %get3A_383 : i32 to index
            %get3A_385 = arith.index_cast %mul3A_382 : i32 to index
            %get3A_386 = tpu.vector_load %arg9[%get3A_384, %get3A_385] {strides = array<i32>} : memref<8x1024xf32, #tpu.memory_space<vmem>>, vector<16xf32>,
            %convert_element_type3A_387 = arith.fptosi %get3A_386 : vector<16xf32> to vector<16xi32>
            %mul3A_388 = arith.constant 16 : i32
            %mul3A_389 = arith.muli %scan3A_354, %mul3A_388 : i32
            %swap3A_390 = arith.constant 2 : i32
            %swap3A_391 = arith.index_cast %swap3A_390 : i32 to index
            %swap3A_392 = arith.index_cast %mul3A_389 : i32 to index
            %swap3A_393 = tpu.vector_load %arg11[%swap3A_391, %swap3A_392] {strides = array<i32>} : memref<8x1024xi32, #tpu.memory_space<vmem>>, vector<16xi32>,
            tpu.vector_store %arg11[%swap3A_391, %swap3A_392], %convert_element_type3A_387 {strides = array<i32>} : memref<8x1024xi32, #tpu.memory_space<vmem>>, vector<16xi32>,
            %mul3A_394 = arith.constant 16 : i32
            %mul3A_395 = arith.muli %scan3A_354, %mul3A_394 : i32
            %get3A_396 = arith.constant 3 : i32
            %get3A_397 = arith.index_cast %get3A_396 : i32 to index
            %get3A_398 = arith.index_cast %mul3A_395 : i32 to index
            %get3A_399 = tpu.vector_load %arg9[%get3A_397, %get3A_398] {strides = array<i32>} : memref<8x1024xf32, #tpu.memory_space<vmem>>, vector<16xf32>,
            %convert_element_type3A_400 = arith.fptosi %get3A_399 : vector<16xf32> to vector<16xi32>
            %mul3A_401 = arith.constant 16 : i32
            %mul3A_402 = arith.muli %scan3A_354, %mul3A_401 : i32
            %swap3A_403 = arith.constant 3 : i32
            %swap3A_404 = arith.index_cast %swap3A_403 : i32 to index
            %swap3A_405 = arith.index_cast %mul3A_402 : i32 to index
            %swap3A_406 = tpu.vector_load %arg11[%swap3A_404, %swap3A_405] {strides = array<i32>} : memref<8x1024xi32, #tpu.memory_space<vmem>>, vector<16xi32>,
            tpu.vector_store %arg11[%swap3A_404, %swap3A_405], %convert_element_type3A_400 {strides = array<i32>} : memref<8x1024xi32, #tpu.memory_space<vmem>>, vector<16xi32>,
            %mul3A_407 = arith.constant 16 : i32
            %mul3A_408 = arith.muli %scan3A_354, %mul3A_407 : i32
            %get3A_409 = arith.constant 4 : i32
            %get3A_410 = arith.index_cast %get3A_409 : i32 to index
            %get3A_411 = arith.index_cast %mul3A_408 : i32 to index
            %get3A_412 = tpu.vector_load %arg9[%get3A_410, %get3A_411] {strides = array<i32>} : memref<8x1024xf32, #tpu.memory_space<vmem>>, vector<16xf32>,
            %convert_element_type3A_413 = arith.fptosi %get3A_412 : vector<16xf32> to vector<16xi32>
            %mul3A_414 = arith.constant 16 : i32
            %mul3A_415 = arith.muli %scan3A_354, %mul3A_414 : i32
            %swap3A_416 = arith.constant 4 : i32
            %swap3A_417 = arith.index_cast %swap3A_416 : i32 to index
            %swap3A_418 = arith.index_cast %mul3A_415 : i32 to index
            %swap3A_419 = tpu.vector_load %arg11[%swap3A_417, %swap3A_418] {strides = array<i32>} : memref<8x1024xi32, #tpu.memory_space<vmem>>, vector<16xi32>,
            tpu.vector_store %arg11[%swap3A_417, %swap3A_418], %convert_element_type3A_413 {strides = array<i32>} : memref<8x1024xi32, #tpu.memory_space<vmem>>, vector<16xi32>,
            %mul3A_420 = arith.constant 16 : i32
            %mul3A_421 = arith.muli %scan3A_354, %mul3A_420 : i32
            %get3A_422 = arith.constant 5 : i32
            %get3A_423 = arith.index_cast %get3A_422 : i32 to index
            %get3A_424 = arith.index_cast %mul3A_421 : i32 to index
            %get3A_425 = tpu.vector_load %arg9[%get3A_423, %get3A_424] {strides = array<i32>} : memref<8x1024xf32, #tpu.memory_space<vmem>>, vector<16xf32>,
            %convert_element_type3A_426 = arith.fptosi %get3A_425 : vector<16xf32> to vector<16xi32>
            %mul3A_427 = arith.constant 16 : i32
            %mul3A_428 = arith.muli %scan3A_354, %mul3A_427 : i32
            %swap3A_429 = arith.constant 5 : i32
            %swap3A_430 = arith.index_cast %swap3A_429 : i32 to index
            %swap3A_431 = arith.index_cast %mul3A_428 : i32 to index
            %swap3A_432 = tpu.vector_load %arg11[%swap3A_430, %swap3A_431] {strides = array<i32>} : memref<8x1024xi32, #tpu.memory_space<vmem>>, vector<16xi32>,
            tpu.vector_store %arg11[%swap3A_430, %swap3A_431], %convert_element_type3A_426 {strides = array<i32>} : memref<8x1024xi32, #tpu.memory_space<vmem>>, vector<16xi32>,
            %mul3A_433 = arith.constant 16 : i32
            %mul3A_434 = arith.muli %scan3A_354, %mul3A_433 : i32
            %get3A_435 = arith.constant 6 : i32
            %get3A_436 = arith.index_cast %get3A_435 : i32 to index
            %get3A_437 = arith.index_cast %mul3A_434 : i32 to index
            %get3A_438 = tpu.vector_load %arg9[%get3A_436, %get3A_437] {strides = array<i32>} : memref<8x1024xf32, #tpu.memory_space<vmem>>, vector<16xf32>,
            %convert_element_type3A_439 = arith.fptosi %get3A_438 : vector<16xf32> to vector<16xi32>
            %mul3A_440 = arith.constant 16 : i32
            %mul3A_441 = arith.muli %scan3A_354, %mul3A_440 : i32
            %swap3A_442 = arith.constant 6 : i32
            %swap3A_443 = arith.index_cast %swap3A_442 : i32 to index
            %swap3A_444 = arith.index_cast %mul3A_441 : i32 to index
            %swap3A_445 = tpu.vector_load %arg11[%swap3A_443, %swap3A_444] {strides = array<i32>} : memref<8x1024xi32, #tpu.memory_space<vmem>>, vector<16xi32>,
            tpu.vector_store %arg11[%swap3A_443, %swap3A_444], %convert_element_type3A_439 {strides = array<i32>} : memref<8x1024xi32, #tpu.memory_space<vmem>>, vector<16xi32>,
            %mul3A_446 = arith.constant 16 : i32
            %mul3A_447 = arith.muli %scan3A_354, %mul3A_446 : i32
            %get3A_448 = arith.constant 7 : i32
            %get3A_449 = arith.index_cast %get3A_448 : i32 to index
            %get3A_450 = arith.index_cast %mul3A_447 : i32 to index
            %get3A_451 = tpu.vector_load %arg9[%get3A_449, %get3A_450] {strides = array<i32>} : memref<8x1024xf32, #tpu.memory_space<vmem>>, vector<16xf32>,
            %convert_element_type3A_452 = arith.fptosi %get3A_451 : vector<16xf32> to vector<16xi32>
            %mul3A_453 = arith.constant 16 : i32
            %mul3A_454 = arith.muli %scan3A_354, %mul3A_453 : i32
            %swap3A_455 = arith.constant 7 : i32
            %swap3A_456 = arith.index_cast %swap3A_455 : i32 to index
            %swap3A_457 = arith.index_cast %mul3A_454 : i32 to index
            %swap3A_458 = tpu.vector_load %arg11[%swap3A_456, %swap3A_457] {strides = array<i32>} : memref<8x1024xi32, #tpu.memory_space<vmem>>, vector<16xi32>,
            tpu.vector_store %arg11[%swap3A_456, %swap3A_457], %convert_element_type3A_452 {strides = array<i32>} : memref<8x1024xi32, #tpu.memory_space<vmem>>, vector<16xi32>,
            %scan3A_459 = arith.constant 3 : i32
            %scan3A_460 = arith.addi %scan3A_144, %scan3A_459 : i32
            %mul3A_461 = arith.constant 16 : i32
            %mul3A_462 = arith.muli %scan3A_460, %mul3A_461 : i32
            %get3A_463 = arith.constant 0 : i32
            %get3A_464 = arith.index_cast %get3A_463 : i32 to index
            %get3A_465 = arith.index_cast %mul3A_462 : i32 to index
            %get3A_466 = tpu.vector_load %arg9[%get3A_464, %get3A_465] {strides = array<i32>} : memref<8x1024xf32, #tpu.memory_space<vmem>>, vector<16xf32>,
            %convert_element_type3A_467 = arith.fptosi %get3A_466 : vector<16xf32> to vector<16xi32>
            %mul3A_468 = arith.constant 16 : i32
            %mul3A_469 = arith.muli %scan3A_460, %mul3A_468 : i32
            %swap3A_470 = arith.constant 0 : i32
            %swap3A_471 = arith.index_cast %swap3A_470 : i32 to index
            %swap3A_472 = arith.index_cast %mul3A_469 : i32 to index
            %swap3A_473 = tpu.vector_load %arg11[%swap3A_471, %swap3A_472] {strides = array<i32>} : memref<8x1024xi32, #tpu.memory_space<vmem>>, vector<16xi32>,
            tpu.vector_store %arg11[%swap3A_471, %swap3A_472], %convert_element_type3A_467 {strides = array<i32>} : memref<8x1024xi32, #tpu.memory_space<vmem>>, vector<16xi32>,
            %mul3A_474 = arith.constant 16 : i32
            %mul3A_475 = arith.muli %scan3A_460, %mul3A_474 : i32
            %get3A_476 = arith.constant 1 : i32
            %get3A_477 = arith.index_cast %get3A_476 : i32 to index
            %get3A_478 = arith.index_cast %mul3A_475 : i32 to index
            %get3A_479 = tpu.vector_load %arg9[%get3A_477, %get3A_478] {strides = array<i32>} : memref<8x1024xf32, #tpu.memory_space<vmem>>, vector<16xf32>,
            %convert_element_type3A_480 = arith.fptosi %get3A_479 : vector<16xf32> to vector<16xi32>
            %mul3A_481 = arith.constant 16 : i32
            %mul3A_482 = arith.muli %scan3A_460, %mul3A_481 : i32
            %swap3A_483 = arith.constant 1 : i32
            %swap3A_484 = arith.index_cast %swap3A_483 : i32 to index
            %swap3A_485 = arith.index_cast %mul3A_482 : i32 to index
            %swap3A_486 = tpu.vector_load %arg11[%swap3A_484, %swap3A_485] {strides = array<i32>} : memref<8x1024xi32, #tpu.memory_space<vmem>>, vector<16xi32>,
            tpu.vector_store %arg11[%swap3A_484, %swap3A_485], %convert_element_type3A_480 {strides = array<i32>} : memref<8x1024xi32, #tpu.memory_space<vmem>>, vector<16xi32>,
            %mul3A_487 = arith.constant 16 : i32
            %mul3A_488 = arith.muli %scan3A_460, %mul3A_487 : i32
            %get3A_489 = arith.constant 2 : i32
            %get3A_490 = arith.index_cast %get3A_489 : i32 to index
            %get3A_491 = arith.index_cast %mul3A_488 : i32 to index
            %get3A_492 = tpu.vector_load %arg9[%get3A_490, %get3A_491] {strides = array<i32>} : memref<8x1024xf32, #tpu.memory_space<vmem>>, vector<16xf32>,
            %convert_element_type3A_493 = arith.fptosi %get3A_492 : vector<16xf32> to vector<16xi32>
            %mul3A_494 = arith.constant 16 : i32
            %mul3A_495 = arith.muli %scan3A_460, %mul3A_494 : i32
            %swap3A_496 = arith.constant 2 : i32
            %swap3A_497 = arith.index_cast %swap3A_496 : i32 to index
            %swap3A_498 = arith.index_cast %mul3A_495 : i32 to index
            %swap3A_499 = tpu.vector_load %arg11[%swap3A_497, %swap3A_498] {strides = array<i32>} : memref<8x1024xi32, #tpu.memory_space<vmem>>, vector<16xi32>,
            tpu.vector_store %arg11[%swap3A_497, %swap3A_498], %convert_element_type3A_493 {strides = array<i32>} : memref<8x1024xi32, #tpu.memory_space<vmem>>, vector<16xi32>,
            %mul3A_500 = arith.constant 16 : i32
            %mul3A_501 = arith.muli %scan3A_460, %mul3A_500 : i32
            %get3A_502 = arith.constant 3 : i32
            %get3A_503 = arith.index_cast %get3A_502 : i32 to index
            %get3A_504 = arith.index_cast %mul3A_501 : i32 to index
            %get3A_505 = tpu.vector_load %arg9[%get3A_503, %get3A_504] {strides = array<i32>} : memref<8x1024xf32, #tpu.memory_space<vmem>>, vector<16xf32>,
            %convert_element_type3A_506 = arith.fptosi %get3A_505 : vector<16xf32> to vector<16xi32>
            %mul3A_507 = arith.constant 16 : i32
            %mul3A_508 = arith.muli %scan3A_460, %mul3A_507 : i32
            %swap3A_509 = arith.constant 3 : i32
            %swap3A_510 = arith.index_cast %swap3A_509 : i32 to index
            %swap3A_511 = arith.index_cast %mul3A_508 : i32 to index
            %swap3A_512 = tpu.vector_load %arg11[%swap3A_510, %swap3A_511] {strides = array<i32>} : memref<8x1024xi32, #tpu.memory_space<vmem>>, vector<16xi32>,
            tpu.vector_store %arg11[%swap3A_510, %swap3A_511], %convert_element_type3A_506 {strides = array<i32>} : memref<8x1024xi32, #tpu.memory_space<vmem>>, vector<16xi32>,
            %mul3A_513 = arith.constant 16 : i32
            %mul3A_514 = arith.muli %scan3A_460, %mul3A_513 : i32
            %get3A_515 = arith.constant 4 : i32
            %get3A_516 = arith.index_cast %get3A_515 : i32 to index
            %get3A_517 = arith.index_cast %mul3A_514 : i32 to index
            %get3A_518 = tpu.vector_load %arg9[%get3A_516, %get3A_517] {strides = array<i32>} : memref<8x1024xf32, #tpu.memory_space<vmem>>, vector<16xf32>,
            %convert_element_type3A_519 = arith.fptosi %get3A_518 : vector<16xf32> to vector<16xi32>
            %mul3A_520 = arith.constant 16 : i32
            %mul3A_521 = arith.muli %scan3A_460, %mul3A_520 : i32
            %swap3A_522 = arith.constant 4 : i32
            %swap3A_523 = arith.index_cast %swap3A_522 : i32 to index
            %swap3A_524 = arith.index_cast %mul3A_521 : i32 to index
            %swap3A_525 = tpu.vector_load %arg11[%swap3A_523, %swap3A_524] {strides = array<i32>} : memref<8x1024xi32, #tpu.memory_space<vmem>>, vector<16xi32>,
            tpu.vector_store %arg11[%swap3A_523, %swap3A_524], %convert_element_type3A_519 {strides = array<i32>} : memref<8x1024xi32, #tpu.memory_space<vmem>>, vector<16xi32>,
            %mul3A_526 = arith.constant 16 : i32
            %mul3A_527 = arith.muli %scan3A_460, %mul3A_526 : i32
            %get3A_528 = arith.constant 5 : i32
            %get3A_529 = arith.index_cast %get3A_528 : i32 to index
            %get3A_530 = arith.index_cast %mul3A_527 : i32 to index
            %get3A_531 = tpu.vector_load %arg9[%get3A_529, %get3A_530] {strides = array<i32>} : memref<8x1024xf32, #tpu.memory_space<vmem>>, vector<16xf32>,
            %convert_element_type3A_532 = arith.fptosi %get3A_531 : vector<16xf32> to vector<16xi32>
            %mul3A_533 = arith.constant 16 : i32
            %mul3A_534 = arith.muli %scan3A_460, %mul3A_533 : i32
            %swap3A_535 = arith.constant 5 : i32
            %swap3A_536 = arith.index_cast %swap3A_535 : i32 to index
            %swap3A_537 = arith.index_cast %mul3A_534 : i32 to index
            %swap3A_538 = tpu.vector_load %arg11[%swap3A_536, %swap3A_537] {strides = array<i32>} : memref<8x1024xi32, #tpu.memory_space<vmem>>, vector<16xi32>,
            tpu.vector_store %arg11[%swap3A_536, %swap3A_537], %convert_element_type3A_532 {strides = array<i32>} : memref<8x1024xi32, #tpu.memory_space<vmem>>, vector<16xi32>,
            %mul3A_539 = arith.constant 16 : i32
            %mul3A_540 = arith.muli %scan3A_460, %mul3A_539 : i32
            %get3A_541 = arith.constant 6 : i32
            %get3A_542 = arith.index_cast %get3A_541 : i32 to index
            %get3A_543 = arith.index_cast %mul3A_540 : i32 to index
            %get3A_544 = tpu.vector_load %arg9[%get3A_542, %get3A_543] {strides = array<i32>} : memref<8x1024xf32, #tpu.memory_space<vmem>>, vector<16xf32>,
            %convert_element_type3A_545 = arith.fptosi %get3A_544 : vector<16xf32> to vector<16xi32>
            %mul3A_546 = arith.constant 16 : i32
            %mul3A_547 = arith.muli %scan3A_460, %mul3A_546 : i32
            %swap3A_548 = arith.constant 6 : i32
            %swap3A_549 = arith.index_cast %swap3A_548 : i32 to index
            %swap3A_550 = arith.index_cast %mul3A_547 : i32 to index
            %swap3A_551 = tpu.vector_load %arg11[%swap3A_549, %swap3A_550] {strides = array<i32>} : memref<8x1024xi32, #tpu.memory_space<vmem>>, vector<16xi32>,
            tpu.vector_store %arg11[%swap3A_549, %swap3A_550], %convert_element_type3A_545 {strides = array<i32>} : memref<8x1024xi32, #tpu.memory_space<vmem>>, vector<16xi32>,
            %mul3A_552 = arith.constant 16 : i32
            %mul3A_553 = arith.muli %scan3A_460, %mul3A_552 : i32
            %get3A_554 = arith.constant 7 : i32
            %get3A_555 = arith.index_cast %get3A_554 : i32 to index
            %get3A_556 = arith.index_cast %mul3A_553 : i32 to index
            %get3A_557 = tpu.vector_load %arg9[%get3A_555, %get3A_556] {strides = array<i32>} : memref<8x1024xf32, #tpu.memory_space<vmem>>, vector<16xf32>,
            %convert_element_type3A_558 = arith.fptosi %get3A_557 : vector<16xf32> to vector<16xi32>
            %mul3A_559 = arith.constant 16 : i32
            %mul3A_560 = arith.muli %scan3A_460, %mul3A_559 : i32
            %swap3A_561 = arith.constant 7 : i32
            %swap3A_562 = arith.index_cast %swap3A_561 : i32 to index
            %swap3A_563 = arith.index_cast %mul3A_560 : i32 to index
            %swap3A_564 = tpu.vector_load %arg11[%swap3A_562, %swap3A_563] {strides = array<i32>} : memref<8x1024xi32, #tpu.memory_space<vmem>>, vector<16xi32>,
            tpu.vector_store %arg11[%swap3A_562, %swap3A_563], %convert_element_type3A_558 {strides = array<i32>} : memref<8x1024xi32, #tpu.memory_space<vmem>>, vector<16xi32>,
          }
          %scan3A_125 = arith.constant 64 : i32
          %and3A_126 = arith.constant 15 : i32
          %and3A_127 = arith.andi %add3A, %and3A_126 : i32
          %mul3A_128 = arith.constant 25 : i32
          %mul3A_129 = arith.muli %and3A_127, %mul3A_128 : i32
          %add3A_130 = arith.addi %mul3A_129, %scan3A_78 : i32
          %shift_right_arithmetic3A_131 = arith.constant 4 : i32
          %shift_right_arithmetic3A_132 = arith.shrsi %add3A_130, %shift_right_arithmetic3A_131 : i32
          %mul3A_133 = arith.constant 8 : i32
          %mul3A_134 = arith.muli %shift_right_arithmetic3A_132, %mul3A_133 : i32
          %and3A_135 = arith.constant 15 : i32
          %and3A_136 = arith.andi %add3A_130, %and3A_135 : i32
          %mul3A_137 = arith.constant 1024 : i32
          %mul3A_138 = arith.muli %and3A_136, %mul3A_137 : i32
          %dma_start3A_139 = arith.constant 0 : i32
          %dma_start3A_140 = tpu.memref_slice %arg3[%mul3A_134, %dma_start3A_139, %mul3A_138] : memref<200x1x16384xi32, #tpu.memory_space<hbm>> -> memref<8x1x1024xi32, #tpu.memory_space<hbm>>
          %dma_start3A_141 = tpu.memref_squeeze %dma_start3A_140 : memref<8x1x1024xi32, #tpu.memory_space<hbm>> -> memref<8x1024xi32, #tpu.memory_space<hbm>>
          %dma_start3A_142 = tpu.memref_slice %arg3[%mul3A_134, %dma_start3A_139, %mul3A_138] : memref<200x1x16384xi32, #tpu.memory_space<hbm>> -> memref<8x1x1024xi32, #tpu.memory_space<hbm>>
          %dma_start3A_143 = tpu.memref_squeeze %dma_start3A_142 : memref<8x1x1024xi32, #tpu.memory_space<hbm>> -> memref<8x1024xi32, #tpu.memory_space<hbm>>
          tpu.enqueue_dma source(%arg11 : memref<8x1024xi32, #tpu.memory_space<vmem>>) target(%dma_start3A_143 : memref<8x1024xi32, #tpu.memory_space<hbm>>) target_semaphore(%arg15 : memref<!tpu.dma_semaphore, #tpu.memory_space<semaphore_mem>>)
        } else {
        }
      }
      %scan3A_40 = arith.constant 25 : i32
      %and3A_41 = arith.constant 15 : i32
      %and3A_42 = arith.andi %add3A, %and3A_41 : i32
      %mul3A_43 = arith.constant 25 : i32
      %mul3A_44 = arith.muli %and3A_42, %mul3A_43 : i32
      %add3A_45 = arith.constant 23 : i32
      %add3A_46 = arith.addi %mul3A_44, %add3A_45 : i32
      %shift_right_arithmetic3A_47 = arith.constant 4 : i32
      %shift_right_arithmetic3A_48 = arith.shrsi %add3A_46, %shift_right_arithmetic3A_47 : i32
      %mul3A_49 = arith.constant 8 : i32
      %mul3A_50 = arith.muli %shift_right_arithmetic3A_48, %mul3A_49 : i32
      %and3A_51 = arith.constant 15 : i32
      %and3A_52 = arith.andi %add3A_46, %and3A_51 : i32
      %mul3A_53 = arith.constant 1024 : i32
      %mul3A_54 = arith.muli %and3A_52, %mul3A_53 : i32
      %dma_wait3A = arith.constant 0 : i32
      %dma_wait3A_55 = tpu.memref_slice %arg3[%mul3A_50, %dma_wait3A, %mul3A_54] : memref<200x1x16384xi32, #tpu.memory_space<hbm>> -> memref<8x1x1024xi32, #tpu.memory_space<hbm>>
      %dma_wait3A_56 = tpu.memref_squeeze %dma_wait3A_55 : memref<8x1x1024xi32, #tpu.memory_space<hbm>> -> memref<8x1024xi32, #tpu.memory_space<hbm>>
      %dma_wait3A_57 = tpu.memref_slice %arg3[%mul3A_50, %dma_wait3A, %mul3A_54] : memref<200x1x16384xi32, #tpu.memory_space<hbm>> -> memref<8x1x1024xi32, #tpu.memory_space<hbm>>
      %dma_wait3A_58 = tpu.memref_squeeze %dma_wait3A_57 : memref<8x1x1024xi32, #tpu.memory_space<hbm>> -> memref<8x1024xi32, #tpu.memory_space<hbm>>
      tpu.wait_dma2 semaphore(%arg15 : memref<!tpu.dma_semaphore, #tpu.memory_space<semaphore_mem>>) src(%arg11 : memref<8x1024xi32, #tpu.memory_space<vmem>>) dst(%dma_wait3A_58 : memref<8x1024xi32, #tpu.memory_space<hbm>>)
      %and3A_59 = arith.constant 15 : i32
      %and3A_60 = arith.andi %add3A, %and3A_59 : i32
      %mul3A_61 = arith.constant 25 : i32
      %mul3A_62 = arith.muli %and3A_60, %mul3A_61 : i32
      %add3A_63 = arith.constant 24 : i32
      %add3A_64 = arith.addi %mul3A_62, %add3A_63 : i32
      %shift_right_arithmetic3A_65 = arith.constant 4 : i32
      %shift_right_arithmetic3A_66 = arith.shrsi %add3A_64, %shift_right_arithmetic3A_65 : i32
      %mul3A_67 = arith.constant 8 : i32
      %mul3A_68 = arith.muli %shift_right_arithmetic3A_66, %mul3A_67 : i32
      %and3A_69 = arith.constant 15 : i32
      %and3A_70 = arith.andi %add3A_64, %and3A_69 : i32
      %mul3A_71 = arith.constant 1024 : i32
      %mul3A_72 = arith.muli %and3A_70, %mul3A_71 : i32
      %dma_wait3A_73 = arith.constant 0 : i32
      %dma_wait3A_74 = tpu.memref_slice %arg3[%mul3A_68, %dma_wait3A_73, %mul3A_72] : memref<200x1x16384xi32, #tpu.memory_space<hbm>> -> memref<8x1x1024xi32, #tpu.memory_space<hbm>>
      %dma_wait3A_75 = tpu.memref_squeeze %dma_wait3A_74 : memref<8x1x1024xi32, #tpu.memory_space<hbm>> -> memref<8x1024xi32, #tpu.memory_space<hbm>>
      %dma_wait3A_76 = tpu.memref_slice %arg3[%mul3A_68, %dma_wait3A_73, %mul3A_72] : memref<200x1x16384xi32, #tpu.memory_space<hbm>> -> memref<8x1x1024xi32, #tpu.memory_space<hbm>>
      %dma_wait3A_77 = tpu.memref_squeeze %dma_wait3A_76 : memref<8x1x1024xi32, #tpu.memory_space<hbm>> -> memref<8x1024xi32, #tpu.memory_space<hbm>>
      tpu.wait_dma2 semaphore(%arg14 : memref<!tpu.dma_semaphore, #tpu.memory_space<semaphore_mem>>) src(%arg10 : memref<8x1024xi32, #tpu.memory_space<vmem>>) dst(%dma_wait3A_77 : memref<8x1024xi32, #tpu.memory_space<hbm>>)
    } else {
    }
    %ge3A = arith.constant 16 : i32
    %ge3A_15 = arith.cmpi sge, %add3A, %ge3A : i32
    %convert_element_type3A_16 = arith.extui %ge3A_15 : i1 to i32
    %cond3A_17 = arith.constant 0 : i32
    %cond3A_18 = arith.cmpi ne, %convert_element_type3A_16, %cond3A_17 : i32
    scf.if %cond3A_18 {
      %and3A = arith.constant 15 : i32
      %and3A_19 = arith.andi %add3A, %and3A : i32
      %mul3A_20 = arith.constant 25 : i32
      %mul3A_21 = arith.muli %and3A_19, %mul3A_20 : i32
      %add3A_22 = arith.constant 0 : i32
      %add3A_23 = arith.addi %mul3A_21, %add3A_22 : i32
      %shift_right_arithmetic3A_24 = arith.constant 4 : i32
      %shift_right_arithmetic3A_25 = arith.shrsi %add3A_23, %shift_right_arithmetic3A_24 : i32
      %mul3A_26 = arith.constant 8 : i32
      %mul3A_27 = arith.muli %shift_right_arithmetic3A_25, %mul3A_26 : i32
      %and3A_28 = arith.constant 15 : i32
      %and3A_29 = arith.andi %add3A_23, %and3A_28 : i32
      %mul3A_30 = arith.constant 1024 : i32
      %mul3A_31 = arith.muli %and3A_29, %mul3A_30 : i32
      %dma_start3A = arith.constant 5 : i32
      %dma_start3A_32 = tpu.memref_slice %arg2[%dma_start3A, %mul3A_27, %mul3A_31] : memref<9x200x16384xf32, #tpu.memory_space<hbm>> -> memref<1x8x1024xf32, #tpu.memory_space<hbm>>
      %dma_start3A_33 = tpu.memref_squeeze %dma_start3A_32 : memref<1x8x1024xf32, #tpu.memory_space<hbm>> -> memref<8x1024xf32, #tpu.memory_space<hbm>>
      %dma_start3A_34 = tpu.memref_slice %arg2[%dma_start3A, %mul3A_27, %mul3A_31] : memref<9x200x16384xf32, #tpu.memory_space<hbm>> -> memref<1x8x1024xf32, #tpu.memory_space<hbm>>
      %dma_start3A_35 = tpu.memref_squeeze %dma_start3A_34 : memref<1x8x1024xf32, #tpu.memory_space<hbm>> -> memref<8x1024xf32, #tpu.memory_space<hbm>>
      tpu.enqueue_dma source(%dma_start3A_35 : memref<8x1024xf32, #tpu.memory_space<hbm>>) target(%arg8 : memref<8x1024xf32, #tpu.memory_space<vmem>>) target_semaphore(%arg12 : memref<!tpu.dma_semaphore, #tpu.memory_space<semaphore_mem>>)
      %scan3A = arith.constant 0 : i32
      %scan3A_36 = arith.constant 0 : i32
      %scan3A_37 = arith.constant 25 : i32
      %scan3A_38 = arith.addi %scan3A_36, %scan3A_37 : i32
      %scan3A_39 = arith.constant 1 : i32
      scf.for %scan3A_78 = %scan3A_36 to %scan3A_38 step %scan3A_39  : i32 {
        %and3A_79 = arith.constant 1 : i32
        %and3A_80 = arith.andi %scan3A_78, %and3A_79 : i32
        %eq3A = arith.constant 0 : i32
        %eq3A_81 = arith.cmpi eq, %and3A_80, %eq3A : i32
        %convert_element_type3A_82 = arith.extui %eq3A_81 : i1 to i32
        %cond3A_83 = arith.constant 0 : i32
        %cond3A_84 = arith.cmpi ne, %convert_element_type3A_82, %cond3A_83 : i32
        scf.if %cond3A_84 {
          %and3A_92 = arith.constant 15 : i32
          %and3A_93 = arith.andi %add3A, %and3A_92 : i32
          %mul3A_94 = arith.constant 25 : i32
          %mul3A_95 = arith.muli %and3A_93, %mul3A_94 : i32
          %add3A_96 = arith.addi %mul3A_95, %scan3A_78 : i32
          %shift_right_arithmetic3A_97 = arith.constant 4 : i32
          %shift_right_arithmetic3A_98 = arith.shrsi %add3A_96, %shift_right_arithmetic3A_97 : i32
          %mul3A_99 = arith.constant 8 : i32
          %mul3A_100 = arith.muli %shift_right_arithmetic3A_98, %mul3A_99 : i32
          %and3A_101 = arith.constant 15 : i32
          %and3A_102 = arith.andi %add3A_96, %and3A_101 : i32
          %mul3A_103 = arith.constant 1024 : i32
          %mul3A_104 = arith.muli %and3A_102, %mul3A_103 : i32
          %dma_wait3A_105 = arith.constant 5 : i32
          %dma_wait3A_106 = tpu.memref_slice %arg2[%dma_wait3A_105, %mul3A_100, %mul3A_104] : memref<9x200x16384xf32, #tpu.memory_space<hbm>> -> memref<1x8x1024xf32, #tpu.memory_space<hbm>>
          %dma_wait3A_107 = tpu.memref_squeeze %dma_wait3A_106 : memref<1x8x1024xf32, #tpu.memory_space<hbm>> -> memref<8x1024xf32, #tpu.memory_space<hbm>>
          %dma_wait3A_108 = tpu.memref_slice %arg2[%dma_wait3A_105, %mul3A_100, %mul3A_104] : memref<9x200x16384xf32, #tpu.memory_space<hbm>> -> memref<1x8x1024xf32, #tpu.memory_space<hbm>>
          %dma_wait3A_109 = tpu.memref_squeeze %dma_wait3A_108 : memref<1x8x1024xf32, #tpu.memory_space<hbm>> -> memref<8x1024xf32, #tpu.memory_space<hbm>>
          tpu.wait_dma2 semaphore(%arg12 : memref<!tpu.dma_semaphore, #tpu.memory_space<semaphore_mem>>) src(%dma_wait3A_109 : memref<8x1024xf32, #tpu.memory_space<hbm>>) dst(%arg8 : memref<8x1024xf32, #tpu.memory_space<vmem>>)
          %lt3A_110 = arith.constant 24 : i32
          %lt3A_111 = arith.cmpi slt, %scan3A_78, %lt3A_110 : i32
          %convert_element_type3A_112 = arith.extui %lt3A_111 : i1 to i32
          %cond3A_113 = arith.constant 0 : i32
          %cond3A_114 = arith.cmpi ne, %convert_element_type3A_112, %cond3A_113 : i32
          scf.if %cond3A_114 {
            %add3A_144 = arith.constant 1 : i32
            %add3A_145 = arith.addi %scan3A_78, %add3A_144 : i32
            %and3A_146 = arith.constant 15 : i32
            %and3A_147 = arith.andi %add3A, %and3A_146 : i32
            %mul3A_148 = arith.constant 25 : i32
            %mul3A_149 = arith.muli %and3A_147, %mul3A_148 : i32
            %add3A_150 = arith.addi %mul3A_149, %add3A_145 : i32
            %shift_right_arithmetic3A_151 = arith.constant 4 : i32
            %shift_right_arithmetic3A_152 = arith.shrsi %add3A_150, %shift_right_arithmetic3A_151 : i32
            %mul3A_153 = arith.constant 8 : i32
            %mul3A_154 = arith.muli %shift_right_arithmetic3A_152, %mul3A_153 : i32
            %and3A_155 = arith.constant 15 : i32
            %and3A_156 = arith.andi %add3A_150, %and3A_155 : i32
            %mul3A_157 = arith.constant 1024 : i32
            %mul3A_158 = arith.muli %and3A_156, %mul3A_157 : i32
            %dma_start3A_159 = arith.constant 5 : i32
            %dma_start3A_160 = tpu.memref_slice %arg2[%dma_start3A_159, %mul3A_154, %mul3A_158] : memref<9x200x16384xf32, #tpu.memory_space<hbm>> -> memref<1x8x1024xf32, #tpu.memory_space<hbm>>
            %dma_start3A_161 = tpu.memref_squeeze %dma_start3A_160 : memref<1x8x1024xf32, #tpu.memory_space<hbm>> -> memref<8x1024xf32, #tpu.memory_space<hbm>>
            %dma_start3A_162 = tpu.memref_slice %arg2[%dma_start3A_159, %mul3A_154, %mul3A_158] : memref<9x200x16384xf32, #tpu.memory_space<hbm>> -> memref<1x8x1024xf32, #tpu.memory_space<hbm>>
            %dma_start3A_163 = tpu.memref_squeeze %dma_start3A_162 : memref<1x8x1024xf32, #tpu.memory_space<hbm>> -> memref<8x1024xf32, #tpu.memory_space<hbm>>
            tpu.enqueue_dma source(%dma_start3A_163 : memref<8x1024xf32, #tpu.memory_space<hbm>>) target(%arg9 : memref<8x1024xf32, #tpu.memory_space<vmem>>) target_semaphore(%arg13 : memref<!tpu.dma_semaphore, #tpu.memory_space<semaphore_mem>>)
          } else {
          }
          %ge3A_115 = arith.constant 2 : i32
          %ge3A_116 = arith.cmpi sge, %scan3A_78, %ge3A_115 : i32
          %convert_element_type3A_117 = arith.extui %ge3A_116 : i1 to i32
          %cond3A_118 = arith.constant 0 : i32
          %cond3A_119 = arith.cmpi ne, %convert_element_type3A_117, %cond3A_118 : i32
          scf.if %cond3A_119 {
            %sub3A = arith.constant 2 : i32
            %sub3A_144 = arith.subi %scan3A_78, %sub3A : i32
            %and3A_145 = arith.constant 15 : i32
            %and3A_146 = arith.andi %add3A, %and3A_145 : i32
            %mul3A_147 = arith.constant 25 : i32
            %mul3A_148 = arith.muli %and3A_146, %mul3A_147 : i32
            %add3A_149 = arith.addi %mul3A_148, %sub3A_144 : i32
            %shift_right_arithmetic3A_150 = arith.constant 4 : i32
            %shift_right_arithmetic3A_151 = arith.shrsi %add3A_149, %shift_right_arithmetic3A_150 : i32
            %mul3A_152 = arith.constant 8 : i32
            %mul3A_153 = arith.muli %shift_right_arithmetic3A_151, %mul3A_152 : i32
            %and3A_154 = arith.constant 15 : i32
            %and3A_155 = arith.andi %add3A_149, %and3A_154 : i32
            %mul3A_156 = arith.constant 1024 : i32
            %mul3A_157 = arith.muli %and3A_155, %mul3A_156 : i32
            %dma_wait3A_158 = arith.constant 0 : i32
            %dma_wait3A_159 = tpu.memref_slice %arg5[%mul3A_153, %dma_wait3A_158, %mul3A_157] : memref<200x1x16384xi32, #tpu.memory_space<hbm>> -> memref<8x1x1024xi32, #tpu.memory_space<hbm>>
            %dma_wait3A_160 = tpu.memref_squeeze %dma_wait3A_159 : memref<8x1x1024xi32, #tpu.memory_space<hbm>> -> memref<8x1024xi32, #tpu.memory_space<hbm>>
            %dma_wait3A_161 = tpu.memref_slice %arg5[%mul3A_153, %dma_wait3A_158, %mul3A_157] : memref<200x1x16384xi32, #tpu.memory_space<hbm>> -> memref<8x1x1024xi32, #tpu.memory_space<hbm>>
            %dma_wait3A_162 = tpu.memref_squeeze %dma_wait3A_161 : memref<8x1x1024xi32, #tpu.memory_space<hbm>> -> memref<8x1024xi32, #tpu.memory_space<hbm>>
            tpu.wait_dma2 semaphore(%arg14 : memref<!tpu.dma_semaphore, #tpu.memory_space<semaphore_mem>>) src(%arg10 : memref<8x1024xi32, #tpu.memory_space<vmem>>) dst(%dma_wait3A_162 : memref<8x1024xi32, #tpu.memory_space<hbm>>)
          } else {
          }
          %scan3A_120 = arith.constant 0 : i32
          %scan3A_121 = arith.constant 0 : i32
          %scan3A_122 = arith.constant 64 : i32
          %scan3A_123 = arith.addi %scan3A_121, %scan3A_122 : i32
          %scan3A_124 = arith.constant 4 : i32
          scf.for %scan3A_144 = %scan3A_121 to %scan3A_123 step %scan3A_124  : i32 {
            %mul3A_145 = arith.constant 16 : i32
            %mul3A_146 = arith.muli %scan3A_144, %mul3A_145 : i32
            %get3A = arith.constant 0 : i32
            %get3A_147 = arith.index_cast %get3A : i32 to index
            %get3A_148 = arith.index_cast %mul3A_146 : i32 to index
            %get3A_149 = tpu.vector_load %arg8[%get3A_147, %get3A_148] {strides = array<i32>} : memref<8x1024xf32, #tpu.memory_space<vmem>>, vector<16xf32>,
            %convert_element_type3A_150 = arith.fptosi %get3A_149 : vector<16xf32> to vector<16xi32>
            %mul3A_151 = arith.constant 16 : i32
            %mul3A_152 = arith.muli %scan3A_144, %mul3A_151 : i32
            %swap3A = arith.constant 0 : i32
            %swap3A_153 = arith.index_cast %swap3A : i32 to index
            %swap3A_154 = arith.index_cast %mul3A_152 : i32 to index
            %swap3A_155 = tpu.vector_load %arg10[%swap3A_153, %swap3A_154] {strides = array<i32>} : memref<8x1024xi32, #tpu.memory_space<vmem>>, vector<16xi32>,
            tpu.vector_store %arg10[%swap3A_153, %swap3A_154], %convert_element_type3A_150 {strides = array<i32>} : memref<8x1024xi32, #tpu.memory_space<vmem>>, vector<16xi32>,
            %mul3A_156 = arith.constant 16 : i32
            %mul3A_157 = arith.muli %scan3A_144, %mul3A_156 : i32
            %get3A_158 = arith.constant 1 : i32
            %get3A_159 = arith.index_cast %get3A_158 : i32 to index
            %get3A_160 = arith.index_cast %mul3A_157 : i32 to index
            %get3A_161 = tpu.vector_load %arg8[%get3A_159, %get3A_160] {strides = array<i32>} : memref<8x1024xf32, #tpu.memory_space<vmem>>, vector<16xf32>,
            %convert_element_type3A_162 = arith.fptosi %get3A_161 : vector<16xf32> to vector<16xi32>
            %mul3A_163 = arith.constant 16 : i32
            %mul3A_164 = arith.muli %scan3A_144, %mul3A_163 : i32
            %swap3A_165 = arith.constant 1 : i32
            %swap3A_166 = arith.index_cast %swap3A_165 : i32 to index
            %swap3A_167 = arith.index_cast %mul3A_164 : i32 to index
            %swap3A_168 = tpu.vector_load %arg10[%swap3A_166, %swap3A_167] {strides = array<i32>} : memref<8x1024xi32, #tpu.memory_space<vmem>>, vector<16xi32>,
            tpu.vector_store %arg10[%swap3A_166, %swap3A_167], %convert_element_type3A_162 {strides = array<i32>} : memref<8x1024xi32, #tpu.memory_space<vmem>>, vector<16xi32>,
            %mul3A_169 = arith.constant 16 : i32
            %mul3A_170 = arith.muli %scan3A_144, %mul3A_169 : i32
            %get3A_171 = arith.constant 2 : i32
            %get3A_172 = arith.index_cast %get3A_171 : i32 to index
            %get3A_173 = arith.index_cast %mul3A_170 : i32 to index
            %get3A_174 = tpu.vector_load %arg8[%get3A_172, %get3A_173] {strides = array<i32>} : memref<8x1024xf32, #tpu.memory_space<vmem>>, vector<16xf32>,
            %convert_element_type3A_175 = arith.fptosi %get3A_174 : vector<16xf32> to vector<16xi32>
            %mul3A_176 = arith.constant 16 : i32
            %mul3A_177 = arith.muli %scan3A_144, %mul3A_176 : i32
            %swap3A_178 = arith.constant 2 : i32
            %swap3A_179 = arith.index_cast %swap3A_178 : i32 to index
            %swap3A_180 = arith.index_cast %mul3A_177 : i32 to index
            %swap3A_181 = tpu.vector_load %arg10[%swap3A_179, %swap3A_180] {strides = array<i32>} : memref<8x1024xi32, #tpu.memory_space<vmem>>, vector<16xi32>,
            tpu.vector_store %arg10[%swap3A_179, %swap3A_180], %convert_element_type3A_175 {strides = array<i32>} : memref<8x1024xi32, #tpu.memory_space<vmem>>, vector<16xi32>,
            %mul3A_182 = arith.constant 16 : i32
            %mul3A_183 = arith.muli %scan3A_144, %mul3A_182 : i32
            %get3A_184 = arith.constant 3 : i32
            %get3A_185 = arith.index_cast %get3A_184 : i32 to index
            %get3A_186 = arith.index_cast %mul3A_183 : i32 to index
            %get3A_187 = tpu.vector_load %arg8[%get3A_185, %get3A_186] {strides = array<i32>} : memref<8x1024xf32, #tpu.memory_space<vmem>>, vector<16xf32>,
            %convert_element_type3A_188 = arith.fptosi %get3A_187 : vector<16xf32> to vector<16xi32>
            %mul3A_189 = arith.constant 16 : i32
            %mul3A_190 = arith.muli %scan3A_144, %mul3A_189 : i32
            %swap3A_191 = arith.constant 3 : i32
            %swap3A_192 = arith.index_cast %swap3A_191 : i32 to index
            %swap3A_193 = arith.index_cast %mul3A_190 : i32 to index
            %swap3A_194 = tpu.vector_load %arg10[%swap3A_192, %swap3A_193] {strides = array<i32>} : memref<8x1024xi32, #tpu.memory_space<vmem>>, vector<16xi32>,
            tpu.vector_store %arg10[%swap3A_192, %swap3A_193], %convert_element_type3A_188 {strides = array<i32>} : memref<8x1024xi32, #tpu.memory_space<vmem>>, vector<16xi32>,
            %mul3A_195 = arith.constant 16 : i32
            %mul3A_196 = arith.muli %scan3A_144, %mul3A_195 : i32
            %get3A_197 = arith.constant 4 : i32
            %get3A_198 = arith.index_cast %get3A_197 : i32 to index
            %get3A_199 = arith.index_cast %mul3A_196 : i32 to index
            %get3A_200 = tpu.vector_load %arg8[%get3A_198, %get3A_199] {strides = array<i32>} : memref<8x1024xf32, #tpu.memory_space<vmem>>, vector<16xf32>,
            %convert_element_type3A_201 = arith.fptosi %get3A_200 : vector<16xf32> to vector<16xi32>
            %mul3A_202 = arith.constant 16 : i32
            %mul3A_203 = arith.muli %scan3A_144, %mul3A_202 : i32
            %swap3A_204 = arith.constant 4 : i32
            %swap3A_205 = arith.index_cast %swap3A_204 : i32 to index
            %swap3A_206 = arith.index_cast %mul3A_203 : i32 to index
            %swap3A_207 = tpu.vector_load %arg10[%swap3A_205, %swap3A_206] {strides = array<i32>} : memref<8x1024xi32, #tpu.memory_space<vmem>>, vector<16xi32>,
            tpu.vector_store %arg10[%swap3A_205, %swap3A_206], %convert_element_type3A_201 {strides = array<i32>} : memref<8x1024xi32, #tpu.memory_space<vmem>>, vector<16xi32>,
            %mul3A_208 = arith.constant 16 : i32
            %mul3A_209 = arith.muli %scan3A_144, %mul3A_208 : i32
            %get3A_210 = arith.constant 5 : i32
            %get3A_211 = arith.index_cast %get3A_210 : i32 to index
            %get3A_212 = arith.index_cast %mul3A_209 : i32 to index
            %get3A_213 = tpu.vector_load %arg8[%get3A_211, %get3A_212] {strides = array<i32>} : memref<8x1024xf32, #tpu.memory_space<vmem>>, vector<16xf32>,
            %convert_element_type3A_214 = arith.fptosi %get3A_213 : vector<16xf32> to vector<16xi32>
            %mul3A_215 = arith.constant 16 : i32
            %mul3A_216 = arith.muli %scan3A_144, %mul3A_215 : i32
            %swap3A_217 = arith.constant 5 : i32
            %swap3A_218 = arith.index_cast %swap3A_217 : i32 to index
            %swap3A_219 = arith.index_cast %mul3A_216 : i32 to index
            %swap3A_220 = tpu.vector_load %arg10[%swap3A_218, %swap3A_219] {strides = array<i32>} : memref<8x1024xi32, #tpu.memory_space<vmem>>, vector<16xi32>,
            tpu.vector_store %arg10[%swap3A_218, %swap3A_219], %convert_element_type3A_214 {strides = array<i32>} : memref<8x1024xi32, #tpu.memory_space<vmem>>, vector<16xi32>,
            %mul3A_221 = arith.constant 16 : i32
            %mul3A_222 = arith.muli %scan3A_144, %mul3A_221 : i32
            %get3A_223 = arith.constant 6 : i32
            %get3A_224 = arith.index_cast %get3A_223 : i32 to index
            %get3A_225 = arith.index_cast %mul3A_222 : i32 to index
            %get3A_226 = tpu.vector_load %arg8[%get3A_224, %get3A_225] {strides = array<i32>} : memref<8x1024xf32, #tpu.memory_space<vmem>>, vector<16xf32>,
            %convert_element_type3A_227 = arith.fptosi %get3A_226 : vector<16xf32> to vector<16xi32>
            %mul3A_228 = arith.constant 16 : i32
            %mul3A_229 = arith.muli %scan3A_144, %mul3A_228 : i32
            %swap3A_230 = arith.constant 6 : i32
            %swap3A_231 = arith.index_cast %swap3A_230 : i32 to index
            %swap3A_232 = arith.index_cast %mul3A_229 : i32 to index
            %swap3A_233 = tpu.vector_load %arg10[%swap3A_231, %swap3A_232] {strides = array<i32>} : memref<8x1024xi32, #tpu.memory_space<vmem>>, vector<16xi32>,
            tpu.vector_store %arg10[%swap3A_231, %swap3A_232], %convert_element_type3A_227 {strides = array<i32>} : memref<8x1024xi32, #tpu.memory_space<vmem>>, vector<16xi32>,
            %mul3A_234 = arith.constant 16 : i32
            %mul3A_235 = arith.muli %scan3A_144, %mul3A_234 : i32
            %get3A_236 = arith.constant 7 : i32
            %get3A_237 = arith.index_cast %get3A_236 : i32 to index
            %get3A_238 = arith.index_cast %mul3A_235 : i32 to index
            %get3A_239 = tpu.vector_load %arg8[%get3A_237, %get3A_238] {strides = array<i32>} : memref<8x1024xf32, #tpu.memory_space<vmem>>, vector<16xf32>,
            %convert_element_type3A_240 = arith.fptosi %get3A_239 : vector<16xf32> to vector<16xi32>
            %mul3A_241 = arith.constant 16 : i32
            %mul3A_242 = arith.muli %scan3A_144, %mul3A_241 : i32
            %swap3A_243 = arith.constant 7 : i32
            %swap3A_244 = arith.index_cast %swap3A_243 : i32 to index
            %swap3A_245 = arith.index_cast %mul3A_242 : i32 to index
            %swap3A_246 = tpu.vector_load %arg10[%swap3A_244, %swap3A_245] {strides = array<i32>} : memref<8x1024xi32, #tpu.memory_space<vmem>>, vector<16xi32>,
            tpu.vector_store %arg10[%swap3A_244, %swap3A_245], %convert_element_type3A_240 {strides = array<i32>} : memref<8x1024xi32, #tpu.memory_space<vmem>>, vector<16xi32>,
            %scan3A_247 = arith.constant 1 : i32
            %scan3A_248 = arith.addi %scan3A_144, %scan3A_247 : i32
            %mul3A_249 = arith.constant 16 : i32
            %mul3A_250 = arith.muli %scan3A_248, %mul3A_249 : i32
            %get3A_251 = arith.constant 0 : i32
            %get3A_252 = arith.index_cast %get3A_251 : i32 to index
            %get3A_253 = arith.index_cast %mul3A_250 : i32 to index
            %get3A_254 = tpu.vector_load %arg8[%get3A_252, %get3A_253] {strides = array<i32>} : memref<8x1024xf32, #tpu.memory_space<vmem>>, vector<16xf32>,
            %convert_element_type3A_255 = arith.fptosi %get3A_254 : vector<16xf32> to vector<16xi32>
            %mul3A_256 = arith.constant 16 : i32
            %mul3A_257 = arith.muli %scan3A_248, %mul3A_256 : i32
            %swap3A_258 = arith.constant 0 : i32
            %swap3A_259 = arith.index_cast %swap3A_258 : i32 to index
            %swap3A_260 = arith.index_cast %mul3A_257 : i32 to index
            %swap3A_261 = tpu.vector_load %arg10[%swap3A_259, %swap3A_260] {strides = array<i32>} : memref<8x1024xi32, #tpu.memory_space<vmem>>, vector<16xi32>,
            tpu.vector_store %arg10[%swap3A_259, %swap3A_260], %convert_element_type3A_255 {strides = array<i32>} : memref<8x1024xi32, #tpu.memory_space<vmem>>, vector<16xi32>,
            %mul3A_262 = arith.constant 16 : i32
            %mul3A_263 = arith.muli %scan3A_248, %mul3A_262 : i32
            %get3A_264 = arith.constant 1 : i32
            %get3A_265 = arith.index_cast %get3A_264 : i32 to index
            %get3A_266 = arith.index_cast %mul3A_263 : i32 to index
            %get3A_267 = tpu.vector_load %arg8[%get3A_265, %get3A_266] {strides = array<i32>} : memref<8x1024xf32, #tpu.memory_space<vmem>>, vector<16xf32>,
            %convert_element_type3A_268 = arith.fptosi %get3A_267 : vector<16xf32> to vector<16xi32>
            %mul3A_269 = arith.constant 16 : i32
            %mul3A_270 = arith.muli %scan3A_248, %mul3A_269 : i32
            %swap3A_271 = arith.constant 1 : i32
            %swap3A_272 = arith.index_cast %swap3A_271 : i32 to index
            %swap3A_273 = arith.index_cast %mul3A_270 : i32 to index
            %swap3A_274 = tpu.vector_load %arg10[%swap3A_272, %swap3A_273] {strides = array<i32>} : memref<8x1024xi32, #tpu.memory_space<vmem>>, vector<16xi32>,
            tpu.vector_store %arg10[%swap3A_272, %swap3A_273], %convert_element_type3A_268 {strides = array<i32>} : memref<8x1024xi32, #tpu.memory_space<vmem>>, vector<16xi32>,
            %mul3A_275 = arith.constant 16 : i32
            %mul3A_276 = arith.muli %scan3A_248, %mul3A_275 : i32
            %get3A_277 = arith.constant 2 : i32
            %get3A_278 = arith.index_cast %get3A_277 : i32 to index
            %get3A_279 = arith.index_cast %mul3A_276 : i32 to index
            %get3A_280 = tpu.vector_load %arg8[%get3A_278, %get3A_279] {strides = array<i32>} : memref<8x1024xf32, #tpu.memory_space<vmem>>, vector<16xf32>,
            %convert_element_type3A_281 = arith.fptosi %get3A_280 : vector<16xf32> to vector<16xi32>
            %mul3A_282 = arith.constant 16 : i32
            %mul3A_283 = arith.muli %scan3A_248, %mul3A_282 : i32
            %swap3A_284 = arith.constant 2 : i32
            %swap3A_285 = arith.index_cast %swap3A_284 : i32 to index
            %swap3A_286 = arith.index_cast %mul3A_283 : i32 to index
            %swap3A_287 = tpu.vector_load %arg10[%swap3A_285, %swap3A_286] {strides = array<i32>} : memref<8x1024xi32, #tpu.memory_space<vmem>>, vector<16xi32>,
            tpu.vector_store %arg10[%swap3A_285, %swap3A_286], %convert_element_type3A_281 {strides = array<i32>} : memref<8x1024xi32, #tpu.memory_space<vmem>>, vector<16xi32>,
            %mul3A_288 = arith.constant 16 : i32
            %mul3A_289 = arith.muli %scan3A_248, %mul3A_288 : i32
            %get3A_290 = arith.constant 3 : i32
            %get3A_291 = arith.index_cast %get3A_290 : i32 to index
            %get3A_292 = arith.index_cast %mul3A_289 : i32 to index
            %get3A_293 = tpu.vector_load %arg8[%get3A_291, %get3A_292] {strides = array<i32>} : memref<8x1024xf32, #tpu.memory_space<vmem>>, vector<16xf32>,
            %convert_element_type3A_294 = arith.fptosi %get3A_293 : vector<16xf32> to vector<16xi32>
            %mul3A_295 = arith.constant 16 : i32
            %mul3A_296 = arith.muli %scan3A_248, %mul3A_295 : i32
            %swap3A_297 = arith.constant 3 : i32
            %swap3A_298 = arith.index_cast %swap3A_297 : i32 to index
            %swap3A_299 = arith.index_cast %mul3A_296 : i32 to index
            %swap3A_300 = tpu.vector_load %arg10[%swap3A_298, %swap3A_299] {strides = array<i32>} : memref<8x1024xi32, #tpu.memory_space<vmem>>, vector<16xi32>,
            tpu.vector_store %arg10[%swap3A_298, %swap3A_299], %convert_element_type3A_294 {strides = array<i32>} : memref<8x1024xi32, #tpu.memory_space<vmem>>, vector<16xi32>,
            %mul3A_301 = arith.constant 16 : i32
            %mul3A_302 = arith.muli %scan3A_248, %mul3A_301 : i32
            %get3A_303 = arith.constant 4 : i32
            %get3A_304 = arith.index_cast %get3A_303 : i32 to index
            %get3A_305 = arith.index_cast %mul3A_302 : i32 to index
            %get3A_306 = tpu.vector_load %arg8[%get3A_304, %get3A_305] {strides = array<i32>} : memref<8x1024xf32, #tpu.memory_space<vmem>>, vector<16xf32>,
            %convert_element_type3A_307 = arith.fptosi %get3A_306 : vector<16xf32> to vector<16xi32>
            %mul3A_308 = arith.constant 16 : i32
            %mul3A_309 = arith.muli %scan3A_248, %mul3A_308 : i32
            %swap3A_310 = arith.constant 4 : i32
            %swap3A_311 = arith.index_cast %swap3A_310 : i32 to index
            %swap3A_312 = arith.index_cast %mul3A_309 : i32 to index
            %swap3A_313 = tpu.vector_load %arg10[%swap3A_311, %swap3A_312] {strides = array<i32>} : memref<8x1024xi32, #tpu.memory_space<vmem>>, vector<16xi32>,
            tpu.vector_store %arg10[%swap3A_311, %swap3A_312], %convert_element_type3A_307 {strides = array<i32>} : memref<8x1024xi32, #tpu.memory_space<vmem>>, vector<16xi32>,
            %mul3A_314 = arith.constant 16 : i32
            %mul3A_315 = arith.muli %scan3A_248, %mul3A_314 : i32
            %get3A_316 = arith.constant 5 : i32
            %get3A_317 = arith.index_cast %get3A_316 : i32 to index
            %get3A_318 = arith.index_cast %mul3A_315 : i32 to index
            %get3A_319 = tpu.vector_load %arg8[%get3A_317, %get3A_318] {strides = array<i32>} : memref<8x1024xf32, #tpu.memory_space<vmem>>, vector<16xf32>,
            %convert_element_type3A_320 = arith.fptosi %get3A_319 : vector<16xf32> to vector<16xi32>
            %mul3A_321 = arith.constant 16 : i32
            %mul3A_322 = arith.muli %scan3A_248, %mul3A_321 : i32
            %swap3A_323 = arith.constant 5 : i32
            %swap3A_324 = arith.index_cast %swap3A_323 : i32 to index
            %swap3A_325 = arith.index_cast %mul3A_322 : i32 to index
            %swap3A_326 = tpu.vector_load %arg10[%swap3A_324, %swap3A_325] {strides = array<i32>} : memref<8x1024xi32, #tpu.memory_space<vmem>>, vector<16xi32>,
            tpu.vector_store %arg10[%swap3A_324, %swap3A_325], %convert_element_type3A_320 {strides = array<i32>} : memref<8x1024xi32, #tpu.memory_space<vmem>>, vector<16xi32>,
            %mul3A_327 = arith.constant 16 : i32
            %mul3A_328 = arith.muli %scan3A_248, %mul3A_327 : i32
            %get3A_329 = arith.constant 6 : i32
            %get3A_330 = arith.index_cast %get3A_329 : i32 to index
            %get3A_331 = arith.index_cast %mul3A_328 : i32 to index
            %get3A_332 = tpu.vector_load %arg8[%get3A_330, %get3A_331] {strides = array<i32>} : memref<8x1024xf32, #tpu.memory_space<vmem>>, vector<16xf32>,
            %convert_element_type3A_333 = arith.fptosi %get3A_332 : vector<16xf32> to vector<16xi32>
            %mul3A_334 = arith.constant 16 : i32
            %mul3A_335 = arith.muli %scan3A_248, %mul3A_334 : i32
            %swap3A_336 = arith.constant 6 : i32
            %swap3A_337 = arith.index_cast %swap3A_336 : i32 to index
            %swap3A_338 = arith.index_cast %mul3A_335 : i32 to index
            %swap3A_339 = tpu.vector_load %arg10[%swap3A_337, %swap3A_338] {strides = array<i32>} : memref<8x1024xi32, #tpu.memory_space<vmem>>, vector<16xi32>,
            tpu.vector_store %arg10[%swap3A_337, %swap3A_338], %convert_element_type3A_333 {strides = array<i32>} : memref<8x1024xi32, #tpu.memory_space<vmem>>, vector<16xi32>,
            %mul3A_340 = arith.constant 16 : i32
            %mul3A_341 = arith.muli %scan3A_248, %mul3A_340 : i32
            %get3A_342 = arith.constant 7 : i32
            %get3A_343 = arith.index_cast %get3A_342 : i32 to index
            %get3A_344 = arith.index_cast %mul3A_341 : i32 to index
            %get3A_345 = tpu.vector_load %arg8[%get3A_343, %get3A_344] {strides = array<i32>} : memref<8x1024xf32, #tpu.memory_space<vmem>>, vector<16xf32>,
            %convert_element_type3A_346 = arith.fptosi %get3A_345 : vector<16xf32> to vector<16xi32>
            %mul3A_347 = arith.constant 16 : i32
            %mul3A_348 = arith.muli %scan3A_248, %mul3A_347 : i32
            %swap3A_349 = arith.constant 7 : i32
            %swap3A_350 = arith.index_cast %swap3A_349 : i32 to index
            %swap3A_351 = arith.index_cast %mul3A_348 : i32 to index
            %swap3A_352 = tpu.vector_load %arg10[%swap3A_350, %swap3A_351] {strides = array<i32>} : memref<8x1024xi32, #tpu.memory_space<vmem>>, vector<16xi32>,
            tpu.vector_store %arg10[%swap3A_350, %swap3A_351], %convert_element_type3A_346 {strides = array<i32>} : memref<8x1024xi32, #tpu.memory_space<vmem>>, vector<16xi32>,
            %scan3A_353 = arith.constant 2 : i32
            %scan3A_354 = arith.addi %scan3A_144, %scan3A_353 : i32
            %mul3A_355 = arith.constant 16 : i32
            %mul3A_356 = arith.muli %scan3A_354, %mul3A_355 : i32
            %get3A_357 = arith.constant 0 : i32
            %get3A_358 = arith.index_cast %get3A_357 : i32 to index
            %get3A_359 = arith.index_cast %mul3A_356 : i32 to index
            %get3A_360 = tpu.vector_load %arg8[%get3A_358, %get3A_359] {strides = array<i32>} : memref<8x1024xf32, #tpu.memory_space<vmem>>, vector<16xf32>,
            %convert_element_type3A_361 = arith.fptosi %get3A_360 : vector<16xf32> to vector<16xi32>
            %mul3A_362 = arith.constant 16 : i32
            %mul3A_363 = arith.muli %scan3A_354, %mul3A_362 : i32
            %swap3A_364 = arith.constant 0 : i32
            %swap3A_365 = arith.index_cast %swap3A_364 : i32 to index
            %swap3A_366 = arith.index_cast %mul3A_363 : i32 to index
            %swap3A_367 = tpu.vector_load %arg10[%swap3A_365, %swap3A_366] {strides = array<i32>} : memref<8x1024xi32, #tpu.memory_space<vmem>>, vector<16xi32>,
            tpu.vector_store %arg10[%swap3A_365, %swap3A_366], %convert_element_type3A_361 {strides = array<i32>} : memref<8x1024xi32, #tpu.memory_space<vmem>>, vector<16xi32>,
            %mul3A_368 = arith.constant 16 : i32
            %mul3A_369 = arith.muli %scan3A_354, %mul3A_368 : i32
            %get3A_370 = arith.constant 1 : i32
            %get3A_371 = arith.index_cast %get3A_370 : i32 to index
            %get3A_372 = arith.index_cast %mul3A_369 : i32 to index
            %get3A_373 = tpu.vector_load %arg8[%get3A_371, %get3A_372] {strides = array<i32>} : memref<8x1024xf32, #tpu.memory_space<vmem>>, vector<16xf32>,
            %convert_element_type3A_374 = arith.fptosi %get3A_373 : vector<16xf32> to vector<16xi32>
            %mul3A_375 = arith.constant 16 : i32
            %mul3A_376 = arith.muli %scan3A_354, %mul3A_375 : i32
            %swap3A_377 = arith.constant 1 : i32
            %swap3A_378 = arith.index_cast %swap3A_377 : i32 to index
            %swap3A_379 = arith.index_cast %mul3A_376 : i32 to index
            %swap3A_380 = tpu.vector_load %arg10[%swap3A_378, %swap3A_379] {strides = array<i32>} : memref<8x1024xi32, #tpu.memory_space<vmem>>, vector<16xi32>,
            tpu.vector_store %arg10[%swap3A_378, %swap3A_379], %convert_element_type3A_374 {strides = array<i32>} : memref<8x1024xi32, #tpu.memory_space<vmem>>, vector<16xi32>,
            %mul3A_381 = arith.constant 16 : i32
            %mul3A_382 = arith.muli %scan3A_354, %mul3A_381 : i32
            %get3A_383 = arith.constant 2 : i32
            %get3A_384 = arith.index_cast %get3A_383 : i32 to index
            %get3A_385 = arith.index_cast %mul3A_382 : i32 to index
            %get3A_386 = tpu.vector_load %arg8[%get3A_384, %get3A_385] {strides = array<i32>} : memref<8x1024xf32, #tpu.memory_space<vmem>>, vector<16xf32>,
            %convert_element_type3A_387 = arith.fptosi %get3A_386 : vector<16xf32> to vector<16xi32>
            %mul3A_388 = arith.constant 16 : i32
            %mul3A_389 = arith.muli %scan3A_354, %mul3A_388 : i32
            %swap3A_390 = arith.constant 2 : i32
            %swap3A_391 = arith.index_cast %swap3A_390 : i32 to index
            %swap3A_392 = arith.index_cast %mul3A_389 : i32 to index
            %swap3A_393 = tpu.vector_load %arg10[%swap3A_391, %swap3A_392] {strides = array<i32>} : memref<8x1024xi32, #tpu.memory_space<vmem>>, vector<16xi32>,
            tpu.vector_store %arg10[%swap3A_391, %swap3A_392], %convert_element_type3A_387 {strides = array<i32>} : memref<8x1024xi32, #tpu.memory_space<vmem>>, vector<16xi32>,
            %mul3A_394 = arith.constant 16 : i32
            %mul3A_395 = arith.muli %scan3A_354, %mul3A_394 : i32
            %get3A_396 = arith.constant 3 : i32
            %get3A_397 = arith.index_cast %get3A_396 : i32 to index
            %get3A_398 = arith.index_cast %mul3A_395 : i32 to index
            %get3A_399 = tpu.vector_load %arg8[%get3A_397, %get3A_398] {strides = array<i32>} : memref<8x1024xf32, #tpu.memory_space<vmem>>, vector<16xf32>,
            %convert_element_type3A_400 = arith.fptosi %get3A_399 : vector<16xf32> to vector<16xi32>
            %mul3A_401 = arith.constant 16 : i32
            %mul3A_402 = arith.muli %scan3A_354, %mul3A_401 : i32
            %swap3A_403 = arith.constant 3 : i32
            %swap3A_404 = arith.index_cast %swap3A_403 : i32 to index
            %swap3A_405 = arith.index_cast %mul3A_402 : i32 to index
            %swap3A_406 = tpu.vector_load %arg10[%swap3A_404, %swap3A_405] {strides = array<i32>} : memref<8x1024xi32, #tpu.memory_space<vmem>>, vector<16xi32>,
            tpu.vector_store %arg10[%swap3A_404, %swap3A_405], %convert_element_type3A_400 {strides = array<i32>} : memref<8x1024xi32, #tpu.memory_space<vmem>>, vector<16xi32>,
            %mul3A_407 = arith.constant 16 : i32
            %mul3A_408 = arith.muli %scan3A_354, %mul3A_407 : i32
            %get3A_409 = arith.constant 4 : i32
            %get3A_410 = arith.index_cast %get3A_409 : i32 to index
            %get3A_411 = arith.index_cast %mul3A_408 : i32 to index
            %get3A_412 = tpu.vector_load %arg8[%get3A_410, %get3A_411] {strides = array<i32>} : memref<8x1024xf32, #tpu.memory_space<vmem>>, vector<16xf32>,
            %convert_element_type3A_413 = arith.fptosi %get3A_412 : vector<16xf32> to vector<16xi32>
            %mul3A_414 = arith.constant 16 : i32
            %mul3A_415 = arith.muli %scan3A_354, %mul3A_414 : i32
            %swap3A_416 = arith.constant 4 : i32
            %swap3A_417 = arith.index_cast %swap3A_416 : i32 to index
            %swap3A_418 = arith.index_cast %mul3A_415 : i32 to index
            %swap3A_419 = tpu.vector_load %arg10[%swap3A_417, %swap3A_418] {strides = array<i32>} : memref<8x1024xi32, #tpu.memory_space<vmem>>, vector<16xi32>,
            tpu.vector_store %arg10[%swap3A_417, %swap3A_418], %convert_element_type3A_413 {strides = array<i32>} : memref<8x1024xi32, #tpu.memory_space<vmem>>, vector<16xi32>,
            %mul3A_420 = arith.constant 16 : i32
            %mul3A_421 = arith.muli %scan3A_354, %mul3A_420 : i32
            %get3A_422 = arith.constant 5 : i32
            %get3A_423 = arith.index_cast %get3A_422 : i32 to index
            %get3A_424 = arith.index_cast %mul3A_421 : i32 to index
            %get3A_425 = tpu.vector_load %arg8[%get3A_423, %get3A_424] {strides = array<i32>} : memref<8x1024xf32, #tpu.memory_space<vmem>>, vector<16xf32>,
            %convert_element_type3A_426 = arith.fptosi %get3A_425 : vector<16xf32> to vector<16xi32>
            %mul3A_427 = arith.constant 16 : i32
            %mul3A_428 = arith.muli %scan3A_354, %mul3A_427 : i32
            %swap3A_429 = arith.constant 5 : i32
            %swap3A_430 = arith.index_cast %swap3A_429 : i32 to index
            %swap3A_431 = arith.index_cast %mul3A_428 : i32 to index
            %swap3A_432 = tpu.vector_load %arg10[%swap3A_430, %swap3A_431] {strides = array<i32>} : memref<8x1024xi32, #tpu.memory_space<vmem>>, vector<16xi32>,
            tpu.vector_store %arg10[%swap3A_430, %swap3A_431], %convert_element_type3A_426 {strides = array<i32>} : memref<8x1024xi32, #tpu.memory_space<vmem>>, vector<16xi32>,
            %mul3A_433 = arith.constant 16 : i32
            %mul3A_434 = arith.muli %scan3A_354, %mul3A_433 : i32
            %get3A_435 = arith.constant 6 : i32
            %get3A_436 = arith.index_cast %get3A_435 : i32 to index
            %get3A_437 = arith.index_cast %mul3A_434 : i32 to index
            %get3A_438 = tpu.vector_load %arg8[%get3A_436, %get3A_437] {strides = array<i32>} : memref<8x1024xf32, #tpu.memory_space<vmem>>, vector<16xf32>,
            %convert_element_type3A_439 = arith.fptosi %get3A_438 : vector<16xf32> to vector<16xi32>
            %mul3A_440 = arith.constant 16 : i32
            %mul3A_441 = arith.muli %scan3A_354, %mul3A_440 : i32
            %swap3A_442 = arith.constant 6 : i32
            %swap3A_443 = arith.index_cast %swap3A_442 : i32 to index
            %swap3A_444 = arith.index_cast %mul3A_441 : i32 to index
            %swap3A_445 = tpu.vector_load %arg10[%swap3A_443, %swap3A_444] {strides = array<i32>} : memref<8x1024xi32, #tpu.memory_space<vmem>>, vector<16xi32>,
            tpu.vector_store %arg10[%swap3A_443, %swap3A_444], %convert_element_type3A_439 {strides = array<i32>} : memref<8x1024xi32, #tpu.memory_space<vmem>>, vector<16xi32>,
            %mul3A_446 = arith.constant 16 : i32
            %mul3A_447 = arith.muli %scan3A_354, %mul3A_446 : i32
            %get3A_448 = arith.constant 7 : i32
            %get3A_449 = arith.index_cast %get3A_448 : i32 to index
            %get3A_450 = arith.index_cast %mul3A_447 : i32 to index
            %get3A_451 = tpu.vector_load %arg8[%get3A_449, %get3A_450] {strides = array<i32>} : memref<8x1024xf32, #tpu.memory_space<vmem>>, vector<16xf32>,
            %convert_element_type3A_452 = arith.fptosi %get3A_451 : vector<16xf32> to vector<16xi32>
            %mul3A_453 = arith.constant 16 : i32
            %mul3A_454 = arith.muli %scan3A_354, %mul3A_453 : i32
            %swap3A_455 = arith.constant 7 : i32
            %swap3A_456 = arith.index_cast %swap3A_455 : i32 to index
            %swap3A_457 = arith.index_cast %mul3A_454 : i32 to index
            %swap3A_458 = tpu.vector_load %arg10[%swap3A_456, %swap3A_457] {strides = array<i32>} : memref<8x1024xi32, #tpu.memory_space<vmem>>, vector<16xi32>,
            tpu.vector_store %arg10[%swap3A_456, %swap3A_457], %convert_element_type3A_452 {strides = array<i32>} : memref<8x1024xi32, #tpu.memory_space<vmem>>, vector<16xi32>,
            %scan3A_459 = arith.constant 3 : i32
            %scan3A_460 = arith.addi %scan3A_144, %scan3A_459 : i32
            %mul3A_461 = arith.constant 16 : i32
            %mul3A_462 = arith.muli %scan3A_460, %mul3A_461 : i32
            %get3A_463 = arith.constant 0 : i32
            %get3A_464 = arith.index_cast %get3A_463 : i32 to index
            %get3A_465 = arith.index_cast %mul3A_462 : i32 to index
            %get3A_466 = tpu.vector_load %arg8[%get3A_464, %get3A_465] {strides = array<i32>} : memref<8x1024xf32, #tpu.memory_space<vmem>>, vector<16xf32>,
            %convert_element_type3A_467 = arith.fptosi %get3A_466 : vector<16xf32> to vector<16xi32>
            %mul3A_468 = arith.constant 16 : i32
            %mul3A_469 = arith.muli %scan3A_460, %mul3A_468 : i32
            %swap3A_470 = arith.constant 0 : i32
            %swap3A_471 = arith.index_cast %swap3A_470 : i32 to index
            %swap3A_472 = arith.index_cast %mul3A_469 : i32 to index
            %swap3A_473 = tpu.vector_load %arg10[%swap3A_471, %swap3A_472] {strides = array<i32>} : memref<8x1024xi32, #tpu.memory_space<vmem>>, vector<16xi32>,
            tpu.vector_store %arg10[%swap3A_471, %swap3A_472], %convert_element_type3A_467 {strides = array<i32>} : memref<8x1024xi32, #tpu.memory_space<vmem>>, vector<16xi32>,
            %mul3A_474 = arith.constant 16 : i32
            %mul3A_475 = arith.muli %scan3A_460, %mul3A_474 : i32
            %get3A_476 = arith.constant 1 : i32
            %get3A_477 = arith.index_cast %get3A_476 : i32 to index
            %get3A_478 = arith.index_cast %mul3A_475 : i32 to index
            %get3A_479 = tpu.vector_load %arg8[%get3A_477, %get3A_478] {strides = array<i32>} : memref<8x1024xf32, #tpu.memory_space<vmem>>, vector<16xf32>,
            %convert_element_type3A_480 = arith.fptosi %get3A_479 : vector<16xf32> to vector<16xi32>
            %mul3A_481 = arith.constant 16 : i32
            %mul3A_482 = arith.muli %scan3A_460, %mul3A_481 : i32
            %swap3A_483 = arith.constant 1 : i32
            %swap3A_484 = arith.index_cast %swap3A_483 : i32 to index
            %swap3A_485 = arith.index_cast %mul3A_482 : i32 to index
            %swap3A_486 = tpu.vector_load %arg10[%swap3A_484, %swap3A_485] {strides = array<i32>} : memref<8x1024xi32, #tpu.memory_space<vmem>>, vector<16xi32>,
            tpu.vector_store %arg10[%swap3A_484, %swap3A_485], %convert_element_type3A_480 {strides = array<i32>} : memref<8x1024xi32, #tpu.memory_space<vmem>>, vector<16xi32>,
            %mul3A_487 = arith.constant 16 : i32
            %mul3A_488 = arith.muli %scan3A_460, %mul3A_487 : i32
            %get3A_489 = arith.constant 2 : i32
            %get3A_490 = arith.index_cast %get3A_489 : i32 to index
            %get3A_491 = arith.index_cast %mul3A_488 : i32 to index
            %get3A_492 = tpu.vector_load %arg8[%get3A_490, %get3A_491] {strides = array<i32>} : memref<8x1024xf32, #tpu.memory_space<vmem>>, vector<16xf32>,
            %convert_element_type3A_493 = arith.fptosi %get3A_492 : vector<16xf32> to vector<16xi32>
            %mul3A_494 = arith.constant 16 : i32
            %mul3A_495 = arith.muli %scan3A_460, %mul3A_494 : i32
            %swap3A_496 = arith.constant 2 : i32
            %swap3A_497 = arith.index_cast %swap3A_496 : i32 to index
            %swap3A_498 = arith.index_cast %mul3A_495 : i32 to index
            %swap3A_499 = tpu.vector_load %arg10[%swap3A_497, %swap3A_498] {strides = array<i32>} : memref<8x1024xi32, #tpu.memory_space<vmem>>, vector<16xi32>,
            tpu.vector_store %arg10[%swap3A_497, %swap3A_498], %convert_element_type3A_493 {strides = array<i32>} : memref<8x1024xi32, #tpu.memory_space<vmem>>, vector<16xi32>,
            %mul3A_500 = arith.constant 16 : i32
            %mul3A_501 = arith.muli %scan3A_460, %mul3A_500 : i32
            %get3A_502 = arith.constant 3 : i32
            %get3A_503 = arith.index_cast %get3A_502 : i32 to index
            %get3A_504 = arith.index_cast %mul3A_501 : i32 to index
            %get3A_505 = tpu.vector_load %arg8[%get3A_503, %get3A_504] {strides = array<i32>} : memref<8x1024xf32, #tpu.memory_space<vmem>>, vector<16xf32>,
            %convert_element_type3A_506 = arith.fptosi %get3A_505 : vector<16xf32> to vector<16xi32>
            %mul3A_507 = arith.constant 16 : i32
            %mul3A_508 = arith.muli %scan3A_460, %mul3A_507 : i32
            %swap3A_509 = arith.constant 3 : i32
            %swap3A_510 = arith.index_cast %swap3A_509 : i32 to index
            %swap3A_511 = arith.index_cast %mul3A_508 : i32 to index
            %swap3A_512 = tpu.vector_load %arg10[%swap3A_510, %swap3A_511] {strides = array<i32>} : memref<8x1024xi32, #tpu.memory_space<vmem>>, vector<16xi32>,
            tpu.vector_store %arg10[%swap3A_510, %swap3A_511], %convert_element_type3A_506 {strides = array<i32>} : memref<8x1024xi32, #tpu.memory_space<vmem>>, vector<16xi32>,
            %mul3A_513 = arith.constant 16 : i32
            %mul3A_514 = arith.muli %scan3A_460, %mul3A_513 : i32
            %get3A_515 = arith.constant 4 : i32
            %get3A_516 = arith.index_cast %get3A_515 : i32 to index
            %get3A_517 = arith.index_cast %mul3A_514 : i32 to index
            %get3A_518 = tpu.vector_load %arg8[%get3A_516, %get3A_517] {strides = array<i32>} : memref<8x1024xf32, #tpu.memory_space<vmem>>, vector<16xf32>,
            %convert_element_type3A_519 = arith.fptosi %get3A_518 : vector<16xf32> to vector<16xi32>
            %mul3A_520 = arith.constant 16 : i32
            %mul3A_521 = arith.muli %scan3A_460, %mul3A_520 : i32
            %swap3A_522 = arith.constant 4 : i32
            %swap3A_523 = arith.index_cast %swap3A_522 : i32 to index
            %swap3A_524 = arith.index_cast %mul3A_521 : i32 to index
            %swap3A_525 = tpu.vector_load %arg10[%swap3A_523, %swap3A_524] {strides = array<i32>} : memref<8x1024xi32, #tpu.memory_space<vmem>>, vector<16xi32>,
            tpu.vector_store %arg10[%swap3A_523, %swap3A_524], %convert_element_type3A_519 {strides = array<i32>} : memref<8x1024xi32, #tpu.memory_space<vmem>>, vector<16xi32>,
            %mul3A_526 = arith.constant 16 : i32
            %mul3A_527 = arith.muli %scan3A_460, %mul3A_526 : i32
            %get3A_528 = arith.constant 5 : i32
            %get3A_529 = arith.index_cast %get3A_528 : i32 to index
            %get3A_530 = arith.index_cast %mul3A_527 : i32 to index
            %get3A_531 = tpu.vector_load %arg8[%get3A_529, %get3A_530] {strides = array<i32>} : memref<8x1024xf32, #tpu.memory_space<vmem>>, vector<16xf32>,
            %convert_element_type3A_532 = arith.fptosi %get3A_531 : vector<16xf32> to vector<16xi32>
            %mul3A_533 = arith.constant 16 : i32
            %mul3A_534 = arith.muli %scan3A_460, %mul3A_533 : i32
            %swap3A_535 = arith.constant 5 : i32
            %swap3A_536 = arith.index_cast %swap3A_535 : i32 to index
            %swap3A_537 = arith.index_cast %mul3A_534 : i32 to index
            %swap3A_538 = tpu.vector_load %arg10[%swap3A_536, %swap3A_537] {strides = array<i32>} : memref<8x1024xi32, #tpu.memory_space<vmem>>, vector<16xi32>,
            tpu.vector_store %arg10[%swap3A_536, %swap3A_537], %convert_element_type3A_532 {strides = array<i32>} : memref<8x1024xi32, #tpu.memory_space<vmem>>, vector<16xi32>,
            %mul3A_539 = arith.constant 16 : i32
            %mul3A_540 = arith.muli %scan3A_460, %mul3A_539 : i32
            %get3A_541 = arith.constant 6 : i32
            %get3A_542 = arith.index_cast %get3A_541 : i32 to index
            %get3A_543 = arith.index_cast %mul3A_540 : i32 to index
            %get3A_544 = tpu.vector_load %arg8[%get3A_542, %get3A_543] {strides = array<i32>} : memref<8x1024xf32, #tpu.memory_space<vmem>>, vector<16xf32>,
            %convert_element_type3A_545 = arith.fptosi %get3A_544 : vector<16xf32> to vector<16xi32>
            %mul3A_546 = arith.constant 16 : i32
            %mul3A_547 = arith.muli %scan3A_460, %mul3A_546 : i32
            %swap3A_548 = arith.constant 6 : i32
            %swap3A_549 = arith.index_cast %swap3A_548 : i32 to index
            %swap3A_550 = arith.index_cast %mul3A_547 : i32 to index
            %swap3A_551 = tpu.vector_load %arg10[%swap3A_549, %swap3A_550] {strides = array<i32>} : memref<8x1024xi32, #tpu.memory_space<vmem>>, vector<16xi32>,
            tpu.vector_store %arg10[%swap3A_549, %swap3A_550], %convert_element_type3A_545 {strides = array<i32>} : memref<8x1024xi32, #tpu.memory_space<vmem>>, vector<16xi32>,
            %mul3A_552 = arith.constant 16 : i32
            %mul3A_553 = arith.muli %scan3A_460, %mul3A_552 : i32
            %get3A_554 = arith.constant 7 : i32
            %get3A_555 = arith.index_cast %get3A_554 : i32 to index
            %get3A_556 = arith.index_cast %mul3A_553 : i32 to index
            %get3A_557 = tpu.vector_load %arg8[%get3A_555, %get3A_556] {strides = array<i32>} : memref<8x1024xf32, #tpu.memory_space<vmem>>, vector<16xf32>,
            %convert_element_type3A_558 = arith.fptosi %get3A_557 : vector<16xf32> to vector<16xi32>
            %mul3A_559 = arith.constant 16 : i32
            %mul3A_560 = arith.muli %scan3A_460, %mul3A_559 : i32
            %swap3A_561 = arith.constant 7 : i32
            %swap3A_562 = arith.index_cast %swap3A_561 : i32 to index
            %swap3A_563 = arith.index_cast %mul3A_560 : i32 to index
            %swap3A_564 = tpu.vector_load %arg10[%swap3A_562, %swap3A_563] {strides = array<i32>} : memref<8x1024xi32, #tpu.memory_space<vmem>>, vector<16xi32>,
            tpu.vector_store %arg10[%swap3A_562, %swap3A_563], %convert_element_type3A_558 {strides = array<i32>} : memref<8x1024xi32, #tpu.memory_space<vmem>>, vector<16xi32>,
          }
          %scan3A_125 = arith.constant 64 : i32
          %and3A_126 = arith.constant 15 : i32
          %and3A_127 = arith.andi %add3A, %and3A_126 : i32
          %mul3A_128 = arith.constant 25 : i32
          %mul3A_129 = arith.muli %and3A_127, %mul3A_128 : i32
          %add3A_130 = arith.addi %mul3A_129, %scan3A_78 : i32
          %shift_right_arithmetic3A_131 = arith.constant 4 : i32
          %shift_right_arithmetic3A_132 = arith.shrsi %add3A_130, %shift_right_arithmetic3A_131 : i32
          %mul3A_133 = arith.constant 8 : i32
          %mul3A_134 = arith.muli %shift_right_arithmetic3A_132, %mul3A_133 : i32
          %and3A_135 = arith.constant 15 : i32
          %and3A_136 = arith.andi %add3A_130, %and3A_135 : i32
          %mul3A_137 = arith.constant 1024 : i32
          %mul3A_138 = arith.muli %and3A_136, %mul3A_137 : i32
          %dma_start3A_139 = arith.constant 0 : i32
          %dma_start3A_140 = tpu.memref_slice %arg5[%mul3A_134, %dma_start3A_139, %mul3A_138] : memref<200x1x16384xi32, #tpu.memory_space<hbm>> -> memref<8x1x1024xi32, #tpu.memory_space<hbm>>
          %dma_start3A_141 = tpu.memref_squeeze %dma_start3A_140 : memref<8x1x1024xi32, #tpu.memory_space<hbm>> -> memref<8x1024xi32, #tpu.memory_space<hbm>>
          %dma_start3A_142 = tpu.memref_slice %arg5[%mul3A_134, %dma_start3A_139, %mul3A_138] : memref<200x1x16384xi32, #tpu.memory_space<hbm>> -> memref<8x1x1024xi32, #tpu.memory_space<hbm>>
          %dma_start3A_143 = tpu.memref_squeeze %dma_start3A_142 : memref<8x1x1024xi32, #tpu.memory_space<hbm>> -> memref<8x1024xi32, #tpu.memory_space<hbm>>
          tpu.enqueue_dma source(%arg10 : memref<8x1024xi32, #tpu.memory_space<vmem>>) target(%dma_start3A_143 : memref<8x1024xi32, #tpu.memory_space<hbm>>) target_semaphore(%arg14 : memref<!tpu.dma_semaphore, #tpu.memory_space<semaphore_mem>>)
        } else {
        }
        %and3A_85 = arith.constant 1 : i32
        %and3A_86 = arith.andi %scan3A_78, %and3A_85 : i32
        %eq3A_87 = arith.constant 1 : i32
        %eq3A_88 = arith.cmpi eq, %and3A_86, %eq3A_87 : i32
        %convert_element_type3A_89 = arith.extui %eq3A_88 : i1 to i32
        %cond3A_90 = arith.constant 0 : i32
        %cond3A_91 = arith.cmpi ne, %convert_element_type3A_89, %cond3A_90 : i32
        scf.if %cond3A_91 {
          %and3A_92 = arith.constant 15 : i32
          %and3A_93 = arith.andi %add3A, %and3A_92 : i32
          %mul3A_94 = arith.constant 25 : i32
          %mul3A_95 = arith.muli %and3A_93, %mul3A_94 : i32
          %add3A_96 = arith.addi %mul3A_95, %scan3A_78 : i32
          %shift_right_arithmetic3A_97 = arith.constant 4 : i32
          %shift_right_arithmetic3A_98 = arith.shrsi %add3A_96, %shift_right_arithmetic3A_97 : i32
          %mul3A_99 = arith.constant 8 : i32
          %mul3A_100 = arith.muli %shift_right_arithmetic3A_98, %mul3A_99 : i32
          %and3A_101 = arith.constant 15 : i32
          %and3A_102 = arith.andi %add3A_96, %and3A_101 : i32
          %mul3A_103 = arith.constant 1024 : i32
          %mul3A_104 = arith.muli %and3A_102, %mul3A_103 : i32
          %dma_wait3A_105 = arith.constant 5 : i32
          %dma_wait3A_106 = tpu.memref_slice %arg2[%dma_wait3A_105, %mul3A_100, %mul3A_104] : memref<9x200x16384xf32, #tpu.memory_space<hbm>> -> memref<1x8x1024xf32, #tpu.memory_space<hbm>>
          %dma_wait3A_107 = tpu.memref_squeeze %dma_wait3A_106 : memref<1x8x1024xf32, #tpu.memory_space<hbm>> -> memref<8x1024xf32, #tpu.memory_space<hbm>>
          %dma_wait3A_108 = tpu.memref_slice %arg2[%dma_wait3A_105, %mul3A_100, %mul3A_104] : memref<9x200x16384xf32, #tpu.memory_space<hbm>> -> memref<1x8x1024xf32, #tpu.memory_space<hbm>>
          %dma_wait3A_109 = tpu.memref_squeeze %dma_wait3A_108 : memref<1x8x1024xf32, #tpu.memory_space<hbm>> -> memref<8x1024xf32, #tpu.memory_space<hbm>>
          tpu.wait_dma2 semaphore(%arg13 : memref<!tpu.dma_semaphore, #tpu.memory_space<semaphore_mem>>) src(%dma_wait3A_109 : memref<8x1024xf32, #tpu.memory_space<hbm>>) dst(%arg9 : memref<8x1024xf32, #tpu.memory_space<vmem>>)
          %lt3A_110 = arith.constant 24 : i32
          %lt3A_111 = arith.cmpi slt, %scan3A_78, %lt3A_110 : i32
          %convert_element_type3A_112 = arith.extui %lt3A_111 : i1 to i32
          %cond3A_113 = arith.constant 0 : i32
          %cond3A_114 = arith.cmpi ne, %convert_element_type3A_112, %cond3A_113 : i32
          scf.if %cond3A_114 {
            %add3A_144 = arith.constant 1 : i32
            %add3A_145 = arith.addi %scan3A_78, %add3A_144 : i32
            %and3A_146 = arith.constant 15 : i32
            %and3A_147 = arith.andi %add3A, %and3A_146 : i32
            %mul3A_148 = arith.constant 25 : i32
            %mul3A_149 = arith.muli %and3A_147, %mul3A_148 : i32
            %add3A_150 = arith.addi %mul3A_149, %add3A_145 : i32
            %shift_right_arithmetic3A_151 = arith.constant 4 : i32
            %shift_right_arithmetic3A_152 = arith.shrsi %add3A_150, %shift_right_arithmetic3A_151 : i32
            %mul3A_153 = arith.constant 8 : i32
            %mul3A_154 = arith.muli %shift_right_arithmetic3A_152, %mul3A_153 : i32
            %and3A_155 = arith.constant 15 : i32
            %and3A_156 = arith.andi %add3A_150, %and3A_155 : i32
            %mul3A_157 = arith.constant 1024 : i32
            %mul3A_158 = arith.muli %and3A_156, %mul3A_157 : i32
            %dma_start3A_159 = arith.constant 5 : i32
            %dma_start3A_160 = tpu.memref_slice %arg2[%dma_start3A_159, %mul3A_154, %mul3A_158] : memref<9x200x16384xf32, #tpu.memory_space<hbm>> -> memref<1x8x1024xf32, #tpu.memory_space<hbm>>
            %dma_start3A_161 = tpu.memref_squeeze %dma_start3A_160 : memref<1x8x1024xf32, #tpu.memory_space<hbm>> -> memref<8x1024xf32, #tpu.memory_space<hbm>>
            %dma_start3A_162 = tpu.memref_slice %arg2[%dma_start3A_159, %mul3A_154, %mul3A_158] : memref<9x200x16384xf32, #tpu.memory_space<hbm>> -> memref<1x8x1024xf32, #tpu.memory_space<hbm>>
            %dma_start3A_163 = tpu.memref_squeeze %dma_start3A_162 : memref<1x8x1024xf32, #tpu.memory_space<hbm>> -> memref<8x1024xf32, #tpu.memory_space<hbm>>
            tpu.enqueue_dma source(%dma_start3A_163 : memref<8x1024xf32, #tpu.memory_space<hbm>>) target(%arg8 : memref<8x1024xf32, #tpu.memory_space<vmem>>) target_semaphore(%arg12 : memref<!tpu.dma_semaphore, #tpu.memory_space<semaphore_mem>>)
          } else {
          }
          %ge3A_115 = arith.constant 2 : i32
          %ge3A_116 = arith.cmpi sge, %scan3A_78, %ge3A_115 : i32
          %convert_element_type3A_117 = arith.extui %ge3A_116 : i1 to i32
          %cond3A_118 = arith.constant 0 : i32
          %cond3A_119 = arith.cmpi ne, %convert_element_type3A_117, %cond3A_118 : i32
          scf.if %cond3A_119 {
            %sub3A = arith.constant 2 : i32
            %sub3A_144 = arith.subi %scan3A_78, %sub3A : i32
            %and3A_145 = arith.constant 15 : i32
            %and3A_146 = arith.andi %add3A, %and3A_145 : i32
            %mul3A_147 = arith.constant 25 : i32
            %mul3A_148 = arith.muli %and3A_146, %mul3A_147 : i32
            %add3A_149 = arith.addi %mul3A_148, %sub3A_144 : i32
            %shift_right_arithmetic3A_150 = arith.constant 4 : i32
            %shift_right_arithmetic3A_151 = arith.shrsi %add3A_149, %shift_right_arithmetic3A_150 : i32
            %mul3A_152 = arith.constant 8 : i32
            %mul3A_153 = arith.muli %shift_right_arithmetic3A_151, %mul3A_152 : i32
            %and3A_154 = arith.constant 15 : i32
            %and3A_155 = arith.andi %add3A_149, %and3A_154 : i32
            %mul3A_156 = arith.constant 1024 : i32
            %mul3A_157 = arith.muli %and3A_155, %mul3A_156 : i32
            %dma_wait3A_158 = arith.constant 0 : i32
            %dma_wait3A_159 = tpu.memref_slice %arg5[%mul3A_153, %dma_wait3A_158, %mul3A_157] : memref<200x1x16384xi32, #tpu.memory_space<hbm>> -> memref<8x1x1024xi32, #tpu.memory_space<hbm>>
            %dma_wait3A_160 = tpu.memref_squeeze %dma_wait3A_159 : memref<8x1x1024xi32, #tpu.memory_space<hbm>> -> memref<8x1024xi32, #tpu.memory_space<hbm>>
            %dma_wait3A_161 = tpu.memref_slice %arg5[%mul3A_153, %dma_wait3A_158, %mul3A_157] : memref<200x1x16384xi32, #tpu.memory_space<hbm>> -> memref<8x1x1024xi32, #tpu.memory_space<hbm>>
            %dma_wait3A_162 = tpu.memref_squeeze %dma_wait3A_161 : memref<8x1x1024xi32, #tpu.memory_space<hbm>> -> memref<8x1024xi32, #tpu.memory_space<hbm>>
            tpu.wait_dma2 semaphore(%arg15 : memref<!tpu.dma_semaphore, #tpu.memory_space<semaphore_mem>>) src(%arg11 : memref<8x1024xi32, #tpu.memory_space<vmem>>) dst(%dma_wait3A_162 : memref<8x1024xi32, #tpu.memory_space<hbm>>)
          } else {
          }
          %scan3A_120 = arith.constant 0 : i32
          %scan3A_121 = arith.constant 0 : i32
          %scan3A_122 = arith.constant 64 : i32
          %scan3A_123 = arith.addi %scan3A_121, %scan3A_122 : i32
          %scan3A_124 = arith.constant 4 : i32
          scf.for %scan3A_144 = %scan3A_121 to %scan3A_123 step %scan3A_124  : i32 {
            %mul3A_145 = arith.constant 16 : i32
            %mul3A_146 = arith.muli %scan3A_144, %mul3A_145 : i32
            %get3A = arith.constant 0 : i32
            %get3A_147 = arith.index_cast %get3A : i32 to index
            %get3A_148 = arith.index_cast %mul3A_146 : i32 to index
            %get3A_149 = tpu.vector_load %arg9[%get3A_147, %get3A_148] {strides = array<i32>} : memref<8x1024xf32, #tpu.memory_space<vmem>>, vector<16xf32>,
            %convert_element_type3A_150 = arith.fptosi %get3A_149 : vector<16xf32> to vector<16xi32>
            %mul3A_151 = arith.constant 16 : i32
            %mul3A_152 = arith.muli %scan3A_144, %mul3A_151 : i32
            %swap3A = arith.constant 0 : i32
            %swap3A_153 = arith.index_cast %swap3A : i32 to index
            %swap3A_154 = arith.index_cast %mul3A_152 : i32 to index
            %swap3A_155 = tpu.vector_load %arg11[%swap3A_153, %swap3A_154] {strides = array<i32>} : memref<8x1024xi32, #tpu.memory_space<vmem>>, vector<16xi32>,
            tpu.vector_store %arg11[%swap3A_153, %swap3A_154], %convert_element_type3A_150 {strides = array<i32>} : memref<8x1024xi32, #tpu.memory_space<vmem>>, vector<16xi32>,
            %mul3A_156 = arith.constant 16 : i32
            %mul3A_157 = arith.muli %scan3A_144, %mul3A_156 : i32
            %get3A_158 = arith.constant 1 : i32
            %get3A_159 = arith.index_cast %get3A_158 : i32 to index
            %get3A_160 = arith.index_cast %mul3A_157 : i32 to index
            %get3A_161 = tpu.vector_load %arg9[%get3A_159, %get3A_160] {strides = array<i32>} : memref<8x1024xf32, #tpu.memory_space<vmem>>, vector<16xf32>,
            %convert_element_type3A_162 = arith.fptosi %get3A_161 : vector<16xf32> to vector<16xi32>
            %mul3A_163 = arith.constant 16 : i32
            %mul3A_164 = arith.muli %scan3A_144, %mul3A_163 : i32
            %swap3A_165 = arith.constant 1 : i32
            %swap3A_166 = arith.index_cast %swap3A_165 : i32 to index
            %swap3A_167 = arith.index_cast %mul3A_164 : i32 to index
            %swap3A_168 = tpu.vector_load %arg11[%swap3A_166, %swap3A_167] {strides = array<i32>} : memref<8x1024xi32, #tpu.memory_space<vmem>>, vector<16xi32>,
            tpu.vector_store %arg11[%swap3A_166, %swap3A_167], %convert_element_type3A_162 {strides = array<i32>} : memref<8x1024xi32, #tpu.memory_space<vmem>>, vector<16xi32>,
            %mul3A_169 = arith.constant 16 : i32
            %mul3A_170 = arith.muli %scan3A_144, %mul3A_169 : i32
            %get3A_171 = arith.constant 2 : i32
            %get3A_172 = arith.index_cast %get3A_171 : i32 to index
            %get3A_173 = arith.index_cast %mul3A_170 : i32 to index
            %get3A_174 = tpu.vector_load %arg9[%get3A_172, %get3A_173] {strides = array<i32>} : memref<8x1024xf32, #tpu.memory_space<vmem>>, vector<16xf32>,
            %convert_element_type3A_175 = arith.fptosi %get3A_174 : vector<16xf32> to vector<16xi32>
            %mul3A_176 = arith.constant 16 : i32
            %mul3A_177 = arith.muli %scan3A_144, %mul3A_176 : i32
            %swap3A_178 = arith.constant 2 : i32
            %swap3A_179 = arith.index_cast %swap3A_178 : i32 to index
            %swap3A_180 = arith.index_cast %mul3A_177 : i32 to index
            %swap3A_181 = tpu.vector_load %arg11[%swap3A_179, %swap3A_180] {strides = array<i32>} : memref<8x1024xi32, #tpu.memory_space<vmem>>, vector<16xi32>,
            tpu.vector_store %arg11[%swap3A_179, %swap3A_180], %convert_element_type3A_175 {strides = array<i32>} : memref<8x1024xi32, #tpu.memory_space<vmem>>, vector<16xi32>,
            %mul3A_182 = arith.constant 16 : i32
            %mul3A_183 = arith.muli %scan3A_144, %mul3A_182 : i32
            %get3A_184 = arith.constant 3 : i32
            %get3A_185 = arith.index_cast %get3A_184 : i32 to index
            %get3A_186 = arith.index_cast %mul3A_183 : i32 to index
            %get3A_187 = tpu.vector_load %arg9[%get3A_185, %get3A_186] {strides = array<i32>} : memref<8x1024xf32, #tpu.memory_space<vmem>>, vector<16xf32>,
            %convert_element_type3A_188 = arith.fptosi %get3A_187 : vector<16xf32> to vector<16xi32>
            %mul3A_189 = arith.constant 16 : i32
            %mul3A_190 = arith.muli %scan3A_144, %mul3A_189 : i32
            %swap3A_191 = arith.constant 3 : i32
            %swap3A_192 = arith.index_cast %swap3A_191 : i32 to index
            %swap3A_193 = arith.index_cast %mul3A_190 : i32 to index
            %swap3A_194 = tpu.vector_load %arg11[%swap3A_192, %swap3A_193] {strides = array<i32>} : memref<8x1024xi32, #tpu.memory_space<vmem>>, vector<16xi32>,
            tpu.vector_store %arg11[%swap3A_192, %swap3A_193], %convert_element_type3A_188 {strides = array<i32>} : memref<8x1024xi32, #tpu.memory_space<vmem>>, vector<16xi32>,
            %mul3A_195 = arith.constant 16 : i32
            %mul3A_196 = arith.muli %scan3A_144, %mul3A_195 : i32
            %get3A_197 = arith.constant 4 : i32
            %get3A_198 = arith.index_cast %get3A_197 : i32 to index
            %get3A_199 = arith.index_cast %mul3A_196 : i32 to index
            %get3A_200 = tpu.vector_load %arg9[%get3A_198, %get3A_199] {strides = array<i32>} : memref<8x1024xf32, #tpu.memory_space<vmem>>, vector<16xf32>,
            %convert_element_type3A_201 = arith.fptosi %get3A_200 : vector<16xf32> to vector<16xi32>
            %mul3A_202 = arith.constant 16 : i32
            %mul3A_203 = arith.muli %scan3A_144, %mul3A_202 : i32
            %swap3A_204 = arith.constant 4 : i32
            %swap3A_205 = arith.index_cast %swap3A_204 : i32 to index
            %swap3A_206 = arith.index_cast %mul3A_203 : i32 to index
            %swap3A_207 = tpu.vector_load %arg11[%swap3A_205, %swap3A_206] {strides = array<i32>} : memref<8x1024xi32, #tpu.memory_space<vmem>>, vector<16xi32>,
            tpu.vector_store %arg11[%swap3A_205, %swap3A_206], %convert_element_type3A_201 {strides = array<i32>} : memref<8x1024xi32, #tpu.memory_space<vmem>>, vector<16xi32>,
            %mul3A_208 = arith.constant 16 : i32
            %mul3A_209 = arith.muli %scan3A_144, %mul3A_208 : i32
            %get3A_210 = arith.constant 5 : i32
            %get3A_211 = arith.index_cast %get3A_210 : i32 to index
            %get3A_212 = arith.index_cast %mul3A_209 : i32 to index
            %get3A_213 = tpu.vector_load %arg9[%get3A_211, %get3A_212] {strides = array<i32>} : memref<8x1024xf32, #tpu.memory_space<vmem>>, vector<16xf32>,
            %convert_element_type3A_214 = arith.fptosi %get3A_213 : vector<16xf32> to vector<16xi32>
            %mul3A_215 = arith.constant 16 : i32
            %mul3A_216 = arith.muli %scan3A_144, %mul3A_215 : i32
            %swap3A_217 = arith.constant 5 : i32
            %swap3A_218 = arith.index_cast %swap3A_217 : i32 to index
            %swap3A_219 = arith.index_cast %mul3A_216 : i32 to index
            %swap3A_220 = tpu.vector_load %arg11[%swap3A_218, %swap3A_219] {strides = array<i32>} : memref<8x1024xi32, #tpu.memory_space<vmem>>, vector<16xi32>,
            tpu.vector_store %arg11[%swap3A_218, %swap3A_219], %convert_element_type3A_214 {strides = array<i32>} : memref<8x1024xi32, #tpu.memory_space<vmem>>, vector<16xi32>,
            %mul3A_221 = arith.constant 16 : i32
            %mul3A_222 = arith.muli %scan3A_144, %mul3A_221 : i32
            %get3A_223 = arith.constant 6 : i32
            %get3A_224 = arith.index_cast %get3A_223 : i32 to index
            %get3A_225 = arith.index_cast %mul3A_222 : i32 to index
            %get3A_226 = tpu.vector_load %arg9[%get3A_224, %get3A_225] {strides = array<i32>} : memref<8x1024xf32, #tpu.memory_space<vmem>>, vector<16xf32>,
            %convert_element_type3A_227 = arith.fptosi %get3A_226 : vector<16xf32> to vector<16xi32>
            %mul3A_228 = arith.constant 16 : i32
            %mul3A_229 = arith.muli %scan3A_144, %mul3A_228 : i32
            %swap3A_230 = arith.constant 6 : i32
            %swap3A_231 = arith.index_cast %swap3A_230 : i32 to index
            %swap3A_232 = arith.index_cast %mul3A_229 : i32 to index
            %swap3A_233 = tpu.vector_load %arg11[%swap3A_231, %swap3A_232] {strides = array<i32>} : memref<8x1024xi32, #tpu.memory_space<vmem>>, vector<16xi32>,
            tpu.vector_store %arg11[%swap3A_231, %swap3A_232], %convert_element_type3A_227 {strides = array<i32>} : memref<8x1024xi32, #tpu.memory_space<vmem>>, vector<16xi32>,
            %mul3A_234 = arith.constant 16 : i32
            %mul3A_235 = arith.muli %scan3A_144, %mul3A_234 : i32
            %get3A_236 = arith.constant 7 : i32
            %get3A_237 = arith.index_cast %get3A_236 : i32 to index
            %get3A_238 = arith.index_cast %mul3A_235 : i32 to index
            %get3A_239 = tpu.vector_load %arg9[%get3A_237, %get3A_238] {strides = array<i32>} : memref<8x1024xf32, #tpu.memory_space<vmem>>, vector<16xf32>,
            %convert_element_type3A_240 = arith.fptosi %get3A_239 : vector<16xf32> to vector<16xi32>
            %mul3A_241 = arith.constant 16 : i32
            %mul3A_242 = arith.muli %scan3A_144, %mul3A_241 : i32
            %swap3A_243 = arith.constant 7 : i32
            %swap3A_244 = arith.index_cast %swap3A_243 : i32 to index
            %swap3A_245 = arith.index_cast %mul3A_242 : i32 to index
            %swap3A_246 = tpu.vector_load %arg11[%swap3A_244, %swap3A_245] {strides = array<i32>} : memref<8x1024xi32, #tpu.memory_space<vmem>>, vector<16xi32>,
            tpu.vector_store %arg11[%swap3A_244, %swap3A_245], %convert_element_type3A_240 {strides = array<i32>} : memref<8x1024xi32, #tpu.memory_space<vmem>>, vector<16xi32>,
            %scan3A_247 = arith.constant 1 : i32
            %scan3A_248 = arith.addi %scan3A_144, %scan3A_247 : i32
            %mul3A_249 = arith.constant 16 : i32
            %mul3A_250 = arith.muli %scan3A_248, %mul3A_249 : i32
            %get3A_251 = arith.constant 0 : i32
            %get3A_252 = arith.index_cast %get3A_251 : i32 to index
            %get3A_253 = arith.index_cast %mul3A_250 : i32 to index
            %get3A_254 = tpu.vector_load %arg9[%get3A_252, %get3A_253] {strides = array<i32>} : memref<8x1024xf32, #tpu.memory_space<vmem>>, vector<16xf32>,
            %convert_element_type3A_255 = arith.fptosi %get3A_254 : vector<16xf32> to vector<16xi32>
            %mul3A_256 = arith.constant 16 : i32
            %mul3A_257 = arith.muli %scan3A_248, %mul3A_256 : i32
            %swap3A_258 = arith.constant 0 : i32
            %swap3A_259 = arith.index_cast %swap3A_258 : i32 to index
            %swap3A_260 = arith.index_cast %mul3A_257 : i32 to index
            %swap3A_261 = tpu.vector_load %arg11[%swap3A_259, %swap3A_260] {strides = array<i32>} : memref<8x1024xi32, #tpu.memory_space<vmem>>, vector<16xi32>,
            tpu.vector_store %arg11[%swap3A_259, %swap3A_260], %convert_element_type3A_255 {strides = array<i32>} : memref<8x1024xi32, #tpu.memory_space<vmem>>, vector<16xi32>,
            %mul3A_262 = arith.constant 16 : i32
            %mul3A_263 = arith.muli %scan3A_248, %mul3A_262 : i32
            %get3A_264 = arith.constant 1 : i32
            %get3A_265 = arith.index_cast %get3A_264 : i32 to index
            %get3A_266 = arith.index_cast %mul3A_263 : i32 to index
            %get3A_267 = tpu.vector_load %arg9[%get3A_265, %get3A_266] {strides = array<i32>} : memref<8x1024xf32, #tpu.memory_space<vmem>>, vector<16xf32>,
            %convert_element_type3A_268 = arith.fptosi %get3A_267 : vector<16xf32> to vector<16xi32>
            %mul3A_269 = arith.constant 16 : i32
            %mul3A_270 = arith.muli %scan3A_248, %mul3A_269 : i32
            %swap3A_271 = arith.constant 1 : i32
            %swap3A_272 = arith.index_cast %swap3A_271 : i32 to index
            %swap3A_273 = arith.index_cast %mul3A_270 : i32 to index
            %swap3A_274 = tpu.vector_load %arg11[%swap3A_272, %swap3A_273] {strides = array<i32>} : memref<8x1024xi32, #tpu.memory_space<vmem>>, vector<16xi32>,
            tpu.vector_store %arg11[%swap3A_272, %swap3A_273], %convert_element_type3A_268 {strides = array<i32>} : memref<8x1024xi32, #tpu.memory_space<vmem>>, vector<16xi32>,
            %mul3A_275 = arith.constant 16 : i32
            %mul3A_276 = arith.muli %scan3A_248, %mul3A_275 : i32
            %get3A_277 = arith.constant 2 : i32
            %get3A_278 = arith.index_cast %get3A_277 : i32 to index
            %get3A_279 = arith.index_cast %mul3A_276 : i32 to index
            %get3A_280 = tpu.vector_load %arg9[%get3A_278, %get3A_279] {strides = array<i32>} : memref<8x1024xf32, #tpu.memory_space<vmem>>, vector<16xf32>,
            %convert_element_type3A_281 = arith.fptosi %get3A_280 : vector<16xf32> to vector<16xi32>
            %mul3A_282 = arith.constant 16 : i32
            %mul3A_283 = arith.muli %scan3A_248, %mul3A_282 : i32
            %swap3A_284 = arith.constant 2 : i32
            %swap3A_285 = arith.index_cast %swap3A_284 : i32 to index
            %swap3A_286 = arith.index_cast %mul3A_283 : i32 to index
            %swap3A_287 = tpu.vector_load %arg11[%swap3A_285, %swap3A_286] {strides = array<i32>} : memref<8x1024xi32, #tpu.memory_space<vmem>>, vector<16xi32>,
            tpu.vector_store %arg11[%swap3A_285, %swap3A_286], %convert_element_type3A_281 {strides = array<i32>} : memref<8x1024xi32, #tpu.memory_space<vmem>>, vector<16xi32>,
            %mul3A_288 = arith.constant 16 : i32
            %mul3A_289 = arith.muli %scan3A_248, %mul3A_288 : i32
            %get3A_290 = arith.constant 3 : i32
            %get3A_291 = arith.index_cast %get3A_290 : i32 to index
            %get3A_292 = arith.index_cast %mul3A_289 : i32 to index
            %get3A_293 = tpu.vector_load %arg9[%get3A_291, %get3A_292] {strides = array<i32>} : memref<8x1024xf32, #tpu.memory_space<vmem>>, vector<16xf32>,
            %convert_element_type3A_294 = arith.fptosi %get3A_293 : vector<16xf32> to vector<16xi32>
            %mul3A_295 = arith.constant 16 : i32
            %mul3A_296 = arith.muli %scan3A_248, %mul3A_295 : i32
            %swap3A_297 = arith.constant 3 : i32
            %swap3A_298 = arith.index_cast %swap3A_297 : i32 to index
            %swap3A_299 = arith.index_cast %mul3A_296 : i32 to index
            %swap3A_300 = tpu.vector_load %arg11[%swap3A_298, %swap3A_299] {strides = array<i32>} : memref<8x1024xi32, #tpu.memory_space<vmem>>, vector<16xi32>,
            tpu.vector_store %arg11[%swap3A_298, %swap3A_299], %convert_element_type3A_294 {strides = array<i32>} : memref<8x1024xi32, #tpu.memory_space<vmem>>, vector<16xi32>,
            %mul3A_301 = arith.constant 16 : i32
            %mul3A_302 = arith.muli %scan3A_248, %mul3A_301 : i32
            %get3A_303 = arith.constant 4 : i32
            %get3A_304 = arith.index_cast %get3A_303 : i32 to index
            %get3A_305 = arith.index_cast %mul3A_302 : i32 to index
            %get3A_306 = tpu.vector_load %arg9[%get3A_304, %get3A_305] {strides = array<i32>} : memref<8x1024xf32, #tpu.memory_space<vmem>>, vector<16xf32>,
            %convert_element_type3A_307 = arith.fptosi %get3A_306 : vector<16xf32> to vector<16xi32>
            %mul3A_308 = arith.constant 16 : i32
            %mul3A_309 = arith.muli %scan3A_248, %mul3A_308 : i32
            %swap3A_310 = arith.constant 4 : i32
            %swap3A_311 = arith.index_cast %swap3A_310 : i32 to index
            %swap3A_312 = arith.index_cast %mul3A_309 : i32 to index
            %swap3A_313 = tpu.vector_load %arg11[%swap3A_311, %swap3A_312] {strides = array<i32>} : memref<8x1024xi32, #tpu.memory_space<vmem>>, vector<16xi32>,
            tpu.vector_store %arg11[%swap3A_311, %swap3A_312], %convert_element_type3A_307 {strides = array<i32>} : memref<8x1024xi32, #tpu.memory_space<vmem>>, vector<16xi32>,
            %mul3A_314 = arith.constant 16 : i32
            %mul3A_315 = arith.muli %scan3A_248, %mul3A_314 : i32
            %get3A_316 = arith.constant 5 : i32
            %get3A_317 = arith.index_cast %get3A_316 : i32 to index
            %get3A_318 = arith.index_cast %mul3A_315 : i32 to index
            %get3A_319 = tpu.vector_load %arg9[%get3A_317, %get3A_318] {strides = array<i32>} : memref<8x1024xf32, #tpu.memory_space<vmem>>, vector<16xf32>,
            %convert_element_type3A_320 = arith.fptosi %get3A_319 : vector<16xf32> to vector<16xi32>
            %mul3A_321 = arith.constant 16 : i32
            %mul3A_322 = arith.muli %scan3A_248, %mul3A_321 : i32
            %swap3A_323 = arith.constant 5 : i32
            %swap3A_324 = arith.index_cast %swap3A_323 : i32 to index
            %swap3A_325 = arith.index_cast %mul3A_322 : i32 to index
            %swap3A_326 = tpu.vector_load %arg11[%swap3A_324, %swap3A_325] {strides = array<i32>} : memref<8x1024xi32, #tpu.memory_space<vmem>>, vector<16xi32>,
            tpu.vector_store %arg11[%swap3A_324, %swap3A_325], %convert_element_type3A_320 {strides = array<i32>} : memref<8x1024xi32, #tpu.memory_space<vmem>>, vector<16xi32>,
            %mul3A_327 = arith.constant 16 : i32
            %mul3A_328 = arith.muli %scan3A_248, %mul3A_327 : i32
            %get3A_329 = arith.constant 6 : i32
            %get3A_330 = arith.index_cast %get3A_329 : i32 to index
            %get3A_331 = arith.index_cast %mul3A_328 : i32 to index
            %get3A_332 = tpu.vector_load %arg9[%get3A_330, %get3A_331] {strides = array<i32>} : memref<8x1024xf32, #tpu.memory_space<vmem>>, vector<16xf32>,
            %convert_element_type3A_333 = arith.fptosi %get3A_332 : vector<16xf32> to vector<16xi32>
            %mul3A_334 = arith.constant 16 : i32
            %mul3A_335 = arith.muli %scan3A_248, %mul3A_334 : i32
            %swap3A_336 = arith.constant 6 : i32
            %swap3A_337 = arith.index_cast %swap3A_336 : i32 to index
            %swap3A_338 = arith.index_cast %mul3A_335 : i32 to index
            %swap3A_339 = tpu.vector_load %arg11[%swap3A_337, %swap3A_338] {strides = array<i32>} : memref<8x1024xi32, #tpu.memory_space<vmem>>, vector<16xi32>,
            tpu.vector_store %arg11[%swap3A_337, %swap3A_338], %convert_element_type3A_333 {strides = array<i32>} : memref<8x1024xi32, #tpu.memory_space<vmem>>, vector<16xi32>,
            %mul3A_340 = arith.constant 16 : i32
            %mul3A_341 = arith.muli %scan3A_248, %mul3A_340 : i32
            %get3A_342 = arith.constant 7 : i32
            %get3A_343 = arith.index_cast %get3A_342 : i32 to index
            %get3A_344 = arith.index_cast %mul3A_341 : i32 to index
            %get3A_345 = tpu.vector_load %arg9[%get3A_343, %get3A_344] {strides = array<i32>} : memref<8x1024xf32, #tpu.memory_space<vmem>>, vector<16xf32>,
            %convert_element_type3A_346 = arith.fptosi %get3A_345 : vector<16xf32> to vector<16xi32>
            %mul3A_347 = arith.constant 16 : i32
            %mul3A_348 = arith.muli %scan3A_248, %mul3A_347 : i32
            %swap3A_349 = arith.constant 7 : i32
            %swap3A_350 = arith.index_cast %swap3A_349 : i32 to index
            %swap3A_351 = arith.index_cast %mul3A_348 : i32 to index
            %swap3A_352 = tpu.vector_load %arg11[%swap3A_350, %swap3A_351] {strides = array<i32>} : memref<8x1024xi32, #tpu.memory_space<vmem>>, vector<16xi32>,
            tpu.vector_store %arg11[%swap3A_350, %swap3A_351], %convert_element_type3A_346 {strides = array<i32>} : memref<8x1024xi32, #tpu.memory_space<vmem>>, vector<16xi32>,
            %scan3A_353 = arith.constant 2 : i32
            %scan3A_354 = arith.addi %scan3A_144, %scan3A_353 : i32
            %mul3A_355 = arith.constant 16 : i32
            %mul3A_356 = arith.muli %scan3A_354, %mul3A_355 : i32
            %get3A_357 = arith.constant 0 : i32
            %get3A_358 = arith.index_cast %get3A_357 : i32 to index
            %get3A_359 = arith.index_cast %mul3A_356 : i32 to index
            %get3A_360 = tpu.vector_load %arg9[%get3A_358, %get3A_359] {strides = array<i32>} : memref<8x1024xf32, #tpu.memory_space<vmem>>, vector<16xf32>,
            %convert_element_type3A_361 = arith.fptosi %get3A_360 : vector<16xf32> to vector<16xi32>
            %mul3A_362 = arith.constant 16 : i32
            %mul3A_363 = arith.muli %scan3A_354, %mul3A_362 : i32
            %swap3A_364 = arith.constant 0 : i32
            %swap3A_365 = arith.index_cast %swap3A_364 : i32 to index
            %swap3A_366 = arith.index_cast %mul3A_363 : i32 to index
            %swap3A_367 = tpu.vector_load %arg11[%swap3A_365, %swap3A_366] {strides = array<i32>} : memref<8x1024xi32, #tpu.memory_space<vmem>>, vector<16xi32>,
            tpu.vector_store %arg11[%swap3A_365, %swap3A_366], %convert_element_type3A_361 {strides = array<i32>} : memref<8x1024xi32, #tpu.memory_space<vmem>>, vector<16xi32>,
            %mul3A_368 = arith.constant 16 : i32
            %mul3A_369 = arith.muli %scan3A_354, %mul3A_368 : i32
            %get3A_370 = arith.constant 1 : i32
            %get3A_371 = arith.index_cast %get3A_370 : i32 to index
            %get3A_372 = arith.index_cast %mul3A_369 : i32 to index
            %get3A_373 = tpu.vector_load %arg9[%get3A_371, %get3A_372] {strides = array<i32>} : memref<8x1024xf32, #tpu.memory_space<vmem>>, vector<16xf32>,
            %convert_element_type3A_374 = arith.fptosi %get3A_373 : vector<16xf32> to vector<16xi32>
            %mul3A_375 = arith.constant 16 : i32
            %mul3A_376 = arith.muli %scan3A_354, %mul3A_375 : i32
            %swap3A_377 = arith.constant 1 : i32
            %swap3A_378 = arith.index_cast %swap3A_377 : i32 to index
            %swap3A_379 = arith.index_cast %mul3A_376 : i32 to index
            %swap3A_380 = tpu.vector_load %arg11[%swap3A_378, %swap3A_379] {strides = array<i32>} : memref<8x1024xi32, #tpu.memory_space<vmem>>, vector<16xi32>,
            tpu.vector_store %arg11[%swap3A_378, %swap3A_379], %convert_element_type3A_374 {strides = array<i32>} : memref<8x1024xi32, #tpu.memory_space<vmem>>, vector<16xi32>,
            %mul3A_381 = arith.constant 16 : i32
            %mul3A_382 = arith.muli %scan3A_354, %mul3A_381 : i32
            %get3A_383 = arith.constant 2 : i32
            %get3A_384 = arith.index_cast %get3A_383 : i32 to index
            %get3A_385 = arith.index_cast %mul3A_382 : i32 to index
            %get3A_386 = tpu.vector_load %arg9[%get3A_384, %get3A_385] {strides = array<i32>} : memref<8x1024xf32, #tpu.memory_space<vmem>>, vector<16xf32>,
            %convert_element_type3A_387 = arith.fptosi %get3A_386 : vector<16xf32> to vector<16xi32>
            %mul3A_388 = arith.constant 16 : i32
            %mul3A_389 = arith.muli %scan3A_354, %mul3A_388 : i32
            %swap3A_390 = arith.constant 2 : i32
            %swap3A_391 = arith.index_cast %swap3A_390 : i32 to index
            %swap3A_392 = arith.index_cast %mul3A_389 : i32 to index
            %swap3A_393 = tpu.vector_load %arg11[%swap3A_391, %swap3A_392] {strides = array<i32>} : memref<8x1024xi32, #tpu.memory_space<vmem>>, vector<16xi32>,
            tpu.vector_store %arg11[%swap3A_391, %swap3A_392], %convert_element_type3A_387 {strides = array<i32>} : memref<8x1024xi32, #tpu.memory_space<vmem>>, vector<16xi32>,
            %mul3A_394 = arith.constant 16 : i32
            %mul3A_395 = arith.muli %scan3A_354, %mul3A_394 : i32
            %get3A_396 = arith.constant 3 : i32
            %get3A_397 = arith.index_cast %get3A_396 : i32 to index
            %get3A_398 = arith.index_cast %mul3A_395 : i32 to index
            %get3A_399 = tpu.vector_load %arg9[%get3A_397, %get3A_398] {strides = array<i32>} : memref<8x1024xf32, #tpu.memory_space<vmem>>, vector<16xf32>,
            %convert_element_type3A_400 = arith.fptosi %get3A_399 : vector<16xf32> to vector<16xi32>
            %mul3A_401 = arith.constant 16 : i32
            %mul3A_402 = arith.muli %scan3A_354, %mul3A_401 : i32
            %swap3A_403 = arith.constant 3 : i32
            %swap3A_404 = arith.index_cast %swap3A_403 : i32 to index
            %swap3A_405 = arith.index_cast %mul3A_402 : i32 to index
            %swap3A_406 = tpu.vector_load %arg11[%swap3A_404, %swap3A_405] {strides = array<i32>} : memref<8x1024xi32, #tpu.memory_space<vmem>>, vector<16xi32>,
            tpu.vector_store %arg11[%swap3A_404, %swap3A_405], %convert_element_type3A_400 {strides = array<i32>} : memref<8x1024xi32, #tpu.memory_space<vmem>>, vector<16xi32>,
            %mul3A_407 = arith.constant 16 : i32
            %mul3A_408 = arith.muli %scan3A_354, %mul3A_407 : i32
            %get3A_409 = arith.constant 4 : i32
            %get3A_410 = arith.index_cast %get3A_409 : i32 to index
            %get3A_411 = arith.index_cast %mul3A_408 : i32 to index
            %get3A_412 = tpu.vector_load %arg9[%get3A_410, %get3A_411] {strides = array<i32>} : memref<8x1024xf32, #tpu.memory_space<vmem>>, vector<16xf32>,
            %convert_element_type3A_413 = arith.fptosi %get3A_412 : vector<16xf32> to vector<16xi32>
            %mul3A_414 = arith.constant 16 : i32
            %mul3A_415 = arith.muli %scan3A_354, %mul3A_414 : i32
            %swap3A_416 = arith.constant 4 : i32
            %swap3A_417 = arith.index_cast %swap3A_416 : i32 to index
            %swap3A_418 = arith.index_cast %mul3A_415 : i32 to index
            %swap3A_419 = tpu.vector_load %arg11[%swap3A_417, %swap3A_418] {strides = array<i32>} : memref<8x1024xi32, #tpu.memory_space<vmem>>, vector<16xi32>,
            tpu.vector_store %arg11[%swap3A_417, %swap3A_418], %convert_element_type3A_413 {strides = array<i32>} : memref<8x1024xi32, #tpu.memory_space<vmem>>, vector<16xi32>,
            %mul3A_420 = arith.constant 16 : i32
            %mul3A_421 = arith.muli %scan3A_354, %mul3A_420 : i32
            %get3A_422 = arith.constant 5 : i32
            %get3A_423 = arith.index_cast %get3A_422 : i32 to index
            %get3A_424 = arith.index_cast %mul3A_421 : i32 to index
            %get3A_425 = tpu.vector_load %arg9[%get3A_423, %get3A_424] {strides = array<i32>} : memref<8x1024xf32, #tpu.memory_space<vmem>>, vector<16xf32>,
            %convert_element_type3A_426 = arith.fptosi %get3A_425 : vector<16xf32> to vector<16xi32>
            %mul3A_427 = arith.constant 16 : i32
            %mul3A_428 = arith.muli %scan3A_354, %mul3A_427 : i32
            %swap3A_429 = arith.constant 5 : i32
            %swap3A_430 = arith.index_cast %swap3A_429 : i32 to index
            %swap3A_431 = arith.index_cast %mul3A_428 : i32 to index
            %swap3A_432 = tpu.vector_load %arg11[%swap3A_430, %swap3A_431] {strides = array<i32>} : memref<8x1024xi32, #tpu.memory_space<vmem>>, vector<16xi32>,
            tpu.vector_store %arg11[%swap3A_430, %swap3A_431], %convert_element_type3A_426 {strides = array<i32>} : memref<8x1024xi32, #tpu.memory_space<vmem>>, vector<16xi32>,
            %mul3A_433 = arith.constant 16 : i32
            %mul3A_434 = arith.muli %scan3A_354, %mul3A_433 : i32
            %get3A_435 = arith.constant 6 : i32
            %get3A_436 = arith.index_cast %get3A_435 : i32 to index
            %get3A_437 = arith.index_cast %mul3A_434 : i32 to index
            %get3A_438 = tpu.vector_load %arg9[%get3A_436, %get3A_437] {strides = array<i32>} : memref<8x1024xf32, #tpu.memory_space<vmem>>, vector<16xf32>,
            %convert_element_type3A_439 = arith.fptosi %get3A_438 : vector<16xf32> to vector<16xi32>
            %mul3A_440 = arith.constant 16 : i32
            %mul3A_441 = arith.muli %scan3A_354, %mul3A_440 : i32
            %swap3A_442 = arith.constant 6 : i32
            %swap3A_443 = arith.index_cast %swap3A_442 : i32 to index
            %swap3A_444 = arith.index_cast %mul3A_441 : i32 to index
            %swap3A_445 = tpu.vector_load %arg11[%swap3A_443, %swap3A_444] {strides = array<i32>} : memref<8x1024xi32, #tpu.memory_space<vmem>>, vector<16xi32>,
            tpu.vector_store %arg11[%swap3A_443, %swap3A_444], %convert_element_type3A_439 {strides = array<i32>} : memref<8x1024xi32, #tpu.memory_space<vmem>>, vector<16xi32>,
            %mul3A_446 = arith.constant 16 : i32
            %mul3A_447 = arith.muli %scan3A_354, %mul3A_446 : i32
            %get3A_448 = arith.constant 7 : i32
            %get3A_449 = arith.index_cast %get3A_448 : i32 to index
            %get3A_450 = arith.index_cast %mul3A_447 : i32 to index
            %get3A_451 = tpu.vector_load %arg9[%get3A_449, %get3A_450] {strides = array<i32>} : memref<8x1024xf32, #tpu.memory_space<vmem>>, vector<16xf32>,
            %convert_element_type3A_452 = arith.fptosi %get3A_451 : vector<16xf32> to vector<16xi32>
            %mul3A_453 = arith.constant 16 : i32
            %mul3A_454 = arith.muli %scan3A_354, %mul3A_453 : i32
            %swap3A_455 = arith.constant 7 : i32
            %swap3A_456 = arith.index_cast %swap3A_455 : i32 to index
            %swap3A_457 = arith.index_cast %mul3A_454 : i32 to index
            %swap3A_458 = tpu.vector_load %arg11[%swap3A_456, %swap3A_457] {strides = array<i32>} : memref<8x1024xi32, #tpu.memory_space<vmem>>, vector<16xi32>,
            tpu.vector_store %arg11[%swap3A_456, %swap3A_457], %convert_element_type3A_452 {strides = array<i32>} : memref<8x1024xi32, #tpu.memory_space<vmem>>, vector<16xi32>,
            %scan3A_459 = arith.constant 3 : i32
            %scan3A_460 = arith.addi %scan3A_144, %scan3A_459 : i32
            %mul3A_461 = arith.constant 16 : i32
            %mul3A_462 = arith.muli %scan3A_460, %mul3A_461 : i32
            %get3A_463 = arith.constant 0 : i32
            %get3A_464 = arith.index_cast %get3A_463 : i32 to index
            %get3A_465 = arith.index_cast %mul3A_462 : i32 to index
            %get3A_466 = tpu.vector_load %arg9[%get3A_464, %get3A_465] {strides = array<i32>} : memref<8x1024xf32, #tpu.memory_space<vmem>>, vector<16xf32>,
            %convert_element_type3A_467 = arith.fptosi %get3A_466 : vector<16xf32> to vector<16xi32>
            %mul3A_468 = arith.constant 16 : i32
            %mul3A_469 = arith.muli %scan3A_460, %mul3A_468 : i32
            %swap3A_470 = arith.constant 0 : i32
            %swap3A_471 = arith.index_cast %swap3A_470 : i32 to index
            %swap3A_472 = arith.index_cast %mul3A_469 : i32 to index
            %swap3A_473 = tpu.vector_load %arg11[%swap3A_471, %swap3A_472] {strides = array<i32>} : memref<8x1024xi32, #tpu.memory_space<vmem>>, vector<16xi32>,
            tpu.vector_store %arg11[%swap3A_471, %swap3A_472], %convert_element_type3A_467 {strides = array<i32>} : memref<8x1024xi32, #tpu.memory_space<vmem>>, vector<16xi32>,
            %mul3A_474 = arith.constant 16 : i32
            %mul3A_475 = arith.muli %scan3A_460, %mul3A_474 : i32
            %get3A_476 = arith.constant 1 : i32
            %get3A_477 = arith.index_cast %get3A_476 : i32 to index
            %get3A_478 = arith.index_cast %mul3A_475 : i32 to index
            %get3A_479 = tpu.vector_load %arg9[%get3A_477, %get3A_478] {strides = array<i32>} : memref<8x1024xf32, #tpu.memory_space<vmem>>, vector<16xf32>,
            %convert_element_type3A_480 = arith.fptosi %get3A_479 : vector<16xf32> to vector<16xi32>
            %mul3A_481 = arith.constant 16 : i32
            %mul3A_482 = arith.muli %scan3A_460, %mul3A_481 : i32
            %swap3A_483 = arith.constant 1 : i32
            %swap3A_484 = arith.index_cast %swap3A_483 : i32 to index
            %swap3A_485 = arith.index_cast %mul3A_482 : i32 to index
            %swap3A_486 = tpu.vector_load %arg11[%swap3A_484, %swap3A_485] {strides = array<i32>} : memref<8x1024xi32, #tpu.memory_space<vmem>>, vector<16xi32>,
            tpu.vector_store %arg11[%swap3A_484, %swap3A_485], %convert_element_type3A_480 {strides = array<i32>} : memref<8x1024xi32, #tpu.memory_space<vmem>>, vector<16xi32>,
            %mul3A_487 = arith.constant 16 : i32
            %mul3A_488 = arith.muli %scan3A_460, %mul3A_487 : i32
            %get3A_489 = arith.constant 2 : i32
            %get3A_490 = arith.index_cast %get3A_489 : i32 to index
            %get3A_491 = arith.index_cast %mul3A_488 : i32 to index
            %get3A_492 = tpu.vector_load %arg9[%get3A_490, %get3A_491] {strides = array<i32>} : memref<8x1024xf32, #tpu.memory_space<vmem>>, vector<16xf32>,
            %convert_element_type3A_493 = arith.fptosi %get3A_492 : vector<16xf32> to vector<16xi32>
            %mul3A_494 = arith.constant 16 : i32
            %mul3A_495 = arith.muli %scan3A_460, %mul3A_494 : i32
            %swap3A_496 = arith.constant 2 : i32
            %swap3A_497 = arith.index_cast %swap3A_496 : i32 to index
            %swap3A_498 = arith.index_cast %mul3A_495 : i32 to index
            %swap3A_499 = tpu.vector_load %arg11[%swap3A_497, %swap3A_498] {strides = array<i32>} : memref<8x1024xi32, #tpu.memory_space<vmem>>, vector<16xi32>,
            tpu.vector_store %arg11[%swap3A_497, %swap3A_498], %convert_element_type3A_493 {strides = array<i32>} : memref<8x1024xi32, #tpu.memory_space<vmem>>, vector<16xi32>,
            %mul3A_500 = arith.constant 16 : i32
            %mul3A_501 = arith.muli %scan3A_460, %mul3A_500 : i32
            %get3A_502 = arith.constant 3 : i32
            %get3A_503 = arith.index_cast %get3A_502 : i32 to index
            %get3A_504 = arith.index_cast %mul3A_501 : i32 to index
            %get3A_505 = tpu.vector_load %arg9[%get3A_503, %get3A_504] {strides = array<i32>} : memref<8x1024xf32, #tpu.memory_space<vmem>>, vector<16xf32>,
            %convert_element_type3A_506 = arith.fptosi %get3A_505 : vector<16xf32> to vector<16xi32>
            %mul3A_507 = arith.constant 16 : i32
            %mul3A_508 = arith.muli %scan3A_460, %mul3A_507 : i32
            %swap3A_509 = arith.constant 3 : i32
            %swap3A_510 = arith.index_cast %swap3A_509 : i32 to index
            %swap3A_511 = arith.index_cast %mul3A_508 : i32 to index
            %swap3A_512 = tpu.vector_load %arg11[%swap3A_510, %swap3A_511] {strides = array<i32>} : memref<8x1024xi32, #tpu.memory_space<vmem>>, vector<16xi32>,
            tpu.vector_store %arg11[%swap3A_510, %swap3A_511], %convert_element_type3A_506 {strides = array<i32>} : memref<8x1024xi32, #tpu.memory_space<vmem>>, vector<16xi32>,
            %mul3A_513 = arith.constant 16 : i32
            %mul3A_514 = arith.muli %scan3A_460, %mul3A_513 : i32
            %get3A_515 = arith.constant 4 : i32
            %get3A_516 = arith.index_cast %get3A_515 : i32 to index
            %get3A_517 = arith.index_cast %mul3A_514 : i32 to index
            %get3A_518 = tpu.vector_load %arg9[%get3A_516, %get3A_517] {strides = array<i32>} : memref<8x1024xf32, #tpu.memory_space<vmem>>, vector<16xf32>,
            %convert_element_type3A_519 = arith.fptosi %get3A_518 : vector<16xf32> to vector<16xi32>
            %mul3A_520 = arith.constant 16 : i32
            %mul3A_521 = arith.muli %scan3A_460, %mul3A_520 : i32
            %swap3A_522 = arith.constant 4 : i32
            %swap3A_523 = arith.index_cast %swap3A_522 : i32 to index
            %swap3A_524 = arith.index_cast %mul3A_521 : i32 to index
            %swap3A_525 = tpu.vector_load %arg11[%swap3A_523, %swap3A_524] {strides = array<i32>} : memref<8x1024xi32, #tpu.memory_space<vmem>>, vector<16xi32>,
            tpu.vector_store %arg11[%swap3A_523, %swap3A_524], %convert_element_type3A_519 {strides = array<i32>} : memref<8x1024xi32, #tpu.memory_space<vmem>>, vector<16xi32>,
            %mul3A_526 = arith.constant 16 : i32
            %mul3A_527 = arith.muli %scan3A_460, %mul3A_526 : i32
            %get3A_528 = arith.constant 5 : i32
            %get3A_529 = arith.index_cast %get3A_528 : i32 to index
            %get3A_530 = arith.index_cast %mul3A_527 : i32 to index
            %get3A_531 = tpu.vector_load %arg9[%get3A_529, %get3A_530] {strides = array<i32>} : memref<8x1024xf32, #tpu.memory_space<vmem>>, vector<16xf32>,
            %convert_element_type3A_532 = arith.fptosi %get3A_531 : vector<16xf32> to vector<16xi32>
            %mul3A_533 = arith.constant 16 : i32
            %mul3A_534 = arith.muli %scan3A_460, %mul3A_533 : i32
            %swap3A_535 = arith.constant 5 : i32
            %swap3A_536 = arith.index_cast %swap3A_535 : i32 to index
            %swap3A_537 = arith.index_cast %mul3A_534 : i32 to index
            %swap3A_538 = tpu.vector_load %arg11[%swap3A_536, %swap3A_537] {strides = array<i32>} : memref<8x1024xi32, #tpu.memory_space<vmem>>, vector<16xi32>,
            tpu.vector_store %arg11[%swap3A_536, %swap3A_537], %convert_element_type3A_532 {strides = array<i32>} : memref<8x1024xi32, #tpu.memory_space<vmem>>, vector<16xi32>,
            %mul3A_539 = arith.constant 16 : i32
            %mul3A_540 = arith.muli %scan3A_460, %mul3A_539 : i32
            %get3A_541 = arith.constant 6 : i32
            %get3A_542 = arith.index_cast %get3A_541 : i32 to index
            %get3A_543 = arith.index_cast %mul3A_540 : i32 to index
            %get3A_544 = tpu.vector_load %arg9[%get3A_542, %get3A_543] {strides = array<i32>} : memref<8x1024xf32, #tpu.memory_space<vmem>>, vector<16xf32>,
            %convert_element_type3A_545 = arith.fptosi %get3A_544 : vector<16xf32> to vector<16xi32>
            %mul3A_546 = arith.constant 16 : i32
            %mul3A_547 = arith.muli %scan3A_460, %mul3A_546 : i32
            %swap3A_548 = arith.constant 6 : i32
            %swap3A_549 = arith.index_cast %swap3A_548 : i32 to index
            %swap3A_550 = arith.index_cast %mul3A_547 : i32 to index
            %swap3A_551 = tpu.vector_load %arg11[%swap3A_549, %swap3A_550] {strides = array<i32>} : memref<8x1024xi32, #tpu.memory_space<vmem>>, vector<16xi32>,
            tpu.vector_store %arg11[%swap3A_549, %swap3A_550], %convert_element_type3A_545 {strides = array<i32>} : memref<8x1024xi32, #tpu.memory_space<vmem>>, vector<16xi32>,
            %mul3A_552 = arith.constant 16 : i32
            %mul3A_553 = arith.muli %scan3A_460, %mul3A_552 : i32
            %get3A_554 = arith.constant 7 : i32
            %get3A_555 = arith.index_cast %get3A_554 : i32 to index
            %get3A_556 = arith.index_cast %mul3A_553 : i32 to index
            %get3A_557 = tpu.vector_load %arg9[%get3A_555, %get3A_556] {strides = array<i32>} : memref<8x1024xf32, #tpu.memory_space<vmem>>, vector<16xf32>,
            %convert_element_type3A_558 = arith.fptosi %get3A_557 : vector<16xf32> to vector<16xi32>
            %mul3A_559 = arith.constant 16 : i32
            %mul3A_560 = arith.muli %scan3A_460, %mul3A_559 : i32
            %swap3A_561 = arith.constant 7 : i32
            %swap3A_562 = arith.index_cast %swap3A_561 : i32 to index
            %swap3A_563 = arith.index_cast %mul3A_560 : i32 to index
            %swap3A_564 = tpu.vector_load %arg11[%swap3A_562, %swap3A_563] {strides = array<i32>} : memref<8x1024xi32, #tpu.memory_space<vmem>>, vector<16xi32>,
            tpu.vector_store %arg11[%swap3A_562, %swap3A_563], %convert_element_type3A_558 {strides = array<i32>} : memref<8x1024xi32, #tpu.memory_space<vmem>>, vector<16xi32>,
          }
          %scan3A_125 = arith.constant 64 : i32
          %and3A_126 = arith.constant 15 : i32
          %and3A_127 = arith.andi %add3A, %and3A_126 : i32
          %mul3A_128 = arith.constant 25 : i32
          %mul3A_129 = arith.muli %and3A_127, %mul3A_128 : i32
          %add3A_130 = arith.addi %mul3A_129, %scan3A_78 : i32
          %shift_right_arithmetic3A_131 = arith.constant 4 : i32
          %shift_right_arithmetic3A_132 = arith.shrsi %add3A_130, %shift_right_arithmetic3A_131 : i32
          %mul3A_133 = arith.constant 8 : i32
          %mul3A_134 = arith.muli %shift_right_arithmetic3A_132, %mul3A_133 : i32
          %and3A_135 = arith.constant 15 : i32
          %and3A_136 = arith.andi %add3A_130, %and3A_135 : i32
          %mul3A_137 = arith.constant 1024 : i32
          %mul3A_138 = arith.muli %and3A_136, %mul3A_137 : i32
          %dma_start3A_139 = arith.constant 0 : i32
          %dma_start3A_140 = tpu.memref_slice %arg5[%mul3A_134, %dma_start3A_139, %mul3A_138] : memref<200x1x16384xi32, #tpu.memory_space<hbm>> -> memref<8x1x1024xi32, #tpu.memory_space<hbm>>
          %dma_start3A_141 = tpu.memref_squeeze %dma_start3A_140 : memref<8x1x1024xi32, #tpu.memory_space<hbm>> -> memref<8x1024xi32, #tpu.memory_space<hbm>>
          %dma_start3A_142 = tpu.memref_slice %arg5[%mul3A_134, %dma_start3A_139, %mul3A_138] : memref<200x1x16384xi32, #tpu.memory_space<hbm>> -> memref<8x1x1024xi32, #tpu.memory_space<hbm>>
          %dma_start3A_143 = tpu.memref_squeeze %dma_start3A_142 : memref<8x1x1024xi32, #tpu.memory_space<hbm>> -> memref<8x1024xi32, #tpu.memory_space<hbm>>
          tpu.enqueue_dma source(%arg11 : memref<8x1024xi32, #tpu.memory_space<vmem>>) target(%dma_start3A_143 : memref<8x1024xi32, #tpu.memory_space<hbm>>) target_semaphore(%arg15 : memref<!tpu.dma_semaphore, #tpu.memory_space<semaphore_mem>>)
        } else {
        }
      }
      %scan3A_40 = arith.constant 25 : i32
      %and3A_41 = arith.constant 15 : i32
      %and3A_42 = arith.andi %add3A, %and3A_41 : i32
      %mul3A_43 = arith.constant 25 : i32
      %mul3A_44 = arith.muli %and3A_42, %mul3A_43 : i32
      %add3A_45 = arith.constant 23 : i32
      %add3A_46 = arith.addi %mul3A_44, %add3A_45 : i32
      %shift_right_arithmetic3A_47 = arith.constant 4 : i32
      %shift_right_arithmetic3A_48 = arith.shrsi %add3A_46, %shift_right_arithmetic3A_47 : i32
      %mul3A_49 = arith.constant 8 : i32
      %mul3A_50 = arith.muli %shift_right_arithmetic3A_48, %mul3A_49 : i32
      %and3A_51 = arith.constant 15 : i32
      %and3A_52 = arith.andi %add3A_46, %and3A_51 : i32
      %mul3A_53 = arith.constant 1024 : i32
      %mul3A_54 = arith.muli %and3A_52, %mul3A_53 : i32
      %dma_wait3A = arith.constant 0 : i32
      %dma_wait3A_55 = tpu.memref_slice %arg5[%mul3A_50, %dma_wait3A, %mul3A_54] : memref<200x1x16384xi32, #tpu.memory_space<hbm>> -> memref<8x1x1024xi32, #tpu.memory_space<hbm>>
      %dma_wait3A_56 = tpu.memref_squeeze %dma_wait3A_55 : memref<8x1x1024xi32, #tpu.memory_space<hbm>> -> memref<8x1024xi32, #tpu.memory_space<hbm>>
      %dma_wait3A_57 = tpu.memref_slice %arg5[%mul3A_50, %dma_wait3A, %mul3A_54] : memref<200x1x16384xi32, #tpu.memory_space<hbm>> -> memref<8x1x1024xi32, #tpu.memory_space<hbm>>
      %dma_wait3A_58 = tpu.memref_squeeze %dma_wait3A_57 : memref<8x1x1024xi32, #tpu.memory_space<hbm>> -> memref<8x1024xi32, #tpu.memory_space<hbm>>
      tpu.wait_dma2 semaphore(%arg15 : memref<!tpu.dma_semaphore, #tpu.memory_space<semaphore_mem>>) src(%arg11 : memref<8x1024xi32, #tpu.memory_space<vmem>>) dst(%dma_wait3A_58 : memref<8x1024xi32, #tpu.memory_space<hbm>>)
      %and3A_59 = arith.constant 15 : i32
      %and3A_60 = arith.andi %add3A, %and3A_59 : i32
      %mul3A_61 = arith.constant 25 : i32
      %mul3A_62 = arith.muli %and3A_60, %mul3A_61 : i32
      %add3A_63 = arith.constant 24 : i32
      %add3A_64 = arith.addi %mul3A_62, %add3A_63 : i32
      %shift_right_arithmetic3A_65 = arith.constant 4 : i32
      %shift_right_arithmetic3A_66 = arith.shrsi %add3A_64, %shift_right_arithmetic3A_65 : i32
      %mul3A_67 = arith.constant 8 : i32
      %mul3A_68 = arith.muli %shift_right_arithmetic3A_66, %mul3A_67 : i32
      %and3A_69 = arith.constant 15 : i32
      %and3A_70 = arith.andi %add3A_64, %and3A_69 : i32
      %mul3A_71 = arith.constant 1024 : i32
      %mul3A_72 = arith.muli %and3A_70, %mul3A_71 : i32
      %dma_wait3A_73 = arith.constant 0 : i32
      %dma_wait3A_74 = tpu.memref_slice %arg5[%mul3A_68, %dma_wait3A_73, %mul3A_72] : memref<200x1x16384xi32, #tpu.memory_space<hbm>> -> memref<8x1x1024xi32, #tpu.memory_space<hbm>>
      %dma_wait3A_75 = tpu.memref_squeeze %dma_wait3A_74 : memref<8x1x1024xi32, #tpu.memory_space<hbm>> -> memref<8x1024xi32, #tpu.memory_space<hbm>>
      %dma_wait3A_76 = tpu.memref_slice %arg5[%mul3A_68, %dma_wait3A_73, %mul3A_72] : memref<200x1x16384xi32, #tpu.memory_space<hbm>> -> memref<8x1x1024xi32, #tpu.memory_space<hbm>>
      %dma_wait3A_77 = tpu.memref_squeeze %dma_wait3A_76 : memref<8x1x1024xi32, #tpu.memory_space<hbm>> -> memref<8x1024xi32, #tpu.memory_space<hbm>>
      tpu.wait_dma2 semaphore(%arg14 : memref<!tpu.dma_semaphore, #tpu.memory_space<semaphore_mem>>) src(%arg10 : memref<8x1024xi32, #tpu.memory_space<vmem>>) dst(%dma_wait3A_77 : memref<8x1024xi32, #tpu.memory_space<hbm>>)
    } else {
    }
    return
  }
}

module attributes {stable_mosaic.version = 14 : i64} {
  func.func @_tc_ob_body(%arg0: i32, %arg1: memref<1x8x16384xf32, #tpu.memory_space<vmem>>, %arg2: memref<1x8x16384xf32, #tpu.memory_space<vmem>>) attributes {dimension_semantics = [#tpu.dimension_semantics<arbitrary>], iteration_bounds = array<i64: 75>, scalar_prefetch = 0 : i64, scratch_operands = 0 : i64, tpu.core_type = #tpu.core_type<tc>, window_params = [{transform_indices = @transform_0, window_bounds = array<i64: 1, 8, 16384>}, {transform_indices = @transform_1, window_bounds = array<i64: 1, 8, 16384>}]} {
    %get3A = arith.constant 0 : index
    %get3A_0 = arith.constant 0 : index
    %get3A_1 = arith.constant 0 : index
    %get3A_2 = vector.load %arg1[%get3A, %get3A_0, %get3A_1] : memref<1x8x16384xf32, #tpu.memory_space<vmem>>, vector<1x8x16384xf32>
    %swap3A = arith.constant 0 : index
    %swap3A_3 = arith.constant 0 : index
    %swap3A_4 = arith.constant 0 : index
    %swap3A_5 = vector.load %arg2[%swap3A, %swap3A_3, %swap3A_4] : memref<1x8x16384xf32, #tpu.memory_space<vmem>>, vector<1x8x16384xf32>
    tpu.vector_store %arg2[%swap3A, %swap3A_3, %swap3A_4], %get3A_2 {strides = array<i32>} : memref<1x8x16384xf32, #tpu.memory_space<vmem>>, vector<1x8x16384xf32>,
    return
  }
  func.func @transform_0(%arg0: i32) -> (i32, i32, i32) {
    %jit3A = arith.constant 25 : i32
    %div3A = arith.divsi %arg0, %jit3A : i32
    %sign3A = arith.constant 0 : i32
    %sign3A_0 = arith.cmpi sgt, %arg0, %sign3A : i32
    %sign3A_1 = arith.extui %sign3A_0 : i1 to i32
    %sign3A_2 = arith.constant 0 : i32
    %sign3A_3 = arith.cmpi slt, %arg0, %sign3A_2 : i32
    %sign3A_4 = arith.extui %sign3A_3 : i1 to i32
    %sign3A_5 = arith.subi %sign3A_1, %sign3A_4 : i32
    %sign3A_6 = arith.constant 0 : i32
    %sign3A_7 = arith.cmpi sgt, %jit3A, %sign3A_6 : i32
    %sign3A_8 = arith.extui %sign3A_7 : i1 to i32
    %sign3A_9 = arith.constant 0 : i32
    %sign3A_10 = arith.cmpi slt, %jit3A, %sign3A_9 : i32
    %sign3A_11 = arith.extui %sign3A_10 : i1 to i32
    %sign3A_12 = arith.subi %sign3A_8, %sign3A_11 : i32
    %ne3A = arith.cmpi ne, %sign3A_5, %sign3A_12 : i32
    %rem3A = arith.remsi %arg0, %jit3A : i32
    %ne3A_13 = arith.constant 0 : i32
    %ne3A_14 = arith.cmpi ne, %rem3A, %ne3A_13 : i32
    %and3A = arith.andi %ne3A, %ne3A_14 : i1
    %sub3A = arith.constant 1 : i32
    %sub3A_15 = arith.subi %div3A, %sub3A : i32
    %select_n3A = arith.select %and3A, %sub3A_15, %div3A : i32
    %add3A = arith.constant 6 : i32
    %add3A_16 = arith.addi %add3A, %select_n3A : i32
    %jit3A_17 = arith.constant 25 : i32
    %eq3A = arith.constant 0 : i32
    %eq3A_18 = arith.cmpi eq, %jit3A_17, %eq3A : i32
    %jit3A_19 = arith.constant 1 : i32
    %select_n3A_20 = arith.select %eq3A_18, %jit3A_19, %jit3A_17 : i32
    %rem3A_21 = arith.remsi %arg0, %select_n3A_20 : i32
    %ne3A_22 = arith.constant 0 : i32
    %ne3A_23 = arith.cmpi ne, %rem3A_21, %ne3A_22 : i32
    %lt3A = arith.constant 0 : i32
    %lt3A_24 = arith.cmpi slt, %rem3A_21, %lt3A : i32
    %lt3A_25 = arith.constant 0 : i32
    %lt3A_26 = arith.cmpi slt, %select_n3A_20, %lt3A_25 : i32
    %ne3A_27 = arith.xori %lt3A_24, %lt3A_26 : i1
    %and3A_28 = arith.andi %ne3A_27, %ne3A_23 : i1
    %add3A_29 = arith.addi %rem3A_21, %select_n3A_20 : i32
    %select_n3A_30 = arith.select %and3A_28, %add3A_29, %rem3A_21 : i32
    %c0_i32 = arith.constant 0 : i32
    %c0_i32_31 = arith.constant 0 : i32
    return %add3A_16, %select_n3A_30, %c0_i32 : i32, i32, i32
  }
  func.func @transform_1(%arg0: i32) -> (i32, i32, i32) {
    %jit3A = arith.constant 25 : i32
    %div3A = arith.divsi %arg0, %jit3A : i32
    %sign3A = arith.constant 0 : i32
    %sign3A_0 = arith.cmpi sgt, %arg0, %sign3A : i32
    %sign3A_1 = arith.extui %sign3A_0 : i1 to i32
    %sign3A_2 = arith.constant 0 : i32
    %sign3A_3 = arith.cmpi slt, %arg0, %sign3A_2 : i32
    %sign3A_4 = arith.extui %sign3A_3 : i1 to i32
    %sign3A_5 = arith.subi %sign3A_1, %sign3A_4 : i32
    %sign3A_6 = arith.constant 0 : i32
    %sign3A_7 = arith.cmpi sgt, %jit3A, %sign3A_6 : i32
    %sign3A_8 = arith.extui %sign3A_7 : i1 to i32
    %sign3A_9 = arith.constant 0 : i32
    %sign3A_10 = arith.cmpi slt, %jit3A, %sign3A_9 : i32
    %sign3A_11 = arith.extui %sign3A_10 : i1 to i32
    %sign3A_12 = arith.subi %sign3A_8, %sign3A_11 : i32
    %ne3A = arith.cmpi ne, %sign3A_5, %sign3A_12 : i32
    %rem3A = arith.remsi %arg0, %jit3A : i32
    %ne3A_13 = arith.constant 0 : i32
    %ne3A_14 = arith.cmpi ne, %rem3A, %ne3A_13 : i32
    %and3A = arith.andi %ne3A, %ne3A_14 : i1
    %sub3A = arith.constant 1 : i32
    %sub3A_15 = arith.subi %div3A, %sub3A : i32
    %select_n3A = arith.select %and3A, %sub3A_15, %div3A : i32
    %jit3A_16 = arith.constant 25 : i32
    %eq3A = arith.constant 0 : i32
    %eq3A_17 = arith.cmpi eq, %jit3A_16, %eq3A : i32
    %jit3A_18 = arith.constant 1 : i32
    %select_n3A_19 = arith.select %eq3A_17, %jit3A_18, %jit3A_16 : i32
    %rem3A_20 = arith.remsi %arg0, %select_n3A_19 : i32
    %ne3A_21 = arith.constant 0 : i32
    %ne3A_22 = arith.cmpi ne, %rem3A_20, %ne3A_21 : i32
    %lt3A = arith.constant 0 : i32
    %lt3A_23 = arith.cmpi slt, %rem3A_20, %lt3A : i32
    %lt3A_24 = arith.constant 0 : i32
    %lt3A_25 = arith.cmpi slt, %select_n3A_19, %lt3A_24 : i32
    %ne3A_26 = arith.xori %lt3A_23, %lt3A_25 : i1
    %and3A_27 = arith.andi %ne3A_26, %ne3A_22 : i1
    %add3A = arith.addi %rem3A_20, %select_n3A_19 : i32
    %select_n3A_28 = arith.select %and3A_27, %add3A, %rem3A_20 : i32
    %c0_i32 = arith.constant 0 : i32
    %c0_i32_29 = arith.constant 0 : i32
    return %select_n3A, %select_n3A_28, %c0_i32 : i32, i32, i32
  }
}

</mosaic_0001>

<sc_bundles>
// kernel: _run.4.cloned.1.call-start
scs
__scs_entry_jumppad:
0x0: {  	(pc) =	sbr.rel $0x88, $3  }
0x1: {  	(tag) =	ssettag $0x0;
	lr =	simm.s32 $0x1  }
0x2: {  	[smem:$0x3FA0] =	sst lr;
	_ =	strace $0xD0000000  }
0x3: {  	_ = 	snop  }
0x4: {  	_ = 	snop  }
0x5: {  	_ = 	snop  }
0x6: {  	_ = 	snop  }
0x7: {  	_ = 	snop  }
__scs_overlays_trampoline_lowered:
0x8: {  	[smem:$0x3FAF] =	sst s0  }
0x9: {  	[smem:$0x3FB0] =	sst s1  }
0xa: {  	[smem:$0x3FB1] =	sst s2  }
0xb: {  	[smem:$0x3FB2] =	sst s3  }
0xc: {  	[smem:$0x3FB3] =	sst s4  }
0xd: {  	[smem:$0x3FB4] =	sst s5  }
0xe: {  	[smem:$0x3FB5] =	sst s6  }
0xf: {  	[smem:$0x3FB6] =	sst s7  }
0x10: {  	[smem:$0x3FB7] =	sst s8  }
0x11: {  	[smem:$0x3FB8] =	sst s9;
	s0 =	simm.s32 @!p0 $0x0  }
0x12: {  	s1 =	sld [smem:$0x3F9E];
	s0 =	simm.s32 @p0 $0x1  }
0x13: {  	[smem:$0x3FB9] =	sst s0;
	s0 =	simm.s32 @!p1 $0x0  }
0x14: {  	s2 =	sld [smem:$0x3F9D];
	s0 =	simm.s32 @p1 $0x1  }
0x15: {  	[smem:$0x3FBA] =	sst s0;
	s0 =	simm.s32 @!p2 $0x0  }
0x16: {  	s3 =	sld [smem:$0x3FDB];
	s0 =	simm.s32 @p2 $0x1  }
0x17: {  	s4 =	simm.s32 $0x1BF5;
	[smem:$0x3FBC] =	sst s0  }
0x18: {  	s0 =	sld [smem:$0x3F9F];
	_ =	swait.ge [sflag:s4], $0x0  }
0x19: {  	s7 =	sld [smem:$0x3FA0]  }
0x1a: {  	s8 =	sadd.s32 $0xFFFFE003, lr  }
0x1b: {  	s9 =	sadd.s32 $0xFFFFFEF7, lr;
	s5 =	simm.s32 $0xFFFFFFFF;
	p2 =	slt.u32 s8, $0xFFFFF086  }
0x1c: {  	p1 =	slt.u32 s9, $0xF7A;
	s5 =	simm.s32 @!p2 $0x0  }
0x1d: {  	s5 =	simm.s32 @p1 $0x1;
	p0 =	seq.s32 s7, s2  }
0x1e: {  	s7 =	smul.u32 @!p0 $0xF7A, s2;
	p2 =	seq.s32 @!p0 s5, $0x0  }
0x1f: {  	s9 =	smul.u32 $0xF7A, s1;
	s8 =	simm.s32 @!p0 $0x1BF5;
	p2 =	por !p2, p0  }
0x20: {  	[sflag:s8] =	ssyncset.s32 @!p0 $0xFFFFF086;
	s6 =	sadd.s32 @!p0 s3, s7;
	s7 =	simm.s32 @!p0 $0x108  }
0x21: {  	s3 =	sadd.s32 s3, s9;
	s6 =	sadd.s32 @!p0 $0x88, s6;
	s7 =	simm.s32 @p2 $0x1082  }
0x22: {  	[simem:s7], [sflag:s8] =	dma.local @!p0 [hbm:s6], $0xF7A  }
0x23: {  	s9 =	sor.u32 $0xD0000000, s2;
	s6 =	simm.s32 $0x108;
	_ =	swait.ge @!p0 [sflag:s8], $0x0  }
0x24: {  	s3 =	sadd.s32 $0x88, s3;
	s6 =	simm.s32 @!p1 $0x1082;
	[sflag:s4] =	ssyncset.s32 $0xFFFFF086  }
0x25: {  	[simem:s6], [sflag:s4] =	dma.local [hbm:s3], $0xF7A  }
0x26: {  	[smem:$0x3FA0] =	sst s1;
	(tag) =	ssettag s2;
	_ =	strace s9  }
0x27: {  	s1 =	sld [smem:$0x3FB0]  }
0x28: {  	s2 =	sld [smem:$0x3FB1]  }
0x29: {  	s4 =	sld [smem:$0x3FB3]  }
0x2a: {  	p0 =	seq.s32 s5, $0x0;
	s5 =	sld [smem:$0x3FB4]  }
0x2b: {  	s6 =	sld [smem:$0x3FB5]  }
0x2c: {  	s7 =	sld [smem:$0x3FB6]  }
0x2d: {  	s3 =	simm.s32 $0x108;
	s8 =	sld [smem:$0x3FB7]  }
0x2e: {  	s3 =	simm.s32 @!p0 $0x1082;
	s9 =	sld [smem:$0x3FB8]  }
0x2f: {  	lr =	sadd.s32 s0, s3;
	s0 =	sld [smem:$0x3FAF]  }
0x30: {  	s3 =	sld [smem:$0x3FB2]  }
0x31: {  	[smem:$0x3FBB] =	sst s10  }
0x32: {  	s10 =	sld [smem:$0x3FB9];
	_ =	sdelay $0x3  }
0x33: {  	p0 =	seq.s32 s10, $0x1;
	s10 =	sld [smem:$0x3FBB];
	_ =	sdelay $0x3  }
0x34: {  	[smem:$0x3FBB] =	sst s10  }
0x35: {  	s10 =	sld [smem:$0x3FBA];
	_ =	sdelay $0x3  }
0x36: {  	p1 =	seq.s32 s10, $0x1;
	s10 =	sld [smem:$0x3FBB];
	_ =	sdelay $0x3  }
0x37: {  	[smem:$0x3FBB] =	sst s10  }
0x38: {  	s10 =	sld [smem:$0x3FBC]  }
0x39: {  	_ = 	snop;
	(pc) =	sbr.ind lr, $3  }
0x3a: {  	_ = 	snop  }
0x3b: {  	_ = 	snop  }
0x3c: {  	p2 =	seq.s32 s10, $0x1;
	s10 =	sld [smem:$0x3FBB]  }
0x3d: {  	_ =	shalt  }
0x3e: {  	_ =	shalt  }
0x3f: {  	_ =	shalt  }
0x40: {  	_ =	shalt  }
0x41: {  	_ =	shalt  }
0x42: {  	_ =	shalt  }
0x43: {  	_ =	shalt  }
0x44: {  	_ =	shalt  }
0x45: {  	_ =	shalt  }
0x46: {  	_ =	shalt  }
0x47: {  	_ =	shalt  }
0x48: {  	_ =	shalt  }
0x49: {  	_ =	shalt  }
0x4a: {  	_ =	shalt  }
0x4b: {  	_ =	shalt  }
0x4c: {  	_ =	shalt  }
0x4d: {  	_ =	shalt  }
0x4e: {  	_ =	shalt  }
0x4f: {  	_ =	shalt  }
0x50: {  	_ =	shalt  }
0x51: {  	_ =	shalt  }
0x52: {  	_ =	shalt  }
0x53: {  	_ =	shalt  }
0x54: {  	_ =	shalt  }
0x55: {  	_ =	shalt  }
0x56: {  	_ =	shalt  }
0x57: {  	_ =	shalt  }
0x58: {  	_ =	shalt  }
0x59: {  	_ =	shalt  }
0x5a: {  	_ =	shalt  }
0x5b: {  	_ =	shalt  }
0x5c: {  	_ =	shalt  }
0x5d: {  	_ =	shalt  }
0x5e: {  	_ =	shalt  }
0x5f: {  	_ =	shalt  }
0x60: {  	_ =	shalt  }
0x61: {  	_ =	shalt  }
0x62: {  	_ =	shalt  }
0x63: {  	_ =	shalt  }
0x64: {  	_ =	shalt  }
0x65: {  	_ =	shalt  }
0x66: {  	_ =	shalt  }
0x67: {  	_ =	shalt  }
0x68: {  	_ =	shalt  }
0x69: {  	_ =	shalt  }
0x6a: {  	_ =	shalt  }
0x6b: {  	_ =	shalt  }
0x6c: {  	_ =	shalt  }
0x6d: {  	_ =	shalt  }
0x6e: {  	_ =	shalt  }
0x6f: {  	_ =	shalt  }
0x70: {  	_ =	shalt  }
0x71: {  	_ =	shalt  }
0x72: {  	_ =	shalt  }
0x73: {  	_ =	shalt  }
0x74: {  	_ =	shalt  }
0x75: {  	_ =	shalt  }
0x76: {  	_ =	shalt  }
0x77: {  	_ =	shalt  }
0x78: {  	_ =	shalt  }
0x79: {  	_ =	shalt  }
0x7a: {  	_ =	shalt  }
0x7b: {  	_ =	shalt  }
0x7c: {  	_ =	shalt  }
0x7d: {  	_ =	shalt  }
0x7e: {  	_ =	shalt  }
0x7f: {  	_ =	shalt  }
0x80: {  	_ =	shalt  }
0x81: {  	_ =	shalt  }
0x82: {  	_ =	shalt  }
0x83: {  	_ =	shalt  }
0x84: {  	_ =	shalt  }
0x85: {  	_ =	shalt  }
0x86: {  	_ =	shalt  }
0x87: {  	_ =	shalt  }
.Lfunc_end0:
.L_simem_size_0:
called_computation_lowered:
.L_overlay_start_0:
0x88: {  	s2 =	sld [smem:$0x3FD9]  }
0x89: {  	s3 =	sld [smem:$0x3FFE];
	_ =	sdelay $0x1  }
0x8a: {  	s1 =	srdreg.scid  }
0x8b: {  	s0 =	sand.u32 $0x1, s1  }
0x8c: {  	s15 =	sshll.u32 s0, $0xA;
	s2 =	sadd.s32 s3, s2  }
0x8d: {  	s2 =	sadd.s32 s2, s15  }
0x8e: {  	[smem:$0x3FC7] =	sst s2  }
0x8f: {  	_ = 	snop  }
0x90: {  	s2 =	sld [smem:$0x3FD0];
	_ =	sdelay $0x2  }
0x91: {  	s4 =	simm.s32 $0xA;
	s5 =	simm.s32 $0x10;
	s16 =	sld [smem:$0x3FC9]  }
0x92: {  	[smem:s5], [sflag:s4] =	dma.local [hbm:s2], $0x1  }
0x93: {  	_ =	swait.eq [sflag:s4], $0x1  }
0x94: {  	s17 =	sld [smem:$0x10];
	[sflag:s4] =	ssyncset.done $0x0  }
0x95: {  	s18 =	sld [smem:$0x11];
	[sflag:s4] =	ssyncadd.s32 $0xFFFFFFFF  }
0x96: {  	s19 =	sld [smem:$0x12];
	(tm) =	ssettm $0x1  }
0x97: {  	s6 =	sld [smem:$0x3FFB];
	_ =	sdelay $0x3  }
0x98: {  	_ =	strace s6  }
0x99: {  	s6 =	sld [smem:$0x3FFC];
	_ =	sdelay $0x3  }
0x9a: {  	_ =	strace s6  }
0x9b: {  	s6 =	sld [smem:$0x3FFD];
	_ =	sdelay $0x3  }
0x9c: {  	_ =	strace s6  }
0x9d: {  	_ =	strace $0x8FFFFFFF  }
0x9e: {  	s20 =	sld [smem:$0x3FDB];
	_ =	sdelay $0x1  }
0x9f: {  	s7 =	simm.s32 $_scs_section_size  }
0xa0: {  	s8 =	simm.s32 $_size__tile_overlayer_lowered;
	s9 =	simm.s32 $_tile_overlayer_lowered  }
0xa1: {  	s23 =	simm.s32 $0x1BFF;
	s22 =	sshll.u32 s9, $0x1;
	s6 =	sadd.s32 s7, s20  }
0xa2: {  	s10 =	simm.s32 $0x0;
	s21 =	sshll.u32 s8, $0x1;
	s8 =	sadd.s32 s22, s6  }
0xa3: {  	[timem:s10], [sflag:s23] =	dma.local [hbm:s8], s21  }
0xa4: {  	_ =	swait.ge [sflag:s23], s21  }
0xa5: {  	s7 =	ssub.s32 $0x0, s21;
	[sflag:s23] =	ssyncset.done $0x0  }
0xa6: {  	[sflag:s23] =	ssyncadd.s32 s7;
	_ =	sdelay $0x1  }
0xa7: {  	s24 =	simm.s32 $0x1B8B  }
0xa8: {  	_ =	swait.ge [sflag:s24], $0x1  }
0xa9: {  	[sflag:s24] =	ssyncset.done $0x0  }
0xaa: {  	s25 =	simm.s32 $0x1B8E;
	[sflag:s24] =	ssyncadd.s32 $0xFFFFFFFF  }
0xab: {  	s26 =	simm.s32 $execute0_lowered;
	[smem:$0x3FD2] =	sst s25  }
0xac: {  	s7 =	sshll.u32 s26, $0x1;
	_ =	strace $0x80000046;
	[dreg:$0x1] =	wrdreg $0xFFFFFFFF  }
0xad: {  	s28 =	simm.s32 $_size_execute0_lowered;
	s6 =	sadd.s32 s6, s7;
	[dreg:$0x0] =	wrdreg $0x0  }
0xae: {  	s7 =	sshll.u32 s28, $0x1;
	[dreg:$0x2] =	wrdreg s6  }
0xaf: {  	[dreg:$0x3] =	wrdreg s7  }
0xb0: {  	[dreg:$0x4] =	wrdreg $0xC0  }
0xb1: {  	_ =	task [dreg:s10], $0x5FFFF  }
0xb2: {  	[dreg:$0x1] =	wrdreg $0xFFFFFFFF  }
0xb3: {  	[dreg:$0x0] =	wrdreg $0x60  }
0xb4: {  	[dreg:$0x2] =	wrdreg s16  }
0xb5: {  	[dreg:$0x3] =	wrdreg s17  }
0xb6: {  	[dreg:$0x4] =	wrdreg s18  }
0xb7: {  	[dreg:$0x5] =	wrdreg s19  }
0xb8: {  	[dreg:$0x6] =	wrdreg $0x9  }
0xb9: {  	_ =	task.clear_ibuf [dreg:s10], $0x7FFFF;
	_ =	strace $0x90000046  }
0xba: {  	s29 =	simm.s32 $0x9;
	_ =	strace $0x80000048  }
0xbb: {  	_ =	swait.ge [sflag:s29], $0x1  }
0xbc: {  	[sflag:s29] =	ssyncadd.s32 $0xFFFFFFFF  }
0xbd: {  	_ =	strace $0x90000048  }
0xbe: {  	_ =	sfence  }
0xbf: {  	s30 =	sld [smem:$0x0];
	_ =	sdelay $0x2  }
0xc0: {  	s31 =	sshll.u32 s1, $0xD;
	s1 =	sshrl.u32 s1, $0x2  }
0xc1: {  	s3 =	sand.u32 $0x4000, s31;
	s1 =	sadd.s32 s1, s30  }
0xc2: {  	s0 =	sor.u32 s3, s0;
	s1 =	sshll.u32 s1, $0x11  }
0xc3: {  	s0 =	sor.u32 s1, s0  }
0xc4: {  	s0 =	sadd.s32 $0x8F2B, s0  }
0xc5: {  	[sflag:s0] =	ssyncadd.remote.s32 $0x1  }
0xc6: {  	_ =	sfence.sel $0xFFFF  }
0xc7: {  	[dreg:$0x0] =	wrdreg $0xFFFFFFFF;
	(pc) =	sbr.abs _section_cstart, $3  }
0xc8: {  	[dreg:$0x1] =	wrdreg $0xFFFFFFFF  }
0xc9: {  	_ =	task.clear_ibuf [dreg:s10], $0x2FFFF;
	_ =	strace $0x9FFFFFFF  }
0xca: {  	(tm) =	ssettm $0x7FFFFFFF  }
0xcb: {  	_ =	shalt  }
tec
execute0_lowered:
.L_overlay_start_1:
0x0: {  	(tag) =	ssettag $0x1  }
0x1: {  	s1 =	rddreg [dreg:$0x0]  }
0x2: {  	s0 =	srdreg.scid;
	s12 =	stileid.u32;
	s4 =	simm.s32 $0x0  }
0x3: {  	s19 =	simm.s32 $0x80;
	s0 =	sand.u32 $0x1, s0;
	s2 =	sshll.u32 s12, $0x1  }
0x4: {  	s28 =	simm.s32 $0x1;
	s3 =	ssub.s32 $0x2, s0;
	s0 =	sor.u32 s0, s2  }
0x5: {  	s29 =	simm.s32 $0x4000;
	s15 =	simm.s32 $0x17800;
	s7 =	smul.u32 $0x19, s0  }
0x6: {  	s18 =	simm.s32 $0x17C00;
	s16 =	simm.s32 $0x3;
	s26 =	smul.u32 $0x32000, s0  }
0x7: {  	[smem:$0x7FF] =	sst s4;
	s11 =	sand.u32 $0xF, s0;
	s0 =	smul.u32 $0x12000, s0  }
0x8: {  	s14 =	sadd.s32 $0x1F4000, s1;
	p1 =	sgt.u32 s12, $0x7;
	s23 =	smul.u32 $0x32000, s11  }
0x9: {  	_ =	strace $0x80000047;
	s20 =	sshrl.u32 s3, $0x1;
	s24 =	smul.u32 $0x12000, s11  }
0xa: {  	s2 =	ssub.s32 s3, s20;
	s11 =	smul.u32 $0x19, s11;
	s20 =	simm.s32 $0x320000  }
0xb: {  	s8 =	sshrl.u32 s7, $0x1;
	s21 =	sshll.u32 s7, $0x9;
	s22 =	sshll.u32 s7, $0xC  }
0xc: {  	s5 =	sadd.s32 $0x19, s7;
	s6 =	sshll.u32 s7, $0x2;
	s30 =	sand.u32 $0x3E0000, s26  }
0xd: {  	s0 =	sand.u32 $0x1E000, s0;
	s17 =	sadd.s32 $0x1, s7;
	s2 =	smax.u32 s2, $0x1  }
0xe: {  	s26 =	simm.s32 $0x4;
	s3 =	sand.u32 $0x7C000, s21;
	s4 =	sand.u32 $0x2000, s22  }
0xf: {  	s6 =	sand.u32 $0x70, s6;
	s9 =	sshrl.u32 s5, $0x1;
	s5 =	sand.u32 $0x1E000, s24  }
0x10: {  	s0 =	sor.u32 s0, s30;
	s13 =	sadd.s32 $0x1, s11;
	[dreg:$0x8] =	wrdreg s2  }
0x11: {  	s21 =	simm.s32 $0x6;
	s3 =	sadd.s32 s3, s1;
	s25 =	ssub.s32 s8, s9  }
0x12: {  	s0 =	sshrl.u32 s0, $0x3;
	s3 =	sadd.s32 s4, s3;
	s4 =	sand.u32 $0x3E0000, s23  }
0x13: {  	s0 =	sadd.s32 s1, s0;
	s3 =	sadd.s32 s6, s3;
	s4 =	sor.u32 s5, s4  }
.Ltmp0:
0x14: {  	[dreg:$0x6] =	wrdreg s0;
	s4 =	sadd.s32 $0xFA0000, s4;
	(pc) =	sbr.rel .LBB2_1-.Ltmp0, $4  }
0x15: {  	s10 =	sadd.s32 $0x64000, s3;
	s3 =	sand.u32 $0x1, s25;
	s31 =	sshrl.u32 s4, $0x3  }
0x16: {  	s0 =	simm.s32 $0x7;
	p0 =	seq.s32 s3, $0x1;
	s3 =	sadd.s32 s1, s31  }
0x17: {  	s2 =	simm.s32 $0x0;
	s0 =	simm.s32 @!p0 $0x8;
	[dreg:$0x5] =	wrdreg s3  }
0x18: {  	s25 =	simm.s32 $0x2;
	p0 =	sge.u32 s8, s9;
	[dreg:$0x7] =	wrdreg s0  }
.LBB2_37:
0x19: {  	_ =	swait.ge [sflag:s26], $0x2000  }
0x1a: {  	[sflag:s26] =	ssyncset.done $0x0  }
0x1b: {  	[sflag:s26] =	ssyncadd.s32 $0xFFFFE000  }
0x1c: {  	_ =	swait.ge [sflag:s16], $0x2000  }
0x1d: {  	s2 =	rddreg [dreg:$0x9]  }
0x1e: {  	s0 =	rddreg [dreg:$0x8];
	s2 =	sadd.s32 $0x1, s2  }
0x1f: {  	p2 =	sne.s32 s2, s0  }
.Ltmp1:
0x20: {  	_ = 	snop;
	(pc) =	sbr.rel @!p2 .LBB2_38-.Ltmp1, $3  }
0x21: {  	_ =	sdelay $0x1  }
0x22: {  	[sflag:s16] =	ssyncset.done $0x0  }
0x23: {  	[sflag:s16] =	ssyncadd.s32 $0xFFFFE000  }
.LBB2_1:
.Ltmp2:
0x24: {  	(pc) =	sbr.rel @p0 .LBB2_18-.Ltmp2, $2  }
0x25: {  	_ =	sdelay $0x2  }
0x26: {  	[dreg:$0x9] =	wrdreg s2  }
0x27: {  	s0 =	simm.s32 $0x0  }
0x28: {  	s2 =	simm.s32 $0x80;
	s4 =	sadd.s32 $0x0, s10;
	s3 =	simm.s32 $0x200  }
.LBB2_3:
0x29: {  	[tilespmem:s0], [sflag:$0x5] =	stream.strided.gather [hbm4b:s4+s19], $0x200, s20, s19, $0x38;
	[tilespmem:$0x18000] =	vst v63  }
0x2a: {  	s4 =	smov.u32 s2;
	s0 =	smov.u32 s3;
	p2 =	sne.s32 s2, $0x1F80  }
.Ltmp3:
0x2b: {  	s2 =	sadd.s32 $0x80, s2;
	(pc) =	sbr.rel @p2 .LBB2_3-.Ltmp3, $2  }
0x2c: {  	_ =	sdelay $0x2  }
0x2d: {  	s3 =	sadd.s32 $0x200, s3;
	s4 =	sadd.s32 s4, s10  }
.Ltmp4:
0x2e: {  	(pc) =	sbr.rel .LBB2_5-.Ltmp4, $3  }
0x2f: {  	_ =	sdelay $0x1  }
0x30: {  	[tilespmem:s0], [sflag:$0x5] =	stream.strided.gather [hbm4b:s4+s19], $0x200, s20, s19, $0x38;
	[tilespmem:$0x18000] =	vst v63  }
0x31: {  	s0 =	smov.u32 s8  }
.LBB2_14:
0x32: {  	[tilespmem:s4], [sflag:$0x5] =	stream.strided.gather [hbm4b:s22+s19], $0x200, s20, s19, $0x38;
	[tilespmem:$0x18000] =	vst v63  }
.LBB2_15:
0x33: {  	s0 =	sshll.u32 s0, $0xC;
	s3 =	rddreg [dreg:$0x2]  }
0x34: {  	s31 =	simm.s32 $0x0;
	s4 =	simm.s32 $0x8000;
	s0 =	sadd.s32 s3, s0  }
0x35: {  	[hbm4b:s0+s31] =	stream.linear.scatter [tilespmem:s4], [sflag:$0x8], $0x8000, $0x38;
	[tilespmem:$0x18000] =	vst v63  }
.LBB2_16:
0x36: {  	p2 =	slt.u32 s2, s9  }
.Ltmp5:
0x37: {  	_ = 	snop;
	(pc) =	sbr.rel @!p2 .LBB2_17-.Ltmp5, $2  }
0x38: {  	_ =	sdelay $0x2  }
0x39: {  	s0 =	smov.u32 s2  }
.LBB2_5:
0x3a: {  	s2 =	ssub.s32 s0, s8  }
0x3b: {  	s3 =	sand.u32 $0x1, s2  }
0x3c: {  	p2 =	seq.s32 s3, $0x1  }
.Ltmp6:
0x3d: {  	_ = 	snop;
	(pc) =	sbr.rel @p2 .LBB2_11-.Ltmp6, $1  }
0x3e: {  	_ =	sdelay $0x3  }
0x3f: {  	s2 =	simm.s32 $0x5  }
0x40: {  	_ =	swait.ge [sflag:s2], $0x8000  }
0x41: {  	[sflag:s2] =	ssyncset.done $0x0  }
0x42: {  	[sflag:s2] =	ssyncadd.s32 $0xFFFF8000;
	s2 =	sadd.s32 $0x1, s0  }
0x43: {  	p3 =	sge.u32 s2, s9  }
.Ltmp7:
0x44: {  	p2 =	sle.u32 s0, s8;
	(pc) =	sbr.rel @p3 .LBB2_10-.Ltmp7, $4  }
0x45: {  	s4 =	simm.s32 @!p2 $0x8  }
0x46: {  	_ =	swait.ge @!p2 [sflag:s4], $0x8000  }
0x47: {  	[sflag:s4] =	ssyncset.done @!p2 $0x0  }
0x48: {  	[sflag:s4] =	ssyncadd.s32 @!p2 $0xFFFF8000  }
0x49: {  	s4 =	sshll.u32 s2, $0xD;
	s5 =	sshll.u32 s2, $0x10  }
0x4a: {  	s6 =	sshll.u32 s2, $0x6;
	s4 =	sand.u32 $0x7FFE0000, s4;
	s5 =	sand.u32 $0x10000, s5  }
0x4b: {  	s31 =	sand.u32 $0x380, s6;
	s4 =	sor.u32 s5, s4  }
0x4c: {  	s4 =	sor.u32 s31, s4  }
0x4d: {  	s4 =	sadd.s32 $0x320000, s4  }
0x4e: {  	s4 =	sshrl.u32 s4, $0x3  }
0x4f: {  	s22 =	simm.s32 $0x8200;
	s4 =	sadd.s32 s1, s4  }
0x50: {  	s6 =	simm.s32 $0x80;
	s5 =	simm.s32 $0x8000;
	s23 =	sadd.s32 $0x0, s4  }
.LBB2_8:
0x51: {  	[tilespmem:s5], [sflag:$0x6] =	stream.strided.gather [hbm4b:s23+s19], $0x200, s20, s19, $0x38;
	[tilespmem:$0x18000] =	vst v63  }
0x52: {  	s23 =	smov.u32 s6;
	s5 =	smov.u32 s22;
	p2 =	sne.s32 s6, $0x1F80  }
.Ltmp8:
0x53: {  	s6 =	sadd.s32 $0x80, s6;
	(pc) =	sbr.rel @p2 .LBB2_8-.Ltmp8, $2  }
0x54: {  	_ =	sdelay $0x2  }
0x55: {  	s22 =	sadd.s32 $0x200, s22;
	s23 =	sadd.s32 s23, s4  }
0x56: {  	[tilespmem:s5], [sflag:$0x6] =	stream.strided.gather [hbm4b:s23+s19], $0x200, s20, s19, $0x38;
	[tilespmem:$0x18000] =	vst v63  }
.LBB2_10:
0x57: {  	p2 =	seq.s32 s3, $0x0  }
.Ltmp9:
0x58: {  	_ = 	snop;
	(pc) =	sbr.rel @p2 .LBB2_16-.Ltmp9, $4  }
0x59: {  	_ = 	snop  }
0x5a: {  	s4 =	sshll.u32 s0, $0xC;
	s5 =	rddreg [dreg:$0x2]  }
0x5b: {  	s31 =	simm.s32 $0x0;
	s4 =	sadd.s32 s5, s4  }
0x5c: {  	[hbm4b:s4+s31] =	stream.linear.scatter [tilespmem:s31], [sflag:$0x7], $0x8000, $0x38;
	[tilespmem:$0x18000] =	vst v63  }
.LBB2_11:
0x5d: {  	s2 =	sadd.s32 $0x1, s0  }
0x5e: {  	_ =	swait.ge [sflag:s21], $0x8000;
	p3 =	sge.u32 s2, s9  }
.Ltmp10:
0x5f: {  	p2 =	sle.u32 s0, s8;
	[sflag:s21] =	ssyncset.done $0x0;
	(pc) =	sbr.rel @p3 .LBB2_15-.Ltmp10, $4  }
0x60: {  	s3 =	simm.s32 @!p2 $0x7;
	[sflag:s21] =	ssyncadd.s32 $0xFFFF8000  }
0x61: {  	_ =	swait.ge @!p2 [sflag:s3], $0x8000  }
0x62: {  	[sflag:s3] =	ssyncset.done @!p2 $0x0  }
0x63: {  	[sflag:s3] =	ssyncadd.s32 @!p2 $0xFFFF8000  }
0x64: {  	s3 =	sshll.u32 s2, $0xD;
	s4 =	sshll.u32 s2, $0x10  }
0x65: {  	s5 =	sshll.u32 s2, $0x6;
	s3 =	sand.u32 $0x7FFE0000, s3;
	s4 =	sand.u32 $0x10000, s4  }
0x66: {  	s31 =	sand.u32 $0x380, s5;
	s3 =	sor.u32 s4, s3  }
0x67: {  	s3 =	sor.u32 s31, s3  }
0x68: {  	s3 =	sadd.s32 $0x320000, s3  }
0x69: {  	s3 =	sshrl.u32 s3, $0x3  }
0x6a: {  	s6 =	simm.s32 $0x200;
	s3 =	sadd.s32 s1, s3  }
0x6b: {  	s5 =	simm.s32 $0x80;
	s4 =	simm.s32 $0x0;
	s22 =	sadd.s32 $0x0, s3  }
.LBB2_13:
0x6c: {  	[tilespmem:s4], [sflag:$0x5] =	stream.strided.gather [hbm4b:s22+s19], $0x200, s20, s19, $0x38;
	[tilespmem:$0x18000] =	vst v63  }
0x6d: {  	s22 =	smov.u32 s5;
	s4 =	smov.u32 s6;
	p2 =	sne.s32 s5, $0x1F80  }
.Ltmp11:
0x6e: {  	s5 =	sadd.s32 $0x80, s5;
	(pc) =	sbr.rel @p2 .LBB2_13-.Ltmp11, $2  }
0x6f: {  	_ =	sdelay $0x2  }
0x70: {  	s6 =	sadd.s32 $0x200, s6;
	s22 =	sadd.s32 s22, s3  }
.Ltmp12:
0x71: {  	_ = 	snop;
	(pc) =	sbr.rel .LBB2_14-.Ltmp12, $1  }
0x72: {  	_ =	sdelay $0x3  }
.LBB2_17:
0x73: {  	s0 =	rddreg [dreg:$0x7]  }
0x74: {  	_ =	swait.ge [sflag:s0], $0x8000  }
0x75: {  	[sflag:s0] =	ssyncset.done $0x0  }
0x76: {  	[sflag:s0] =	ssyncadd.s32 $0xFFFF8000  }
.LBB2_18:
.Ltmp13:
0x77: {  	(pc) =	sbr.rel @p1 .LBB2_28-.Ltmp13, $2  }
0x78: {  	_ =	sdelay $0x2  }
0x79: {  	s22 =	simm.s32 $0x0  }
.Ltmp14:
0x7a: {  	(pc) =	sbr.rel .LBB2_20-.Ltmp14, $3  }
0x7b: {  	_ =	sdelay $0x1  }
0x7c: {  	s0 =	rddreg [dreg:$0x6];
	s2 =	simm.s32 $0x10000  }
0x7d: {  	[tilespmem:s2], [sflag:$0x1] =	stream.linear.gather [hbm4b:s0+s22], $0x2000, $0x38;
	[tilespmem:$0x18000] =	vst v63  }
.LBB2_27:
0x7e: {  	s22 =	sadd.s32 $0x1, s22  }
0x7f: {  	p2 =	seq.s32 s22, $0x19  }
.Ltmp15:
0x80: {  	_ = 	snop;
	(pc) =	sbr.rel @p2 .LBB2_37-.Ltmp15, $1  }
0x81: {  	_ =	sdelay $0x3  }
.LBB2_20:
0x82: {  	s4 =	sand.u32 $0x1, s22  }
0x83: {  	p2 =	seq.s32 s4, $0x1  }
.Ltmp16:
0x84: {  	_ = 	snop;
	(pc) =	sbr.rel @p2 .LBB2_24-.Ltmp16, $2  }
0x85: {  	_ =	sdelay $0x2  }
0x86: {  	s3 =	sadd.s32 s7, s22  }
0x87: {  	p2 =	seq.s32 s22, $0x18  }
0x88: {  	_ =	swait.ge [sflag:s28], $0x2000;
	s0 =	sadd.s32 @!p2 s22, s17  }
0x89: {  	[sflag:s28] =	ssyncset.done $0x0;
	s0 =	sshll.u32 @!p2 s0, $0xA  }
0x8a: {  	s2 =	simm.s32 @!p2 $0x0;
	s5 =	simm.s32 @!p2 $0x12000;
	s0 =	sand.u32 @!p2 $0xFFFFC00, s0  }
0x8b: {  	p3 =	slt.u32 @!p2 s22, $0x2;
	[sflag:s28] =	ssyncadd.s32 $0xFFFFE000;
	s0 =	sadd.s32 @!p2 s1, s0  }
0x8c: {  	[tilespmem:s5], [sflag:$0x2] =	stream.linear.gather @!p2 [hbm4b:s0+s2], $0x2000, $0x38;
	[tilespmem:$0x18000] =	vst v63  }
0x8d: {  	p2 =	por p2, !p3  }
0x8e: {  	s5 =	simm.s32 $0x0;
	_ =	swait.ge @p2 [sflag:s16], $0x2000  }
0x8f: {  	s23 =	sand.u32 $0x40, s5;
	s24 =	sand.u32 $0x1C00, s5;
	[sflag:s16] =	ssyncset.done @p2 $0x0  }
0x90: {  	s0 =	sor.u32 s23, s24;
	[sflag:s16] =	ssyncadd.s32 @p2 $0xFFFFE000  }
0x91: {  	v0 =	vld [tilespmem:s0+$0x10080]  }
0x92: {  	v1 =	vld [tilespmem:s0+$0x10180]  }
0x93: {  	v2 =	vld [tilespmem:s0+$0x10000]  }
0x94: {  	v3 =	vld [tilespmem:s0+$0x10100];
	_ =	sdelay $0x1  }
0x95: {  	v0 =	vtrunc.f32 v0  }
0x96: {  	v1 =	vtrunc.f32 v1;
	v0 =	vcvt.f32.s32 v0  }
0x97: {  	s2 =	simm.s32 $0x1;
	p2 =	por $0x0, $0x0;
	v2 =	vtrunc.f32 v2;
	v1 =	vcvt.f32.s32 v1  }
0x98: {  	s2 =	simm.s32 @!p2 $0x0;
	v2 =	vcvt.f32.s32 v2;
	[tilespmem:s0+$0x14080] =	vst v0;
	v0 =	vtrunc.f32 v3  }
0x99: {  	s2 =	sshll.u32 s2, $0x6;
	[tilespmem:s0+$0x14180] =	vst v1;
	v0 =	vcvt.f32.s32 v0  }
0x9a: {  	s2 =	sadd.s32 $0x0, s2;
	[tilespmem:s0+$0x14000] =	vst v2  }
0x9b: {  	s6 =	sor.u32 $0x200, s2;
	[tilespmem:s0+$0x14100] =	vst v0  }
0x9c: {  	v0 =	vld [tilespmem:s6+$0x10000];
	_ =	sdelay $0x4  }
0x9d: {  	v0 =	vtrunc.f32 v0  }
0x9e: {  	v0 =	vcvt.f32.s32 v0;
	_ =	sdelay $0x1  }
0x9f: {  	s31 =	sor.u32 $0x280, s2;
	[tilespmem:s6+$0x14000] =	vst v0  }
0xa0: {  	v0 =	vld [tilespmem:s31+$0x10000];
	_ =	sdelay $0x4  }
0xa1: {  	v0 =	vtrunc.f32 v0  }
0xa2: {  	v0 =	vcvt.f32.s32 v0;
	_ =	sdelay $0x1  }
0xa3: {  	s12 =	sor.u32 $0x300, s2;
	[tilespmem:s31+$0x14000] =	vst v0  }
0xa4: {  	v0 =	vld [tilespmem:s12+$0x10000];
	_ =	sdelay $0x4  }
0xa5: {  	v0 =	vtrunc.f32 v0  }
0xa6: {  	v0 =	vcvt.f32.s32 v0  }
0xa7: {  	s23 =	sor.u32 s5, s5  }
0xa8: {  	s24 =	sor.u32 $0x380, s23;
	[tilespmem:s12+$0x14000] =	vst v0  }
0xa9: {  	v0 =	vld [tilespmem:s24+$0x10000];
	_ =	sdelay $0x4  }
0xaa: {  	v0 =	vtrunc.f32 v0  }
0xab: {  	v0 =	vcvt.f32.s32 v0;
	_ =	sdelay $0x1  }
0xac: {  	[tilespmem:s24+$0x14000] =	vst v0  }
0xad: {  	v0 =	vld [tilespmem:s0+$0x10010]  }
0xae: {  	v1 =	vld [tilespmem:s0+$0x10090]  }
0xaf: {  	v2 =	vld [tilespmem:s0+$0x10190]  }
0xb0: {  	v3 =	vld [tilespmem:s0+$0x10110];
	_ =	sdelay $0x1  }
0xb1: {  	v0 =	vtrunc.f32 v0  }
0xb2: {  	v1 =	vtrunc.f32 v1;
	v0 =	vcvt.f32.s32 v0  }
0xb3: {  	v2 =	vtrunc.f32 v2;
	v1 =	vcvt.f32.s32 v1  }
0xb4: {  	v2 =	vcvt.f32.s32 v2;
	[tilespmem:s0+$0x14010] =	vst v0;
	v0 =	vtrunc.f32 v3  }
0xb5: {  	[tilespmem:s0+$0x14090] =	vst v1;
	v0 =	vcvt.f32.s32 v0  }
0xb6: {  	s6 =	sadd.s32 $0x10, s2;
	[tilespmem:s0+$0x14190] =	vst v2  }
0xb7: {  	s31 =	sor.u32 $0x200, s6;
	[tilespmem:s0+$0x14110] =	vst v0  }
0xb8: {  	v0 =	vld [tilespmem:s31+$0x10000];
	_ =	sdelay $0x4  }
0xb9: {  	v0 =	vtrunc.f32 v0  }
0xba: {  	v0 =	vcvt.f32.s32 v0;
	_ =	sdelay $0x1  }
0xbb: {  	s12 =	sor.u32 $0x280, s6;
	[tilespmem:s31+$0x14000] =	vst v0  }
0xbc: {  	v0 =	vld [tilespmem:s12+$0x10000];
	_ =	sdelay $0x4  }
0xbd: {  	v0 =	vtrunc.f32 v0  }
0xbe: {  	v0 =	vcvt.f32.s32 v0;
	_ =	sdelay $0x1  }
0xbf: {  	s24 =	sor.u32 $0x300, s6;
	[tilespmem:s12+$0x14000] =	vst v0  }
0xc0: {  	v0 =	vld [tilespmem:s24+$0x10000];
	_ =	sdelay $0x4  }
0xc1: {  	v0 =	vtrunc.f32 v0  }
0xc2: {  	v0 =	vcvt.f32.s32 v0;
	_ =	sdelay $0x1  }
0xc3: {  	s6 =	sor.u32 $0x380, s6;
	[tilespmem:s24+$0x14000] =	vst v0  }
0xc4: {  	v0 =	vld [tilespmem:s6+$0x10000];
	_ =	sdelay $0x4  }
0xc5: {  	v0 =	vtrunc.f32 v0  }
0xc6: {  	v0 =	vcvt.f32.s32 v0;
	_ =	sdelay $0x1  }
0xc7: {  	[tilespmem:s6+$0x14000] =	vst v0  }
0xc8: {  	v0 =	vld [tilespmem:s0+$0x10020]  }
0xc9: {  	v1 =	vld [tilespmem:s0+$0x100A0]  }
0xca: {  	v2 =	vld [tilespmem:s0+$0x10120]  }
0xcb: {  	v3 =	vld [tilespmem:s0+$0x101A0];
	_ =	sdelay $0x1  }
0xcc: {  	v0 =	vtrunc.f32 v0  }
0xcd: {  	v1 =	vtrunc.f32 v1;
	v0 =	vcvt.f32.s32 v0  }
0xce: {  	v2 =	vtrunc.f32 v2;
	v1 =	vcvt.f32.s32 v1  }
0xcf: {  	[tilespmem:s0+$0x14020] =	vst v0;
	v0 =	vcvt.f32.s32 v2;
	v2 =	vtrunc.f32 v3  }
0xd0: {  	[tilespmem:s0+$0x140A0] =	vst v1;
	v1 =	vcvt.f32.s32 v2  }
0xd1: {  	s6 =	sadd.s32 $0x20, s2;
	[tilespmem:s0+$0x14120] =	vst v0  }
0xd2: {  	s31 =	sor.u32 $0x200, s6;
	[tilespmem:s0+$0x141A0] =	vst v1  }
0xd3: {  	v0 =	vld [tilespmem:s31+$0x10000];
	_ =	sdelay $0x4  }
0xd4: {  	v0 =	vtrunc.f32 v0  }
0xd5: {  	v0 =	vcvt.f32.s32 v0;
	_ =	sdelay $0x1  }
0xd6: {  	s12 =	sor.u32 $0x280, s6;
	[tilespmem:s31+$0x14000] =	vst v0  }
0xd7: {  	v0 =	vld [tilespmem:s12+$0x10000];
	_ =	sdelay $0x4  }
0xd8: {  	v0 =	vtrunc.f32 v0  }
0xd9: {  	v0 =	vcvt.f32.s32 v0;
	_ =	sdelay $0x1  }
0xda: {  	s24 =	sor.u32 $0x300, s6;
	[tilespmem:s12+$0x14000] =	vst v0  }
0xdb: {  	v0 =	vld [tilespmem:s24+$0x10000];
	_ =	sdelay $0x4  }
0xdc: {  	v0 =	vtrunc.f32 v0  }
0xdd: {  	v0 =	vcvt.f32.s32 v0;
	_ =	sdelay $0x1  }
0xde: {  	s6 =	sor.u32 $0x380, s6;
	[tilespmem:s24+$0x14000] =	vst v0  }
0xdf: {  	v0 =	vld [tilespmem:s6+$0x10000];
	_ =	sdelay $0x4  }
0xe0: {  	v0 =	vtrunc.f32 v0  }
0xe1: {  	v0 =	vcvt.f32.s32 v0;
	_ =	sdelay $0x1  }
0xe2: {  	[tilespmem:s6+$0x14000] =	vst v0  }
0xe3: {  	v0 =	vld [tilespmem:s0+$0x10030]  }
0xe4: {  	v1 =	vld [tilespmem:s0+$0x100B0]  }
0xe5: {  	v2 =	vld [tilespmem:s0+$0x10130]  }
0xe6: {  	v3 =	vld [tilespmem:s0+$0x101B0];
	_ =	sdelay $0x1  }
0xe7: {  	v0 =	vtrunc.f32 v0  }
0xe8: {  	v1 =	vtrunc.f32 v1;
	v0 =	vcvt.f32.s32 v0  }
0xe9: {  	v2 =	vtrunc.f32 v2;
	v1 =	vcvt.f32.s32 v1  }
0xea: {  	[tilespmem:s0+$0x14030] =	vst v0;
	v0 =	vcvt.f32.s32 v2;
	v2 =	vtrunc.f32 v3  }
0xeb: {  	[tilespmem:s0+$0x140B0] =	vst v1;
	v1 =	vcvt.f32.s32 v2  }
0xec: {  	s30 =	sadd.s32 $0x30, s2;
	[tilespmem:s0+$0x14130] =	vst v0  }
0xed: {  	s31 =	sor.u32 $0x200, s30;
	[tilespmem:s0+$0x141B0] =	vst v1  }
0xee: {  	v0 =	vld [tilespmem:s31+$0x10000];
	_ =	sdelay $0x4  }
0xef: {  	v0 =	vtrunc.f32 v0  }
0xf0: {  	v0 =	vcvt.f32.s32 v0;
	_ =	sdelay $0x1  }
0xf1: {  	s0 =	sor.u32 $0x280, s30;
	[tilespmem:s31+$0x14000] =	vst v0  }
0xf2: {  	v0 =	vld [tilespmem:s0+$0x10000];
	_ =	sdelay $0x2  }
0xf3: {  	s23 =	simm.s32 $0x40;
	s6 =	simm.s32 $0x0  }
.LBB2_22:
0xf4: {  	s6 =	sadd.s32 $0x4, s6;
	s5 =	sadd.s32 $0x200, s5;
	p2 =	por !p2, !p2  }
0xf5: {  	p3 =	slt.u32 s6, $0x3C;
	v0 =	vtrunc.f32 v0  }
0xf6: {  	v0 =	vcvt.f32.s32 v0;
	_ =	sdelay $0x1  }
0xf7: {  	[tilespmem:s0+$0x14000] =	vst v0;
	s0 =	sor.u32 $0x300, s30  }
0xf8: {  	v0 =	vld [tilespmem:s0+$0x10000];
	_ =	sdelay $0x4  }
0xf9: {  	v0 =	vtrunc.f32 v0  }
0xfa: {  	v0 =	vcvt.f32.s32 v0  }
0xfb: {  	s2 =	sand.u32 $0x40, s23;
	s31 =	sand.u32 $0x1C00, s5  }
0xfc: {  	s31 =	sor.u32 s2, s31;
	[tilespmem:s0+$0x14000] =	vst v0;
	s0 =	sor.u32 $0x380, s30  }
0xfd: {  	v0 =	vld [tilespmem:s0+$0x10000];
	_ =	sdelay $0x4  }
0xfe: {  	v0 =	vtrunc.f32 v0  }
0xff: {  	v0 =	vcvt.f32.s32 v0;
	_ =	sdelay $0x1  }
0x100: {  	[tilespmem:s0+$0x14000] =	vst v0  }
0x101: {  	v0 =	vld [tilespmem:s31+$0x10080]  }
0x102: {  	v1 =	vld [tilespmem:s31+$0x10180]  }
0x103: {  	v2 =	vld [tilespmem:s31+$0x10000]  }
0x104: {  	v3 =	vld [tilespmem:s31+$0x10100];
	_ =	sdelay $0x1  }
0x105: {  	v0 =	vtrunc.f32 v0  }
0x106: {  	v0 =	vcvt.f32.s32 v0;
	v1 =	vtrunc.f32 v1  }
0x107: {  	s0 =	simm.s32 $0x1;
	v2 =	vtrunc.f32 v2;
	v1 =	vcvt.f32.s32 v1  }
0x108: {  	s0 =	simm.s32 @!p2 $0x0;
	v2 =	vcvt.f32.s32 v2;
	[tilespmem:s31+$0x14080] =	vst v0;
	v0 =	vtrunc.f32 v3  }
0x109: {  	s0 =	sshll.u32 s0, $0x6;
	v0 =	vcvt.f32.s32 v0;
	[tilespmem:s31+$0x14180] =	vst v1  }
0x10a: {  	s24 =	sadd.s32 s0, s5;
	[tilespmem:s31+$0x14000] =	vst v2  }
0x10b: {  	s12 =	sor.u32 $0x200, s24;
	s2 =	sadd.s32 $0x10, s24;
	s0 =	sadd.s32 $0x20, s24;
	[tilespmem:s31+$0x14100] =	vst v0  }
0x10c: {  	s30 =	sadd.s32 $0x30, s24;
	v0 =	vld [tilespmem:s12+$0x10000];
	_ =	sdelay $0x4  }
0x10d: {  	v0 =	vtrunc.f32 v0  }
0x10e: {  	v0 =	vcvt.f32.s32 v0;
	_ =	sdelay $0x1  }
0x10f: {  	[tilespmem:s12+$0x14000] =	vst v0;
	s12 =	sor.u32 $0x280, s24  }
0x110: {  	v0 =	vld [tilespmem:s12+$0x10000];
	_ =	sdelay $0x4  }
0x111: {  	v0 =	vtrunc.f32 v0  }
0x112: {  	v0 =	vcvt.f32.s32 v0;
	_ =	sdelay $0x1  }
0x113: {  	[tilespmem:s12+$0x14000] =	vst v0;
	s12 =	sor.u32 $0x300, s24  }
0x114: {  	v0 =	vld [tilespmem:s12+$0x10000];
	_ =	sdelay $0x4  }
0x115: {  	v0 =	vtrunc.f32 v0  }
0x116: {  	v0 =	vcvt.f32.s32 v0  }
0x117: {  	s24 =	sor.u32 s5, s23  }
0x118: {  	[tilespmem:s12+$0x14000] =	vst v0;
	s12 =	sor.u32 $0x380, s24  }
0x119: {  	v0 =	vld [tilespmem:s12+$0x10000];
	_ =	sdelay $0x4  }
0x11a: {  	v0 =	vtrunc.f32 v0  }
0x11b: {  	v0 =	vcvt.f32.s32 v0;
	_ =	sdelay $0x1  }
0x11c: {  	[tilespmem:s12+$0x14000] =	vst v0  }
0x11d: {  	v0 =	vld [tilespmem:s31+$0x10010]  }
0x11e: {  	v1 =	vld [tilespmem:s31+$0x10090]  }
0x11f: {  	v2 =	vld [tilespmem:s31+$0x10190]  }
0x120: {  	v3 =	vld [tilespmem:s31+$0x10110];
	_ =	sdelay $0x1  }
0x121: {  	v0 =	vtrunc.f32 v0  }
0x122: {  	v0 =	vcvt.f32.s32 v0;
	v1 =	vtrunc.f32 v1  }
0x123: {  	v1 =	vcvt.f32.s32 v1;
	v2 =	vtrunc.f32 v2  }
0x124: {  	[tilespmem:s31+$0x14010] =	vst v0;
	v0 =	vtrunc.f32 v3;
	v2 =	vcvt.f32.s32 v2  }
0x125: {  	[tilespmem:s31+$0x14090] =	vst v1;
	v0 =	vcvt.f32.s32 v0  }
0x126: {  	[tilespmem:s31+$0x14190] =	vst v2  }
0x127: {  	s12 =	sor.u32 $0x200, s2;
	[tilespmem:s31+$0x14110] =	vst v0  }
0x128: {  	v0 =	vld [tilespmem:s12+$0x10000];
	_ =	sdelay $0x4  }
0x129: {  	v0 =	vtrunc.f32 v0  }
0x12a: {  	v0 =	vcvt.f32.s32 v0;
	_ =	sdelay $0x1  }
0x12b: {  	[tilespmem:s12+$0x14000] =	vst v0;
	s12 =	sor.u32 $0x280, s2  }
0x12c: {  	v0 =	vld [tilespmem:s12+$0x10000];
	_ =	sdelay $0x4  }
0x12d: {  	v0 =	vtrunc.f32 v0  }
0x12e: {  	v0 =	vcvt.f32.s32 v0;
	_ =	sdelay $0x1  }
0x12f: {  	[tilespmem:s12+$0x14000] =	vst v0;
	s12 =	sor.u32 $0x300, s2  }
0x130: {  	v0 =	vld [tilespmem:s12+$0x10000];
	_ =	sdelay $0x4  }
0x131: {  	v0 =	vtrunc.f32 v0  }
0x132: {  	v0 =	vcvt.f32.s32 v0;
	_ =	sdelay $0x1  }
0x133: {  	s2 =	sor.u32 $0x380, s2;
	[tilespmem:s12+$0x14000] =	vst v0  }
0x134: {  	v0 =	vld [tilespmem:s2+$0x10000];
	_ =	sdelay $0x4  }
0x135: {  	v0 =	vtrunc.f32 v0  }
0x136: {  	v0 =	vcvt.f32.s32 v0;
	_ =	sdelay $0x1  }
0x137: {  	[tilespmem:s2+$0x14000] =	vst v0  }
0x138: {  	v0 =	vld [tilespmem:s31+$0x10020]  }
0x139: {  	v1 =	vld [tilespmem:s31+$0x100A0]  }
0x13a: {  	v2 =	vld [tilespmem:s31+$0x10120]  }
0x13b: {  	v3 =	vld [tilespmem:s31+$0x101A0];
	_ =	sdelay $0x1  }
0x13c: {  	v0 =	vtrunc.f32 v0  }
0x13d: {  	v0 =	vcvt.f32.s32 v0;
	v1 =	vtrunc.f32 v1  }
0x13e: {  	v1 =	vcvt.f32.s32 v1;
	v2 =	vtrunc.f32 v2  }
0x13f: {  	[tilespmem:s31+$0x14020] =	vst v0;
	v0 =	vcvt.f32.s32 v2;
	v2 =	vtrunc.f32 v3  }
0x140: {  	[tilespmem:s31+$0x140A0] =	vst v1;
	v1 =	vcvt.f32.s32 v2  }
0x141: {  	[tilespmem:s31+$0x14120] =	vst v0  }
0x142: {  	s2 =	sor.u32 $0x200, s0;
	[tilespmem:s31+$0x141A0] =	vst v1  }
0x143: {  	v0 =	vld [tilespmem:s2+$0x10000];
	_ =	sdelay $0x4  }
0x144: {  	v0 =	vtrunc.f32 v0  }
0x145: {  	v0 =	vcvt.f32.s32 v0;
	_ =	sdelay $0x1  }
0x146: {  	[tilespmem:s2+$0x14000] =	vst v0;
	s2 =	sor.u32 $0x280, s0  }
0x147: {  	v0 =	vld [tilespmem:s2+$0x10000];
	_ =	sdelay $0x4  }
0x148: {  	v0 =	vtrunc.f32 v0  }
0x149: {  	v0 =	vcvt.f32.s32 v0;
	_ =	sdelay $0x1  }
0x14a: {  	[tilespmem:s2+$0x14000] =	vst v0;
	s2 =	sor.u32 $0x300, s0  }
0x14b: {  	v0 =	vld [tilespmem:s2+$0x10000];
	_ =	sdelay $0x4  }
0x14c: {  	v0 =	vtrunc.f32 v0  }
0x14d: {  	v0 =	vcvt.f32.s32 v0;
	_ =	sdelay $0x1  }
0x14e: {  	s0 =	sor.u32 $0x380, s0;
	[tilespmem:s2+$0x14000] =	vst v0  }
0x14f: {  	v0 =	vld [tilespmem:s0+$0x10000];
	_ =	sdelay $0x4  }
0x150: {  	v0 =	vtrunc.f32 v0  }
0x151: {  	v0 =	vcvt.f32.s32 v0;
	_ =	sdelay $0x1  }
0x152: {  	[tilespmem:s0+$0x14000] =	vst v0  }
0x153: {  	v0 =	vld [tilespmem:s31+$0x10030]  }
0x154: {  	v1 =	vld [tilespmem:s31+$0x100B0]  }
0x155: {  	v2 =	vld [tilespmem:s31+$0x10130];
	_ =	sdelay $0x1  }
0x156: {  	v3 =	vld [tilespmem:s31+$0x101B0]  }
0x157: {  	v0 =	vtrunc.f32 v0  }
0x158: {  	v0 =	vcvt.f32.s32 v0;
	v1 =	vtrunc.f32 v1  }
0x159: {  	v1 =	vcvt.f32.s32 v1;
	v2 =	vtrunc.f32 v2  }
0x15a: {  	[tilespmem:s31+$0x14030] =	vst v0;
	v0 =	vcvt.f32.s32 v2  }
0x15b: {  	[tilespmem:s31+$0x140B0] =	vst v1;
	v1 =	vtrunc.f32 v3  }
0x15c: {  	[tilespmem:s31+$0x14130] =	vst v0;
	v0 =	vcvt.f32.s32 v1;
	_ =	sdelay $0x1  }
0x15d: {  	s0 =	sor.u32 $0x200, s30;
	[tilespmem:s31+$0x141B0] =	vst v0  }
0x15e: {  	v0 =	vld [tilespmem:s0+$0x10000];
	_ =	sdelay $0x4  }
0x15f: {  	v0 =	vtrunc.f32 v0  }
0x160: {  	v0 =	vcvt.f32.s32 v0;
	_ =	sdelay $0x1  }
.Ltmp17:
0x161: {  	[tilespmem:s0+$0x14000] =	vst v0;
	s0 =	sor.u32 $0x280, s30;
	(pc) =	sbr.rel @p3 .LBB2_22-.Ltmp17, $2  }
0x162: {  	v0 =	vld [tilespmem:s0+$0x10000];
	_ =	sdelay $0x2  }
0x163: {  	s23 =	sadd.s32 $0x40, s23  }
0x164: {  	_ = 	snop  }
0x165: {  	v0 =	vtrunc.f32 v0  }
0x166: {  	v0 =	vcvt.f32.s32 v0;
	_ =	sdelay $0x1  }
0x167: {  	s24 =	sor.u32 $0x300, s30;
	[tilespmem:s0+$0x14000] =	vst v0  }
0x168: {  	v0 =	vld [tilespmem:s24+$0x10000];
	_ =	sdelay $0x4  }
0x169: {  	v0 =	vtrunc.f32 v0  }
0x16a: {  	v0 =	vcvt.f32.s32 v0;
	_ =	sdelay $0x1  }
0x16b: {  	s31 =	sor.u32 $0x380, s30;
	[tilespmem:s24+$0x14000] =	vst v0  }
0x16c: {  	v0 =	vld [tilespmem:s31+$0x10000];
	_ =	sdelay $0x4  }
0x16d: {  	s2 =	sshll.u32 s3, $0x7;
	v0 =	vtrunc.f32 v0  }
0x16e: {  	s5 =	sshll.u32 s3, $0xA;
	s6 =	rddreg [dreg:$0x1];
	s2 =	sand.u32 $0x780, s2;
	v0 =	vcvt.f32.s32 v0  }
0x16f: {  	s5 =	sand.u32 $0xFFFC000, s5;
	s2 =	sadd.s32 s6, s2  }
0x170: {  	s0 =	sadd.s32 s5, s2;
	s5 =	simm.s32 $0x14000;
	[tilespmem:s31+$0x14000] =	vst v0  }
0x171: {  	[hbm4b:s0+s19] =	stream.strided.scatter [tilespmem:s5], [sflag:$0x3], $0x400, s29, s19, $0x38;
	[tilespmem:$0x18000] =	vst v63  }
0x172: {  	s12 =	simm.s32 $0x14400;
	s6 =	sadd.s32 $0x10, s0  }
0x173: {  	[hbm4b:s6+s19] =	stream.strided.scatter [tilespmem:s12], [sflag:$0x3], $0x400, s29, s19, $0x38;
	[tilespmem:$0x18000] =	vst v63  }
0x174: {  	s23 =	sadd.s32 $0x20, s0;
	s24 =	simm.s32 $0x14800  }
0x175: {  	[hbm4b:s23+s19] =	stream.strided.scatter [tilespmem:s24], [sflag:$0x3], $0x400, s29, s19, $0x38;
	[tilespmem:$0x18000] =	vst v63  }
0x176: {  	s30 =	sadd.s32 $0x30, s0;
	s31 =	simm.s32 $0x14C00  }
0x177: {  	[hbm4b:s30+s19] =	stream.strided.scatter [tilespmem:s31], [sflag:$0x3], $0x400, s29, s19, $0x38;
	[tilespmem:$0x18000] =	vst v63  }
0x178: {  	s5 =	sadd.s32 $0x40, s0;
	s6 =	simm.s32 $0x15000  }
0x179: {  	[hbm4b:s5+s19] =	stream.strided.scatter [tilespmem:s6], [sflag:$0x3], $0x400, s29, s19, $0x38;
	[tilespmem:$0x18000] =	vst v63  }
0x17a: {  	p2 =	seq.s32 s4, $0x0;
	s12 =	sadd.s32 $0x50, s0;
	s23 =	simm.s32 $0x15400  }
0x17b: {  	[hbm4b:s12+s19] =	stream.strided.scatter [tilespmem:s23], [sflag:$0x3], $0x400, s29, s19, $0x38;
	[tilespmem:$0x18000] =	vst v63  }
.Ltmp18:
0x17c: {  	_ = 	snop;
	(pc) =	sbr.rel @p2 .LBB2_27-.Ltmp18, $4  }
0x17d: {  	s24 =	sadd.s32 $0x60, s0;
	s30 =	simm.s32 $0x15800  }
0x17e: {  	[hbm4b:s24+s19] =	stream.strided.scatter [tilespmem:s30], [sflag:$0x3], $0x400, s29, s19, $0x38;
	[tilespmem:$0x18000] =	vst v63  }
0x17f: {  	s0 =	sadd.s32 $0x70, s0;
	s31 =	simm.s32 $0x15C00  }
0x180: {  	[hbm4b:s0+s19] =	stream.strided.scatter [tilespmem:s31], [sflag:$0x3], $0x400, s29, s19, $0x38;
	[tilespmem:$0x18000] =	vst v63  }
.LBB2_24:
0x181: {  	p2 =	seq.s32 s22, $0x18  }
0x182: {  	_ =	swait.ge [sflag:s25], $0x2000;
	s0 =	sadd.s32 @!p2 s22, s17  }
0x183: {  	[sflag:s25] =	ssyncset.done $0x0;
	s0 =	sshll.u32 @!p2 s0, $0xA  }
0x184: {  	s2 =	simm.s32 @!p2 $0x0;
	s4 =	simm.s32 @!p2 $0x10000;
	s0 =	sand.u32 @!p2 $0xFFFFC00, s0  }
0x185: {  	p3 =	slt.u32 @!p2 s22, $0x2;
	[sflag:s25] =	ssyncadd.s32 $0xFFFFE000;
	s0 =	sadd.s32 @!p2 s1, s0  }
0x186: {  	[tilespmem:s4], [sflag:$0x1] =	stream.linear.gather @!p2 [hbm4b:s0+s2], $0x2000, $0x38;
	[tilespmem:$0x18000] =	vst v63  }
0x187: {  	p2 =	por p2, !p3  }
0x188: {  	s4 =	simm.s32 $0x0;
	_ =	swait.ge @p2 [sflag:s26], $0x2000  }
0x189: {  	s23 =	sand.u32 $0x40, s4;
	s24 =	sand.u32 $0x1C00, s4;
	[sflag:s26] =	ssyncset.done @p2 $0x0  }
0x18a: {  	s0 =	sor.u32 s23, s24;
	[sflag:s26] =	ssyncadd.s32 @p2 $0xFFFFE000  }
0x18b: {  	v0 =	vld [tilespmem:s0+$0x12080]  }
0x18c: {  	v1 =	vld [tilespmem:s0+$0x12180]  }
0x18d: {  	v2 =	vld [tilespmem:s0+$0x12000]  }
0x18e: {  	v3 =	vld [tilespmem:s0+$0x12100];
	_ =	sdelay $0x1  }
0x18f: {  	v0 =	vtrunc.f32 v0  }
0x190: {  	v1 =	vtrunc.f32 v1;
	v0 =	vcvt.f32.s32 v0  }
0x191: {  	s2 =	simm.s32 $0x1;
	p2 =	por $0x0, $0x0;
	v2 =	vtrunc.f32 v2;
	v1 =	vcvt.f32.s32 v1  }
0x192: {  	s2 =	simm.s32 @!p2 $0x0;
	v2 =	vcvt.f32.s32 v2;
	[tilespmem:s0+$0x16080] =	vst v0;
	v0 =	vtrunc.f32 v3  }
0x193: {  	s2 =	sshll.u32 s2, $0x6;
	[tilespmem:s0+$0x16180] =	vst v1;
	v0 =	vcvt.f32.s32 v0  }
0x194: {  	s2 =	sadd.s32 $0x0, s2;
	[tilespmem:s0+$0x16000] =	vst v2  }
0x195: {  	s5 =	sor.u32 $0x200, s2;
	[tilespmem:s0+$0x16100] =	vst v0  }
0x196: {  	v0 =	vld [tilespmem:s5+$0x12000];
	_ =	sdelay $0x4  }
0x197: {  	v0 =	vtrunc.f32 v0  }
0x198: {  	v0 =	vcvt.f32.s32 v0;
	_ =	sdelay $0x1  }
0x199: {  	s30 =	sor.u32 $0x280, s2;
	[tilespmem:s5+$0x16000] =	vst v0  }
0x19a: {  	v0 =	vld [tilespmem:s30+$0x12000];
	_ =	sdelay $0x4  }
0x19b: {  	v0 =	vtrunc.f32 v0  }
0x19c: {  	v0 =	vcvt.f32.s32 v0;
	_ =	sdelay $0x1  }
0x19d: {  	s31 =	sor.u32 $0x300, s2;
	[tilespmem:s30+$0x16000] =	vst v0  }
0x19e: {  	v0 =	vld [tilespmem:s31+$0x12000];
	_ =	sdelay $0x4  }
0x19f: {  	v0 =	vtrunc.f32 v0  }
0x1a0: {  	v0 =	vcvt.f32.s32 v0  }
0x1a1: {  	s6 =	sor.u32 s4, s4  }
0x1a2: {  	s12 =	sor.u32 $0x380, s6;
	[tilespmem:s31+$0x16000] =	vst v0  }
0x1a3: {  	v0 =	vld [tilespmem:s12+$0x12000];
	_ =	sdelay $0x4  }
0x1a4: {  	v0 =	vtrunc.f32 v0  }
0x1a5: {  	v0 =	vcvt.f32.s32 v0;
	_ =	sdelay $0x1  }
0x1a6: {  	[tilespmem:s12+$0x16000] =	vst v0  }
0x1a7: {  	v0 =	vld [tilespmem:s0+$0x12010]  }
0x1a8: {  	v1 =	vld [tilespmem:s0+$0x12090]  }
0x1a9: {  	v2 =	vld [tilespmem:s0+$0x12190]  }
0x1aa: {  	v3 =	vld [tilespmem:s0+$0x12110];
	_ =	sdelay $0x1  }
0x1ab: {  	v0 =	vtrunc.f32 v0  }
0x1ac: {  	v1 =	vtrunc.f32 v1;
	v0 =	vcvt.f32.s32 v0  }
0x1ad: {  	v2 =	vtrunc.f32 v2;
	v1 =	vcvt.f32.s32 v1  }
0x1ae: {  	v2 =	vcvt.f32.s32 v2;
	[tilespmem:s0+$0x16010] =	vst v0;
	v0 =	vtrunc.f32 v3  }
0x1af: {  	[tilespmem:s0+$0x16090] =	vst v1;
	v0 =	vcvt.f32.s32 v0  }
0x1b0: {  	s23 =	sadd.s32 $0x10, s2;
	[tilespmem:s0+$0x16190] =	vst v2  }
0x1b1: {  	s24 =	sor.u32 $0x200, s23;
	[tilespmem:s0+$0x16110] =	vst v0  }
0x1b2: {  	v0 =	vld [tilespmem:s24+$0x12000];
	_ =	sdelay $0x4  }
0x1b3: {  	v0 =	vtrunc.f32 v0  }
0x1b4: {  	v0 =	vcvt.f32.s32 v0;
	_ =	sdelay $0x1  }
0x1b5: {  	s30 =	sor.u32 $0x280, s23;
	[tilespmem:s24+$0x16000] =	vst v0  }
0x1b6: {  	v0 =	vld [tilespmem:s30+$0x12000];
	_ =	sdelay $0x4  }
0x1b7: {  	v0 =	vtrunc.f32 v0  }
0x1b8: {  	v0 =	vcvt.f32.s32 v0;
	_ =	sdelay $0x1  }
0x1b9: {  	s31 =	sor.u32 $0x300, s23;
	[tilespmem:s30+$0x16000] =	vst v0  }
0x1ba: {  	v0 =	vld [tilespmem:s31+$0x12000];
	_ =	sdelay $0x4  }
0x1bb: {  	v0 =	vtrunc.f32 v0  }
0x1bc: {  	v0 =	vcvt.f32.s32 v0;
	_ =	sdelay $0x1  }
0x1bd: {  	s5 =	sor.u32 $0x380, s23;
	[tilespmem:s31+$0x16000] =	vst v0  }
0x1be: {  	v0 =	vld [tilespmem:s5+$0x12000];
	_ =	sdelay $0x4  }
0x1bf: {  	v0 =	vtrunc.f32 v0  }
0x1c0: {  	v0 =	vcvt.f32.s32 v0;
	_ =	sdelay $0x1  }
0x1c1: {  	[tilespmem:s5+$0x16000] =	vst v0  }
0x1c2: {  	v0 =	vld [tilespmem:s0+$0x12020]  }
0x1c3: {  	v1 =	vld [tilespmem:s0+$0x120A0]  }
0x1c4: {  	v2 =	vld [tilespmem:s0+$0x12120]  }
0x1c5: {  	v3 =	vld [tilespmem:s0+$0x121A0];
	_ =	sdelay $0x1  }
0x1c6: {  	v0 =	vtrunc.f32 v0  }
0x1c7: {  	v1 =	vtrunc.f32 v1;
	v0 =	vcvt.f32.s32 v0  }
0x1c8: {  	v2 =	vtrunc.f32 v2;
	v1 =	vcvt.f32.s32 v1  }
0x1c9: {  	[tilespmem:s0+$0x16020] =	vst v0;
	v0 =	vcvt.f32.s32 v2;
	v2 =	vtrunc.f32 v3  }
0x1ca: {  	[tilespmem:s0+$0x160A0] =	vst v1;
	v1 =	vcvt.f32.s32 v2  }
0x1cb: {  	s12 =	sadd.s32 $0x20, s2;
	[tilespmem:s0+$0x16120] =	vst v0  }
0x1cc: {  	s23 =	sor.u32 $0x200, s12;
	[tilespmem:s0+$0x161A0] =	vst v1  }
0x1cd: {  	v0 =	vld [tilespmem:s23+$0x12000];
	_ =	sdelay $0x4  }
0x1ce: {  	v0 =	vtrunc.f32 v0  }
0x1cf: {  	v0 =	vcvt.f32.s32 v0;
	_ =	sdelay $0x1  }
0x1d0: {  	s24 =	sor.u32 $0x280, s12;
	[tilespmem:s23+$0x16000] =	vst v0  }
0x1d1: {  	v0 =	vld [tilespmem:s24+$0x12000];
	_ =	sdelay $0x4  }
0x1d2: {  	v0 =	vtrunc.f32 v0  }
0x1d3: {  	v0 =	vcvt.f32.s32 v0;
	_ =	sdelay $0x1  }
0x1d4: {  	s30 =	sor.u32 $0x300, s12;
	[tilespmem:s24+$0x16000] =	vst v0  }
0x1d5: {  	v0 =	vld [tilespmem:s30+$0x12000];
	_ =	sdelay $0x4  }
0x1d6: {  	v0 =	vtrunc.f32 v0  }
0x1d7: {  	v0 =	vcvt.f32.s32 v0;
	_ =	sdelay $0x1  }
0x1d8: {  	s5 =	sor.u32 $0x380, s12;
	[tilespmem:s30+$0x16000] =	vst v0  }
0x1d9: {  	v0 =	vld [tilespmem:s5+$0x12000];
	_ =	sdelay $0x4  }
0x1da: {  	v0 =	vtrunc.f32 v0  }
0x1db: {  	v0 =	vcvt.f32.s32 v0;
	_ =	sdelay $0x1  }
0x1dc: {  	[tilespmem:s5+$0x16000] =	vst v0  }
0x1dd: {  	v0 =	vld [tilespmem:s0+$0x12030]  }
0x1de: {  	v1 =	vld [tilespmem:s0+$0x120B0]  }
0x1df: {  	v2 =	vld [tilespmem:s0+$0x12130]  }
0x1e0: {  	v3 =	vld [tilespmem:s0+$0x121B0];
	_ =	sdelay $0x1  }
0x1e1: {  	v0 =	vtrunc.f32 v0  }
0x1e2: {  	v1 =	vtrunc.f32 v1;
	v0 =	vcvt.f32.s32 v0  }
0x1e3: {  	v2 =	vtrunc.f32 v2;
	v1 =	vcvt.f32.s32 v1  }
0x1e4: {  	[tilespmem:s0+$0x16030] =	vst v0;
	v0 =	vcvt.f32.s32 v2;
	v2 =	vtrunc.f32 v3  }
0x1e5: {  	[tilespmem:s0+$0x160B0] =	vst v1;
	v1 =	vcvt.f32.s32 v2  }
0x1e6: {  	s23 =	sadd.s32 $0x30, s2;
	[tilespmem:s0+$0x16130] =	vst v0  }
0x1e7: {  	s31 =	sor.u32 $0x200, s23;
	[tilespmem:s0+$0x161B0] =	vst v1  }
0x1e8: {  	v0 =	vld [tilespmem:s31+$0x12000];
	_ =	sdelay $0x4  }
0x1e9: {  	v0 =	vtrunc.f32 v0  }
0x1ea: {  	v0 =	vcvt.f32.s32 v0;
	_ =	sdelay $0x1  }
0x1eb: {  	s0 =	sor.u32 $0x280, s23;
	[tilespmem:s31+$0x16000] =	vst v0  }
0x1ec: {  	v0 =	vld [tilespmem:s0+$0x12000];
	_ =	sdelay $0x2  }
0x1ed: {  	s6 =	simm.s32 $0x40;
	s5 =	simm.s32 $0x0  }
.LBB2_25:
0x1ee: {  	s5 =	sadd.s32 $0x4, s5;
	s4 =	sadd.s32 $0x200, s4;
	p2 =	por !p2, !p2  }
0x1ef: {  	p3 =	slt.u32 s5, $0x3C;
	v0 =	vtrunc.f32 v0  }
0x1f0: {  	v0 =	vcvt.f32.s32 v0;
	_ =	sdelay $0x1  }
0x1f1: {  	[tilespmem:s0+$0x16000] =	vst v0;
	s0 =	sor.u32 $0x300, s23  }
0x1f2: {  	v0 =	vld [tilespmem:s0+$0x12000];
	_ =	sdelay $0x4  }
0x1f3: {  	v0 =	vtrunc.f32 v0  }
0x1f4: {  	v0 =	vcvt.f32.s32 v0  }
0x1f5: {  	s2 =	sand.u32 $0x40, s6;
	s12 =	sand.u32 $0x1C00, s4  }
0x1f6: {  	s30 =	sor.u32 s2, s12;
	[tilespmem:s0+$0x16000] =	vst v0;
	s0 =	sor.u32 $0x380, s23  }
0x1f7: {  	v0 =	vld [tilespmem:s0+$0x12000];
	_ =	sdelay $0x4  }
0x1f8: {  	v0 =	vtrunc.f32 v0  }
0x1f9: {  	v0 =	vcvt.f32.s32 v0;
	_ =	sdelay $0x1  }
0x1fa: {  	[tilespmem:s0+$0x16000] =	vst v0  }
0x1fb: {  	v0 =	vld [tilespmem:s30+$0x12080]  }
0x1fc: {  	v1 =	vld [tilespmem:s30+$0x12180]  }
0x1fd: {  	v2 =	vld [tilespmem:s30+$0x12000]  }
0x1fe: {  	v3 =	vld [tilespmem:s30+$0x12100];
	_ =	sdelay $0x1  }
0x1ff: {  	v0 =	vtrunc.f32 v0  }
0x200: {  	v0 =	vcvt.f32.s32 v0;
	v1 =	vtrunc.f32 v1  }
0x201: {  	s0 =	simm.s32 $0x1;
	v2 =	vtrunc.f32 v2;
	v1 =	vcvt.f32.s32 v1  }
0x202: {  	s0 =	simm.s32 @!p2 $0x0;
	v2 =	vcvt.f32.s32 v2;
	[tilespmem:s30+$0x16080] =	vst v0;
	v0 =	vtrunc.f32 v3  }
0x203: {  	s0 =	sshll.u32 s0, $0x6;
	v0 =	vcvt.f32.s32 v0;
	[tilespmem:s30+$0x16180] =	vst v1  }
0x204: {  	s12 =	sadd.s32 s0, s4;
	[tilespmem:s30+$0x16000] =	vst v2  }
0x205: {  	s24 =	sor.u32 $0x200, s12;
	s2 =	sadd.s32 $0x10, s12;
	s0 =	sadd.s32 $0x20, s12;
	[tilespmem:s30+$0x16100] =	vst v0  }
0x206: {  	s23 =	sadd.s32 $0x30, s12;
	v0 =	vld [tilespmem:s24+$0x12000];
	_ =	sdelay $0x4  }
0x207: {  	v0 =	vtrunc.f32 v0  }
0x208: {  	v0 =	vcvt.f32.s32 v0;
	_ =	sdelay $0x1  }
0x209: {  	[tilespmem:s24+$0x16000] =	vst v0;
	s24 =	sor.u32 $0x280, s12  }
0x20a: {  	v0 =	vld [tilespmem:s24+$0x12000];
	_ =	sdelay $0x4  }
0x20b: {  	v0 =	vtrunc.f32 v0  }
0x20c: {  	v0 =	vcvt.f32.s32 v0;
	_ =	sdelay $0x1  }
0x20d: {  	s12 =	sor.u32 $0x300, s12;
	[tilespmem:s24+$0x16000] =	vst v0  }
0x20e: {  	v0 =	vld [tilespmem:s12+$0x12000];
	_ =	sdelay $0x4  }
0x20f: {  	v0 =	vtrunc.f32 v0  }
0x210: {  	v0 =	vcvt.f32.s32 v0  }
0x211: {  	s24 =	sor.u32 s4, s6  }
0x212: {  	[tilespmem:s12+$0x16000] =	vst v0;
	s12 =	sor.u32 $0x380, s24  }
0x213: {  	v0 =	vld [tilespmem:s12+$0x12000];
	_ =	sdelay $0x4  }
0x214: {  	v0 =	vtrunc.f32 v0  }
0x215: {  	v0 =	vcvt.f32.s32 v0;
	_ =	sdelay $0x1  }
0x216: {  	[tilespmem:s12+$0x16000] =	vst v0  }
0x217: {  	v0 =	vld [tilespmem:s30+$0x12010]  }
0x218: {  	v1 =	vld [tilespmem:s30+$0x12090]  }
0x219: {  	v2 =	vld [tilespmem:s30+$0x12190]  }
0x21a: {  	v3 =	vld [tilespmem:s30+$0x12110];
	_ =	sdelay $0x1  }
0x21b: {  	v0 =	vtrunc.f32 v0  }
0x21c: {  	v0 =	vcvt.f32.s32 v0;
	v1 =	vtrunc.f32 v1  }
0x21d: {  	v1 =	vcvt.f32.s32 v1;
	v2 =	vtrunc.f32 v2  }
0x21e: {  	[tilespmem:s30+$0x16010] =	vst v0;
	v0 =	vtrunc.f32 v3;
	v2 =	vcvt.f32.s32 v2  }
0x21f: {  	[tilespmem:s30+$0x16090] =	vst v1;
	v0 =	vcvt.f32.s32 v0  }
0x220: {  	[tilespmem:s30+$0x16190] =	vst v2  }
0x221: {  	s12 =	sor.u32 $0x200, s2;
	[tilespmem:s30+$0x16110] =	vst v0  }
0x222: {  	v0 =	vld [tilespmem:s12+$0x12000];
	_ =	sdelay $0x4  }
0x223: {  	v0 =	vtrunc.f32 v0  }
0x224: {  	v0 =	vcvt.f32.s32 v0;
	_ =	sdelay $0x1  }
0x225: {  	[tilespmem:s12+$0x16000] =	vst v0;
	s12 =	sor.u32 $0x280, s2  }
0x226: {  	v0 =	vld [tilespmem:s12+$0x12000];
	_ =	sdelay $0x4  }
0x227: {  	v0 =	vtrunc.f32 v0  }
0x228: {  	v0 =	vcvt.f32.s32 v0;
	_ =	sdelay $0x1  }
0x229: {  	[tilespmem:s12+$0x16000] =	vst v0;
	s12 =	sor.u32 $0x300, s2  }
0x22a: {  	v0 =	vld [tilespmem:s12+$0x12000];
	_ =	sdelay $0x4  }
0x22b: {  	v0 =	vtrunc.f32 v0  }
0x22c: {  	v0 =	vcvt.f32.s32 v0;
	_ =	sdelay $0x1  }
0x22d: {  	s2 =	sor.u32 $0x380, s2;
	[tilespmem:s12+$0x16000] =	vst v0  }
0x22e: {  	v0 =	vld [tilespmem:s2+$0x12000];
	_ =	sdelay $0x4  }
0x22f: {  	v0 =	vtrunc.f32 v0  }
0x230: {  	v0 =	vcvt.f32.s32 v0;
	_ =	sdelay $0x1  }
0x231: {  	[tilespmem:s2+$0x16000] =	vst v0  }
0x232: {  	v0 =	vld [tilespmem:s30+$0x12020]  }
0x233: {  	v1 =	vld [tilespmem:s30+$0x120A0]  }
0x234: {  	v2 =	vld [tilespmem:s30+$0x12120]  }
0x235: {  	v3 =	vld [tilespmem:s30+$0x121A0];
	_ =	sdelay $0x1  }
0x236: {  	v0 =	vtrunc.f32 v0  }
0x237: {  	v0 =	vcvt.f32.s32 v0;
	v1 =	vtrunc.f32 v1  }
0x238: {  	v1 =	vcvt.f32.s32 v1;
	v2 =	vtrunc.f32 v2  }
0x239: {  	[tilespmem:s30+$0x16020] =	vst v0;
	v0 =	vcvt.f32.s32 v2;
	v2 =	vtrunc.f32 v3  }
0x23a: {  	[tilespmem:s30+$0x160A0] =	vst v1;
	v1 =	vcvt.f32.s32 v2  }
0x23b: {  	[tilespmem:s30+$0x16120] =	vst v0  }
0x23c: {  	s2 =	sor.u32 $0x200, s0;
	[tilespmem:s30+$0x161A0] =	vst v1  }
0x23d: {  	v0 =	vld [tilespmem:s2+$0x12000];
	_ =	sdelay $0x4  }
0x23e: {  	v0 =	vtrunc.f32 v0  }
0x23f: {  	v0 =	vcvt.f32.s32 v0;
	_ =	sdelay $0x1  }
0x240: {  	[tilespmem:s2+$0x16000] =	vst v0;
	s2 =	sor.u32 $0x280, s0  }
0x241: {  	v0 =	vld [tilespmem:s2+$0x12000];
	_ =	sdelay $0x4  }
0x242: {  	v0 =	vtrunc.f32 v0  }
0x243: {  	v0 =	vcvt.f32.s32 v0;
	_ =	sdelay $0x1  }
0x244: {  	[tilespmem:s2+$0x16000] =	vst v0;
	s2 =	sor.u32 $0x300, s0  }
0x245: {  	v0 =	vld [tilespmem:s2+$0x12000];
	_ =	sdelay $0x4  }
0x246: {  	v0 =	vtrunc.f32 v0  }
0x247: {  	v0 =	vcvt.f32.s32 v0;
	_ =	sdelay $0x1  }
0x248: {  	s0 =	sor.u32 $0x380, s0;
	[tilespmem:s2+$0x16000] =	vst v0  }
0x249: {  	v0 =	vld [tilespmem:s0+$0x12000];
	_ =	sdelay $0x4  }
0x24a: {  	v0 =	vtrunc.f32 v0  }
0x24b: {  	v0 =	vcvt.f32.s32 v0;
	_ =	sdelay $0x1  }
0x24c: {  	[tilespmem:s0+$0x16000] =	vst v0  }
0x24d: {  	v0 =	vld [tilespmem:s30+$0x12030]  }
0x24e: {  	v1 =	vld [tilespmem:s30+$0x120B0]  }
0x24f: {  	v2 =	vld [tilespmem:s30+$0x12130];
	_ =	sdelay $0x1  }
0x250: {  	v3 =	vld [tilespmem:s30+$0x121B0]  }
0x251: {  	v0 =	vtrunc.f32 v0  }
0x252: {  	v0 =	vcvt.f32.s32 v0;
	v1 =	vtrunc.f32 v1  }
0x253: {  	v1 =	vcvt.f32.s32 v1;
	v2 =	vtrunc.f32 v2  }
0x254: {  	[tilespmem:s30+$0x16030] =	vst v0;
	v0 =	vcvt.f32.s32 v2  }
0x255: {  	[tilespmem:s30+$0x160B0] =	vst v1;
	v1 =	vtrunc.f32 v3  }
0x256: {  	[tilespmem:s30+$0x16130] =	vst v0;
	v0 =	vcvt.f32.s32 v1;
	_ =	sdelay $0x1  }
0x257: {  	s0 =	sor.u32 $0x200, s23;
	[tilespmem:s30+$0x161B0] =	vst v0  }
0x258: {  	v0 =	vld [tilespmem:s0+$0x12000];
	_ =	sdelay $0x4  }
0x259: {  	v0 =	vtrunc.f32 v0  }
0x25a: {  	v0 =	vcvt.f32.s32 v0;
	_ =	sdelay $0x1  }
.Ltmp19:
0x25b: {  	[tilespmem:s0+$0x16000] =	vst v0;
	s0 =	sor.u32 $0x280, s23;
	(pc) =	sbr.rel @p3 .LBB2_25-.Ltmp19, $2  }
0x25c: {  	v0 =	vld [tilespmem:s0+$0x12000];
	_ =	sdelay $0x2  }
0x25d: {  	s6 =	sadd.s32 $0x40, s6  }
0x25e: {  	_ = 	snop  }
0x25f: {  	v0 =	vtrunc.f32 v0  }
0x260: {  	v0 =	vcvt.f32.s32 v0;
	_ =	sdelay $0x1  }
0x261: {  	s6 =	sor.u32 $0x300, s23;
	[tilespmem:s0+$0x16000] =	vst v0  }
0x262: {  	v0 =	vld [tilespmem:s6+$0x12000];
	_ =	sdelay $0x4  }
0x263: {  	v0 =	vtrunc.f32 v0  }
0x264: {  	v0 =	vcvt.f32.s32 v0;
	_ =	sdelay $0x1  }
0x265: {  	s12 =	sor.u32 $0x380, s23;
	[tilespmem:s6+$0x16000] =	vst v0  }
0x266: {  	v0 =	vld [tilespmem:s12+$0x12000];
	_ =	sdelay $0x4  }
0x267: {  	s2 =	sshll.u32 s3, $0x7;
	v0 =	vtrunc.f32 v0  }
0x268: {  	s23 =	sshll.u32 s3, $0xA;
	s4 =	rddreg [dreg:$0x1];
	s2 =	sand.u32 $0x780, s2;
	v0 =	vcvt.f32.s32 v0  }
0x269: {  	s3 =	sand.u32 $0xFFFC000, s23;
	s2 =	sadd.s32 s4, s2  }
0x26a: {  	s24 =	simm.s32 $0x16000;
	s0 =	sadd.s32 s3, s2;
	[tilespmem:s12+$0x16000] =	vst v0  }
0x26b: {  	[hbm4b:s0+s19] =	stream.strided.scatter [tilespmem:s24], [sflag:$0x4], $0x400, s29, s19, $0x38;
	[tilespmem:$0x18000] =	vst v63  }
0x26c: {  	s31 =	simm.s32 $0x16400;
	s30 =	sadd.s32 $0x10, s0  }
0x26d: {  	[hbm4b:s30+s19] =	stream.strided.scatter [tilespmem:s31], [sflag:$0x4], $0x400, s29, s19, $0x38;
	[tilespmem:$0x18000] =	vst v63  }
0x26e: {  	s4 =	simm.s32 $0x16800;
	s3 =	sadd.s32 $0x20, s0  }
0x26f: {  	[hbm4b:s3+s19] =	stream.strided.scatter [tilespmem:s4], [sflag:$0x4], $0x400, s29, s19, $0x38;
	[tilespmem:$0x18000] =	vst v63  }
0x270: {  	s5 =	sadd.s32 $0x30, s0;
	s6 =	simm.s32 $0x16C00  }
0x271: {  	[hbm4b:s5+s19] =	stream.strided.scatter [tilespmem:s6], [sflag:$0x4], $0x400, s29, s19, $0x38;
	[tilespmem:$0x18000] =	vst v63  }
0x272: {  	s23 =	simm.s32 $0x17000;
	s12 =	sadd.s32 $0x40, s0  }
0x273: {  	[hbm4b:s12+s19] =	stream.strided.scatter [tilespmem:s23], [sflag:$0x4], $0x400, s29, s19, $0x38;
	[tilespmem:$0x18000] =	vst v63  }
0x274: {  	s24 =	sadd.s32 $0x50, s0;
	s30 =	simm.s32 $0x17400  }
0x275: {  	[hbm4b:s24+s19] =	stream.strided.scatter [tilespmem:s30], [sflag:$0x4], $0x400, s29, s19, $0x38;
	[tilespmem:$0x18000] =	vst v63  }
.Ltmp20:
0x276: {  	_ = 	snop;
	(pc) =	sbr.rel .LBB2_27-.Ltmp20, $4  }
0x277: {  	s31 =	sadd.s32 $0x60, s0  }
0x278: {  	[hbm4b:s31+s19] =	stream.strided.scatter [tilespmem:s15], [sflag:$0x4], $0x400, s29, s19, $0x38;
	[tilespmem:$0x18000] =	vst v63  }
0x279: {  	s0 =	sadd.s32 $0x70, s0  }
0x27a: {  	[hbm4b:s0+s19] =	stream.strided.scatter [tilespmem:s18], [sflag:$0x4], $0x400, s29, s19, $0x38;
	[tilespmem:$0x18000] =	vst v63  }
.LBB2_28:
.Ltmp21:
0x27b: {  	(pc) =	sbr.rel .LBB2_29-.Ltmp21, $3  }
0x27c: {  	_ =	sdelay $0x1  }
0x27d: {  	s0 =	rddreg [dreg:$0x5];
	s2 =	simm.s32 $0x10000  }
0x27e: {  	[tilespmem:s2], [sflag:$0x1] =	stream.linear.gather [hbm4b:s0+s22], $0x2000, $0x38;
	[tilespmem:$0x18000] =	vst v63  }
.LBB2_35:
0x27f: {  	v0 =	vtrunc.f32 v0  }
0x280: {  	v0 =	vcvt.f32.s32 v0;
	_ =	sdelay $0x1  }
0x281: {  	s6 =	sor.u32 $0x300, s23;
	[tilespmem:s0+$0x16000] =	vst v0  }
0x282: {  	v0 =	vld [tilespmem:s6+$0x12000];
	_ =	sdelay $0x4  }
0x283: {  	v0 =	vtrunc.f32 v0  }
0x284: {  	v0 =	vcvt.f32.s32 v0;
	_ =	sdelay $0x1  }
0x285: {  	s12 =	sor.u32 $0x380, s23;
	[tilespmem:s6+$0x16000] =	vst v0  }
0x286: {  	v0 =	vld [tilespmem:s12+$0x12000];
	_ =	sdelay $0x4  }
0x287: {  	s2 =	sshll.u32 s3, $0x7;
	v0 =	vtrunc.f32 v0  }
0x288: {  	s23 =	sshll.u32 s3, $0xA;
	s4 =	rddreg [dreg:$0x3];
	s2 =	sand.u32 $0x780, s2;
	v0 =	vcvt.f32.s32 v0  }
0x289: {  	s3 =	sand.u32 $0xFC000, s23;
	s2 =	sadd.s32 s4, s2  }
0x28a: {  	s24 =	simm.s32 $0x16000;
	s0 =	sadd.s32 s3, s2;
	[tilespmem:s12+$0x16000] =	vst v0  }
0x28b: {  	[hbm4b:s0+s19] =	stream.strided.scatter [tilespmem:s24], [sflag:$0x4], $0x400, s29, s19, $0x38;
	[tilespmem:$0x18000] =	vst v63  }
0x28c: {  	s31 =	simm.s32 $0x16400;
	s30 =	sadd.s32 $0x10, s0  }
0x28d: {  	[hbm4b:s30+s19] =	stream.strided.scatter [tilespmem:s31], [sflag:$0x4], $0x400, s29, s19, $0x38;
	[tilespmem:$0x18000] =	vst v63  }
0x28e: {  	s4 =	simm.s32 $0x16800;
	s3 =	sadd.s32 $0x20, s0  }
0x28f: {  	[hbm4b:s3+s19] =	stream.strided.scatter [tilespmem:s4], [sflag:$0x4], $0x400, s29, s19, $0x38;
	[tilespmem:$0x18000] =	vst v63  }
0x290: {  	s5 =	sadd.s32 $0x30, s0;
	s6 =	simm.s32 $0x16C00  }
0x291: {  	[hbm4b:s5+s19] =	stream.strided.scatter [tilespmem:s6], [sflag:$0x4], $0x400, s29, s19, $0x38;
	[tilespmem:$0x18000] =	vst v63  }
0x292: {  	s23 =	simm.s32 $0x17000;
	s12 =	sadd.s32 $0x40, s0  }
0x293: {  	[hbm4b:s12+s19] =	stream.strided.scatter [tilespmem:s23], [sflag:$0x4], $0x400, s29, s19, $0x38;
	[tilespmem:$0x18000] =	vst v63  }
0x294: {  	s24 =	sadd.s32 $0x50, s0;
	s30 =	simm.s32 $0x17400  }
0x295: {  	[hbm4b:s24+s19] =	stream.strided.scatter [tilespmem:s30], [sflag:$0x4], $0x400, s29, s19, $0x38;
	[tilespmem:$0x18000] =	vst v63  }
0x296: {  	s31 =	sadd.s32 $0x60, s0  }
0x297: {  	[hbm4b:s31+s19] =	stream.strided.scatter [tilespmem:s15], [sflag:$0x4], $0x400, s29, s19, $0x38;
	[tilespmem:$0x18000] =	vst v63  }
0x298: {  	s0 =	sadd.s32 $0x70, s0  }
0x299: {  	[hbm4b:s0+s19] =	stream.strided.scatter [tilespmem:s18], [sflag:$0x4], $0x400, s29, s19, $0x38;
	[tilespmem:$0x18000] =	vst v63  }
.LBB2_36:
0x29a: {  	s22 =	sadd.s32 $0x1, s22  }
0x29b: {  	p2 =	sne.s32 s22, $0x19  }
.Ltmp22:
0x29c: {  	_ = 	snop;
	(pc) =	sbr.rel @!p2 .LBB2_37-.Ltmp22, $1  }
0x29d: {  	_ =	sdelay $0x3  }
.LBB2_29:
0x29e: {  	s4 =	sand.u32 $0x1, s22  }
0x29f: {  	p2 =	seq.s32 s4, $0x1  }
.Ltmp23:
0x2a0: {  	_ = 	snop;
	(pc) =	sbr.rel @p2 .LBB2_33-.Ltmp23, $2  }
0x2a1: {  	_ =	sdelay $0x2  }
0x2a2: {  	s3 =	sadd.s32 s11, s22  }
0x2a3: {  	_ =	swait.ge [sflag:s28], $0x2000;
	p2 =	seq.s32 s22, $0x18  }
0x2a4: {  	[sflag:s28] =	ssyncset.done $0x0;
	s0 =	sadd.s32 @!p2 s22, s13  }
0x2a5: {  	s2 =	simm.s32 @!p2 $0x0;
	s5 =	simm.s32 @!p2 $0x12000;
	s0 =	sshll.u32 @!p2 s0, $0xA  }
0x2a6: {  	p3 =	slt.u32 @!p2 s22, $0x2;
	[sflag:s28] =	ssyncadd.s32 $0xFFFFE000;
	s0 =	sadd.s32 @!p2 s0, s14  }
0x2a7: {  	[tilespmem:s5], [sflag:$0x2] =	stream.linear.gather @!p2 [hbm4b:s0+s2], $0x2000, $0x38;
	[tilespmem:$0x18000] =	vst v63  }
0x2a8: {  	p2 =	por p2, !p3  }
0x2a9: {  	s5 =	simm.s32 $0x0;
	_ =	swait.ge @p2 [sflag:s16], $0x2000  }
0x2aa: {  	s2 =	sand.u32 $0x40, s5;
	s6 =	sand.u32 $0x1C00, s5;
	[sflag:s16] =	ssyncset.done @p2 $0x0  }
0x2ab: {  	s0 =	sor.u32 s2, s6;
	[sflag:s16] =	ssyncadd.s32 @p2 $0xFFFFE000  }
0x2ac: {  	v0 =	vld [tilespmem:s0+$0x10080]  }
0x2ad: {  	v1 =	vld [tilespmem:s0+$0x10180]  }
0x2ae: {  	v2 =	vld [tilespmem:s0+$0x10000]  }
0x2af: {  	v3 =	vld [tilespmem:s0+$0x10100];
	_ =	sdelay $0x1  }
0x2b0: {  	v0 =	vtrunc.f32 v0  }
0x2b1: {  	v1 =	vtrunc.f32 v1;
	v0 =	vcvt.f32.s32 v0  }
0x2b2: {  	s2 =	simm.s32 $0x1;
	p2 =	por $0x0, $0x0;
	v2 =	vtrunc.f32 v2;
	v1 =	vcvt.f32.s32 v1  }
0x2b3: {  	s2 =	simm.s32 @!p2 $0x0;
	v2 =	vcvt.f32.s32 v2;
	[tilespmem:s0+$0x14080] =	vst v0;
	v0 =	vtrunc.f32 v3  }
0x2b4: {  	s2 =	sshll.u32 s2, $0x6;
	[tilespmem:s0+$0x14180] =	vst v1;
	v0 =	vcvt.f32.s32 v0  }
0x2b5: {  	s2 =	sadd.s32 $0x0, s2;
	[tilespmem:s0+$0x14000] =	vst v2  }
0x2b6: {  	s6 =	sor.u32 $0x200, s2;
	[tilespmem:s0+$0x14100] =	vst v0  }
0x2b7: {  	v0 =	vld [tilespmem:s6+$0x10000];
	_ =	sdelay $0x4  }
0x2b8: {  	v0 =	vtrunc.f32 v0  }
0x2b9: {  	v0 =	vcvt.f32.s32 v0;
	_ =	sdelay $0x1  }
0x2ba: {  	s12 =	sor.u32 $0x280, s2;
	[tilespmem:s6+$0x14000] =	vst v0  }
0x2bb: {  	v0 =	vld [tilespmem:s12+$0x10000];
	_ =	sdelay $0x4  }
0x2bc: {  	v0 =	vtrunc.f32 v0  }
0x2bd: {  	v0 =	vcvt.f32.s32 v0;
	_ =	sdelay $0x1  }
0x2be: {  	s23 =	sor.u32 $0x300, s2;
	[tilespmem:s12+$0x14000] =	vst v0  }
0x2bf: {  	v0 =	vld [tilespmem:s23+$0x10000];
	_ =	sdelay $0x4  }
0x2c0: {  	v0 =	vtrunc.f32 v0  }
0x2c1: {  	v0 =	vcvt.f32.s32 v0  }
0x2c2: {  	s12 =	sor.u32 s5, s5  }
0x2c3: {  	s24 =	sor.u32 $0x380, s12;
	[tilespmem:s23+$0x14000] =	vst v0  }
0x2c4: {  	v0 =	vld [tilespmem:s24+$0x10000];
	_ =	sdelay $0x4  }
0x2c5: {  	v0 =	vtrunc.f32 v0  }
0x2c6: {  	v0 =	vcvt.f32.s32 v0;
	_ =	sdelay $0x1  }
0x2c7: {  	[tilespmem:s24+$0x14000] =	vst v0  }
0x2c8: {  	v0 =	vld [tilespmem:s0+$0x10010]  }
0x2c9: {  	v1 =	vld [tilespmem:s0+$0x10090]  }
0x2ca: {  	v2 =	vld [tilespmem:s0+$0x10190]  }
0x2cb: {  	v3 =	vld [tilespmem:s0+$0x10110];
	_ =	sdelay $0x1  }
0x2cc: {  	v0 =	vtrunc.f32 v0  }
0x2cd: {  	v1 =	vtrunc.f32 v1;
	v0 =	vcvt.f32.s32 v0  }
0x2ce: {  	v2 =	vtrunc.f32 v2;
	v1 =	vcvt.f32.s32 v1  }
0x2cf: {  	v2 =	vcvt.f32.s32 v2;
	[tilespmem:s0+$0x14010] =	vst v0;
	v0 =	vtrunc.f32 v3  }
0x2d0: {  	[tilespmem:s0+$0x14090] =	vst v1;
	v0 =	vcvt.f32.s32 v0  }
0x2d1: {  	s6 =	sadd.s32 $0x10, s2;
	[tilespmem:s0+$0x14190] =	vst v2  }
0x2d2: {  	s31 =	sor.u32 $0x200, s6;
	[tilespmem:s0+$0x14110] =	vst v0  }
0x2d3: {  	v0 =	vld [tilespmem:s31+$0x10000];
	_ =	sdelay $0x4  }
0x2d4: {  	v0 =	vtrunc.f32 v0  }
0x2d5: {  	v0 =	vcvt.f32.s32 v0;
	_ =	sdelay $0x1  }
0x2d6: {  	s23 =	sor.u32 $0x280, s6;
	[tilespmem:s31+$0x14000] =	vst v0  }
0x2d7: {  	v0 =	vld [tilespmem:s23+$0x10000];
	_ =	sdelay $0x4  }
0x2d8: {  	v0 =	vtrunc.f32 v0  }
0x2d9: {  	v0 =	vcvt.f32.s32 v0;
	_ =	sdelay $0x1  }
0x2da: {  	s24 =	sor.u32 $0x300, s6;
	[tilespmem:s23+$0x14000] =	vst v0  }
0x2db: {  	v0 =	vld [tilespmem:s24+$0x10000];
	_ =	sdelay $0x4  }
0x2dc: {  	v0 =	vtrunc.f32 v0  }
0x2dd: {  	v0 =	vcvt.f32.s32 v0;
	_ =	sdelay $0x1  }
0x2de: {  	s6 =	sor.u32 $0x380, s6;
	[tilespmem:s24+$0x14000] =	vst v0  }
0x2df: {  	v0 =	vld [tilespmem:s6+$0x10000];
	_ =	sdelay $0x4  }
0x2e0: {  	v0 =	vtrunc.f32 v0  }
0x2e1: {  	v0 =	vcvt.f32.s32 v0;
	_ =	sdelay $0x1  }
0x2e2: {  	[tilespmem:s6+$0x14000] =	vst v0  }
0x2e3: {  	v0 =	vld [tilespmem:s0+$0x10020]  }
0x2e4: {  	v1 =	vld [tilespmem:s0+$0x100A0]  }
0x2e5: {  	v2 =	vld [tilespmem:s0+$0x10120]  }
0x2e6: {  	v3 =	vld [tilespmem:s0+$0x101A0];
	_ =	sdelay $0x1  }
0x2e7: {  	v0 =	vtrunc.f32 v0  }
0x2e8: {  	v1 =	vtrunc.f32 v1;
	v0 =	vcvt.f32.s32 v0  }
0x2e9: {  	v2 =	vtrunc.f32 v2;
	v1 =	vcvt.f32.s32 v1  }
0x2ea: {  	[tilespmem:s0+$0x14020] =	vst v0;
	v0 =	vcvt.f32.s32 v2;
	v2 =	vtrunc.f32 v3  }
0x2eb: {  	[tilespmem:s0+$0x140A0] =	vst v1;
	v1 =	vcvt.f32.s32 v2  }
0x2ec: {  	s6 =	sadd.s32 $0x20, s2;
	[tilespmem:s0+$0x14120] =	vst v0  }
0x2ed: {  	s31 =	sor.u32 $0x200, s6;
	[tilespmem:s0+$0x141A0] =	vst v1  }
0x2ee: {  	v0 =	vld [tilespmem:s31+$0x10000];
	_ =	sdelay $0x4  }
0x2ef: {  	v0 =	vtrunc.f32 v0  }
0x2f0: {  	v0 =	vcvt.f32.s32 v0;
	_ =	sdelay $0x1  }
0x2f1: {  	s23 =	sor.u32 $0x280, s6;
	[tilespmem:s31+$0x14000] =	vst v0  }
0x2f2: {  	v0 =	vld [tilespmem:s23+$0x10000];
	_ =	sdelay $0x4  }
0x2f3: {  	v0 =	vtrunc.f32 v0  }
0x2f4: {  	v0 =	vcvt.f32.s32 v0;
	_ =	sdelay $0x1  }
0x2f5: {  	s24 =	sor.u32 $0x300, s6;
	[tilespmem:s23+$0x14000] =	vst v0  }
0x2f6: {  	v0 =	vld [tilespmem:s24+$0x10000];
	_ =	sdelay $0x4  }
0x2f7: {  	v0 =	vtrunc.f32 v0  }
0x2f8: {  	v0 =	vcvt.f32.s32 v0;
	_ =	sdelay $0x1  }
0x2f9: {  	s6 =	sor.u32 $0x380, s6;
	[tilespmem:s24+$0x14000] =	vst v0  }
0x2fa: {  	v0 =	vld [tilespmem:s6+$0x10000];
	_ =	sdelay $0x4  }
0x2fb: {  	v0 =	vtrunc.f32 v0  }
0x2fc: {  	v0 =	vcvt.f32.s32 v0;
	_ =	sdelay $0x1  }
0x2fd: {  	[tilespmem:s6+$0x14000] =	vst v0  }
0x2fe: {  	v0 =	vld [tilespmem:s0+$0x10030]  }
0x2ff: {  	v1 =	vld [tilespmem:s0+$0x100B0]  }
0x300: {  	v2 =	vld [tilespmem:s0+$0x10130]  }
0x301: {  	v3 =	vld [tilespmem:s0+$0x101B0];
	_ =	sdelay $0x1  }
0x302: {  	v0 =	vtrunc.f32 v0  }
0x303: {  	v1 =	vtrunc.f32 v1;
	v0 =	vcvt.f32.s32 v0  }
0x304: {  	v2 =	vtrunc.f32 v2;
	v1 =	vcvt.f32.s32 v1  }
0x305: {  	[tilespmem:s0+$0x14030] =	vst v0;
	v0 =	vcvt.f32.s32 v2;
	v2 =	vtrunc.f32 v3  }
0x306: {  	[tilespmem:s0+$0x140B0] =	vst v1;
	v1 =	vcvt.f32.s32 v2  }
0x307: {  	s30 =	sadd.s32 $0x30, s2;
	[tilespmem:s0+$0x14130] =	vst v0  }
0x308: {  	s31 =	sor.u32 $0x200, s30;
	[tilespmem:s0+$0x141B0] =	vst v1  }
0x309: {  	v0 =	vld [tilespmem:s31+$0x10000];
	_ =	sdelay $0x4  }
0x30a: {  	v0 =	vtrunc.f32 v0  }
0x30b: {  	v0 =	vcvt.f32.s32 v0;
	_ =	sdelay $0x1  }
0x30c: {  	s0 =	sor.u32 $0x280, s30;
	[tilespmem:s31+$0x14000] =	vst v0  }
0x30d: {  	v0 =	vld [tilespmem:s0+$0x10000];
	_ =	sdelay $0x2  }
0x30e: {  	s23 =	simm.s32 $0x40;
	s6 =	simm.s32 $0x0  }
.LBB2_31:
0x30f: {  	s6 =	sadd.s32 $0x4, s6;
	s5 =	sadd.s32 $0x200, s5;
	p2 =	por !p2, !p2  }
0x310: {  	p3 =	slt.u32 s6, $0x3C;
	v0 =	vtrunc.f32 v0  }
0x311: {  	v0 =	vcvt.f32.s32 v0;
	_ =	sdelay $0x1  }
0x312: {  	[tilespmem:s0+$0x14000] =	vst v0;
	s0 =	sor.u32 $0x300, s30  }
0x313: {  	v0 =	vld [tilespmem:s0+$0x10000];
	_ =	sdelay $0x4  }
0x314: {  	v0 =	vtrunc.f32 v0  }
0x315: {  	v0 =	vcvt.f32.s32 v0  }
0x316: {  	s2 =	sand.u32 $0x40, s23;
	s12 =	sand.u32 $0x1C00, s5  }
0x317: {  	s31 =	sor.u32 s2, s12;
	[tilespmem:s0+$0x14000] =	vst v0;
	s0 =	sor.u32 $0x380, s30  }
0x318: {  	v0 =	vld [tilespmem:s0+$0x10000];
	_ =	sdelay $0x4  }
0x319: {  	v0 =	vtrunc.f32 v0  }
0x31a: {  	v0 =	vcvt.f32.s32 v0;
	_ =	sdelay $0x1  }
0x31b: {  	[tilespmem:s0+$0x14000] =	vst v0  }
0x31c: {  	v0 =	vld [tilespmem:s31+$0x10080]  }
0x31d: {  	v1 =	vld [tilespmem:s31+$0x10180]  }
0x31e: {  	v2 =	vld [tilespmem:s31+$0x10000]  }
0x31f: {  	v3 =	vld [tilespmem:s31+$0x10100];
	_ =	sdelay $0x1  }
0x320: {  	v0 =	vtrunc.f32 v0  }
0x321: {  	v0 =	vcvt.f32.s32 v0;
	v1 =	vtrunc.f32 v1  }
0x322: {  	s0 =	simm.s32 $0x1;
	v2 =	vtrunc.f32 v2;
	v1 =	vcvt.f32.s32 v1  }
0x323: {  	s0 =	simm.s32 @!p2 $0x0;
	v2 =	vcvt.f32.s32 v2;
	[tilespmem:s31+$0x14080] =	vst v0;
	v0 =	vtrunc.f32 v3  }
0x324: {  	s0 =	sshll.u32 s0, $0x6;
	v0 =	vcvt.f32.s32 v0;
	[tilespmem:s31+$0x14180] =	vst v1  }
0x325: {  	s12 =	sadd.s32 s0, s5;
	[tilespmem:s31+$0x14000] =	vst v2  }
0x326: {  	s24 =	sor.u32 $0x200, s12;
	s2 =	sadd.s32 $0x10, s12;
	s0 =	sadd.s32 $0x20, s12;
	[tilespmem:s31+$0x14100] =	vst v0  }
0x327: {  	s30 =	sadd.s32 $0x30, s12;
	v0 =	vld [tilespmem:s24+$0x10000];
	_ =	sdelay $0x4  }
0x328: {  	v0 =	vtrunc.f32 v0  }
0x329: {  	v0 =	vcvt.f32.s32 v0;
	_ =	sdelay $0x1  }
0x32a: {  	[tilespmem:s24+$0x14000] =	vst v0;
	s24 =	sor.u32 $0x280, s12  }
0x32b: {  	v0 =	vld [tilespmem:s24+$0x10000];
	_ =	sdelay $0x4  }
0x32c: {  	v0 =	vtrunc.f32 v0  }
0x32d: {  	v0 =	vcvt.f32.s32 v0;
	_ =	sdelay $0x1  }
0x32e: {  	s12 =	sor.u32 $0x300, s12;
	[tilespmem:s24+$0x14000] =	vst v0  }
0x32f: {  	v0 =	vld [tilespmem:s12+$0x10000];
	_ =	sdelay $0x4  }
0x330: {  	v0 =	vtrunc.f32 v0  }
0x331: {  	v0 =	vcvt.f32.s32 v0  }
0x332: {  	s24 =	sor.u32 s5, s23  }
0x333: {  	[tilespmem:s12+$0x14000] =	vst v0;
	s12 =	sor.u32 $0x380, s24  }
0x334: {  	v0 =	vld [tilespmem:s12+$0x10000];
	_ =	sdelay $0x4  }
0x335: {  	v0 =	vtrunc.f32 v0  }
0x336: {  	v0 =	vcvt.f32.s32 v0;
	_ =	sdelay $0x1  }
0x337: {  	[tilespmem:s12+$0x14000] =	vst v0  }
0x338: {  	v0 =	vld [tilespmem:s31+$0x10010]  }
0x339: {  	v1 =	vld [tilespmem:s31+$0x10090]  }
0x33a: {  	v2 =	vld [tilespmem:s31+$0x10190]  }
0x33b: {  	v3 =	vld [tilespmem:s31+$0x10110];
	_ =	sdelay $0x1  }
0x33c: {  	v0 =	vtrunc.f32 v0  }
0x33d: {  	v0 =	vcvt.f32.s32 v0;
	v1 =	vtrunc.f32 v1  }
0x33e: {  	v1 =	vcvt.f32.s32 v1;
	v2 =	vtrunc.f32 v2  }
0x33f: {  	[tilespmem:s31+$0x14010] =	vst v0;
	v0 =	vtrunc.f32 v3;
	v2 =	vcvt.f32.s32 v2  }
0x340: {  	[tilespmem:s31+$0x14090] =	vst v1;
	v0 =	vcvt.f32.s32 v0  }
0x341: {  	[tilespmem:s31+$0x14190] =	vst v2  }
0x342: {  	s12 =	sor.u32 $0x200, s2;
	[tilespmem:s31+$0x14110] =	vst v0  }
0x343: {  	v0 =	vld [tilespmem:s12+$0x10000];
	_ =	sdelay $0x4  }
0x344: {  	v0 =	vtrunc.f32 v0  }
0x345: {  	v0 =	vcvt.f32.s32 v0;
	_ =	sdelay $0x1  }
0x346: {  	[tilespmem:s12+$0x14000] =	vst v0;
	s12 =	sor.u32 $0x280, s2  }
0x347: {  	v0 =	vld [tilespmem:s12+$0x10000];
	_ =	sdelay $0x4  }
0x348: {  	v0 =	vtrunc.f32 v0  }
0x349: {  	v0 =	vcvt.f32.s32 v0;
	_ =	sdelay $0x1  }
0x34a: {  	[tilespmem:s12+$0x14000] =	vst v0;
	s12 =	sor.u32 $0x300, s2  }
0x34b: {  	v0 =	vld [tilespmem:s12+$0x10000];
	_ =	sdelay $0x4  }
0x34c: {  	v0 =	vtrunc.f32 v0  }
0x34d: {  	v0 =	vcvt.f32.s32 v0;
	_ =	sdelay $0x1  }
0x34e: {  	s2 =	sor.u32 $0x380, s2;
	[tilespmem:s12+$0x14000] =	vst v0  }
0x34f: {  	v0 =	vld [tilespmem:s2+$0x10000];
	_ =	sdelay $0x4  }
0x350: {  	v0 =	vtrunc.f32 v0  }
0x351: {  	v0 =	vcvt.f32.s32 v0;
	_ =	sdelay $0x1  }
0x352: {  	[tilespmem:s2+$0x14000] =	vst v0  }
0x353: {  	v0 =	vld [tilespmem:s31+$0x10020]  }
0x354: {  	v1 =	vld [tilespmem:s31+$0x100A0]  }
0x355: {  	v2 =	vld [tilespmem:s31+$0x10120]  }
0x356: {  	v3 =	vld [tilespmem:s31+$0x101A0];
	_ =	sdelay $0x1  }
0x357: {  	v0 =	vtrunc.f32 v0  }
0x358: {  	v0 =	vcvt.f32.s32 v0;
	v1 =	vtrunc.f32 v1  }
0x359: {  	v1 =	vcvt.f32.s32 v1;
	v2 =	vtrunc.f32 v2  }
0x35a: {  	[tilespmem:s31+$0x14020] =	vst v0;
	v0 =	vcvt.f32.s32 v2;
	v2 =	vtrunc.f32 v3  }
0x35b: {  	[tilespmem:s31+$0x140A0] =	vst v1;
	v1 =	vcvt.f32.s32 v2  }
0x35c: {  	[tilespmem:s31+$0x14120] =	vst v0  }
0x35d: {  	s2 =	sor.u32 $0x200, s0;
	[tilespmem:s31+$0x141A0] =	vst v1  }
0x35e: {  	v0 =	vld [tilespmem:s2+$0x10000];
	_ =	sdelay $0x4  }
0x35f: {  	v0 =	vtrunc.f32 v0  }
0x360: {  	v0 =	vcvt.f32.s32 v0;
	_ =	sdelay $0x1  }
0x361: {  	[tilespmem:s2+$0x14000] =	vst v0;
	s2 =	sor.u32 $0x280, s0  }
0x362: {  	v0 =	vld [tilespmem:s2+$0x10000];
	_ =	sdelay $0x4  }
0x363: {  	v0 =	vtrunc.f32 v0  }
0x364: {  	v0 =	vcvt.f32.s32 v0;
	_ =	sdelay $0x1  }
0x365: {  	[tilespmem:s2+$0x14000] =	vst v0;
	s2 =	sor.u32 $0x300, s0  }
0x366: {  	v0 =	vld [tilespmem:s2+$0x10000];
	_ =	sdelay $0x4  }
0x367: {  	v0 =	vtrunc.f32 v0  }
0x368: {  	v0 =	vcvt.f32.s32 v0;
	_ =	sdelay $0x1  }
0x369: {  	s0 =	sor.u32 $0x380, s0;
	[tilespmem:s2+$0x14000] =	vst v0  }
0x36a: {  	v0 =	vld [tilespmem:s0+$0x10000];
	_ =	sdelay $0x4  }
0x36b: {  	v0 =	vtrunc.f32 v0  }
0x36c: {  	v0 =	vcvt.f32.s32 v0;
	_ =	sdelay $0x1  }
0x36d: {  	[tilespmem:s0+$0x14000] =	vst v0  }
0x36e: {  	v0 =	vld [tilespmem:s31+$0x10030]  }
0x36f: {  	v1 =	vld [tilespmem:s31+$0x100B0]  }
0x370: {  	v2 =	vld [tilespmem:s31+$0x10130];
	_ =	sdelay $0x1  }
0x371: {  	v3 =	vld [tilespmem:s31+$0x101B0]  }
0x372: {  	v0 =	vtrunc.f32 v0  }
0x373: {  	v0 =	vcvt.f32.s32 v0;
	v1 =	vtrunc.f32 v1  }
0x374: {  	v1 =	vcvt.f32.s32 v1;
	v2 =	vtrunc.f32 v2  }
0x375: {  	[tilespmem:s31+$0x14030] =	vst v0;
	v0 =	vcvt.f32.s32 v2  }
0x376: {  	[tilespmem:s31+$0x140B0] =	vst v1;
	v1 =	vtrunc.f32 v3  }
0x377: {  	[tilespmem:s31+$0x14130] =	vst v0;
	v0 =	vcvt.f32.s32 v1;
	_ =	sdelay $0x1  }
0x378: {  	s0 =	sor.u32 $0x200, s30;
	[tilespmem:s31+$0x141B0] =	vst v0  }
0x379: {  	v0 =	vld [tilespmem:s0+$0x10000];
	_ =	sdelay $0x4  }
0x37a: {  	v0 =	vtrunc.f32 v0  }
0x37b: {  	v0 =	vcvt.f32.s32 v0;
	_ =	sdelay $0x1  }
.Ltmp24:
0x37c: {  	[tilespmem:s0+$0x14000] =	vst v0;
	s0 =	sor.u32 $0x280, s30;
	(pc) =	sbr.rel @p3 .LBB2_31-.Ltmp24, $2  }
0x37d: {  	v0 =	vld [tilespmem:s0+$0x10000];
	_ =	sdelay $0x2  }
0x37e: {  	s23 =	sadd.s32 $0x40, s23  }
0x37f: {  	_ = 	snop  }
0x380: {  	v0 =	vtrunc.f32 v0  }
0x381: {  	v0 =	vcvt.f32.s32 v0;
	_ =	sdelay $0x1  }
0x382: {  	s24 =	sor.u32 $0x300, s30;
	[tilespmem:s0+$0x14000] =	vst v0  }
0x383: {  	v0 =	vld [tilespmem:s24+$0x10000];
	_ =	sdelay $0x4  }
0x384: {  	v0 =	vtrunc.f32 v0  }
0x385: {  	v0 =	vcvt.f32.s32 v0;
	_ =	sdelay $0x1  }
0x386: {  	s31 =	sor.u32 $0x380, s30;
	[tilespmem:s24+$0x14000] =	vst v0  }
0x387: {  	v0 =	vld [tilespmem:s31+$0x10000];
	_ =	sdelay $0x4  }
0x388: {  	s2 =	sshll.u32 s3, $0x7;
	v0 =	vtrunc.f32 v0  }
0x389: {  	s5 =	sshll.u32 s3, $0xA;
	s6 =	rddreg [dreg:$0x3];
	s2 =	sand.u32 $0x780, s2;
	v0 =	vcvt.f32.s32 v0  }
0x38a: {  	s5 =	sand.u32 $0xFC000, s5;
	s2 =	sadd.s32 s6, s2  }
0x38b: {  	s0 =	sadd.s32 s5, s2;
	s5 =	simm.s32 $0x14000;
	[tilespmem:s31+$0x14000] =	vst v0  }
0x38c: {  	[hbm4b:s0+s19] =	stream.strided.scatter [tilespmem:s5], [sflag:$0x3], $0x400, s29, s19, $0x38;
	[tilespmem:$0x18000] =	vst v63  }
0x38d: {  	s12 =	simm.s32 $0x14400;
	s6 =	sadd.s32 $0x10, s0  }
0x38e: {  	[hbm4b:s6+s19] =	stream.strided.scatter [tilespmem:s12], [sflag:$0x3], $0x400, s29, s19, $0x38;
	[tilespmem:$0x18000] =	vst v63  }
0x38f: {  	s23 =	sadd.s32 $0x20, s0;
	s24 =	simm.s32 $0x14800  }
0x390: {  	[hbm4b:s23+s19] =	stream.strided.scatter [tilespmem:s24], [sflag:$0x3], $0x400, s29, s19, $0x38;
	[tilespmem:$0x18000] =	vst v63  }
0x391: {  	s30 =	sadd.s32 $0x30, s0;
	s31 =	simm.s32 $0x14C00  }
0x392: {  	[hbm4b:s30+s19] =	stream.strided.scatter [tilespmem:s31], [sflag:$0x3], $0x400, s29, s19, $0x38;
	[tilespmem:$0x18000] =	vst v63  }
0x393: {  	s5 =	sadd.s32 $0x40, s0;
	s6 =	simm.s32 $0x15000  }
0x394: {  	[hbm4b:s5+s19] =	stream.strided.scatter [tilespmem:s6], [sflag:$0x3], $0x400, s29, s19, $0x38;
	[tilespmem:$0x18000] =	vst v63  }
0x395: {  	p2 =	seq.s32 s4, $0x0;
	s12 =	sadd.s32 $0x50, s0;
	s23 =	simm.s32 $0x15400  }
0x396: {  	[hbm4b:s12+s19] =	stream.strided.scatter [tilespmem:s23], [sflag:$0x3], $0x400, s29, s19, $0x38;
	[tilespmem:$0x18000] =	vst v63  }
.Ltmp25:
0x397: {  	_ = 	snop;
	(pc) =	sbr.rel @p2 .LBB2_36-.Ltmp25, $4  }
0x398: {  	s24 =	sadd.s32 $0x60, s0;
	s30 =	simm.s32 $0x15800  }
0x399: {  	[hbm4b:s24+s19] =	stream.strided.scatter [tilespmem:s30], [sflag:$0x3], $0x400, s29, s19, $0x38;
	[tilespmem:$0x18000] =	vst v63  }
0x39a: {  	s0 =	sadd.s32 $0x70, s0;
	s31 =	simm.s32 $0x15C00  }
0x39b: {  	[hbm4b:s0+s19] =	stream.strided.scatter [tilespmem:s31], [sflag:$0x3], $0x400, s29, s19, $0x38;
	[tilespmem:$0x18000] =	vst v63  }
.LBB2_33:
0x39c: {  	_ =	swait.ge [sflag:s25], $0x2000;
	p2 =	seq.s32 s22, $0x18  }
0x39d: {  	[sflag:s25] =	ssyncset.done $0x0;
	s0 =	sadd.s32 @!p2 s22, s13  }
0x39e: {  	s2 =	simm.s32 @!p2 $0x0;
	s4 =	simm.s32 @!p2 $0x10000;
	s0 =	sshll.u32 @!p2 s0, $0xA  }
0x39f: {  	p3 =	slt.u32 @!p2 s22, $0x2;
	[sflag:s25] =	ssyncadd.s32 $0xFFFFE000;
	s0 =	sadd.s32 @!p2 s0, s14  }
0x3a0: {  	[tilespmem:s4], [sflag:$0x1] =	stream.linear.gather @!p2 [hbm4b:s0+s2], $0x2000, $0x38;
	[tilespmem:$0x18000] =	vst v63  }
0x3a1: {  	p2 =	por p2, !p3  }
0x3a2: {  	s4 =	simm.s32 $0x0;
	_ =	swait.ge @p2 [sflag:s26], $0x2000  }
0x3a3: {  	s23 =	sand.u32 $0x40, s4;
	s24 =	sand.u32 $0x1C00, s4;
	[sflag:s26] =	ssyncset.done @p2 $0x0  }
0x3a4: {  	s0 =	sor.u32 s23, s24;
	[sflag:s26] =	ssyncadd.s32 @p2 $0xFFFFE000  }
0x3a5: {  	v0 =	vld [tilespmem:s0+$0x12080]  }
0x3a6: {  	v1 =	vld [tilespmem:s0+$0x12180]  }
0x3a7: {  	v2 =	vld [tilespmem:s0+$0x12000]  }
0x3a8: {  	v3 =	vld [tilespmem:s0+$0x12100];
	_ =	sdelay $0x1  }
0x3a9: {  	v0 =	vtrunc.f32 v0  }
0x3aa: {  	v1 =	vtrunc.f32 v1;
	v0 =	vcvt.f32.s32 v0  }
0x3ab: {  	s2 =	simm.s32 $0x1;
	p2 =	por $0x0, $0x0;
	v2 =	vtrunc.f32 v2;
	v1 =	vcvt.f32.s32 v1  }
0x3ac: {  	s2 =	simm.s32 @!p2 $0x0;
	v2 =	vcvt.f32.s32 v2;
	[tilespmem:s0+$0x16080] =	vst v0;
	v0 =	vtrunc.f32 v3  }
0x3ad: {  	s2 =	sshll.u32 s2, $0x6;
	[tilespmem:s0+$0x16180] =	vst v1;
	v0 =	vcvt.f32.s32 v0  }
0x3ae: {  	s2 =	sadd.s32 $0x0, s2;
	[tilespmem:s0+$0x16000] =	vst v2  }
0x3af: {  	s5 =	sor.u32 $0x200, s2;
	[tilespmem:s0+$0x16100] =	vst v0  }
0x3b0: {  	v0 =	vld [tilespmem:s5+$0x12000];
	_ =	sdelay $0x4  }
0x3b1: {  	v0 =	vtrunc.f32 v0  }
0x3b2: {  	v0 =	vcvt.f32.s32 v0;
	_ =	sdelay $0x1  }
0x3b3: {  	s30 =	sor.u32 $0x280, s2;
	[tilespmem:s5+$0x16000] =	vst v0  }
0x3b4: {  	v0 =	vld [tilespmem:s30+$0x12000];
	_ =	sdelay $0x4  }
0x3b5: {  	v0 =	vtrunc.f32 v0  }
0x3b6: {  	v0 =	vcvt.f32.s32 v0;
	_ =	sdelay $0x1  }
0x3b7: {  	s31 =	sor.u32 $0x300, s2;
	[tilespmem:s30+$0x16000] =	vst v0  }
0x3b8: {  	v0 =	vld [tilespmem:s31+$0x12000];
	_ =	sdelay $0x4  }
0x3b9: {  	v0 =	vtrunc.f32 v0  }
0x3ba: {  	v0 =	vcvt.f32.s32 v0  }
0x3bb: {  	s6 =	sor.u32 s4, s4  }
0x3bc: {  	s12 =	sor.u32 $0x380, s6;
	[tilespmem:s31+$0x16000] =	vst v0  }
0x3bd: {  	v0 =	vld [tilespmem:s12+$0x12000];
	_ =	sdelay $0x4  }
0x3be: {  	v0 =	vtrunc.f32 v0  }
0x3bf: {  	v0 =	vcvt.f32.s32 v0;
	_ =	sdelay $0x1  }
0x3c0: {  	[tilespmem:s12+$0x16000] =	vst v0  }
0x3c1: {  	v0 =	vld [tilespmem:s0+$0x12010]  }
0x3c2: {  	v1 =	vld [tilespmem:s0+$0x12090]  }
0x3c3: {  	v2 =	vld [tilespmem:s0+$0x12190]  }
0x3c4: {  	v3 =	vld [tilespmem:s0+$0x12110];
	_ =	sdelay $0x1  }
0x3c5: {  	v0 =	vtrunc.f32 v0  }
0x3c6: {  	v1 =	vtrunc.f32 v1;
	v0 =	vcvt.f32.s32 v0  }
0x3c7: {  	v2 =	vtrunc.f32 v2;
	v1 =	vcvt.f32.s32 v1  }
0x3c8: {  	v2 =	vcvt.f32.s32 v2;
	[tilespmem:s0+$0x16010] =	vst v0;
	v0 =	vtrunc.f32 v3  }
0x3c9: {  	[tilespmem:s0+$0x16090] =	vst v1;
	v0 =	vcvt.f32.s32 v0  }
0x3ca: {  	s23 =	sadd.s32 $0x10, s2;
	[tilespmem:s0+$0x16190] =	vst v2  }
0x3cb: {  	s24 =	sor.u32 $0x200, s23;
	[tilespmem:s0+$0x16110] =	vst v0  }
0x3cc: {  	v0 =	vld [tilespmem:s24+$0x12000];
	_ =	sdelay $0x4  }
0x3cd: {  	v0 =	vtrunc.f32 v0  }
0x3ce: {  	v0 =	vcvt.f32.s32 v0;
	_ =	sdelay $0x1  }
0x3cf: {  	s30 =	sor.u32 $0x280, s23;
	[tilespmem:s24+$0x16000] =	vst v0  }
0x3d0: {  	v0 =	vld [tilespmem:s30+$0x12000];
	_ =	sdelay $0x4  }
0x3d1: {  	v0 =	vtrunc.f32 v0  }
0x3d2: {  	v0 =	vcvt.f32.s32 v0;
	_ =	sdelay $0x1  }
0x3d3: {  	s31 =	sor.u32 $0x300, s23;
	[tilespmem:s30+$0x16000] =	vst v0  }
0x3d4: {  	v0 =	vld [tilespmem:s31+$0x12000];
	_ =	sdelay $0x4  }
0x3d5: {  	v0 =	vtrunc.f32 v0  }
0x3d6: {  	v0 =	vcvt.f32.s32 v0;
	_ =	sdelay $0x1  }
0x3d7: {  	s5 =	sor.u32 $0x380, s23;
	[tilespmem:s31+$0x16000] =	vst v0  }
0x3d8: {  	v0 =	vld [tilespmem:s5+$0x12000];
	_ =	sdelay $0x4  }
0x3d9: {  	v0 =	vtrunc.f32 v0  }
0x3da: {  	v0 =	vcvt.f32.s32 v0;
	_ =	sdelay $0x1  }
0x3db: {  	[tilespmem:s5+$0x16000] =	vst v0  }
0x3dc: {  	v0 =	vld [tilespmem:s0+$0x12020]  }
0x3dd: {  	v1 =	vld [tilespmem:s0+$0x120A0]  }
0x3de: {  	v2 =	vld [tilespmem:s0+$0x12120]  }
0x3df: {  	v3 =	vld [tilespmem:s0+$0x121A0];
	_ =	sdelay $0x1  }
0x3e0: {  	v0 =	vtrunc.f32 v0  }
0x3e1: {  	v1 =	vtrunc.f32 v1;
	v0 =	vcvt.f32.s32 v0  }
0x3e2: {  	v2 =	vtrunc.f32 v2;
	v1 =	vcvt.f32.s32 v1  }
0x3e3: {  	[tilespmem:s0+$0x16020] =	vst v0;
	v0 =	vcvt.f32.s32 v2;
	v2 =	vtrunc.f32 v3  }
0x3e4: {  	[tilespmem:s0+$0x160A0] =	vst v1;
	v1 =	vcvt.f32.s32 v2  }
0x3e5: {  	s12 =	sadd.s32 $0x20, s2;
	[tilespmem:s0+$0x16120] =	vst v0  }
0x3e6: {  	s23 =	sor.u32 $0x200, s12;
	[tilespmem:s0+$0x161A0] =	vst v1  }
0x3e7: {  	v0 =	vld [tilespmem:s23+$0x12000];
	_ =	sdelay $0x4  }
0x3e8: {  	v0 =	vtrunc.f32 v0  }
0x3e9: {  	v0 =	vcvt.f32.s32 v0;
	_ =	sdelay $0x1  }
0x3ea: {  	s24 =	sor.u32 $0x280, s12;
	[tilespmem:s23+$0x16000] =	vst v0  }
0x3eb: {  	v0 =	vld [tilespmem:s24+$0x12000];
	_ =	sdelay $0x4  }
0x3ec: {  	v0 =	vtrunc.f32 v0  }
0x3ed: {  	v0 =	vcvt.f32.s32 v0;
	_ =	sdelay $0x1  }
0x3ee: {  	s30 =	sor.u32 $0x300, s12;
	[tilespmem:s24+$0x16000] =	vst v0  }
0x3ef: {  	v0 =	vld [tilespmem:s30+$0x12000];
	_ =	sdelay $0x4  }
0x3f0: {  	v0 =	vtrunc.f32 v0  }
0x3f1: {  	v0 =	vcvt.f32.s32 v0;
	_ =	sdelay $0x1  }
0x3f2: {  	s5 =	sor.u32 $0x380, s12;
	[tilespmem:s30+$0x16000] =	vst v0  }
0x3f3: {  	v0 =	vld [tilespmem:s5+$0x12000];
	_ =	sdelay $0x4  }
0x3f4: {  	v0 =	vtrunc.f32 v0  }
0x3f5: {  	v0 =	vcvt.f32.s32 v0;
	_ =	sdelay $0x1  }
0x3f6: {  	[tilespmem:s5+$0x16000] =	vst v0  }
0x3f7: {  	v0 =	vld [tilespmem:s0+$0x12030]  }
0x3f8: {  	v1 =	vld [tilespmem:s0+$0x120B0]  }
0x3f9: {  	v2 =	vld [tilespmem:s0+$0x12130]  }
0x3fa: {  	v3 =	vld [tilespmem:s0+$0x121B0];
	_ =	sdelay $0x1  }
0x3fb: {  	v0 =	vtrunc.f32 v0  }
0x3fc: {  	v1 =	vtrunc.f32 v1;
	v0 =	vcvt.f32.s32 v0  }
0x3fd: {  	v2 =	vtrunc.f32 v2;
	v1 =	vcvt.f32.s32 v1  }
0x3fe: {  	[tilespmem:s0+$0x16030] =	vst v0;
	v0 =	vcvt.f32.s32 v2;
	v2 =	vtrunc.f32 v3  }
0x3ff: {  	[tilespmem:s0+$0x160B0] =	vst v1;
	v1 =	vcvt.f32.s32 v2  }
0x400: {  	s23 =	sadd.s32 $0x30, s2;
	[tilespmem:s0+$0x16130] =	vst v0  }
0x401: {  	s31 =	sor.u32 $0x200, s23;
	[tilespmem:s0+$0x161B0] =	vst v1  }
0x402: {  	v0 =	vld [tilespmem:s31+$0x12000];
	_ =	sdelay $0x4  }
0x403: {  	v0 =	vtrunc.f32 v0  }
0x404: {  	v0 =	vcvt.f32.s32 v0;
	_ =	sdelay $0x1  }
0x405: {  	s0 =	sor.u32 $0x280, s23;
	[tilespmem:s31+$0x16000] =	vst v0  }
0x406: {  	v0 =	vld [tilespmem:s0+$0x12000];
	_ =	sdelay $0x2  }
0x407: {  	s6 =	simm.s32 $0x40;
	s5 =	simm.s32 $0x0  }
.LBB2_34:
0x408: {  	s5 =	sadd.s32 $0x4, s5;
	s4 =	sadd.s32 $0x200, s4;
	p2 =	por !p2, !p2  }
0x409: {  	v0 =	vtrunc.f32 v0;
	p3 =	slt.u32 s5, $0x3C  }
0x40a: {  	v0 =	vcvt.f32.s32 v0;
	_ =	sdelay $0x1  }
0x40b: {  	[tilespmem:s0+$0x16000] =	vst v0;
	s0 =	sor.u32 $0x300, s23  }
0x40c: {  	v0 =	vld [tilespmem:s0+$0x12000];
	_ =	sdelay $0x4  }
0x40d: {  	v0 =	vtrunc.f32 v0  }
0x40e: {  	v0 =	vcvt.f32.s32 v0  }
0x40f: {  	s2 =	sand.u32 $0x40, s6;
	s12 =	sand.u32 $0x1C00, s4  }
0x410: {  	s30 =	sor.u32 s2, s12;
	[tilespmem:s0+$0x16000] =	vst v0;
	s0 =	sor.u32 $0x380, s23  }
0x411: {  	v0 =	vld [tilespmem:s0+$0x12000];
	_ =	sdelay $0x4  }
0x412: {  	v0 =	vtrunc.f32 v0  }
0x413: {  	v0 =	vcvt.f32.s32 v0;
	_ =	sdelay $0x1  }
0x414: {  	[tilespmem:s0+$0x16000] =	vst v0  }
0x415: {  	v0 =	vld [tilespmem:s30+$0x12080]  }
0x416: {  	v1 =	vld [tilespmem:s30+$0x12180]  }
0x417: {  	v2 =	vld [tilespmem:s30+$0x12000]  }
0x418: {  	v3 =	vld [tilespmem:s30+$0x12100];
	_ =	sdelay $0x1  }
0x419: {  	v0 =	vtrunc.f32 v0  }
0x41a: {  	v0 =	vcvt.f32.s32 v0;
	v1 =	vtrunc.f32 v1  }
0x41b: {  	s0 =	simm.s32 $0x1;
	v2 =	vtrunc.f32 v2;
	v1 =	vcvt.f32.s32 v1  }
0x41c: {  	s0 =	simm.s32 @!p2 $0x0;
	v2 =	vcvt.f32.s32 v2;
	[tilespmem:s30+$0x16080] =	vst v0;
	v0 =	vtrunc.f32 v3  }
0x41d: {  	s0 =	sshll.u32 s0, $0x6;
	v0 =	vcvt.f32.s32 v0;
	[tilespmem:s30+$0x16180] =	vst v1  }
0x41e: {  	s12 =	sadd.s32 s0, s4;
	[tilespmem:s30+$0x16000] =	vst v2  }
0x41f: {  	s24 =	sor.u32 $0x200, s12;
	s2 =	sadd.s32 $0x10, s12;
	s0 =	sadd.s32 $0x20, s12;
	[tilespmem:s30+$0x16100] =	vst v0  }
0x420: {  	s23 =	sadd.s32 $0x30, s12;
	v0 =	vld [tilespmem:s24+$0x12000];
	_ =	sdelay $0x4  }
0x421: {  	v0 =	vtrunc.f32 v0  }
0x422: {  	v0 =	vcvt.f32.s32 v0;
	_ =	sdelay $0x1  }
0x423: {  	[tilespmem:s24+$0x16000] =	vst v0;
	s24 =	sor.u32 $0x280, s12  }
0x424: {  	v0 =	vld [tilespmem:s24+$0x12000];
	_ =	sdelay $0x4  }
0x425: {  	v0 =	vtrunc.f32 v0  }
0x426: {  	v0 =	vcvt.f32.s32 v0;
	_ =	sdelay $0x1  }
0x427: {  	s12 =	sor.u32 $0x300, s12;
	[tilespmem:s24+$0x16000] =	vst v0  }
0x428: {  	v0 =	vld [tilespmem:s12+$0x12000];
	_ =	sdelay $0x4  }
0x429: {  	v0 =	vtrunc.f32 v0  }
0x42a: {  	v0 =	vcvt.f32.s32 v0  }
0x42b: {  	s24 =	sor.u32 s4, s6  }
0x42c: {  	[tilespmem:s12+$0x16000] =	vst v0;
	s12 =	sor.u32 $0x380, s24  }
0x42d: {  	v0 =	vld [tilespmem:s12+$0x12000];
	_ =	sdelay $0x4  }
0x42e: {  	v0 =	vtrunc.f32 v0  }
0x42f: {  	v0 =	vcvt.f32.s32 v0;
	_ =	sdelay $0x1  }
0x430: {  	[tilespmem:s12+$0x16000] =	vst v0  }
0x431: {  	v0 =	vld [tilespmem:s30+$0x12010]  }
0x432: {  	v1 =	vld [tilespmem:s30+$0x12090]  }
0x433: {  	v2 =	vld [tilespmem:s30+$0x12190]  }
0x434: {  	v3 =	vld [tilespmem:s30+$0x12110];
	_ =	sdelay $0x1  }
0x435: {  	v0 =	vtrunc.f32 v0  }
0x436: {  	v0 =	vcvt.f32.s32 v0;
	v1 =	vtrunc.f32 v1  }
0x437: {  	v1 =	vcvt.f32.s32 v1;
	v2 =	vtrunc.f32 v2  }
0x438: {  	[tilespmem:s30+$0x16010] =	vst v0;
	v0 =	vtrunc.f32 v3;
	v2 =	vcvt.f32.s32 v2  }
0x439: {  	[tilespmem:s30+$0x16090] =	vst v1;
	v0 =	vcvt.f32.s32 v0  }
0x43a: {  	[tilespmem:s30+$0x16190] =	vst v2  }
0x43b: {  	s12 =	sor.u32 $0x200, s2;
	[tilespmem:s30+$0x16110] =	vst v0  }
0x43c: {  	v0 =	vld [tilespmem:s12+$0x12000];
	_ =	sdelay $0x4  }
0x43d: {  	v0 =	vtrunc.f32 v0  }
0x43e: {  	v0 =	vcvt.f32.s32 v0;
	_ =	sdelay $0x1  }
0x43f: {  	[tilespmem:s12+$0x16000] =	vst v0;
	s12 =	sor.u32 $0x280, s2  }
0x440: {  	v0 =	vld [tilespmem:s12+$0x12000];
	_ =	sdelay $0x4  }
0x441: {  	v0 =	vtrunc.f32 v0  }
0x442: {  	v0 =	vcvt.f32.s32 v0;
	_ =	sdelay $0x1  }
0x443: {  	[tilespmem:s12+$0x16000] =	vst v0;
	s12 =	sor.u32 $0x300, s2  }
0x444: {  	v0 =	vld [tilespmem:s12+$0x12000];
	_ =	sdelay $0x4  }
0x445: {  	v0 =	vtrunc.f32 v0  }
0x446: {  	v0 =	vcvt.f32.s32 v0;
	_ =	sdelay $0x1  }
0x447: {  	s2 =	sor.u32 $0x380, s2;
	[tilespmem:s12+$0x16000] =	vst v0  }
0x448: {  	v0 =	vld [tilespmem:s2+$0x12000];
	_ =	sdelay $0x4  }
0x449: {  	v0 =	vtrunc.f32 v0  }
0x44a: {  	v0 =	vcvt.f32.s32 v0;
	_ =	sdelay $0x1  }
0x44b: {  	[tilespmem:s2+$0x16000] =	vst v0  }
0x44c: {  	v0 =	vld [tilespmem:s30+$0x12020]  }
0x44d: {  	v1 =	vld [tilespmem:s30+$0x120A0]  }
0x44e: {  	v2 =	vld [tilespmem:s30+$0x12120]  }
0x44f: {  	v3 =	vld [tilespmem:s30+$0x121A0];
	_ =	sdelay $0x1  }
0x450: {  	v0 =	vtrunc.f32 v0  }
0x451: {  	v0 =	vcvt.f32.s32 v0;
	v1 =	vtrunc.f32 v1  }
0x452: {  	v1 =	vcvt.f32.s32 v1;
	v2 =	vtrunc.f32 v2  }
0x453: {  	[tilespmem:s30+$0x16020] =	vst v0;
	v0 =	vcvt.f32.s32 v2;
	v2 =	vtrunc.f32 v3  }
0x454: {  	[tilespmem:s30+$0x160A0] =	vst v1;
	v1 =	vcvt.f32.s32 v2  }
0x455: {  	[tilespmem:s30+$0x16120] =	vst v0  }
0x456: {  	s2 =	sor.u32 $0x200, s0;
	[tilespmem:s30+$0x161A0] =	vst v1  }
0x457: {  	v0 =	vld [tilespmem:s2+$0x12000];
	_ =	sdelay $0x4  }
0x458: {  	v0 =	vtrunc.f32 v0  }
0x459: {  	v0 =	vcvt.f32.s32 v0;
	_ =	sdelay $0x1  }
0x45a: {  	[tilespmem:s2+$0x16000] =	vst v0;
	s2 =	sor.u32 $0x280, s0  }
0x45b: {  	v0 =	vld [tilespmem:s2+$0x12000];
	_ =	sdelay $0x4  }
0x45c: {  	v0 =	vtrunc.f32 v0  }
0x45d: {  	v0 =	vcvt.f32.s32 v0;
	_ =	sdelay $0x1  }
0x45e: {  	[tilespmem:s2+$0x16000] =	vst v0;
	s2 =	sor.u32 $0x300, s0  }
0x45f: {  	v0 =	vld [tilespmem:s2+$0x12000];
	_ =	sdelay $0x4  }
0x460: {  	v0 =	vtrunc.f32 v0  }
0x461: {  	v0 =	vcvt.f32.s32 v0;
	_ =	sdelay $0x1  }
0x462: {  	s0 =	sor.u32 $0x380, s0;
	[tilespmem:s2+$0x16000] =	vst v0  }
0x463: {  	v0 =	vld [tilespmem:s0+$0x12000];
	_ =	sdelay $0x4  }
0x464: {  	v0 =	vtrunc.f32 v0  }
0x465: {  	v0 =	vcvt.f32.s32 v0;
	_ =	sdelay $0x1  }
0x466: {  	[tilespmem:s0+$0x16000] =	vst v0  }
0x467: {  	v0 =	vld [tilespmem:s30+$0x12030]  }
0x468: {  	v1 =	vld [tilespmem:s30+$0x120B0]  }
0x469: {  	v2 =	vld [tilespmem:s30+$0x12130];
	_ =	sdelay $0x1  }
0x46a: {  	v3 =	vld [tilespmem:s30+$0x121B0]  }
0x46b: {  	v0 =	vtrunc.f32 v0  }
0x46c: {  	v0 =	vcvt.f32.s32 v0;
	v1 =	vtrunc.f32 v1  }
0x46d: {  	v1 =	vcvt.f32.s32 v1;
	v2 =	vtrunc.f32 v2  }
0x46e: {  	[tilespmem:s30+$0x16030] =	vst v0;
	v0 =	vcvt.f32.s32 v2  }
0x46f: {  	[tilespmem:s30+$0x160B0] =	vst v1;
	v1 =	vtrunc.f32 v3  }
0x470: {  	[tilespmem:s30+$0x16130] =	vst v0;
	v0 =	vcvt.f32.s32 v1;
	_ =	sdelay $0x1  }
0x471: {  	s0 =	sor.u32 $0x200, s23;
	[tilespmem:s30+$0x161B0] =	vst v0  }
0x472: {  	v0 =	vld [tilespmem:s0+$0x12000];
	_ =	sdelay $0x4  }
0x473: {  	v0 =	vtrunc.f32 v0  }
0x474: {  	v0 =	vcvt.f32.s32 v0;
	_ =	sdelay $0x1  }
.Ltmp26:
0x475: {  	[tilespmem:s0+$0x16000] =	vst v0;
	s0 =	sor.u32 $0x280, s23;
	(pc) =	sbr.rel @p3 .LBB2_34-.Ltmp26, $2  }
0x476: {  	v0 =	vld [tilespmem:s0+$0x12000];
	_ =	sdelay $0x2  }
0x477: {  	s6 =	sadd.s32 $0x40, s6  }
.Ltmp27:
0x478: {  	_ = 	snop;
	(pc) =	sbr.rel .LBB2_35-.Ltmp27, $1  }
0x479: {  	_ =	sdelay $0x3  }
.LBB2_38:
0x47a: {  	_ =	sfence.sel $0x180000  }
0x47b: {  	[bflag:$0x0] =	sbarrier.arrive $0xFFFF  }
0x47c: {  	_ =	strace $0x90000047  }
0x47d: {  	s0 =	stileid.u32;
	[bflag:$0x2] =	sbarrier.arrive $0xFFFF  }
0x47e: {  	p0 =	sne.s32 s0, $0x0;
	s0 =	rddreg [dreg:$0x4]  }
0x47f: {  	s0 =	sadd.s32 @!p0 $0x100000, s0  }
0x480: {  	[sflag:s0] =	ssyncadd.tile.s32 @!p0 $0x1;
	_ =	shalt  }
.Lfunc_end2:
_tile_overlayer_lowered:
.L_overlay_start_2:
0x481: {  	(tag) =	ssettag $0x2  }
0x482: {  	s0 =	rddreg [dreg:$0x0];
	s2 =	stileid.u32  }
0x483: {  	s1 =	rddreg [dreg:$0x1];
	p0 =	sne.s32 s2, $0x0  }
0x484: {  	s3 =	rddreg [dreg:$0x2];
	[bflag:$0x3] =	sbarrier.arrive $0xFFFF;
	s2 =	simm.s32 @!p0 $0x1C09  }
0x485: {  	[timem:s3], [sflag:s2] =	dma.local @!p0 [hbm:s0], s1  }
0x486: {  	s0 =	simm.s32 @!p0 $0x9  }
0x487: {  	_ =	swait.ge @!p0 [sflag:s0], s1  }
0x488: {  	s1 =	ssub.s32 @!p0 $0x0, s1;
	[sflag:s0] =	ssyncset.done @!p0 $0x0  }
0x489: {  	[sflag:s0] =	ssyncadd.s32 @!p0 s1  }
0x48a: {  	[bflag:$0x3] =	sbarrier.arrive $0xFFFF  }
0x48b: {  	_ =	shalt  }

</sc_bundles>
